<compile_context>
chip_gen: v7x
topology: tpu7x:2x2x1
jax: 0.10.2.dev20260603
libtpu: 0.0.44.dev20260713+nightly
codegen_flags: <defaults>
</compile_context>

<pallas_src>
import functools

import jax
import jax.numpy as jnp
from jax import lax
from jax.experimental import pallas as pl
from jax.experimental.pallas import tpu as pltpu
from jax.experimental.pallas import tpu_sc as plsc

N_NODES = 10000
N_EDGES = 320000
D = 128
DH = 64

NC = 2
NS = 16
CH = 128
CHUNKS = 160
E_PAD = NS * CHUNKS * CH
N_ACC = NS * 640
STRIPE = 640
ROWS_B = 1000

NBUF = 8
PREF = 4
SEG = 16
NSEG = CHUNKS // SEG


def _lin1_body(x_ref, w_ref, b_ref, o1_ref, o2_ref):
    y = jnp.maximum(
        jnp.dot(x_ref[...], w_ref[...], preferred_element_type=jnp.float32)
        + b_ref[...], 0.0)
    o1_ref[...] = y[:, :DH]
    o2_ref[...] = y[:, DH:]


def _final_body(acc_ref, deg_ref, h1_ref, h2_ref, w_ref, b_ref, o_ref):
    agg = jnp.concatenate([acc_ref[0], acc_ref[1]], axis=1)
    deg = deg_ref[0, :, 0:1] + deg_ref[1, :, 0:1]
    deg = jnp.maximum(deg, 1.0)
    h = jnp.concatenate([h1_ref[...], h2_ref[...]], axis=1)
    z = agg / deg + h
    o_ref[...] = jnp.dot(z, w_ref[...], preferred_element_type=jnp.float32) + b_ref[...]


def _sc_body(src_hbm, dst_hbm, h1_hbm, h2_hbm, zacc_hbm, zdeg_hbm, ones_hbm,
             acc_out, deg_out,
             src_v, dst_v, rows_v, ones_v, acc_sh, deg_sh, *sems):
    gsem = sems[:NBUF]
    ssem = sems[NBUF:2 * NBUF]
    dsem = sems[2 * NBUF]
    isem = sems[2 * NBUF + 1]
    c = lax.axis_index("c")
    s = lax.axis_index("s")
    pltpu.sync_copy(zacc_hbm, acc_sh.at[pl.ds(s * STRIPE, STRIPE)])
    pltpu.sync_copy(zdeg_hbm, deg_sh.at[pl.ds(s * STRIPE, STRIPE)])
    pltpu.sync_copy(ones_hbm, ones_v)

    def stage_seg(k, kb):
        pltpu.async_copy(src_hbm.at[s, k], src_v.at[kb], isem)
        pltpu.async_copy(dst_hbm.at[s, k], dst_v.at[kb], isem)

    def wait_seg(k, kb):
        pltpu.make_async_copy(src_hbm.at[s, k], src_v.at[kb], isem).wait()
        pltpu.make_async_copy(dst_hbm.at[s, k], dst_v.at[kb], isem).wait()

    stage_seg(0, 0)
    plsc.subcore_barrier()

    def start_gather(j, b):
        sb = (j // SEG) % 2
        off = j % SEG

        @pl.when(c == 0)
        def _():
            pltpu.async_copy(h1_hbm.at[src_v.at[sb, off]], rows_v.at[b],
                             gsem[b])

        @pl.when(c == 1)
        def _():
            pltpu.async_copy(h2_hbm.at[src_v.at[sb, off]], rows_v.at[b],
                             gsem[b])

    def wait_gather(b):
        pltpu.make_async_copy(h1_hbm.at[src_v.at[0, 0]], rows_v.at[b],
                              gsem[b]).wait()

    def wait_scatter(b):
        pltpu.make_async_copy(rows_v.at[b], acc_sh.at[dst_v.at[0, 0]],
                              ssem[b]).wait()

    def group(g, carry):
        for b in range(NBUF):
            v = g * NBUF + b

            @pl.when(v < CHUNKS)
            def _():
                @pl.when(v % SEG == 0)
                def _():
                    wait_seg(v // SEG, (v // SEG) % 2)

                @pl.when(v >= NBUF)
                def _():
                    wait_scatter(b)
                start_gather(v, b)

                @pl.when((v % SEG == NBUF) & (v + SEG - NBUF < CHUNKS))
                def _():
                    stage_seg(v // SEG + 1, (v // SEG + 1) % 2)

            u = v - PREF
            ub = (b - PREF) % NBUF

            @pl.when((u >= 0) & (u < CHUNKS))
            def _():
                wait_gather(ub)
                usb = (u // SEG) % 2
                uoff = u % SEG
                pltpu.async_copy(rows_v.at[ub], acc_sh.at[dst_v.at[usb, uoff]],
                                 ssem[ub], add=True)
                @pl.when((u < CHUNKS // 2) == (c == 0))
                def _():
                    pltpu.async_copy(ones_v, deg_sh.at[dst_v.at[usb, uoff]],
                                     dsem, add=True)

        return carry

    n_groups = (CHUNKS + PREF + NBUF - 1) // NBUF
    lax.fori_loop(0, n_groups, group, 0)
    for b in range(NBUF):
        wait_scatter(b)
    pltpu.make_async_copy(deg_out.at[c], deg_sh, dsem).wait()
    plsc.subcore_barrier()
    pltpu.sync_copy(acc_sh.at[pl.ds(s * STRIPE, STRIPE)],
                    acc_out.at[c, pl.ds(s * STRIPE, STRIPE)])
    pltpu.sync_copy(deg_sh.at[pl.ds(s * STRIPE, STRIPE)],
                    deg_out.at[c, pl.ds(s * STRIPE, STRIPE)])


_sc_aggregate = functools.partial(
    pl.kernel,
    out_type=[
        jax.ShapeDtypeStruct((NC, N_ACC, DH), jnp.float32),
        jax.ShapeDtypeStruct((NC, N_ACC, 16), jnp.float32),
    ],
    mesh=plsc.VectorSubcoreMesh(core_axis_name="c", subcore_axis_name="s"),
    compiler_params=pltpu.CompilerParams(use_tc_tiling_on_sc=False),
    scratch_types=[
        pltpu.VMEM((2, SEG, CH), jnp.int32),
        pltpu.VMEM((2, SEG, CH), jnp.int32),
        pltpu.VMEM((NBUF, CH, DH), jnp.float32),
        pltpu.VMEM((CH, 16), jnp.float32),
        pltpu.VMEM_SHARED((N_ACC, DH), jnp.float32),
        pltpu.VMEM_SHARED((N_ACC, 16), jnp.float32),
    ] + [pltpu.SemaphoreType.DMA] * (2 * NBUF + 2),
)(_sc_body)


def kernel(x, edge_index, W1, b1, W2, b2):
    src = edge_index[0].astype(jnp.int32)
    dst = edge_index[1].astype(jnp.int32)
    pad = E_PAD - N_EDGES
    src_p = jnp.concatenate([src, jnp.zeros((pad,), jnp.int32)]).reshape(NS, NSEG, SEG, CH)
    dst_p = jnp.concatenate([dst, jnp.full((pad,), N_NODES, jnp.int32)]).reshape(NS, NSEG, SEG, CH)

    h1, h2 = pl.pallas_call(
        _lin1_body,
        grid=(N_NODES // ROWS_B,),
        in_specs=[
            pl.BlockSpec((ROWS_B, D), lambda i: (i, 0)),
            pl.BlockSpec((D, D), lambda i: (0, 0)),
            pl.BlockSpec((1, D), lambda i: (0, 0)),
        ],
        out_specs=[
            pl.BlockSpec((ROWS_B, DH), lambda i: (i, 0)),
            pl.BlockSpec((ROWS_B, DH), lambda i: (i, 0)),
        ],
        out_shape=[
            jax.ShapeDtypeStruct((N_NODES, DH), jnp.float32),
            jax.ShapeDtypeStruct((N_NODES, DH), jnp.float32),
        ],
    )(x, W1.T, b1.reshape(1, D))

    zacc = jnp.zeros((STRIPE, DH), jnp.float32)
    zdeg = jnp.zeros((STRIPE, 16), jnp.float32)
    ones = jnp.ones((CH, 16), jnp.float32)
    acc2, deg2 = _sc_aggregate(src_p, dst_p, h1, h2, zacc, zdeg, ones)

    out = pl.pallas_call(
        _final_body,
        grid=(N_NODES // ROWS_B,),
        in_specs=[
            pl.BlockSpec((NC, ROWS_B, DH), lambda i: (0, i, 0)),
            pl.BlockSpec((NC, ROWS_B, 16), lambda i: (0, i, 0)),
            pl.BlockSpec((ROWS_B, DH), lambda i: (i, 0)),
            pl.BlockSpec((ROWS_B, DH), lambda i: (i, 0)),
            pl.BlockSpec((D, D), lambda i: (0, 0)),
            pl.BlockSpec((1, D), lambda i: (0, 0)),
        ],
        out_specs=pl.BlockSpec((ROWS_B, D), lambda i: (i, 0)),
        out_shape=jax.ShapeDtypeStruct((N_NODES, D), jnp.float32),
    )(acc2, deg2, h1, h2, W2.T, b2.reshape(1, D))
    return out

# --- scband reference (transcript-rebuilt; emitter-appended) ---
"""Pipeline reference for scband-simple-gnn-14972255994227 (READ-ONLY COPY).

The authoritative reference and input builder live on the scoring server;
editing this copy changes nothing except your own understanding.
"""

import jax, jax.numpy as jnp
import numpy as np

N_NODES = 10000
N_EDGES = 320000
D_IN = 128
D_HID = 128
D_OUT = 128

def setup_inputs(seed: int = 0) -> dict:
    key = jax.random.key(seed)
    k1, k2, k3, k4, k5, k6 = jax.random.split(key, 6)
    x = jax.random.normal(k1, (N_NODES, D_IN), dtype=jnp.float32)
    edge_index = jax.random.randint(k2, (2, N_EDGES), 0, N_NODES, dtype=jnp.int64)
    # Linear params (torch nn.Linear: y = x @ W.T + b), kaiming-uniform-ish init
    lim1 = 1.0 / np.sqrt(D_IN)
    W1 = jax.random.uniform(k3, (D_HID, D_IN), minval=-lim1, maxval=lim1, dtype=jnp.float32)
    b1 = jax.random.uniform(k4, (D_HID,), minval=-lim1, maxval=lim1, dtype=jnp.float32)
    lim2 = 1.0 / np.sqrt(D_HID)
    W2 = jax.random.uniform(k5, (D_OUT, D_HID), minval=-lim2, maxval=lim2, dtype=jnp.float32)
    b2 = jax.random.uniform(k6, (D_OUT,), minval=-lim2, maxval=lim2, dtype=jnp.float32)
    return {"x": x, "edge_index": edge_index, "W1": W1, "b1": b1, "W2": W2, "b2": b2}

def reference(x, edge_index, W1, b1, W2, b2):
    # h = relu(fc1(x)); dropout is identity at inference
    h = jax.nn.relu(x @ W1.T + b1)
    num_nodes = x.shape[0]
    src = edge_index[0]
    dst = edge_index[1]
    # aggregated.scatter_add_(0, dst, h[src])
    msgs = jnp.take(h, src, axis=0)
    aggregated = jax.ops.segment_sum(msgs, dst, num_segments=num_nodes)
    # degree normalization
    degree = jax.ops.segment_sum(jnp.ones((src.shape[0],), dtype=jnp.float32), dst, num_segments=num_nodes)
    degree = jnp.clip(degree, 1.0, None)
    aggregated = aggregated / degree[:, None]
    output = (aggregated + h) @ W2.T + b2
    return output

if __name__ == "__main__":
    import jax
    _d = setup_inputs()
    print(jax.jit(kernel)(*tuple(_d.values())))

</pallas_src>

<mosaic_0001>
#map = affine_map<(d0, d1) -> (0, 0, 0, 0)>
#map1 = affine_map<(d0, d1) -> (0, 0)>
#map2 = affine_map<(d0, d1) -> (0, 0, 0)>
module attributes {stable_mosaic.version = 14 : i64} {
  func.func @_sc_body(%arg0: i32, %arg1: i32, %arg2: memref<16x10x16x128xi32, #tpu.memory_space<hbm>>, %arg3: memref<16x10x16x128xi32, #tpu.memory_space<hbm>>, %arg4: memref<10000x64xf32, #tpu.memory_space<hbm>>, %arg5: memref<10000x64xf32, #tpu.memory_space<hbm>>, %arg6: memref<640x64xf32, #tpu.memory_space<hbm>>, %arg7: memref<640x16xf32, #tpu.memory_space<hbm>>, %arg8: memref<128x16xf32, #tpu.memory_space<hbm>>, %arg9: memref<2x10240x64xf32, #tpu.memory_space<hbm>>, %arg10: memref<2x10240x16xf32, #tpu.memory_space<hbm>>, %arg11: memref<2x16x128xi32, #tpu.memory_space<vmem>>, %arg12: memref<2x16x128xi32, #tpu.memory_space<vmem>>, %arg13: memref<8x128x64xf32, #tpu.memory_space<vmem>>, %arg14: memref<128x16xf32, #tpu.memory_space<vmem>>, %arg15: memref<10240x64xf32, #tpu.memory_space<vmem_shared>>, %arg16: memref<10240x16xf32, #tpu.memory_space<vmem_shared>>, %arg17: memref<!tpu.dma_semaphore, #tpu.memory_space<semaphore_mem>>, %arg18: memref<!tpu.dma_semaphore, #tpu.memory_space<semaphore_mem>>, %arg19: memref<!tpu.dma_semaphore, #tpu.memory_space<semaphore_mem>>, %arg20: memref<!tpu.dma_semaphore, #tpu.memory_space<semaphore_mem>>, %arg21: memref<!tpu.dma_semaphore, #tpu.memory_space<semaphore_mem>>, %arg22: memref<!tpu.dma_semaphore, #tpu.memory_space<semaphore_mem>>, %arg23: memref<!tpu.dma_semaphore, #tpu.memory_space<semaphore_mem>>, %arg24: memref<!tpu.dma_semaphore, #tpu.memory_space<semaphore_mem>>, %arg25: memref<!tpu.dma_semaphore, #tpu.memory_space<semaphore_mem>>, %arg26: memref<!tpu.dma_semaphore, #tpu.memory_space<semaphore_mem>>, %arg27: memref<!tpu.dma_semaphore, #tpu.memory_space<semaphore_mem>>, %arg28: memref<!tpu.dma_semaphore, #tpu.memory_space<semaphore_mem>>, %arg29: memref<!tpu.dma_semaphore, #tpu.memory_space<semaphore_mem>>, %arg30: memref<!tpu.dma_semaphore, #tpu.memory_space<semaphore_mem>>, %arg31: memref<!tpu.dma_semaphore, #tpu.memory_space<semaphore_mem>>, %arg32: memref<!tpu.dma_semaphore, #tpu.memory_space<semaphore_mem>>, %arg33: memref<!tpu.dma_semaphore, #tpu.memory_space<semaphore_mem>>, %arg34: memref<!tpu.dma_semaphore, #tpu.memory_space<semaphore_mem>>) attributes {dimension_semantics = [#tpu.dimension_semantics<core_parallel>, #tpu.dimension_semantics<subcore_parallel>], iteration_bounds = array<i64: 2, 16>, scalar_prefetch = 0 : i64, scratch_operands = 24 : i64, tpu.core_type = #tpu.core_type<sc_vector_subcore>, window_params = [{transform_indices = #map}, {transform_indices = #map}, {transform_indices = #map1}, {transform_indices = #map1}, {transform_indices = #map1}, {transform_indices = #map1}, {transform_indices = #map1}, {transform_indices = #map2}, {transform_indices = #map2}]} {
    %mul3A = arith.constant 640 : i32
    %mul3A_0 = arith.muli %arg1, %mul3A : i32
    "tpu.region"() ({
      %run_scoped3A = tpu.sem_alloc : memref<!tpu.dma_semaphore, #tpu.memory_space<semaphore_mem>>
      %dma_start3A_159 = arith.constant 0 : i32
      %dma_start3A_160 = tpu.memref_slice %arg15[%mul3A_0, %dma_start3A_159] : memref<10240x64xf32, #tpu.memory_space<vmem_shared>> -> memref<640x64xf32, #tpu.memory_space<vmem_shared>>
      tpu.enqueue_dma source(%arg6 : memref<640x64xf32, #tpu.memory_space<hbm>>) target(%dma_start3A_160 : memref<640x64xf32, #tpu.memory_space<vmem_shared>>) target_semaphore(%run_scoped3A : memref<!tpu.dma_semaphore, #tpu.memory_space<semaphore_mem>>)
      %dma_wait3A_161 = arith.constant 0 : i32
      %dma_wait3A_162 = tpu.memref_slice %arg15[%mul3A_0, %dma_wait3A_161] : memref<10240x64xf32, #tpu.memory_space<vmem_shared>> -> memref<640x64xf32, #tpu.memory_space<vmem_shared>>
      tpu.wait_dma2 semaphore(%run_scoped3A : memref<!tpu.dma_semaphore, #tpu.memory_space<semaphore_mem>>) src(%arg6 : memref<640x64xf32, #tpu.memory_space<hbm>>) dst(%dma_wait3A_162 : memref<640x64xf32, #tpu.memory_space<vmem_shared>>)
      tpu.yield
    }) : () -> ()
    %mul3A_1 = arith.constant 640 : i32
    %mul3A_2 = arith.muli %arg1, %mul3A_1 : i32
    "tpu.region"() ({
      %run_scoped3A = tpu.sem_alloc : memref<!tpu.dma_semaphore, #tpu.memory_space<semaphore_mem>>
      %dma_start3A_159 = arith.constant 0 : i32
      %dma_start3A_160 = tpu.memref_slice %arg16[%mul3A_2, %dma_start3A_159] : memref<10240x16xf32, #tpu.memory_space<vmem_shared>> -> memref<640x16xf32, #tpu.memory_space<vmem_shared>>
      tpu.enqueue_dma source(%arg7 : memref<640x16xf32, #tpu.memory_space<hbm>>) target(%dma_start3A_160 : memref<640x16xf32, #tpu.memory_space<vmem_shared>>) target_semaphore(%run_scoped3A : memref<!tpu.dma_semaphore, #tpu.memory_space<semaphore_mem>>)
      %dma_wait3A_161 = arith.constant 0 : i32
      %dma_wait3A_162 = tpu.memref_slice %arg16[%mul3A_2, %dma_wait3A_161] : memref<10240x16xf32, #tpu.memory_space<vmem_shared>> -> memref<640x16xf32, #tpu.memory_space<vmem_shared>>
      tpu.wait_dma2 semaphore(%run_scoped3A : memref<!tpu.dma_semaphore, #tpu.memory_space<semaphore_mem>>) src(%arg7 : memref<640x16xf32, #tpu.memory_space<hbm>>) dst(%dma_wait3A_162 : memref<640x16xf32, #tpu.memory_space<vmem_shared>>)
      tpu.yield
    }) : () -> ()
    "tpu.region"() ({
      %run_scoped3A = tpu.sem_alloc : memref<!tpu.dma_semaphore, #tpu.memory_space<semaphore_mem>>
      tpu.enqueue_dma source(%arg8 : memref<128x16xf32, #tpu.memory_space<hbm>>) target(%arg14 : memref<128x16xf32, #tpu.memory_space<vmem>>) target_semaphore(%run_scoped3A : memref<!tpu.dma_semaphore, #tpu.memory_space<semaphore_mem>>)
      tpu.wait_dma2 semaphore(%run_scoped3A : memref<!tpu.dma_semaphore, #tpu.memory_space<semaphore_mem>>) src(%arg8 : memref<128x16xf32, #tpu.memory_space<hbm>>) dst(%arg14 : memref<128x16xf32, #tpu.memory_space<vmem>>)
      tpu.yield
    }) : () -> ()
    %dma_start3A = arith.constant 0 : i32
    %dma_start3A_3 = arith.constant 0 : i32
    %dma_start3A_4 = arith.constant 0 : i32
    %dma_start3A_5 = arith.constant 0 : i32
    %dma_start3A_6 = tpu.memref_slice %arg11[%dma_start3A_3, %dma_start3A_4, %dma_start3A_5] : memref<2x16x128xi32, #tpu.memory_space<vmem>> -> memref<1x16x128xi32, #tpu.memory_space<vmem>>
    %dma_start3A_7 = tpu.memref_squeeze %dma_start3A_6 : memref<1x16x128xi32, #tpu.memory_space<vmem>> -> memref<16x128xi32, #tpu.memory_space<vmem>>
    %dma_start3A_8 = arith.constant 0 : i32
    %dma_start3A_9 = arith.constant 0 : i32
    %dma_start3A_10 = tpu.memref_slice %arg2[%arg1, %dma_start3A, %dma_start3A_8, %dma_start3A_9] : memref<16x10x16x128xi32, #tpu.memory_space<hbm>> -> memref<1x1x16x128xi32, #tpu.memory_space<hbm>>
    %dma_start3A_11 = tpu.memref_squeeze %dma_start3A_10 : memref<1x1x16x128xi32, #tpu.memory_space<hbm>> -> memref<16x128xi32, #tpu.memory_space<hbm>>
    %dma_start3A_12 = arith.constant 0 : i32
    %dma_start3A_13 = arith.constant 0 : i32
    %dma_start3A_14 = tpu.memref_slice %arg11[%dma_start3A_3, %dma_start3A_12, %dma_start3A_13] : memref<2x16x128xi32, #tpu.memory_space<vmem>> -> memref<1x16x128xi32, #tpu.memory_space<vmem>>
    %dma_start3A_15 = tpu.memref_squeeze %dma_start3A_14 : memref<1x16x128xi32, #tpu.memory_space<vmem>> -> memref<16x128xi32, #tpu.memory_space<vmem>>
    %dma_start3A_16 = arith.constant 0 : i32
    %dma_start3A_17 = arith.constant 0 : i32
    %dma_start3A_18 = tpu.memref_slice %arg2[%arg1, %dma_start3A, %dma_start3A_16, %dma_start3A_17] : memref<16x10x16x128xi32, #tpu.memory_space<hbm>> -> memref<1x1x16x128xi32, #tpu.memory_space<hbm>>
    %dma_start3A_19 = tpu.memref_squeeze %dma_start3A_18 : memref<1x1x16x128xi32, #tpu.memory_space<hbm>> -> memref<16x128xi32, #tpu.memory_space<hbm>>
    tpu.enqueue_dma source(%dma_start3A_19 : memref<16x128xi32, #tpu.memory_space<hbm>>) target(%dma_start3A_15 : memref<16x128xi32, #tpu.memory_space<vmem>>) target_semaphore(%arg34 : memref<!tpu.dma_semaphore, #tpu.memory_space<semaphore_mem>>)
    %dma_start3A_20 = arith.constant 0 : i32
    %dma_start3A_21 = arith.constant 0 : i32
    %dma_start3A_22 = arith.constant 0 : i32
    %dma_start3A_23 = arith.constant 0 : i32
    %dma_start3A_24 = tpu.memref_slice %arg12[%dma_start3A_21, %dma_start3A_22, %dma_start3A_23] : memref<2x16x128xi32, #tpu.memory_space<vmem>> -> memref<1x16x128xi32, #tpu.memory_space<vmem>>
    %dma_start3A_25 = tpu.memref_squeeze %dma_start3A_24 : memref<1x16x128xi32, #tpu.memory_space<vmem>> -> memref<16x128xi32, #tpu.memory_space<vmem>>
    %dma_start3A_26 = arith.constant 0 : i32
    %dma_start3A_27 = arith.constant 0 : i32
    %dma_start3A_28 = tpu.memref_slice %arg3[%arg1, %dma_start3A_20, %dma_start3A_26, %dma_start3A_27] : memref<16x10x16x128xi32, #tpu.memory_space<hbm>> -> memref<1x1x16x128xi32, #tpu.memory_space<hbm>>
    %dma_start3A_29 = tpu.memref_squeeze %dma_start3A_28 : memref<1x1x16x128xi32, #tpu.memory_space<hbm>> -> memref<16x128xi32, #tpu.memory_space<hbm>>
    %dma_start3A_30 = arith.constant 0 : i32
    %dma_start3A_31 = arith.constant 0 : i32
    %dma_start3A_32 = tpu.memref_slice %arg12[%dma_start3A_21, %dma_start3A_30, %dma_start3A_31] : memref<2x16x128xi32, #tpu.memory_space<vmem>> -> memref<1x16x128xi32, #tpu.memory_space<vmem>>
    %dma_start3A_33 = tpu.memref_squeeze %dma_start3A_32 : memref<1x16x128xi32, #tpu.memory_space<vmem>> -> memref<16x128xi32, #tpu.memory_space<vmem>>
    %dma_start3A_34 = arith.constant 0 : i32
    %dma_start3A_35 = arith.constant 0 : i32
    %dma_start3A_36 = tpu.memref_slice %arg3[%arg1, %dma_start3A_20, %dma_start3A_34, %dma_start3A_35] : memref<16x10x16x128xi32, #tpu.memory_space<hbm>> -> memref<1x1x16x128xi32, #tpu.memory_space<hbm>>
    %dma_start3A_37 = tpu.memref_squeeze %dma_start3A_36 : memref<1x1x16x128xi32, #tpu.memory_space<hbm>> -> memref<16x128xi32, #tpu.memory_space<hbm>>
    tpu.enqueue_dma source(%dma_start3A_37 : memref<16x128xi32, #tpu.memory_space<hbm>>) target(%dma_start3A_33 : memref<16x128xi32, #tpu.memory_space<vmem>>) target_semaphore(%arg34 : memref<!tpu.dma_semaphore, #tpu.memory_space<semaphore_mem>>)
    %barrier3A = arith.constant 0 : index
    tpu.barrier barrier_id(%barrier3A)
    %scan3A = arith.constant 0 : i32
    %scan3A_38 = arith.constant 0 : i32
    %scan3A_39 = arith.constant 21 : i32
    %scan3A_40 = arith.addi %scan3A_38, %scan3A_39 : i32
    %scan3A_41 = arith.constant 1 : i32
    scf.for %scan3A_159 = %scan3A_38 to %scan3A_40 step %scan3A_41  : i32 {
      %mul3A_160 = arith.constant 8 : i32
      %mul3A_161 = arith.muli %scan3A_159, %mul3A_160 : i32
      %add3A = arith.constant 0 : i32
      %add3A_162 = arith.addi %mul3A_161, %add3A : i32
      %lt3A = arith.constant 160 : i32
      %lt3A_163 = arith.cmpi slt, %add3A_162, %lt3A : i32
      %convert_element_type3A = arith.extui %lt3A_163 : i1 to i32
      %cond3A = arith.constant 0 : i32
      %cond3A_164 = arith.cmpi ne, %convert_element_type3A, %cond3A : i32
      scf.if %cond3A_164 {
        %jit3A = arith.constant 16 : i32
        %eq3A = arith.constant 0 : i32
        %eq3A_305 = arith.cmpi eq, %jit3A, %eq3A : i32
        %jit3A_306 = arith.constant 1 : i32
        %select_n3A = arith.select %eq3A_305, %jit3A_306, %jit3A : i32
        %rem3A = arith.remsi %add3A_162, %select_n3A : i32
        %ne3A = arith.constant 0 : i32
        %ne3A_307 = arith.cmpi ne, %rem3A, %ne3A : i32
        %lt3A_308 = arith.constant 0 : i32
        %lt3A_309 = arith.cmpi slt, %rem3A, %lt3A_308 : i32
        %lt3A_310 = arith.constant 0 : i32
        %lt3A_311 = arith.cmpi slt, %select_n3A, %lt3A_310 : i32
        %ne3A_312 = arith.xori %lt3A_309, %lt3A_311 : i1
        %and3A_313 = arith.andi %ne3A_312, %ne3A_307 : i1
        %add3A_314 = arith.addi %rem3A, %select_n3A : i32
        %select_n3A_315 = arith.select %and3A_313, %add3A_314, %rem3A : i32
        %eq3A_316 = arith.constant 0 : i32
        %eq3A_317 = arith.cmpi eq, %select_n3A_315, %eq3A_316 : i32
        %convert_element_type3A_318 = arith.extui %eq3A_317 : i1 to i32
        %cond3A_319 = arith.constant 0 : i32
        %cond3A_320 = arith.cmpi ne, %convert_element_type3A_318, %cond3A_319 : i32
        scf.if %cond3A_320 {
          %jit3A_418 = arith.constant 16 : i32
          %div3A_419 = arith.divsi %add3A_162, %jit3A_418 : i32
          %sign3A_420 = arith.constant 0 : i32
          %sign3A_421 = arith.cmpi sgt, %add3A_162, %sign3A_420 : i32
          %sign3A_422 = arith.extui %sign3A_421 : i1 to i32
          %sign3A_423 = arith.constant 0 : i32
          %sign3A_424 = arith.cmpi slt, %add3A_162, %sign3A_423 : i32
          %sign3A_425 = arith.extui %sign3A_424 : i1 to i32
          %sign3A_426 = arith.subi %sign3A_422, %sign3A_425 : i32
          %sign3A_427 = arith.constant 0 : i32
          %sign3A_428 = arith.cmpi sgt, %jit3A_418, %sign3A_427 : i32
          %sign3A_429 = arith.extui %sign3A_428 : i1 to i32
          %sign3A_430 = arith.constant 0 : i32
          %sign3A_431 = arith.cmpi slt, %jit3A_418, %sign3A_430 : i32
          %sign3A_432 = arith.extui %sign3A_431 : i1 to i32
          %sign3A_433 = arith.subi %sign3A_429, %sign3A_432 : i32
          %ne3A_434 = arith.cmpi ne, %sign3A_426, %sign3A_433 : i32
          %rem3A_435 = arith.remsi %add3A_162, %jit3A_418 : i32
          %ne3A_436 = arith.constant 0 : i32
          %ne3A_437 = arith.cmpi ne, %rem3A_435, %ne3A_436 : i32
          %and3A_438 = arith.andi %ne3A_434, %ne3A_437 : i1
          %sub3A_439 = arith.constant 1 : i32
          %sub3A_440 = arith.subi %div3A_419, %sub3A_439 : i32
          %select_n3A_441 = arith.select %and3A_438, %sub3A_440, %div3A_419 : i32
          %jit3A_442 = arith.constant 16 : i32
          %div3A_443 = arith.divsi %add3A_162, %jit3A_442 : i32
          %sign3A_444 = arith.constant 0 : i32
          %sign3A_445 = arith.cmpi sgt, %add3A_162, %sign3A_444 : i32
          %sign3A_446 = arith.extui %sign3A_445 : i1 to i32
          %sign3A_447 = arith.constant 0 : i32
          %sign3A_448 = arith.cmpi slt, %add3A_162, %sign3A_447 : i32
          %sign3A_449 = arith.extui %sign3A_448 : i1 to i32
          %sign3A_450 = arith.subi %sign3A_446, %sign3A_449 : i32
          %sign3A_451 = arith.constant 0 : i32
          %sign3A_452 = arith.cmpi sgt, %jit3A_442, %sign3A_451 : i32
          %sign3A_453 = arith.extui %sign3A_452 : i1 to i32
          %sign3A_454 = arith.constant 0 : i32
          %sign3A_455 = arith.cmpi slt, %jit3A_442, %sign3A_454 : i32
          %sign3A_456 = arith.extui %sign3A_455 : i1 to i32
          %sign3A_457 = arith.subi %sign3A_453, %sign3A_456 : i32
          %ne3A_458 = arith.cmpi ne, %sign3A_450, %sign3A_457 : i32
          %rem3A_459 = arith.remsi %add3A_162, %jit3A_442 : i32
          %ne3A_460 = arith.constant 0 : i32
          %ne3A_461 = arith.cmpi ne, %rem3A_459, %ne3A_460 : i32
          %and3A_462 = arith.andi %ne3A_458, %ne3A_461 : i1
          %sub3A_463 = arith.constant 1 : i32
          %sub3A_464 = arith.subi %div3A_443, %sub3A_463 : i32
          %select_n3A_465 = arith.select %and3A_462, %sub3A_464, %div3A_443 : i32
          %jit3A_466 = arith.constant 2 : i32
          %eq3A_467 = arith.constant 0 : i32
          %eq3A_468 = arith.cmpi eq, %jit3A_466, %eq3A_467 : i32
          %jit3A_469 = arith.constant 1 : i32
          %select_n3A_470 = arith.select %eq3A_468, %jit3A_469, %jit3A_466 : i32
          %rem3A_471 = arith.remsi %select_n3A_465, %select_n3A_470 : i32
          %ne3A_472 = arith.constant 0 : i32
          %ne3A_473 = arith.cmpi ne, %rem3A_471, %ne3A_472 : i32
          %lt3A_474 = arith.constant 0 : i32
          %lt3A_475 = arith.cmpi slt, %rem3A_471, %lt3A_474 : i32
          %lt3A_476 = arith.constant 0 : i32
          %lt3A_477 = arith.cmpi slt, %select_n3A_470, %lt3A_476 : i32
          %ne3A_478 = arith.xori %lt3A_475, %lt3A_477 : i1
          %and3A_479 = arith.andi %ne3A_478, %ne3A_473 : i1
          %add3A_480 = arith.addi %rem3A_471, %select_n3A_470 : i32
          %select_n3A_481 = arith.select %and3A_479, %add3A_480, %rem3A_471 : i32
          %dma_wait3A_482 = arith.constant 0 : i32
          %dma_wait3A_483 = arith.constant 0 : i32
          %dma_wait3A_484 = tpu.memref_slice %arg11[%select_n3A_481, %dma_wait3A_482, %dma_wait3A_483] : memref<2x16x128xi32, #tpu.memory_space<vmem>> -> memref<1x16x128xi32, #tpu.memory_space<vmem>>
          %dma_wait3A_485 = tpu.memref_squeeze %dma_wait3A_484 : memref<1x16x128xi32, #tpu.memory_space<vmem>> -> memref<16x128xi32, #tpu.memory_space<vmem>>
          %dma_wait3A_486 = arith.constant 0 : i32
          %dma_wait3A_487 = arith.constant 0 : i32
          %dma_wait3A_488 = tpu.memref_slice %arg2[%arg1, %select_n3A_441, %dma_wait3A_486, %dma_wait3A_487] : memref<16x10x16x128xi32, #tpu.memory_space<hbm>> -> memref<1x1x16x128xi32, #tpu.memory_space<hbm>>
          %dma_wait3A_489 = tpu.memref_squeeze %dma_wait3A_488 : memref<1x1x16x128xi32, #tpu.memory_space<hbm>> -> memref<16x128xi32, #tpu.memory_space<hbm>>
          %dma_wait3A_490 = arith.constant 0 : i32
          %dma_wait3A_491 = arith.constant 0 : i32
          %dma_wait3A_492 = tpu.memref_slice %arg11[%select_n3A_481, %dma_wait3A_490, %dma_wait3A_491] : memref<2x16x128xi32, #tpu.memory_space<vmem>> -> memref<1x16x128xi32, #tpu.memory_space<vmem>>
          %dma_wait3A_493 = tpu.memref_squeeze %dma_wait3A_492 : memref<1x16x128xi32, #tpu.memory_space<vmem>> -> memref<16x128xi32, #tpu.memory_space<vmem>>
          %dma_wait3A_494 = arith.constant 0 : i32
          %dma_wait3A_495 = arith.constant 0 : i32
          %dma_wait3A_496 = tpu.memref_slice %arg2[%arg1, %select_n3A_441, %dma_wait3A_494, %dma_wait3A_495] : memref<16x10x16x128xi32, #tpu.memory_space<hbm>> -> memref<1x1x16x128xi32, #tpu.memory_space<hbm>>
          %dma_wait3A_497 = tpu.memref_squeeze %dma_wait3A_496 : memref<1x1x16x128xi32, #tpu.memory_space<hbm>> -> memref<16x128xi32, #tpu.memory_space<hbm>>
          tpu.wait_dma2 semaphore(%arg34 : memref<!tpu.dma_semaphore, #tpu.memory_space<semaphore_mem>>) src(%dma_wait3A_497 : memref<16x128xi32, #tpu.memory_space<hbm>>) dst(%dma_wait3A_493 : memref<16x128xi32, #tpu.memory_space<vmem>>)
          %dma_wait3A_498 = arith.constant 0 : i32
          %dma_wait3A_499 = arith.constant 0 : i32
          %dma_wait3A_500 = tpu.memref_slice %arg12[%select_n3A_481, %dma_wait3A_498, %dma_wait3A_499] : memref<2x16x128xi32, #tpu.memory_space<vmem>> -> memref<1x16x128xi32, #tpu.memory_space<vmem>>
          %dma_wait3A_501 = tpu.memref_squeeze %dma_wait3A_500 : memref<1x16x128xi32, #tpu.memory_space<vmem>> -> memref<16x128xi32, #tpu.memory_space<vmem>>
          %dma_wait3A_502 = arith.constant 0 : i32
          %dma_wait3A_503 = arith.constant 0 : i32
          %dma_wait3A_504 = tpu.memref_slice %arg3[%arg1, %select_n3A_441, %dma_wait3A_502, %dma_wait3A_503] : memref<16x10x16x128xi32, #tpu.memory_space<hbm>> -> memref<1x1x16x128xi32, #tpu.memory_space<hbm>>
          %dma_wait3A_505 = tpu.memref_squeeze %dma_wait3A_504 : memref<1x1x16x128xi32, #tpu.memory_space<hbm>> -> memref<16x128xi32, #tpu.memory_space<hbm>>
          %dma_wait3A_506 = arith.constant 0 : i32
          %dma_wait3A_507 = arith.constant 0 : i32
          %dma_wait3A_508 = tpu.memref_slice %arg12[%select_n3A_481, %dma_wait3A_506, %dma_wait3A_507] : memref<2x16x128xi32, #tpu.memory_space<vmem>> -> memref<1x16x128xi32, #tpu.memory_space<vmem>>
          %dma_wait3A_509 = tpu.memref_squeeze %dma_wait3A_508 : memref<1x16x128xi32, #tpu.memory_space<vmem>> -> memref<16x128xi32, #tpu.memory_space<vmem>>
          %dma_wait3A_510 = arith.constant 0 : i32
          %dma_wait3A_511 = arith.constant 0 : i32
          %dma_wait3A_512 = tpu.memref_slice %arg3[%arg1, %select_n3A_441, %dma_wait3A_510, %dma_wait3A_511] : memref<16x10x16x128xi32, #tpu.memory_space<hbm>> -> memref<1x1x16x128xi32, #tpu.memory_space<hbm>>
          %dma_wait3A_513 = tpu.memref_squeeze %dma_wait3A_512 : memref<1x1x16x128xi32, #tpu.memory_space<hbm>> -> memref<16x128xi32, #tpu.memory_space<hbm>>
          tpu.wait_dma2 semaphore(%arg34 : memref<!tpu.dma_semaphore, #tpu.memory_space<semaphore_mem>>) src(%dma_wait3A_513 : memref<16x128xi32, #tpu.memory_space<hbm>>) dst(%dma_wait3A_509 : memref<16x128xi32, #tpu.memory_space<vmem>>)
        } else {
        }
        %ge3A_321 = arith.constant 8 : i32
        %ge3A_322 = arith.cmpi sge, %add3A_162, %ge3A_321 : i32
        %convert_element_type3A_323 = arith.extui %ge3A_322 : i1 to i32
        %cond3A_324 = arith.constant 0 : i32
        %cond3A_325 = arith.cmpi ne, %convert_element_type3A_323, %cond3A_324 : i32
        scf.if %cond3A_325 {
          %dma_wait3A_418 = arith.constant 0 : i32
          %dma_wait3A_419 = arith.constant 0 : i32
          %dma_wait3A_420 = arith.constant 0 : i32
          %dma_wait3A_421 = arith.constant 0 : i32
          %dma_wait3A_422 = arith.constant 0 : i32
          %dma_wait3A_423 = tpu.memref_slice %arg13[%dma_wait3A_418, %dma_wait3A_421, %dma_wait3A_422] : memref<8x128x64xf32, #tpu.memory_space<vmem>> -> memref<1x128x64xf32, #tpu.memory_space<vmem>>
          %dma_wait3A_424 = tpu.memref_squeeze %dma_wait3A_423 : memref<1x128x64xf32, #tpu.memory_space<vmem>> -> memref<128x64xf32, #tpu.memory_space<vmem>>
          %dma_wait3A_425 = arith.constant 0 : i32
          %dma_wait3A_426 = tpu.memref_slice %arg12[%dma_wait3A_419, %dma_wait3A_420, %dma_wait3A_425] : memref<2x16x128xi32, #tpu.memory_space<vmem>> -> memref<1x1x128xi32, #tpu.memory_space<vmem>>
          %dma_wait3A_427 = tpu.memref_squeeze %dma_wait3A_426 : memref<1x1x128xi32, #tpu.memory_space<vmem>> -> memref<128xi32, #tpu.memory_space<vmem>>
          %dma_wait3A_428 = arith.constant 0 : i32
          %dma_wait3A_429 = arith.constant 0 : i32
          %dma_wait3A_430 = tpu.memref_slice %arg15[%dma_wait3A_428, %dma_wait3A_429] : memref<10240x64xf32, #tpu.memory_space<vmem_shared>> -> memref<10240x64xf32, #tpu.memory_space<vmem_shared>>
          tpu.wait_indirect_dma semaphore(%arg25 : memref<!tpu.dma_semaphore, #tpu.memory_space<semaphore_mem>>) src(%dma_wait3A_424 : memref<128x64xf32, #tpu.memory_space<vmem>>) dst(%dma_wait3A_430 : memref<10240x64xf32, #tpu.memory_space<vmem_shared>>)
        } else {
        }
        %jit3A_326 = arith.constant 16 : i32
        %div3A = arith.divsi %add3A_162, %jit3A_326 : i32
        %sign3A = arith.constant 0 : i32
        %sign3A_327 = arith.cmpi sgt, %add3A_162, %sign3A : i32
        %sign3A_328 = arith.extui %sign3A_327 : i1 to i32
        %sign3A_329 = arith.constant 0 : i32
        %sign3A_330 = arith.cmpi slt, %add3A_162, %sign3A_329 : i32
        %sign3A_331 = arith.extui %sign3A_330 : i1 to i32
        %sign3A_332 = arith.subi %sign3A_328, %sign3A_331 : i32
        %sign3A_333 = arith.constant 0 : i32
        %sign3A_334 = arith.cmpi sgt, %jit3A_326, %sign3A_333 : i32
        %sign3A_335 = arith.extui %sign3A_334 : i1 to i32
        %sign3A_336 = arith.constant 0 : i32
        %sign3A_337 = arith.cmpi slt, %jit3A_326, %sign3A_336 : i32
        %sign3A_338 = arith.extui %sign3A_337 : i1 to i32
        %sign3A_339 = arith.subi %sign3A_335, %sign3A_338 : i32
        %ne3A_340 = arith.cmpi ne, %sign3A_332, %sign3A_339 : i32
        %rem3A_341 = arith.remsi %add3A_162, %jit3A_326 : i32
        %ne3A_342 = arith.constant 0 : i32
        %ne3A_343 = arith.cmpi ne, %rem3A_341, %ne3A_342 : i32
        %and3A_344 = arith.andi %ne3A_340, %ne3A_343 : i1
        %sub3A_345 = arith.constant 1 : i32
        %sub3A_346 = arith.subi %div3A, %sub3A_345 : i32
        %select_n3A_347 = arith.select %and3A_344, %sub3A_346, %div3A : i32
        %jit3A_348 = arith.constant 2 : i32
        %eq3A_349 = arith.constant 0 : i32
        %eq3A_350 = arith.cmpi eq, %jit3A_348, %eq3A_349 : i32
        %jit3A_351 = arith.constant 1 : i32
        %select_n3A_352 = arith.select %eq3A_350, %jit3A_351, %jit3A_348 : i32
        %rem3A_353 = arith.remsi %select_n3A_347, %select_n3A_352 : i32
        %ne3A_354 = arith.constant 0 : i32
        %ne3A_355 = arith.cmpi ne, %rem3A_353, %ne3A_354 : i32
        %lt3A_356 = arith.constant 0 : i32
        %lt3A_357 = arith.cmpi slt, %rem3A_353, %lt3A_356 : i32
        %lt3A_358 = arith.constant 0 : i32
        %lt3A_359 = arith.cmpi slt, %select_n3A_352, %lt3A_358 : i32
        %ne3A_360 = arith.xori %lt3A_357, %lt3A_359 : i1
        %and3A_361 = arith.andi %ne3A_360, %ne3A_355 : i1
        %add3A_362 = arith.addi %rem3A_353, %select_n3A_352 : i32
        %select_n3A_363 = arith.select %and3A_361, %add3A_362, %rem3A_353 : i32
        %jit3A_364 = arith.constant 16 : i32
        %eq3A_365 = arith.constant 0 : i32
        %eq3A_366 = arith.cmpi eq, %jit3A_364, %eq3A_365 : i32
        %jit3A_367 = arith.constant 1 : i32
        %select_n3A_368 = arith.select %eq3A_366, %jit3A_367, %jit3A_364 : i32
        %rem3A_369 = arith.remsi %add3A_162, %select_n3A_368 : i32
        %ne3A_370 = arith.constant 0 : i32
        %ne3A_371 = arith.cmpi ne, %rem3A_369, %ne3A_370 : i32
        %lt3A_372 = arith.constant 0 : i32
        %lt3A_373 = arith.cmpi slt, %rem3A_369, %lt3A_372 : i32
        %lt3A_374 = arith.constant 0 : i32
        %lt3A_375 = arith.cmpi slt, %select_n3A_368, %lt3A_374 : i32
        %ne3A_376 = arith.xori %lt3A_373, %lt3A_375 : i1
        %and3A_377 = arith.andi %ne3A_376, %ne3A_371 : i1
        %add3A_378 = arith.addi %rem3A_369, %select_n3A_368 : i32
        %select_n3A_379 = arith.select %and3A_377, %add3A_378, %rem3A_369 : i32
        %eq3A_380 = arith.constant 0 : i32
        %eq3A_381 = arith.cmpi eq, %arg0, %eq3A_380 : i32
        %convert_element_type3A_382 = arith.extui %eq3A_381 : i1 to i32
        %cond3A_383 = arith.constant 0 : i32
        %cond3A_384 = arith.cmpi ne, %convert_element_type3A_382, %cond3A_383 : i32
        scf.if %cond3A_384 {
          %dma_start3A_418 = arith.constant 0 : i32
          %dma_start3A_419 = arith.constant 0 : i32
          %dma_start3A_420 = arith.constant 0 : i32
          %dma_start3A_421 = tpu.memref_slice %arg13[%dma_start3A_418, %dma_start3A_419, %dma_start3A_420] : memref<8x128x64xf32, #tpu.memory_space<vmem>> -> memref<1x128x64xf32, #tpu.memory_space<vmem>>
          %dma_start3A_422 = tpu.memref_squeeze %dma_start3A_421 : memref<1x128x64xf32, #tpu.memory_space<vmem>> -> memref<128x64xf32, #tpu.memory_space<vmem>>
          %dma_start3A_423 = arith.constant 0 : i32
          %dma_start3A_424 = tpu.memref_slice %arg11[%select_n3A_363, %select_n3A_379, %dma_start3A_423] : memref<2x16x128xi32, #tpu.memory_space<vmem>> -> memref<1x1x128xi32, #tpu.memory_space<vmem>>
          %dma_start3A_425 = tpu.memref_squeeze %dma_start3A_424 : memref<1x1x128xi32, #tpu.memory_space<vmem>> -> memref<128xi32, #tpu.memory_space<vmem>>
          %dma_start3A_426 = arith.constant 0 : i32
          %dma_start3A_427 = arith.constant 0 : i32
          %dma_start3A_428 = tpu.memref_slice %arg4[%dma_start3A_426, %dma_start3A_427] : memref<10000x64xf32, #tpu.memory_space<hbm>> -> memref<10000x64xf32, #tpu.memory_space<hbm>>
          tpu.enqueue_indirect_dma source(%dma_start3A_428 : memref<10000x64xf32, #tpu.memory_space<hbm>>) target(%dma_start3A_422 : memref<128x64xf32, #tpu.memory_space<vmem>>) offsets(%dma_start3A_425 : memref<128xi32, #tpu.memory_space<vmem>>) semaphore(%arg17 : memref<!tpu.dma_semaphore, #tpu.memory_space<semaphore_mem>>)
        } else {
        }
        %eq3A_385 = arith.constant 1 : i32
        %eq3A_386 = arith.cmpi eq, %arg0, %eq3A_385 : i32
        %convert_element_type3A_387 = arith.extui %eq3A_386 : i1 to i32
        %cond3A_388 = arith.constant 0 : i32
        %cond3A_389 = arith.cmpi ne, %convert_element_type3A_387, %cond3A_388 : i32
        scf.if %cond3A_389 {
          %dma_start3A_418 = arith.constant 0 : i32
          %dma_start3A_419 = arith.constant 0 : i32
          %dma_start3A_420 = arith.constant 0 : i32
          %dma_start3A_421 = tpu.memref_slice %arg13[%dma_start3A_418, %dma_start3A_419, %dma_start3A_420] : memref<8x128x64xf32, #tpu.memory_space<vmem>> -> memref<1x128x64xf32, #tpu.memory_space<vmem>>
          %dma_start3A_422 = tpu.memref_squeeze %dma_start3A_421 : memref<1x128x64xf32, #tpu.memory_space<vmem>> -> memref<128x64xf32, #tpu.memory_space<vmem>>
          %dma_start3A_423 = arith.constant 0 : i32
          %dma_start3A_424 = tpu.memref_slice %arg11[%select_n3A_363, %select_n3A_379, %dma_start3A_423] : memref<2x16x128xi32, #tpu.memory_space<vmem>> -> memref<1x1x128xi32, #tpu.memory_space<vmem>>
          %dma_start3A_425 = tpu.memref_squeeze %dma_start3A_424 : memref<1x1x128xi32, #tpu.memory_space<vmem>> -> memref<128xi32, #tpu.memory_space<vmem>>
          %dma_start3A_426 = arith.constant 0 : i32
          %dma_start3A_427 = arith.constant 0 : i32
          %dma_start3A_428 = tpu.memref_slice %arg5[%dma_start3A_426, %dma_start3A_427] : memref<10000x64xf32, #tpu.memory_space<hbm>> -> memref<10000x64xf32, #tpu.memory_space<hbm>>
          tpu.enqueue_indirect_dma source(%dma_start3A_428 : memref<10000x64xf32, #tpu.memory_space<hbm>>) target(%dma_start3A_422 : memref<128x64xf32, #tpu.memory_space<vmem>>) offsets(%dma_start3A_425 : memref<128xi32, #tpu.memory_space<vmem>>) semaphore(%arg17 : memref<!tpu.dma_semaphore, #tpu.memory_space<semaphore_mem>>)
        } else {
        }
        %jit3A_390 = arith.constant 16 : i32
        %eq3A_391 = arith.constant 0 : i32
        %eq3A_392 = arith.cmpi eq, %jit3A_390, %eq3A_391 : i32
        %jit3A_393 = arith.constant 1 : i32
        %select_n3A_394 = arith.select %eq3A_392, %jit3A_393, %jit3A_390 : i32
        %rem3A_395 = arith.remsi %add3A_162, %select_n3A_394 : i32
        %ne3A_396 = arith.constant 0 : i32
        %ne3A_397 = arith.cmpi ne, %rem3A_395, %ne3A_396 : i32
        %lt3A_398 = arith.constant 0 : i32
        %lt3A_399 = arith.cmpi slt, %rem3A_395, %lt3A_398 : i32
        %lt3A_400 = arith.constant 0 : i32
        %lt3A_401 = arith.cmpi slt, %select_n3A_394, %lt3A_400 : i32
        %ne3A_402 = arith.xori %lt3A_399, %lt3A_401 : i1
        %and3A_403 = arith.andi %ne3A_402, %ne3A_397 : i1
        %add3A_404 = arith.addi %rem3A_395, %select_n3A_394 : i32
        %select_n3A_405 = arith.select %and3A_403, %add3A_404, %rem3A_395 : i32
        %eq3A_406 = arith.constant 8 : i32
        %eq3A_407 = arith.cmpi eq, %select_n3A_405, %eq3A_406 : i32
        %add3A_408 = arith.constant 16 : i32
        %add3A_409 = arith.addi %add3A_162, %add3A_408 : i32
        %sub3A_410 = arith.constant 8 : i32
        %sub3A_411 = arith.subi %add3A_409, %sub3A_410 : i32
        %lt3A_412 = arith.constant 160 : i32
        %lt3A_413 = arith.cmpi slt, %sub3A_411, %lt3A_412 : i32
        %and3A_414 = arith.andi %eq3A_407, %lt3A_413 : i1
        %convert_element_type3A_415 = arith.extui %and3A_414 : i1 to i32
        %cond3A_416 = arith.constant 0 : i32
        %cond3A_417 = arith.cmpi ne, %convert_element_type3A_415, %cond3A_416 : i32
        scf.if %cond3A_417 {
          %jit3A_418 = arith.constant 16 : i32
          %div3A_419 = arith.divsi %add3A_162, %jit3A_418 : i32
          %sign3A_420 = arith.constant 0 : i32
          %sign3A_421 = arith.cmpi sgt, %add3A_162, %sign3A_420 : i32
          %sign3A_422 = arith.extui %sign3A_421 : i1 to i32
          %sign3A_423 = arith.constant 0 : i32
          %sign3A_424 = arith.cmpi slt, %add3A_162, %sign3A_423 : i32
          %sign3A_425 = arith.extui %sign3A_424 : i1 to i32
          %sign3A_426 = arith.subi %sign3A_422, %sign3A_425 : i32
          %sign3A_427 = arith.constant 0 : i32
          %sign3A_428 = arith.cmpi sgt, %jit3A_418, %sign3A_427 : i32
          %sign3A_429 = arith.extui %sign3A_428 : i1 to i32
          %sign3A_430 = arith.constant 0 : i32
          %sign3A_431 = arith.cmpi slt, %jit3A_418, %sign3A_430 : i32
          %sign3A_432 = arith.extui %sign3A_431 : i1 to i32
          %sign3A_433 = arith.subi %sign3A_429, %sign3A_432 : i32
          %ne3A_434 = arith.cmpi ne, %sign3A_426, %sign3A_433 : i32
          %rem3A_435 = arith.remsi %add3A_162, %jit3A_418 : i32
          %ne3A_436 = arith.constant 0 : i32
          %ne3A_437 = arith.cmpi ne, %rem3A_435, %ne3A_436 : i32
          %and3A_438 = arith.andi %ne3A_434, %ne3A_437 : i1
          %sub3A_439 = arith.constant 1 : i32
          %sub3A_440 = arith.subi %div3A_419, %sub3A_439 : i32
          %select_n3A_441 = arith.select %and3A_438, %sub3A_440, %div3A_419 : i32
          %add3A_442 = arith.constant 1 : i32
          %add3A_443 = arith.addi %select_n3A_441, %add3A_442 : i32
          %jit3A_444 = arith.constant 16 : i32
          %div3A_445 = arith.divsi %add3A_162, %jit3A_444 : i32
          %sign3A_446 = arith.constant 0 : i32
          %sign3A_447 = arith.cmpi sgt, %add3A_162, %sign3A_446 : i32
          %sign3A_448 = arith.extui %sign3A_447 : i1 to i32
          %sign3A_449 = arith.constant 0 : i32
          %sign3A_450 = arith.cmpi slt, %add3A_162, %sign3A_449 : i32
          %sign3A_451 = arith.extui %sign3A_450 : i1 to i32
          %sign3A_452 = arith.subi %sign3A_448, %sign3A_451 : i32
          %sign3A_453 = arith.constant 0 : i32
          %sign3A_454 = arith.cmpi sgt, %jit3A_444, %sign3A_453 : i32
          %sign3A_455 = arith.extui %sign3A_454 : i1 to i32
          %sign3A_456 = arith.constant 0 : i32
          %sign3A_457 = arith.cmpi slt, %jit3A_444, %sign3A_456 : i32
          %sign3A_458 = arith.extui %sign3A_457 : i1 to i32
          %sign3A_459 = arith.subi %sign3A_455, %sign3A_458 : i32
          %ne3A_460 = arith.cmpi ne, %sign3A_452, %sign3A_459 : i32
          %rem3A_461 = arith.remsi %add3A_162, %jit3A_444 : i32
          %ne3A_462 = arith.constant 0 : i32
          %ne3A_463 = arith.cmpi ne, %rem3A_461, %ne3A_462 : i32
          %and3A_464 = arith.andi %ne3A_460, %ne3A_463 : i1
          %sub3A_465 = arith.constant 1 : i32
          %sub3A_466 = arith.subi %div3A_445, %sub3A_465 : i32
          %select_n3A_467 = arith.select %and3A_464, %sub3A_466, %div3A_445 : i32
          %add3A_468 = arith.constant 1 : i32
          %add3A_469 = arith.addi %select_n3A_467, %add3A_468 : i32
          %jit3A_470 = arith.constant 2 : i32
          %eq3A_471 = arith.constant 0 : i32
          %eq3A_472 = arith.cmpi eq, %jit3A_470, %eq3A_471 : i32
          %jit3A_473 = arith.constant 1 : i32
          %select_n3A_474 = arith.select %eq3A_472, %jit3A_473, %jit3A_470 : i32
          %rem3A_475 = arith.remsi %add3A_469, %select_n3A_474 : i32
          %ne3A_476 = arith.constant 0 : i32
          %ne3A_477 = arith.cmpi ne, %rem3A_475, %ne3A_476 : i32
          %lt3A_478 = arith.constant 0 : i32
          %lt3A_479 = arith.cmpi slt, %rem3A_475, %lt3A_478 : i32
          %lt3A_480 = arith.constant 0 : i32
          %lt3A_481 = arith.cmpi slt, %select_n3A_474, %lt3A_480 : i32
          %ne3A_482 = arith.xori %lt3A_479, %lt3A_481 : i1
          %and3A_483 = arith.andi %ne3A_482, %ne3A_477 : i1
          %add3A_484 = arith.addi %rem3A_475, %select_n3A_474 : i32
          %select_n3A_485 = arith.select %and3A_483, %add3A_484, %rem3A_475 : i32
          %dma_start3A_486 = arith.constant 0 : i32
          %dma_start3A_487 = arith.constant 0 : i32
          %dma_start3A_488 = tpu.memref_slice %arg11[%select_n3A_485, %dma_start3A_486, %dma_start3A_487] : memref<2x16x128xi32, #tpu.memory_space<vmem>> -> memref<1x16x128xi32, #tpu.memory_space<vmem>>
          %dma_start3A_489 = tpu.memref_squeeze %dma_start3A_488 : memref<1x16x128xi32, #tpu.memory_space<vmem>> -> memref<16x128xi32, #tpu.memory_space<vmem>>
          %dma_start3A_490 = arith.constant 0 : i32
          %dma_start3A_491 = arith.constant 0 : i32
          %dma_start3A_492 = tpu.memref_slice %arg2[%arg1, %add3A_443, %dma_start3A_490, %dma_start3A_491] : memref<16x10x16x128xi32, #tpu.memory_space<hbm>> -> memref<1x1x16x128xi32, #tpu.memory_space<hbm>>
          %dma_start3A_493 = tpu.memref_squeeze %dma_start3A_492 : memref<1x1x16x128xi32, #tpu.memory_space<hbm>> -> memref<16x128xi32, #tpu.memory_space<hbm>>
          %dma_start3A_494 = arith.constant 0 : i32
          %dma_start3A_495 = arith.constant 0 : i32
          %dma_start3A_496 = tpu.memref_slice %arg11[%select_n3A_485, %dma_start3A_494, %dma_start3A_495] : memref<2x16x128xi32, #tpu.memory_space<vmem>> -> memref<1x16x128xi32, #tpu.memory_space<vmem>>
          %dma_start3A_497 = tpu.memref_squeeze %dma_start3A_496 : memref<1x16x128xi32, #tpu.memory_space<vmem>> -> memref<16x128xi32, #tpu.memory_space<vmem>>
          %dma_start3A_498 = arith.constant 0 : i32
          %dma_start3A_499 = arith.constant 0 : i32
          %dma_start3A_500 = tpu.memref_slice %arg2[%arg1, %add3A_443, %dma_start3A_498, %dma_start3A_499] : memref<16x10x16x128xi32, #tpu.memory_space<hbm>> -> memref<1x1x16x128xi32, #tpu.memory_space<hbm>>
          %dma_start3A_501 = tpu.memref_squeeze %dma_start3A_500 : memref<1x1x16x128xi32, #tpu.memory_space<hbm>> -> memref<16x128xi32, #tpu.memory_space<hbm>>
          tpu.enqueue_dma source(%dma_start3A_501 : memref<16x128xi32, #tpu.memory_space<hbm>>) target(%dma_start3A_497 : memref<16x128xi32, #tpu.memory_space<vmem>>) target_semaphore(%arg34 : memref<!tpu.dma_semaphore, #tpu.memory_space<semaphore_mem>>)
          %dma_start3A_502 = arith.constant 0 : i32
          %dma_start3A_503 = arith.constant 0 : i32
          %dma_start3A_504 = tpu.memref_slice %arg12[%select_n3A_485, %dma_start3A_502, %dma_start3A_503] : memref<2x16x128xi32, #tpu.memory_space<vmem>> -> memref<1x16x128xi32, #tpu.memory_space<vmem>>
          %dma_start3A_505 = tpu.memref_squeeze %dma_start3A_504 : memref<1x16x128xi32, #tpu.memory_space<vmem>> -> memref<16x128xi32, #tpu.memory_space<vmem>>
          %dma_start3A_506 = arith.constant 0 : i32
          %dma_start3A_507 = arith.constant 0 : i32
          %dma_start3A_508 = tpu.memref_slice %arg3[%arg1, %add3A_443, %dma_start3A_506, %dma_start3A_507] : memref<16x10x16x128xi32, #tpu.memory_space<hbm>> -> memref<1x1x16x128xi32, #tpu.memory_space<hbm>>
          %dma_start3A_509 = tpu.memref_squeeze %dma_start3A_508 : memref<1x1x16x128xi32, #tpu.memory_space<hbm>> -> memref<16x128xi32, #tpu.memory_space<hbm>>
          %dma_start3A_510 = arith.constant 0 : i32
          %dma_start3A_511 = arith.constant 0 : i32
          %dma_start3A_512 = tpu.memref_slice %arg12[%select_n3A_485, %dma_start3A_510, %dma_start3A_511] : memref<2x16x128xi32, #tpu.memory_space<vmem>> -> memref<1x16x128xi32, #tpu.memory_space<vmem>>
          %dma_start3A_513 = tpu.memref_squeeze %dma_start3A_512 : memref<1x16x128xi32, #tpu.memory_space<vmem>> -> memref<16x128xi32, #tpu.memory_space<vmem>>
          %dma_start3A_514 = arith.constant 0 : i32
          %dma_start3A_515 = arith.constant 0 : i32
          %dma_start3A_516 = tpu.memref_slice %arg3[%arg1, %add3A_443, %dma_start3A_514, %dma_start3A_515] : memref<16x10x16x128xi32, #tpu.memory_space<hbm>> -> memref<1x1x16x128xi32, #tpu.memory_space<hbm>>
          %dma_start3A_517 = tpu.memref_squeeze %dma_start3A_516 : memref<1x1x16x128xi32, #tpu.memory_space<hbm>> -> memref<16x128xi32, #tpu.memory_space<hbm>>
          tpu.enqueue_dma source(%dma_start3A_517 : memref<16x128xi32, #tpu.memory_space<hbm>>) target(%dma_start3A_513 : memref<16x128xi32, #tpu.memory_space<vmem>>) target_semaphore(%arg34 : memref<!tpu.dma_semaphore, #tpu.memory_space<semaphore_mem>>)
        } else {
        }
      } else {
      }
      %sub3A = arith.constant 4 : i32
      %sub3A_165 = arith.subi %add3A_162, %sub3A : i32
      %ge3A = arith.constant 0 : i32
      %ge3A_166 = arith.cmpi sge, %sub3A_165, %ge3A : i32
      %lt3A_167 = arith.constant 160 : i32
      %lt3A_168 = arith.cmpi slt, %sub3A_165, %lt3A_167 : i32
      %and3A = arith.andi %ge3A_166, %lt3A_168 : i1
      %convert_element_type3A_169 = arith.extui %and3A : i1 to i32
      %cond3A_170 = arith.constant 0 : i32
      %cond3A_171 = arith.cmpi ne, %convert_element_type3A_169, %cond3A_170 : i32
      scf.if %cond3A_171 {
        %dma_wait3A_305 = arith.constant 0 : i32
        %dma_wait3A_306 = arith.constant 0 : i32
        %dma_wait3A_307 = arith.constant 4 : i32
        %dma_wait3A_308 = arith.constant 0 : i32
        %dma_wait3A_309 = arith.constant 0 : i32
        %dma_wait3A_310 = tpu.memref_slice %arg13[%dma_wait3A_307, %dma_wait3A_308, %dma_wait3A_309] : memref<8x128x64xf32, #tpu.memory_space<vmem>> -> memref<1x128x64xf32, #tpu.memory_space<vmem>>
        %dma_wait3A_311 = tpu.memref_squeeze %dma_wait3A_310 : memref<1x128x64xf32, #tpu.memory_space<vmem>> -> memref<128x64xf32, #tpu.memory_space<vmem>>
        %dma_wait3A_312 = arith.constant 0 : i32
        %dma_wait3A_313 = tpu.memref_slice %arg11[%dma_wait3A_305, %dma_wait3A_306, %dma_wait3A_312] : memref<2x16x128xi32, #tpu.memory_space<vmem>> -> memref<1x1x128xi32, #tpu.memory_space<vmem>>
        %dma_wait3A_314 = tpu.memref_squeeze %dma_wait3A_313 : memref<1x1x128xi32, #tpu.memory_space<vmem>> -> memref<128xi32, #tpu.memory_space<vmem>>
        %dma_wait3A_315 = arith.constant 0 : i32
        %dma_wait3A_316 = arith.constant 0 : i32
        %dma_wait3A_317 = tpu.memref_slice %arg4[%dma_wait3A_315, %dma_wait3A_316] : memref<10000x64xf32, #tpu.memory_space<hbm>> -> memref<10000x64xf32, #tpu.memory_space<hbm>>
        tpu.wait_indirect_dma semaphore(%arg21 : memref<!tpu.dma_semaphore, #tpu.memory_space<semaphore_mem>>) src(%dma_wait3A_317 : memref<10000x64xf32, #tpu.memory_space<hbm>>) dst(%dma_wait3A_311 : memref<128x64xf32, #tpu.memory_space<vmem>>)
        %jit3A = arith.constant 16 : i32
        %div3A = arith.divsi %sub3A_165, %jit3A : i32
        %sign3A = arith.constant 0 : i32
        %sign3A_318 = arith.cmpi sgt, %sub3A_165, %sign3A : i32
        %sign3A_319 = arith.extui %sign3A_318 : i1 to i32
        %sign3A_320 = arith.constant 0 : i32
        %sign3A_321 = arith.cmpi slt, %sub3A_165, %sign3A_320 : i32
        %sign3A_322 = arith.extui %sign3A_321 : i1 to i32
        %sign3A_323 = arith.subi %sign3A_319, %sign3A_322 : i32
        %sign3A_324 = arith.constant 0 : i32
        %sign3A_325 = arith.cmpi sgt, %jit3A, %sign3A_324 : i32
        %sign3A_326 = arith.extui %sign3A_325 : i1 to i32
        %sign3A_327 = arith.constant 0 : i32
        %sign3A_328 = arith.cmpi slt, %jit3A, %sign3A_327 : i32
        %sign3A_329 = arith.extui %sign3A_328 : i1 to i32
        %sign3A_330 = arith.subi %sign3A_326, %sign3A_329 : i32
        %ne3A = arith.cmpi ne, %sign3A_323, %sign3A_330 : i32
        %rem3A = arith.remsi %sub3A_165, %jit3A : i32
        %ne3A_331 = arith.constant 0 : i32
        %ne3A_332 = arith.cmpi ne, %rem3A, %ne3A_331 : i32
        %and3A_333 = arith.andi %ne3A, %ne3A_332 : i1
        %sub3A_334 = arith.constant 1 : i32
        %sub3A_335 = arith.subi %div3A, %sub3A_334 : i32
        %select_n3A = arith.select %and3A_333, %sub3A_335, %div3A : i32
        %jit3A_336 = arith.constant 2 : i32
        %eq3A = arith.constant 0 : i32
        %eq3A_337 = arith.cmpi eq, %jit3A_336, %eq3A : i32
        %jit3A_338 = arith.constant 1 : i32
        %select_n3A_339 = arith.select %eq3A_337, %jit3A_338, %jit3A_336 : i32
        %rem3A_340 = arith.remsi %select_n3A, %select_n3A_339 : i32
        %ne3A_341 = arith.constant 0 : i32
        %ne3A_342 = arith.cmpi ne, %rem3A_340, %ne3A_341 : i32
        %lt3A_343 = arith.constant 0 : i32
        %lt3A_344 = arith.cmpi slt, %rem3A_340, %lt3A_343 : i32
        %lt3A_345 = arith.constant 0 : i32
        %lt3A_346 = arith.cmpi slt, %select_n3A_339, %lt3A_345 : i32
        %ne3A_347 = arith.xori %lt3A_344, %lt3A_346 : i1
        %and3A_348 = arith.andi %ne3A_347, %ne3A_342 : i1
        %add3A_349 = arith.addi %rem3A_340, %select_n3A_339 : i32
        %select_n3A_350 = arith.select %and3A_348, %add3A_349, %rem3A_340 : i32
        %jit3A_351 = arith.constant 16 : i32
        %eq3A_352 = arith.constant 0 : i32
        %eq3A_353 = arith.cmpi eq, %jit3A_351, %eq3A_352 : i32
        %jit3A_354 = arith.constant 1 : i32
        %select_n3A_355 = arith.select %eq3A_353, %jit3A_354, %jit3A_351 : i32
        %rem3A_356 = arith.remsi %sub3A_165, %select_n3A_355 : i32
        %ne3A_357 = arith.constant 0 : i32
        %ne3A_358 = arith.cmpi ne, %rem3A_356, %ne3A_357 : i32
        %lt3A_359 = arith.constant 0 : i32
        %lt3A_360 = arith.cmpi slt, %rem3A_356, %lt3A_359 : i32
        %lt3A_361 = arith.constant 0 : i32
        %lt3A_362 = arith.cmpi slt, %select_n3A_355, %lt3A_361 : i32
        %ne3A_363 = arith.xori %lt3A_360, %lt3A_362 : i1
        %and3A_364 = arith.andi %ne3A_363, %ne3A_358 : i1
        %add3A_365 = arith.addi %rem3A_356, %select_n3A_355 : i32
        %select_n3A_366 = arith.select %and3A_364, %add3A_365, %rem3A_356 : i32
        %dma_start3A_367 = arith.constant 4 : i32
        %dma_start3A_368 = arith.constant 0 : i32
        %dma_start3A_369 = arith.constant 0 : i32
        %dma_start3A_370 = tpu.memref_slice %arg13[%dma_start3A_367, %dma_start3A_368, %dma_start3A_369] : memref<8x128x64xf32, #tpu.memory_space<vmem>> -> memref<1x128x64xf32, #tpu.memory_space<vmem>>
        %dma_start3A_371 = tpu.memref_squeeze %dma_start3A_370 : memref<1x128x64xf32, #tpu.memory_space<vmem>> -> memref<128x64xf32, #tpu.memory_space<vmem>>
        %dma_start3A_372 = arith.constant 0 : i32
        %dma_start3A_373 = tpu.memref_slice %arg12[%select_n3A_350, %select_n3A_366, %dma_start3A_372] : memref<2x16x128xi32, #tpu.memory_space<vmem>> -> memref<1x1x128xi32, #tpu.memory_space<vmem>>
        %dma_start3A_374 = tpu.memref_squeeze %dma_start3A_373 : memref<1x1x128xi32, #tpu.memory_space<vmem>> -> memref<128xi32, #tpu.memory_space<vmem>>
        %dma_start3A_375 = arith.constant 0 : i32
        %dma_start3A_376 = arith.constant 0 : i32
        %dma_start3A_377 = tpu.memref_slice %arg15[%dma_start3A_375, %dma_start3A_376] : memref<10240x64xf32, #tpu.memory_space<vmem_shared>> -> memref<10240x64xf32, #tpu.memory_space<vmem_shared>>
        tpu.enqueue_indirect_dma source(%dma_start3A_371 : memref<128x64xf32, #tpu.memory_space<vmem>>) target(%dma_start3A_377 : memref<10240x64xf32, #tpu.memory_space<vmem_shared>>) offsets(%dma_start3A_374 : memref<128xi32, #tpu.memory_space<vmem>>) semaphore(%arg29 : memref<!tpu.dma_semaphore, #tpu.memory_space<semaphore_mem>>) {add = true}
        %lt3A_378 = arith.constant 80 : i32
        %lt3A_379 = arith.cmpi slt, %sub3A_165, %lt3A_378 : i32
        %eq3A_380 = arith.constant 0 : i32
        %eq3A_381 = arith.cmpi eq, %arg0, %eq3A_380 : i32
        %eq3A_382 = arith.xori %lt3A_379, %eq3A_381 : i1
        %eq3A_383 = arith.constant true
        %eq3A_384 = arith.xori %eq3A_382, %eq3A_383 : i1
        %convert_element_type3A_385 = arith.extui %eq3A_384 : i1 to i32
        %cond3A_386 = arith.constant 0 : i32
        %cond3A_387 = arith.cmpi ne, %convert_element_type3A_385, %cond3A_386 : i32
        scf.if %cond3A_387 {
          %dma_start3A_388 = arith.constant 0 : i32
          %dma_start3A_389 = tpu.memref_slice %arg12[%select_n3A_350, %select_n3A_366, %dma_start3A_388] : memref<2x16x128xi32, #tpu.memory_space<vmem>> -> memref<1x1x128xi32, #tpu.memory_space<vmem>>
          %dma_start3A_390 = tpu.memref_squeeze %dma_start3A_389 : memref<1x1x128xi32, #tpu.memory_space<vmem>> -> memref<128xi32, #tpu.memory_space<vmem>>
          %dma_start3A_391 = arith.constant 0 : i32
          %dma_start3A_392 = arith.constant 0 : i32
          %dma_start3A_393 = tpu.memref_slice %arg16[%dma_start3A_391, %dma_start3A_392] : memref<10240x16xf32, #tpu.memory_space<vmem_shared>> -> memref<10240x16xf32, #tpu.memory_space<vmem_shared>>
          tpu.enqueue_indirect_dma source(%arg14 : memref<128x16xf32, #tpu.memory_space<vmem>>) target(%dma_start3A_393 : memref<10240x16xf32, #tpu.memory_space<vmem_shared>>) offsets(%dma_start3A_390 : memref<128xi32, #tpu.memory_space<vmem>>) semaphore(%arg33 : memref<!tpu.dma_semaphore, #tpu.memory_space<semaphore_mem>>) {add = true}
        } else {
        }
      } else {
      }
      %mul3A_172 = arith.constant 8 : i32
      %mul3A_173 = arith.muli %scan3A_159, %mul3A_172 : i32
      %add3A_174 = arith.constant 1 : i32
      %add3A_175 = arith.addi %mul3A_173, %add3A_174 : i32
      %lt3A_176 = arith.constant 160 : i32
      %lt3A_177 = arith.cmpi slt, %add3A_175, %lt3A_176 : i32
      %convert_element_type3A_178 = arith.extui %lt3A_177 : i1 to i32
      %cond3A_179 = arith.constant 0 : i32
      %cond3A_180 = arith.cmpi ne, %convert_element_type3A_178, %cond3A_179 : i32
      scf.if %cond3A_180 {
        %jit3A = arith.constant 16 : i32
        %eq3A = arith.constant 0 : i32
        %eq3A_305 = arith.cmpi eq, %jit3A, %eq3A : i32
        %jit3A_306 = arith.constant 1 : i32
        %select_n3A = arith.select %eq3A_305, %jit3A_306, %jit3A : i32
        %rem3A = arith.remsi %add3A_175, %select_n3A : i32
        %ne3A = arith.constant 0 : i32
        %ne3A_307 = arith.cmpi ne, %rem3A, %ne3A : i32
        %lt3A_308 = arith.constant 0 : i32
        %lt3A_309 = arith.cmpi slt, %rem3A, %lt3A_308 : i32
        %lt3A_310 = arith.constant 0 : i32
        %lt3A_311 = arith.cmpi slt, %select_n3A, %lt3A_310 : i32
        %ne3A_312 = arith.xori %lt3A_309, %lt3A_311 : i1
        %and3A_313 = arith.andi %ne3A_312, %ne3A_307 : i1
        %add3A_314 = arith.addi %rem3A, %select_n3A : i32
        %select_n3A_315 = arith.select %and3A_313, %add3A_314, %rem3A : i32
        %eq3A_316 = arith.constant 0 : i32
        %eq3A_317 = arith.cmpi eq, %select_n3A_315, %eq3A_316 : i32
        %convert_element_type3A_318 = arith.extui %eq3A_317 : i1 to i32
        %cond3A_319 = arith.constant 0 : i32
        %cond3A_320 = arith.cmpi ne, %convert_element_type3A_318, %cond3A_319 : i32
        scf.if %cond3A_320 {
          %jit3A_418 = arith.constant 16 : i32
          %div3A_419 = arith.divsi %add3A_175, %jit3A_418 : i32
          %sign3A_420 = arith.constant 0 : i32
          %sign3A_421 = arith.cmpi sgt, %add3A_175, %sign3A_420 : i32
          %sign3A_422 = arith.extui %sign3A_421 : i1 to i32
          %sign3A_423 = arith.constant 0 : i32
          %sign3A_424 = arith.cmpi slt, %add3A_175, %sign3A_423 : i32
          %sign3A_425 = arith.extui %sign3A_424 : i1 to i32
          %sign3A_426 = arith.subi %sign3A_422, %sign3A_425 : i32
          %sign3A_427 = arith.constant 0 : i32
          %sign3A_428 = arith.cmpi sgt, %jit3A_418, %sign3A_427 : i32
          %sign3A_429 = arith.extui %sign3A_428 : i1 to i32
          %sign3A_430 = arith.constant 0 : i32
          %sign3A_431 = arith.cmpi slt, %jit3A_418, %sign3A_430 : i32
          %sign3A_432 = arith.extui %sign3A_431 : i1 to i32
          %sign3A_433 = arith.subi %sign3A_429, %sign3A_432 : i32
          %ne3A_434 = arith.cmpi ne, %sign3A_426, %sign3A_433 : i32
          %rem3A_435 = arith.remsi %add3A_175, %jit3A_418 : i32
          %ne3A_436 = arith.constant 0 : i32
          %ne3A_437 = arith.cmpi ne, %rem3A_435, %ne3A_436 : i32
          %and3A_438 = arith.andi %ne3A_434, %ne3A_437 : i1
          %sub3A_439 = arith.constant 1 : i32
          %sub3A_440 = arith.subi %div3A_419, %sub3A_439 : i32
          %select_n3A_441 = arith.select %and3A_438, %sub3A_440, %div3A_419 : i32
          %jit3A_442 = arith.constant 16 : i32
          %div3A_443 = arith.divsi %add3A_175, %jit3A_442 : i32
          %sign3A_444 = arith.constant 0 : i32
          %sign3A_445 = arith.cmpi sgt, %add3A_175, %sign3A_444 : i32
          %sign3A_446 = arith.extui %sign3A_445 : i1 to i32
          %sign3A_447 = arith.constant 0 : i32
          %sign3A_448 = arith.cmpi slt, %add3A_175, %sign3A_447 : i32
          %sign3A_449 = arith.extui %sign3A_448 : i1 to i32
          %sign3A_450 = arith.subi %sign3A_446, %sign3A_449 : i32
          %sign3A_451 = arith.constant 0 : i32
          %sign3A_452 = arith.cmpi sgt, %jit3A_442, %sign3A_451 : i32
          %sign3A_453 = arith.extui %sign3A_452 : i1 to i32
          %sign3A_454 = arith.constant 0 : i32
          %sign3A_455 = arith.cmpi slt, %jit3A_442, %sign3A_454 : i32
          %sign3A_456 = arith.extui %sign3A_455 : i1 to i32
          %sign3A_457 = arith.subi %sign3A_453, %sign3A_456 : i32
          %ne3A_458 = arith.cmpi ne, %sign3A_450, %sign3A_457 : i32
          %rem3A_459 = arith.remsi %add3A_175, %jit3A_442 : i32
          %ne3A_460 = arith.constant 0 : i32
          %ne3A_461 = arith.cmpi ne, %rem3A_459, %ne3A_460 : i32
          %and3A_462 = arith.andi %ne3A_458, %ne3A_461 : i1
          %sub3A_463 = arith.constant 1 : i32
          %sub3A_464 = arith.subi %div3A_443, %sub3A_463 : i32
          %select_n3A_465 = arith.select %and3A_462, %sub3A_464, %div3A_443 : i32
          %jit3A_466 = arith.constant 2 : i32
          %eq3A_467 = arith.constant 0 : i32
          %eq3A_468 = arith.cmpi eq, %jit3A_466, %eq3A_467 : i32
          %jit3A_469 = arith.constant 1 : i32
          %select_n3A_470 = arith.select %eq3A_468, %jit3A_469, %jit3A_466 : i32
          %rem3A_471 = arith.remsi %select_n3A_465, %select_n3A_470 : i32
          %ne3A_472 = arith.constant 0 : i32
          %ne3A_473 = arith.cmpi ne, %rem3A_471, %ne3A_472 : i32
          %lt3A_474 = arith.constant 0 : i32
          %lt3A_475 = arith.cmpi slt, %rem3A_471, %lt3A_474 : i32
          %lt3A_476 = arith.constant 0 : i32
          %lt3A_477 = arith.cmpi slt, %select_n3A_470, %lt3A_476 : i32
          %ne3A_478 = arith.xori %lt3A_475, %lt3A_477 : i1
          %and3A_479 = arith.andi %ne3A_478, %ne3A_473 : i1
          %add3A_480 = arith.addi %rem3A_471, %select_n3A_470 : i32
          %select_n3A_481 = arith.select %and3A_479, %add3A_480, %rem3A_471 : i32
          %dma_wait3A_482 = arith.constant 0 : i32
          %dma_wait3A_483 = arith.constant 0 : i32
          %dma_wait3A_484 = tpu.memref_slice %arg11[%select_n3A_481, %dma_wait3A_482, %dma_wait3A_483] : memref<2x16x128xi32, #tpu.memory_space<vmem>> -> memref<1x16x128xi32, #tpu.memory_space<vmem>>
          %dma_wait3A_485 = tpu.memref_squeeze %dma_wait3A_484 : memref<1x16x128xi32, #tpu.memory_space<vmem>> -> memref<16x128xi32, #tpu.memory_space<vmem>>
          %dma_wait3A_486 = arith.constant 0 : i32
          %dma_wait3A_487 = arith.constant 0 : i32
          %dma_wait3A_488 = tpu.memref_slice %arg2[%arg1, %select_n3A_441, %dma_wait3A_486, %dma_wait3A_487] : memref<16x10x16x128xi32, #tpu.memory_space<hbm>> -> memref<1x1x16x128xi32, #tpu.memory_space<hbm>>
          %dma_wait3A_489 = tpu.memref_squeeze %dma_wait3A_488 : memref<1x1x16x128xi32, #tpu.memory_space<hbm>> -> memref<16x128xi32, #tpu.memory_space<hbm>>
          %dma_wait3A_490 = arith.constant 0 : i32
          %dma_wait3A_491 = arith.constant 0 : i32
          %dma_wait3A_492 = tpu.memref_slice %arg11[%select_n3A_481, %dma_wait3A_490, %dma_wait3A_491] : memref<2x16x128xi32, #tpu.memory_space<vmem>> -> memref<1x16x128xi32, #tpu.memory_space<vmem>>
          %dma_wait3A_493 = tpu.memref_squeeze %dma_wait3A_492 : memref<1x16x128xi32, #tpu.memory_space<vmem>> -> memref<16x128xi32, #tpu.memory_space<vmem>>
          %dma_wait3A_494 = arith.constant 0 : i32
          %dma_wait3A_495 = arith.constant 0 : i32
          %dma_wait3A_496 = tpu.memref_slice %arg2[%arg1, %select_n3A_441, %dma_wait3A_494, %dma_wait3A_495] : memref<16x10x16x128xi32, #tpu.memory_space<hbm>> -> memref<1x1x16x128xi32, #tpu.memory_space<hbm>>
          %dma_wait3A_497 = tpu.memref_squeeze %dma_wait3A_496 : memref<1x1x16x128xi32, #tpu.memory_space<hbm>> -> memref<16x128xi32, #tpu.memory_space<hbm>>
          tpu.wait_dma2 semaphore(%arg34 : memref<!tpu.dma_semaphore, #tpu.memory_space<semaphore_mem>>) src(%dma_wait3A_497 : memref<16x128xi32, #tpu.memory_space<hbm>>) dst(%dma_wait3A_493 : memref<16x128xi32, #tpu.memory_space<vmem>>)
          %dma_wait3A_498 = arith.constant 0 : i32
          %dma_wait3A_499 = arith.constant 0 : i32
          %dma_wait3A_500 = tpu.memref_slice %arg12[%select_n3A_481, %dma_wait3A_498, %dma_wait3A_499] : memref<2x16x128xi32, #tpu.memory_space<vmem>> -> memref<1x16x128xi32, #tpu.memory_space<vmem>>
          %dma_wait3A_501 = tpu.memref_squeeze %dma_wait3A_500 : memref<1x16x128xi32, #tpu.memory_space<vmem>> -> memref<16x128xi32, #tpu.memory_space<vmem>>
          %dma_wait3A_502 = arith.constant 0 : i32
          %dma_wait3A_503 = arith.constant 0 : i32
          %dma_wait3A_504 = tpu.memref_slice %arg3[%arg1, %select_n3A_441, %dma_wait3A_502, %dma_wait3A_503] : memref<16x10x16x128xi32, #tpu.memory_space<hbm>> -> memref<1x1x16x128xi32, #tpu.memory_space<hbm>>
          %dma_wait3A_505 = tpu.memref_squeeze %dma_wait3A_504 : memref<1x1x16x128xi32, #tpu.memory_space<hbm>> -> memref<16x128xi32, #tpu.memory_space<hbm>>
          %dma_wait3A_506 = arith.constant 0 : i32
          %dma_wait3A_507 = arith.constant 0 : i32
          %dma_wait3A_508 = tpu.memref_slice %arg12[%select_n3A_481, %dma_wait3A_506, %dma_wait3A_507] : memref<2x16x128xi32, #tpu.memory_space<vmem>> -> memref<1x16x128xi32, #tpu.memory_space<vmem>>
          %dma_wait3A_509 = tpu.memref_squeeze %dma_wait3A_508 : memref<1x16x128xi32, #tpu.memory_space<vmem>> -> memref<16x128xi32, #tpu.memory_space<vmem>>
          %dma_wait3A_510 = arith.constant 0 : i32
          %dma_wait3A_511 = arith.constant 0 : i32
          %dma_wait3A_512 = tpu.memref_slice %arg3[%arg1, %select_n3A_441, %dma_wait3A_510, %dma_wait3A_511] : memref<16x10x16x128xi32, #tpu.memory_space<hbm>> -> memref<1x1x16x128xi32, #tpu.memory_space<hbm>>
          %dma_wait3A_513 = tpu.memref_squeeze %dma_wait3A_512 : memref<1x1x16x128xi32, #tpu.memory_space<hbm>> -> memref<16x128xi32, #tpu.memory_space<hbm>>
          tpu.wait_dma2 semaphore(%arg34 : memref<!tpu.dma_semaphore, #tpu.memory_space<semaphore_mem>>) src(%dma_wait3A_513 : memref<16x128xi32, #tpu.memory_space<hbm>>) dst(%dma_wait3A_509 : memref<16x128xi32, #tpu.memory_space<vmem>>)
        } else {
        }
        %ge3A_321 = arith.constant 8 : i32
        %ge3A_322 = arith.cmpi sge, %add3A_175, %ge3A_321 : i32
        %convert_element_type3A_323 = arith.extui %ge3A_322 : i1 to i32
        %cond3A_324 = arith.constant 0 : i32
        %cond3A_325 = arith.cmpi ne, %convert_element_type3A_323, %cond3A_324 : i32
        scf.if %cond3A_325 {
          %dma_wait3A_418 = arith.constant 1 : i32
          %dma_wait3A_419 = arith.constant 0 : i32
          %dma_wait3A_420 = arith.constant 0 : i32
          %dma_wait3A_421 = arith.constant 0 : i32
          %dma_wait3A_422 = arith.constant 0 : i32
          %dma_wait3A_423 = tpu.memref_slice %arg13[%dma_wait3A_418, %dma_wait3A_421, %dma_wait3A_422] : memref<8x128x64xf32, #tpu.memory_space<vmem>> -> memref<1x128x64xf32, #tpu.memory_space<vmem>>
          %dma_wait3A_424 = tpu.memref_squeeze %dma_wait3A_423 : memref<1x128x64xf32, #tpu.memory_space<vmem>> -> memref<128x64xf32, #tpu.memory_space<vmem>>
          %dma_wait3A_425 = arith.constant 0 : i32
          %dma_wait3A_426 = tpu.memref_slice %arg12[%dma_wait3A_419, %dma_wait3A_420, %dma_wait3A_425] : memref<2x16x128xi32, #tpu.memory_space<vmem>> -> memref<1x1x128xi32, #tpu.memory_space<vmem>>
          %dma_wait3A_427 = tpu.memref_squeeze %dma_wait3A_426 : memref<1x1x128xi32, #tpu.memory_space<vmem>> -> memref<128xi32, #tpu.memory_space<vmem>>
          %dma_wait3A_428 = arith.constant 0 : i32
          %dma_wait3A_429 = arith.constant 0 : i32
          %dma_wait3A_430 = tpu.memref_slice %arg15[%dma_wait3A_428, %dma_wait3A_429] : memref<10240x64xf32, #tpu.memory_space<vmem_shared>> -> memref<10240x64xf32, #tpu.memory_space<vmem_shared>>
          tpu.wait_indirect_dma semaphore(%arg26 : memref<!tpu.dma_semaphore, #tpu.memory_space<semaphore_mem>>) src(%dma_wait3A_424 : memref<128x64xf32, #tpu.memory_space<vmem>>) dst(%dma_wait3A_430 : memref<10240x64xf32, #tpu.memory_space<vmem_shared>>)
        } else {
        }
        %jit3A_326 = arith.constant 16 : i32
        %div3A = arith.divsi %add3A_175, %jit3A_326 : i32
        %sign3A = arith.constant 0 : i32
        %sign3A_327 = arith.cmpi sgt, %add3A_175, %sign3A : i32
        %sign3A_328 = arith.extui %sign3A_327 : i1 to i32
        %sign3A_329 = arith.constant 0 : i32
        %sign3A_330 = arith.cmpi slt, %add3A_175, %sign3A_329 : i32
        %sign3A_331 = arith.extui %sign3A_330 : i1 to i32
        %sign3A_332 = arith.subi %sign3A_328, %sign3A_331 : i32
        %sign3A_333 = arith.constant 0 : i32
        %sign3A_334 = arith.cmpi sgt, %jit3A_326, %sign3A_333 : i32
        %sign3A_335 = arith.extui %sign3A_334 : i1 to i32
        %sign3A_336 = arith.constant 0 : i32
        %sign3A_337 = arith.cmpi slt, %jit3A_326, %sign3A_336 : i32
        %sign3A_338 = arith.extui %sign3A_337 : i1 to i32
        %sign3A_339 = arith.subi %sign3A_335, %sign3A_338 : i32
        %ne3A_340 = arith.cmpi ne, %sign3A_332, %sign3A_339 : i32
        %rem3A_341 = arith.remsi %add3A_175, %jit3A_326 : i32
        %ne3A_342 = arith.constant 0 : i32
        %ne3A_343 = arith.cmpi ne, %rem3A_341, %ne3A_342 : i32
        %and3A_344 = arith.andi %ne3A_340, %ne3A_343 : i1
        %sub3A_345 = arith.constant 1 : i32
        %sub3A_346 = arith.subi %div3A, %sub3A_345 : i32
        %select_n3A_347 = arith.select %and3A_344, %sub3A_346, %div3A : i32
        %jit3A_348 = arith.constant 2 : i32
        %eq3A_349 = arith.constant 0 : i32
        %eq3A_350 = arith.cmpi eq, %jit3A_348, %eq3A_349 : i32
        %jit3A_351 = arith.constant 1 : i32
        %select_n3A_352 = arith.select %eq3A_350, %jit3A_351, %jit3A_348 : i32
        %rem3A_353 = arith.remsi %select_n3A_347, %select_n3A_352 : i32
        %ne3A_354 = arith.constant 0 : i32
        %ne3A_355 = arith.cmpi ne, %rem3A_353, %ne3A_354 : i32
        %lt3A_356 = arith.constant 0 : i32
        %lt3A_357 = arith.cmpi slt, %rem3A_353, %lt3A_356 : i32
        %lt3A_358 = arith.constant 0 : i32
        %lt3A_359 = arith.cmpi slt, %select_n3A_352, %lt3A_358 : i32
        %ne3A_360 = arith.xori %lt3A_357, %lt3A_359 : i1
        %and3A_361 = arith.andi %ne3A_360, %ne3A_355 : i1
        %add3A_362 = arith.addi %rem3A_353, %select_n3A_352 : i32
        %select_n3A_363 = arith.select %and3A_361, %add3A_362, %rem3A_353 : i32
        %jit3A_364 = arith.constant 16 : i32
        %eq3A_365 = arith.constant 0 : i32
        %eq3A_366 = arith.cmpi eq, %jit3A_364, %eq3A_365 : i32
        %jit3A_367 = arith.constant 1 : i32
        %select_n3A_368 = arith.select %eq3A_366, %jit3A_367, %jit3A_364 : i32
        %rem3A_369 = arith.remsi %add3A_175, %select_n3A_368 : i32
        %ne3A_370 = arith.constant 0 : i32
        %ne3A_371 = arith.cmpi ne, %rem3A_369, %ne3A_370 : i32
        %lt3A_372 = arith.constant 0 : i32
        %lt3A_373 = arith.cmpi slt, %rem3A_369, %lt3A_372 : i32
        %lt3A_374 = arith.constant 0 : i32
        %lt3A_375 = arith.cmpi slt, %select_n3A_368, %lt3A_374 : i32
        %ne3A_376 = arith.xori %lt3A_373, %lt3A_375 : i1
        %and3A_377 = arith.andi %ne3A_376, %ne3A_371 : i1
        %add3A_378 = arith.addi %rem3A_369, %select_n3A_368 : i32
        %select_n3A_379 = arith.select %and3A_377, %add3A_378, %rem3A_369 : i32
        %eq3A_380 = arith.constant 0 : i32
        %eq3A_381 = arith.cmpi eq, %arg0, %eq3A_380 : i32
        %convert_element_type3A_382 = arith.extui %eq3A_381 : i1 to i32
        %cond3A_383 = arith.constant 0 : i32
        %cond3A_384 = arith.cmpi ne, %convert_element_type3A_382, %cond3A_383 : i32
        scf.if %cond3A_384 {
          %dma_start3A_418 = arith.constant 1 : i32
          %dma_start3A_419 = arith.constant 0 : i32
          %dma_start3A_420 = arith.constant 0 : i32
          %dma_start3A_421 = tpu.memref_slice %arg13[%dma_start3A_418, %dma_start3A_419, %dma_start3A_420] : memref<8x128x64xf32, #tpu.memory_space<vmem>> -> memref<1x128x64xf32, #tpu.memory_space<vmem>>
          %dma_start3A_422 = tpu.memref_squeeze %dma_start3A_421 : memref<1x128x64xf32, #tpu.memory_space<vmem>> -> memref<128x64xf32, #tpu.memory_space<vmem>>
          %dma_start3A_423 = arith.constant 0 : i32
          %dma_start3A_424 = tpu.memref_slice %arg11[%select_n3A_363, %select_n3A_379, %dma_start3A_423] : memref<2x16x128xi32, #tpu.memory_space<vmem>> -> memref<1x1x128xi32, #tpu.memory_space<vmem>>
          %dma_start3A_425 = tpu.memref_squeeze %dma_start3A_424 : memref<1x1x128xi32, #tpu.memory_space<vmem>> -> memref<128xi32, #tpu.memory_space<vmem>>
          %dma_start3A_426 = arith.constant 0 : i32
          %dma_start3A_427 = arith.constant 0 : i32
          %dma_start3A_428 = tpu.memref_slice %arg4[%dma_start3A_426, %dma_start3A_427] : memref<10000x64xf32, #tpu.memory_space<hbm>> -> memref<10000x64xf32, #tpu.memory_space<hbm>>
          tpu.enqueue_indirect_dma source(%dma_start3A_428 : memref<10000x64xf32, #tpu.memory_space<hbm>>) target(%dma_start3A_422 : memref<128x64xf32, #tpu.memory_space<vmem>>) offsets(%dma_start3A_425 : memref<128xi32, #tpu.memory_space<vmem>>) semaphore(%arg18 : memref<!tpu.dma_semaphore, #tpu.memory_space<semaphore_mem>>)
        } else {
        }
        %eq3A_385 = arith.constant 1 : i32
        %eq3A_386 = arith.cmpi eq, %arg0, %eq3A_385 : i32
        %convert_element_type3A_387 = arith.extui %eq3A_386 : i1 to i32
        %cond3A_388 = arith.constant 0 : i32
        %cond3A_389 = arith.cmpi ne, %convert_element_type3A_387, %cond3A_388 : i32
        scf.if %cond3A_389 {
          %dma_start3A_418 = arith.constant 1 : i32
          %dma_start3A_419 = arith.constant 0 : i32
          %dma_start3A_420 = arith.constant 0 : i32
          %dma_start3A_421 = tpu.memref_slice %arg13[%dma_start3A_418, %dma_start3A_419, %dma_start3A_420] : memref<8x128x64xf32, #tpu.memory_space<vmem>> -> memref<1x128x64xf32, #tpu.memory_space<vmem>>
          %dma_start3A_422 = tpu.memref_squeeze %dma_start3A_421 : memref<1x128x64xf32, #tpu.memory_space<vmem>> -> memref<128x64xf32, #tpu.memory_space<vmem>>
          %dma_start3A_423 = arith.constant 0 : i32
          %dma_start3A_424 = tpu.memref_slice %arg11[%select_n3A_363, %select_n3A_379, %dma_start3A_423] : memref<2x16x128xi32, #tpu.memory_space<vmem>> -> memref<1x1x128xi32, #tpu.memory_space<vmem>>
          %dma_start3A_425 = tpu.memref_squeeze %dma_start3A_424 : memref<1x1x128xi32, #tpu.memory_space<vmem>> -> memref<128xi32, #tpu.memory_space<vmem>>
          %dma_start3A_426 = arith.constant 0 : i32
          %dma_start3A_427 = arith.constant 0 : i32
          %dma_start3A_428 = tpu.memref_slice %arg5[%dma_start3A_426, %dma_start3A_427] : memref<10000x64xf32, #tpu.memory_space<hbm>> -> memref<10000x64xf32, #tpu.memory_space<hbm>>
          tpu.enqueue_indirect_dma source(%dma_start3A_428 : memref<10000x64xf32, #tpu.memory_space<hbm>>) target(%dma_start3A_422 : memref<128x64xf32, #tpu.memory_space<vmem>>) offsets(%dma_start3A_425 : memref<128xi32, #tpu.memory_space<vmem>>) semaphore(%arg18 : memref<!tpu.dma_semaphore, #tpu.memory_space<semaphore_mem>>)
        } else {
        }
        %jit3A_390 = arith.constant 16 : i32
        %eq3A_391 = arith.constant 0 : i32
        %eq3A_392 = arith.cmpi eq, %jit3A_390, %eq3A_391 : i32
        %jit3A_393 = arith.constant 1 : i32
        %select_n3A_394 = arith.select %eq3A_392, %jit3A_393, %jit3A_390 : i32
        %rem3A_395 = arith.remsi %add3A_175, %select_n3A_394 : i32
        %ne3A_396 = arith.constant 0 : i32
        %ne3A_397 = arith.cmpi ne, %rem3A_395, %ne3A_396 : i32
        %lt3A_398 = arith.constant 0 : i32
        %lt3A_399 = arith.cmpi slt, %rem3A_395, %lt3A_398 : i32
        %lt3A_400 = arith.constant 0 : i32
        %lt3A_401 = arith.cmpi slt, %select_n3A_394, %lt3A_400 : i32
        %ne3A_402 = arith.xori %lt3A_399, %lt3A_401 : i1
        %and3A_403 = arith.andi %ne3A_402, %ne3A_397 : i1
        %add3A_404 = arith.addi %rem3A_395, %select_n3A_394 : i32
        %select_n3A_405 = arith.select %and3A_403, %add3A_404, %rem3A_395 : i32
        %eq3A_406 = arith.constant 8 : i32
        %eq3A_407 = arith.cmpi eq, %select_n3A_405, %eq3A_406 : i32
        %add3A_408 = arith.constant 16 : i32
        %add3A_409 = arith.addi %add3A_175, %add3A_408 : i32
        %sub3A_410 = arith.constant 8 : i32
        %sub3A_411 = arith.subi %add3A_409, %sub3A_410 : i32
        %lt3A_412 = arith.constant 160 : i32
        %lt3A_413 = arith.cmpi slt, %sub3A_411, %lt3A_412 : i32
        %and3A_414 = arith.andi %eq3A_407, %lt3A_413 : i1
        %convert_element_type3A_415 = arith.extui %and3A_414 : i1 to i32
        %cond3A_416 = arith.constant 0 : i32
        %cond3A_417 = arith.cmpi ne, %convert_element_type3A_415, %cond3A_416 : i32
        scf.if %cond3A_417 {
          %jit3A_418 = arith.constant 16 : i32
          %div3A_419 = arith.divsi %add3A_175, %jit3A_418 : i32
          %sign3A_420 = arith.constant 0 : i32
          %sign3A_421 = arith.cmpi sgt, %add3A_175, %sign3A_420 : i32
          %sign3A_422 = arith.extui %sign3A_421 : i1 to i32
          %sign3A_423 = arith.constant 0 : i32
          %sign3A_424 = arith.cmpi slt, %add3A_175, %sign3A_423 : i32
          %sign3A_425 = arith.extui %sign3A_424 : i1 to i32
          %sign3A_426 = arith.subi %sign3A_422, %sign3A_425 : i32
          %sign3A_427 = arith.constant 0 : i32
          %sign3A_428 = arith.cmpi sgt, %jit3A_418, %sign3A_427 : i32
          %sign3A_429 = arith.extui %sign3A_428 : i1 to i32
          %sign3A_430 = arith.constant 0 : i32
          %sign3A_431 = arith.cmpi slt, %jit3A_418, %sign3A_430 : i32
          %sign3A_432 = arith.extui %sign3A_431 : i1 to i32
          %sign3A_433 = arith.subi %sign3A_429, %sign3A_432 : i32
          %ne3A_434 = arith.cmpi ne, %sign3A_426, %sign3A_433 : i32
          %rem3A_435 = arith.remsi %add3A_175, %jit3A_418 : i32
          %ne3A_436 = arith.constant 0 : i32
          %ne3A_437 = arith.cmpi ne, %rem3A_435, %ne3A_436 : i32
          %and3A_438 = arith.andi %ne3A_434, %ne3A_437 : i1
          %sub3A_439 = arith.constant 1 : i32
          %sub3A_440 = arith.subi %div3A_419, %sub3A_439 : i32
          %select_n3A_441 = arith.select %and3A_438, %sub3A_440, %div3A_419 : i32
          %add3A_442 = arith.constant 1 : i32
          %add3A_443 = arith.addi %select_n3A_441, %add3A_442 : i32
          %jit3A_444 = arith.constant 16 : i32
          %div3A_445 = arith.divsi %add3A_175, %jit3A_444 : i32
          %sign3A_446 = arith.constant 0 : i32
          %sign3A_447 = arith.cmpi sgt, %add3A_175, %sign3A_446 : i32
          %sign3A_448 = arith.extui %sign3A_447 : i1 to i32
          %sign3A_449 = arith.constant 0 : i32
          %sign3A_450 = arith.cmpi slt, %add3A_175, %sign3A_449 : i32
          %sign3A_451 = arith.extui %sign3A_450 : i1 to i32
          %sign3A_452 = arith.subi %sign3A_448, %sign3A_451 : i32
          %sign3A_453 = arith.constant 0 : i32
          %sign3A_454 = arith.cmpi sgt, %jit3A_444, %sign3A_453 : i32
          %sign3A_455 = arith.extui %sign3A_454 : i1 to i32
          %sign3A_456 = arith.constant 0 : i32
          %sign3A_457 = arith.cmpi slt, %jit3A_444, %sign3A_456 : i32
          %sign3A_458 = arith.extui %sign3A_457 : i1 to i32
          %sign3A_459 = arith.subi %sign3A_455, %sign3A_458 : i32
          %ne3A_460 = arith.cmpi ne, %sign3A_452, %sign3A_459 : i32
          %rem3A_461 = arith.remsi %add3A_175, %jit3A_444 : i32
          %ne3A_462 = arith.constant 0 : i32
          %ne3A_463 = arith.cmpi ne, %rem3A_461, %ne3A_462 : i32
          %and3A_464 = arith.andi %ne3A_460, %ne3A_463 : i1
          %sub3A_465 = arith.constant 1 : i32
          %sub3A_466 = arith.subi %div3A_445, %sub3A_465 : i32
          %select_n3A_467 = arith.select %and3A_464, %sub3A_466, %div3A_445 : i32
          %add3A_468 = arith.constant 1 : i32
          %add3A_469 = arith.addi %select_n3A_467, %add3A_468 : i32
          %jit3A_470 = arith.constant 2 : i32
          %eq3A_471 = arith.constant 0 : i32
          %eq3A_472 = arith.cmpi eq, %jit3A_470, %eq3A_471 : i32
          %jit3A_473 = arith.constant 1 : i32
          %select_n3A_474 = arith.select %eq3A_472, %jit3A_473, %jit3A_470 : i32
          %rem3A_475 = arith.remsi %add3A_469, %select_n3A_474 : i32
          %ne3A_476 = arith.constant 0 : i32
          %ne3A_477 = arith.cmpi ne, %rem3A_475, %ne3A_476 : i32
          %lt3A_478 = arith.constant 0 : i32
          %lt3A_479 = arith.cmpi slt, %rem3A_475, %lt3A_478 : i32
          %lt3A_480 = arith.constant 0 : i32
          %lt3A_481 = arith.cmpi slt, %select_n3A_474, %lt3A_480 : i32
          %ne3A_482 = arith.xori %lt3A_479, %lt3A_481 : i1
          %and3A_483 = arith.andi %ne3A_482, %ne3A_477 : i1
          %add3A_484 = arith.addi %rem3A_475, %select_n3A_474 : i32
          %select_n3A_485 = arith.select %and3A_483, %add3A_484, %rem3A_475 : i32
          %dma_start3A_486 = arith.constant 0 : i32
          %dma_start3A_487 = arith.constant 0 : i32
          %dma_start3A_488 = tpu.memref_slice %arg11[%select_n3A_485, %dma_start3A_486, %dma_start3A_487] : memref<2x16x128xi32, #tpu.memory_space<vmem>> -> memref<1x16x128xi32, #tpu.memory_space<vmem>>
          %dma_start3A_489 = tpu.memref_squeeze %dma_start3A_488 : memref<1x16x128xi32, #tpu.memory_space<vmem>> -> memref<16x128xi32, #tpu.memory_space<vmem>>
          %dma_start3A_490 = arith.constant 0 : i32
          %dma_start3A_491 = arith.constant 0 : i32
          %dma_start3A_492 = tpu.memref_slice %arg2[%arg1, %add3A_443, %dma_start3A_490, %dma_start3A_491] : memref<16x10x16x128xi32, #tpu.memory_space<hbm>> -> memref<1x1x16x128xi32, #tpu.memory_space<hbm>>
          %dma_start3A_493 = tpu.memref_squeeze %dma_start3A_492 : memref<1x1x16x128xi32, #tpu.memory_space<hbm>> -> memref<16x128xi32, #tpu.memory_space<hbm>>
          %dma_start3A_494 = arith.constant 0 : i32
          %dma_start3A_495 = arith.constant 0 : i32
          %dma_start3A_496 = tpu.memref_slice %arg11[%select_n3A_485, %dma_start3A_494, %dma_start3A_495] : memref<2x16x128xi32, #tpu.memory_space<vmem>> -> memref<1x16x128xi32, #tpu.memory_space<vmem>>
          %dma_start3A_497 = tpu.memref_squeeze %dma_start3A_496 : memref<1x16x128xi32, #tpu.memory_space<vmem>> -> memref<16x128xi32, #tpu.memory_space<vmem>>
          %dma_start3A_498 = arith.constant 0 : i32
          %dma_start3A_499 = arith.constant 0 : i32
          %dma_start3A_500 = tpu.memref_slice %arg2[%arg1, %add3A_443, %dma_start3A_498, %dma_start3A_499] : memref<16x10x16x128xi32, #tpu.memory_space<hbm>> -> memref<1x1x16x128xi32, #tpu.memory_space<hbm>>
          %dma_start3A_501 = tpu.memref_squeeze %dma_start3A_500 : memref<1x1x16x128xi32, #tpu.memory_space<hbm>> -> memref<16x128xi32, #tpu.memory_space<hbm>>
          tpu.enqueue_dma source(%dma_start3A_501 : memref<16x128xi32, #tpu.memory_space<hbm>>) target(%dma_start3A_497 : memref<16x128xi32, #tpu.memory_space<vmem>>) target_semaphore(%arg34 : memref<!tpu.dma_semaphore, #tpu.memory_space<semaphore_mem>>)
          %dma_start3A_502 = arith.constant 0 : i32
          %dma_start3A_503 = arith.constant 0 : i32
          %dma_start3A_504 = tpu.memref_slice %arg12[%select_n3A_485, %dma_start3A_502, %dma_start3A_503] : memref<2x16x128xi32, #tpu.memory_space<vmem>> -> memref<1x16x128xi32, #tpu.memory_space<vmem>>
          %dma_start3A_505 = tpu.memref_squeeze %dma_start3A_504 : memref<1x16x128xi32, #tpu.memory_space<vmem>> -> memref<16x128xi32, #tpu.memory_space<vmem>>
          %dma_start3A_506 = arith.constant 0 : i32
          %dma_start3A_507 = arith.constant 0 : i32
          %dma_start3A_508 = tpu.memref_slice %arg3[%arg1, %add3A_443, %dma_start3A_506, %dma_start3A_507] : memref<16x10x16x128xi32, #tpu.memory_space<hbm>> -> memref<1x1x16x128xi32, #tpu.memory_space<hbm>>
          %dma_start3A_509 = tpu.memref_squeeze %dma_start3A_508 : memref<1x1x16x128xi32, #tpu.memory_space<hbm>> -> memref<16x128xi32, #tpu.memory_space<hbm>>
          %dma_start3A_510 = arith.constant 0 : i32
          %dma_start3A_511 = arith.constant 0 : i32
          %dma_start3A_512 = tpu.memref_slice %arg12[%select_n3A_485, %dma_start3A_510, %dma_start3A_511] : memref<2x16x128xi32, #tpu.memory_space<vmem>> -> memref<1x16x128xi32, #tpu.memory_space<vmem>>
          %dma_start3A_513 = tpu.memref_squeeze %dma_start3A_512 : memref<1x16x128xi32, #tpu.memory_space<vmem>> -> memref<16x128xi32, #tpu.memory_space<vmem>>
          %dma_start3A_514 = arith.constant 0 : i32
          %dma_start3A_515 = arith.constant 0 : i32
          %dma_start3A_516 = tpu.memref_slice %arg3[%arg1, %add3A_443, %dma_start3A_514, %dma_start3A_515] : memref<16x10x16x128xi32, #tpu.memory_space<hbm>> -> memref<1x1x16x128xi32, #tpu.memory_space<hbm>>
          %dma_start3A_517 = tpu.memref_squeeze %dma_start3A_516 : memref<1x1x16x128xi32, #tpu.memory_space<hbm>> -> memref<16x128xi32, #tpu.memory_space<hbm>>
          tpu.enqueue_dma source(%dma_start3A_517 : memref<16x128xi32, #tpu.memory_space<hbm>>) target(%dma_start3A_513 : memref<16x128xi32, #tpu.memory_space<vmem>>) target_semaphore(%arg34 : memref<!tpu.dma_semaphore, #tpu.memory_space<semaphore_mem>>)
        } else {
        }
      } else {
      }
      %sub3A_181 = arith.constant 4 : i32
      %sub3A_182 = arith.subi %add3A_175, %sub3A_181 : i32
      %ge3A_183 = arith.constant 0 : i32
      %ge3A_184 = arith.cmpi sge, %sub3A_182, %ge3A_183 : i32
      %lt3A_185 = arith.constant 160 : i32
      %lt3A_186 = arith.cmpi slt, %sub3A_182, %lt3A_185 : i32
      %and3A_187 = arith.andi %ge3A_184, %lt3A_186 : i1
      %convert_element_type3A_188 = arith.extui %and3A_187 : i1 to i32
      %cond3A_189 = arith.constant 0 : i32
      %cond3A_190 = arith.cmpi ne, %convert_element_type3A_188, %cond3A_189 : i32
      scf.if %cond3A_190 {
        %dma_wait3A_305 = arith.constant 0 : i32
        %dma_wait3A_306 = arith.constant 0 : i32
        %dma_wait3A_307 = arith.constant 5 : i32
        %dma_wait3A_308 = arith.constant 0 : i32
        %dma_wait3A_309 = arith.constant 0 : i32
        %dma_wait3A_310 = tpu.memref_slice %arg13[%dma_wait3A_307, %dma_wait3A_308, %dma_wait3A_309] : memref<8x128x64xf32, #tpu.memory_space<vmem>> -> memref<1x128x64xf32, #tpu.memory_space<vmem>>
        %dma_wait3A_311 = tpu.memref_squeeze %dma_wait3A_310 : memref<1x128x64xf32, #tpu.memory_space<vmem>> -> memref<128x64xf32, #tpu.memory_space<vmem>>
        %dma_wait3A_312 = arith.constant 0 : i32
        %dma_wait3A_313 = tpu.memref_slice %arg11[%dma_wait3A_305, %dma_wait3A_306, %dma_wait3A_312] : memref<2x16x128xi32, #tpu.memory_space<vmem>> -> memref<1x1x128xi32, #tpu.memory_space<vmem>>
        %dma_wait3A_314 = tpu.memref_squeeze %dma_wait3A_313 : memref<1x1x128xi32, #tpu.memory_space<vmem>> -> memref<128xi32, #tpu.memory_space<vmem>>
        %dma_wait3A_315 = arith.constant 0 : i32
        %dma_wait3A_316 = arith.constant 0 : i32
        %dma_wait3A_317 = tpu.memref_slice %arg4[%dma_wait3A_315, %dma_wait3A_316] : memref<10000x64xf32, #tpu.memory_space<hbm>> -> memref<10000x64xf32, #tpu.memory_space<hbm>>
        tpu.wait_indirect_dma semaphore(%arg22 : memref<!tpu.dma_semaphore, #tpu.memory_space<semaphore_mem>>) src(%dma_wait3A_317 : memref<10000x64xf32, #tpu.memory_space<hbm>>) dst(%dma_wait3A_311 : memref<128x64xf32, #tpu.memory_space<vmem>>)
        %jit3A = arith.constant 16 : i32
        %div3A = arith.divsi %sub3A_182, %jit3A : i32
        %sign3A = arith.constant 0 : i32
        %sign3A_318 = arith.cmpi sgt, %sub3A_182, %sign3A : i32
        %sign3A_319 = arith.extui %sign3A_318 : i1 to i32
        %sign3A_320 = arith.constant 0 : i32
        %sign3A_321 = arith.cmpi slt, %sub3A_182, %sign3A_320 : i32
        %sign3A_322 = arith.extui %sign3A_321 : i1 to i32
        %sign3A_323 = arith.subi %sign3A_319, %sign3A_322 : i32
        %sign3A_324 = arith.constant 0 : i32
        %sign3A_325 = arith.cmpi sgt, %jit3A, %sign3A_324 : i32
        %sign3A_326 = arith.extui %sign3A_325 : i1 to i32
        %sign3A_327 = arith.constant 0 : i32
        %sign3A_328 = arith.cmpi slt, %jit3A, %sign3A_327 : i32
        %sign3A_329 = arith.extui %sign3A_328 : i1 to i32
        %sign3A_330 = arith.subi %sign3A_326, %sign3A_329 : i32
        %ne3A = arith.cmpi ne, %sign3A_323, %sign3A_330 : i32
        %rem3A = arith.remsi %sub3A_182, %jit3A : i32
        %ne3A_331 = arith.constant 0 : i32
        %ne3A_332 = arith.cmpi ne, %rem3A, %ne3A_331 : i32
        %and3A_333 = arith.andi %ne3A, %ne3A_332 : i1
        %sub3A_334 = arith.constant 1 : i32
        %sub3A_335 = arith.subi %div3A, %sub3A_334 : i32
        %select_n3A = arith.select %and3A_333, %sub3A_335, %div3A : i32
        %jit3A_336 = arith.constant 2 : i32
        %eq3A = arith.constant 0 : i32
        %eq3A_337 = arith.cmpi eq, %jit3A_336, %eq3A : i32
        %jit3A_338 = arith.constant 1 : i32
        %select_n3A_339 = arith.select %eq3A_337, %jit3A_338, %jit3A_336 : i32
        %rem3A_340 = arith.remsi %select_n3A, %select_n3A_339 : i32
        %ne3A_341 = arith.constant 0 : i32
        %ne3A_342 = arith.cmpi ne, %rem3A_340, %ne3A_341 : i32
        %lt3A_343 = arith.constant 0 : i32
        %lt3A_344 = arith.cmpi slt, %rem3A_340, %lt3A_343 : i32
        %lt3A_345 = arith.constant 0 : i32
        %lt3A_346 = arith.cmpi slt, %select_n3A_339, %lt3A_345 : i32
        %ne3A_347 = arith.xori %lt3A_344, %lt3A_346 : i1
        %and3A_348 = arith.andi %ne3A_347, %ne3A_342 : i1
        %add3A_349 = arith.addi %rem3A_340, %select_n3A_339 : i32
        %select_n3A_350 = arith.select %and3A_348, %add3A_349, %rem3A_340 : i32
        %jit3A_351 = arith.constant 16 : i32
        %eq3A_352 = arith.constant 0 : i32
        %eq3A_353 = arith.cmpi eq, %jit3A_351, %eq3A_352 : i32
        %jit3A_354 = arith.constant 1 : i32
        %select_n3A_355 = arith.select %eq3A_353, %jit3A_354, %jit3A_351 : i32
        %rem3A_356 = arith.remsi %sub3A_182, %select_n3A_355 : i32
        %ne3A_357 = arith.constant 0 : i32
        %ne3A_358 = arith.cmpi ne, %rem3A_356, %ne3A_357 : i32
        %lt3A_359 = arith.constant 0 : i32
        %lt3A_360 = arith.cmpi slt, %rem3A_356, %lt3A_359 : i32
        %lt3A_361 = arith.constant 0 : i32
        %lt3A_362 = arith.cmpi slt, %select_n3A_355, %lt3A_361 : i32
        %ne3A_363 = arith.xori %lt3A_360, %lt3A_362 : i1
        %and3A_364 = arith.andi %ne3A_363, %ne3A_358 : i1
        %add3A_365 = arith.addi %rem3A_356, %select_n3A_355 : i32
        %select_n3A_366 = arith.select %and3A_364, %add3A_365, %rem3A_356 : i32
        %dma_start3A_367 = arith.constant 5 : i32
        %dma_start3A_368 = arith.constant 0 : i32
        %dma_start3A_369 = arith.constant 0 : i32
        %dma_start3A_370 = tpu.memref_slice %arg13[%dma_start3A_367, %dma_start3A_368, %dma_start3A_369] : memref<8x128x64xf32, #tpu.memory_space<vmem>> -> memref<1x128x64xf32, #tpu.memory_space<vmem>>
        %dma_start3A_371 = tpu.memref_squeeze %dma_start3A_370 : memref<1x128x64xf32, #tpu.memory_space<vmem>> -> memref<128x64xf32, #tpu.memory_space<vmem>>
        %dma_start3A_372 = arith.constant 0 : i32
        %dma_start3A_373 = tpu.memref_slice %arg12[%select_n3A_350, %select_n3A_366, %dma_start3A_372] : memref<2x16x128xi32, #tpu.memory_space<vmem>> -> memref<1x1x128xi32, #tpu.memory_space<vmem>>
        %dma_start3A_374 = tpu.memref_squeeze %dma_start3A_373 : memref<1x1x128xi32, #tpu.memory_space<vmem>> -> memref<128xi32, #tpu.memory_space<vmem>>
        %dma_start3A_375 = arith.constant 0 : i32
        %dma_start3A_376 = arith.constant 0 : i32
        %dma_start3A_377 = tpu.memref_slice %arg15[%dma_start3A_375, %dma_start3A_376] : memref<10240x64xf32, #tpu.memory_space<vmem_shared>> -> memref<10240x64xf32, #tpu.memory_space<vmem_shared>>
        tpu.enqueue_indirect_dma source(%dma_start3A_371 : memref<128x64xf32, #tpu.memory_space<vmem>>) target(%dma_start3A_377 : memref<10240x64xf32, #tpu.memory_space<vmem_shared>>) offsets(%dma_start3A_374 : memref<128xi32, #tpu.memory_space<vmem>>) semaphore(%arg30 : memref<!tpu.dma_semaphore, #tpu.memory_space<semaphore_mem>>) {add = true}
        %lt3A_378 = arith.constant 80 : i32
        %lt3A_379 = arith.cmpi slt, %sub3A_182, %lt3A_378 : i32
        %eq3A_380 = arith.constant 0 : i32
        %eq3A_381 = arith.cmpi eq, %arg0, %eq3A_380 : i32
        %eq3A_382 = arith.xori %lt3A_379, %eq3A_381 : i1
        %eq3A_383 = arith.constant true
        %eq3A_384 = arith.xori %eq3A_382, %eq3A_383 : i1
        %convert_element_type3A_385 = arith.extui %eq3A_384 : i1 to i32
        %cond3A_386 = arith.constant 0 : i32
        %cond3A_387 = arith.cmpi ne, %convert_element_type3A_385, %cond3A_386 : i32
        scf.if %cond3A_387 {
          %dma_start3A_388 = arith.constant 0 : i32
          %dma_start3A_389 = tpu.memref_slice %arg12[%select_n3A_350, %select_n3A_366, %dma_start3A_388] : memref<2x16x128xi32, #tpu.memory_space<vmem>> -> memref<1x1x128xi32, #tpu.memory_space<vmem>>
          %dma_start3A_390 = tpu.memref_squeeze %dma_start3A_389 : memref<1x1x128xi32, #tpu.memory_space<vmem>> -> memref<128xi32, #tpu.memory_space<vmem>>
          %dma_start3A_391 = arith.constant 0 : i32
          %dma_start3A_392 = arith.constant 0 : i32
          %dma_start3A_393 = tpu.memref_slice %arg16[%dma_start3A_391, %dma_start3A_392] : memref<10240x16xf32, #tpu.memory_space<vmem_shared>> -> memref<10240x16xf32, #tpu.memory_space<vmem_shared>>
          tpu.enqueue_indirect_dma source(%arg14 : memref<128x16xf32, #tpu.memory_space<vmem>>) target(%dma_start3A_393 : memref<10240x16xf32, #tpu.memory_space<vmem_shared>>) offsets(%dma_start3A_390 : memref<128xi32, #tpu.memory_space<vmem>>) semaphore(%arg33 : memref<!tpu.dma_semaphore, #tpu.memory_space<semaphore_mem>>) {add = true}
        } else {
        }
      } else {
      }
      %mul3A_191 = arith.constant 8 : i32
      %mul3A_192 = arith.muli %scan3A_159, %mul3A_191 : i32
      %add3A_193 = arith.constant 2 : i32
      %add3A_194 = arith.addi %mul3A_192, %add3A_193 : i32
      %lt3A_195 = arith.constant 160 : i32
      %lt3A_196 = arith.cmpi slt, %add3A_194, %lt3A_195 : i32
      %convert_element_type3A_197 = arith.extui %lt3A_196 : i1 to i32
      %cond3A_198 = arith.constant 0 : i32
      %cond3A_199 = arith.cmpi ne, %convert_element_type3A_197, %cond3A_198 : i32
      scf.if %cond3A_199 {
        %jit3A = arith.constant 16 : i32
        %eq3A = arith.constant 0 : i32
        %eq3A_305 = arith.cmpi eq, %jit3A, %eq3A : i32
        %jit3A_306 = arith.constant 1 : i32
        %select_n3A = arith.select %eq3A_305, %jit3A_306, %jit3A : i32
        %rem3A = arith.remsi %add3A_194, %select_n3A : i32
        %ne3A = arith.constant 0 : i32
        %ne3A_307 = arith.cmpi ne, %rem3A, %ne3A : i32
        %lt3A_308 = arith.constant 0 : i32
        %lt3A_309 = arith.cmpi slt, %rem3A, %lt3A_308 : i32
        %lt3A_310 = arith.constant 0 : i32
        %lt3A_311 = arith.cmpi slt, %select_n3A, %lt3A_310 : i32
        %ne3A_312 = arith.xori %lt3A_309, %lt3A_311 : i1
        %and3A_313 = arith.andi %ne3A_312, %ne3A_307 : i1
        %add3A_314 = arith.addi %rem3A, %select_n3A : i32
        %select_n3A_315 = arith.select %and3A_313, %add3A_314, %rem3A : i32
        %eq3A_316 = arith.constant 0 : i32
        %eq3A_317 = arith.cmpi eq, %select_n3A_315, %eq3A_316 : i32
        %convert_element_type3A_318 = arith.extui %eq3A_317 : i1 to i32
        %cond3A_319 = arith.constant 0 : i32
        %cond3A_320 = arith.cmpi ne, %convert_element_type3A_318, %cond3A_319 : i32
        scf.if %cond3A_320 {
          %jit3A_418 = arith.constant 16 : i32
          %div3A_419 = arith.divsi %add3A_194, %jit3A_418 : i32
          %sign3A_420 = arith.constant 0 : i32
          %sign3A_421 = arith.cmpi sgt, %add3A_194, %sign3A_420 : i32
          %sign3A_422 = arith.extui %sign3A_421 : i1 to i32
          %sign3A_423 = arith.constant 0 : i32
          %sign3A_424 = arith.cmpi slt, %add3A_194, %sign3A_423 : i32
          %sign3A_425 = arith.extui %sign3A_424 : i1 to i32
          %sign3A_426 = arith.subi %sign3A_422, %sign3A_425 : i32
          %sign3A_427 = arith.constant 0 : i32
          %sign3A_428 = arith.cmpi sgt, %jit3A_418, %sign3A_427 : i32
          %sign3A_429 = arith.extui %sign3A_428 : i1 to i32
          %sign3A_430 = arith.constant 0 : i32
          %sign3A_431 = arith.cmpi slt, %jit3A_418, %sign3A_430 : i32
          %sign3A_432 = arith.extui %sign3A_431 : i1 to i32
          %sign3A_433 = arith.subi %sign3A_429, %sign3A_432 : i32
          %ne3A_434 = arith.cmpi ne, %sign3A_426, %sign3A_433 : i32
          %rem3A_435 = arith.remsi %add3A_194, %jit3A_418 : i32
          %ne3A_436 = arith.constant 0 : i32
          %ne3A_437 = arith.cmpi ne, %rem3A_435, %ne3A_436 : i32
          %and3A_438 = arith.andi %ne3A_434, %ne3A_437 : i1
          %sub3A_439 = arith.constant 1 : i32
          %sub3A_440 = arith.subi %div3A_419, %sub3A_439 : i32
          %select_n3A_441 = arith.select %and3A_438, %sub3A_440, %div3A_419 : i32
          %jit3A_442 = arith.constant 16 : i32
          %div3A_443 = arith.divsi %add3A_194, %jit3A_442 : i32
          %sign3A_444 = arith.constant 0 : i32
          %sign3A_445 = arith.cmpi sgt, %add3A_194, %sign3A_444 : i32
          %sign3A_446 = arith.extui %sign3A_445 : i1 to i32
          %sign3A_447 = arith.constant 0 : i32
          %sign3A_448 = arith.cmpi slt, %add3A_194, %sign3A_447 : i32
          %sign3A_449 = arith.extui %sign3A_448 : i1 to i32
          %sign3A_450 = arith.subi %sign3A_446, %sign3A_449 : i32
          %sign3A_451 = arith.constant 0 : i32
          %sign3A_452 = arith.cmpi sgt, %jit3A_442, %sign3A_451 : i32
          %sign3A_453 = arith.extui %sign3A_452 : i1 to i32
          %sign3A_454 = arith.constant 0 : i32
          %sign3A_455 = arith.cmpi slt, %jit3A_442, %sign3A_454 : i32
          %sign3A_456 = arith.extui %sign3A_455 : i1 to i32
          %sign3A_457 = arith.subi %sign3A_453, %sign3A_456 : i32
          %ne3A_458 = arith.cmpi ne, %sign3A_450, %sign3A_457 : i32
          %rem3A_459 = arith.remsi %add3A_194, %jit3A_442 : i32
          %ne3A_460 = arith.constant 0 : i32
          %ne3A_461 = arith.cmpi ne, %rem3A_459, %ne3A_460 : i32
          %and3A_462 = arith.andi %ne3A_458, %ne3A_461 : i1
          %sub3A_463 = arith.constant 1 : i32
          %sub3A_464 = arith.subi %div3A_443, %sub3A_463 : i32
          %select_n3A_465 = arith.select %and3A_462, %sub3A_464, %div3A_443 : i32
          %jit3A_466 = arith.constant 2 : i32
          %eq3A_467 = arith.constant 0 : i32
          %eq3A_468 = arith.cmpi eq, %jit3A_466, %eq3A_467 : i32
          %jit3A_469 = arith.constant 1 : i32
          %select_n3A_470 = arith.select %eq3A_468, %jit3A_469, %jit3A_466 : i32
          %rem3A_471 = arith.remsi %select_n3A_465, %select_n3A_470 : i32
          %ne3A_472 = arith.constant 0 : i32
          %ne3A_473 = arith.cmpi ne, %rem3A_471, %ne3A_472 : i32
          %lt3A_474 = arith.constant 0 : i32
          %lt3A_475 = arith.cmpi slt, %rem3A_471, %lt3A_474 : i32
          %lt3A_476 = arith.constant 0 : i32
          %lt3A_477 = arith.cmpi slt, %select_n3A_470, %lt3A_476 : i32
          %ne3A_478 = arith.xori %lt3A_475, %lt3A_477 : i1
          %and3A_479 = arith.andi %ne3A_478, %ne3A_473 : i1
          %add3A_480 = arith.addi %rem3A_471, %select_n3A_470 : i32
          %select_n3A_481 = arith.select %and3A_479, %add3A_480, %rem3A_471 : i32
          %dma_wait3A_482 = arith.constant 0 : i32
          %dma_wait3A_483 = arith.constant 0 : i32
          %dma_wait3A_484 = tpu.memref_slice %arg11[%select_n3A_481, %dma_wait3A_482, %dma_wait3A_483] : memref<2x16x128xi32, #tpu.memory_space<vmem>> -> memref<1x16x128xi32, #tpu.memory_space<vmem>>
          %dma_wait3A_485 = tpu.memref_squeeze %dma_wait3A_484 : memref<1x16x128xi32, #tpu.memory_space<vmem>> -> memref<16x128xi32, #tpu.memory_space<vmem>>
          %dma_wait3A_486 = arith.constant 0 : i32
          %dma_wait3A_487 = arith.constant 0 : i32
          %dma_wait3A_488 = tpu.memref_slice %arg2[%arg1, %select_n3A_441, %dma_wait3A_486, %dma_wait3A_487] : memref<16x10x16x128xi32, #tpu.memory_space<hbm>> -> memref<1x1x16x128xi32, #tpu.memory_space<hbm>>
          %dma_wait3A_489 = tpu.memref_squeeze %dma_wait3A_488 : memref<1x1x16x128xi32, #tpu.memory_space<hbm>> -> memref<16x128xi32, #tpu.memory_space<hbm>>
          %dma_wait3A_490 = arith.constant 0 : i32
          %dma_wait3A_491 = arith.constant 0 : i32
          %dma_wait3A_492 = tpu.memref_slice %arg11[%select_n3A_481, %dma_wait3A_490, %dma_wait3A_491] : memref<2x16x128xi32, #tpu.memory_space<vmem>> -> memref<1x16x128xi32, #tpu.memory_space<vmem>>
          %dma_wait3A_493 = tpu.memref_squeeze %dma_wait3A_492 : memref<1x16x128xi32, #tpu.memory_space<vmem>> -> memref<16x128xi32, #tpu.memory_space<vmem>>
          %dma_wait3A_494 = arith.constant 0 : i32
          %dma_wait3A_495 = arith.constant 0 : i32
          %dma_wait3A_496 = tpu.memref_slice %arg2[%arg1, %select_n3A_441, %dma_wait3A_494, %dma_wait3A_495] : memref<16x10x16x128xi32, #tpu.memory_space<hbm>> -> memref<1x1x16x128xi32, #tpu.memory_space<hbm>>
          %dma_wait3A_497 = tpu.memref_squeeze %dma_wait3A_496 : memref<1x1x16x128xi32, #tpu.memory_space<hbm>> -> memref<16x128xi32, #tpu.memory_space<hbm>>
          tpu.wait_dma2 semaphore(%arg34 : memref<!tpu.dma_semaphore, #tpu.memory_space<semaphore_mem>>) src(%dma_wait3A_497 : memref<16x128xi32, #tpu.memory_space<hbm>>) dst(%dma_wait3A_493 : memref<16x128xi32, #tpu.memory_space<vmem>>)
          %dma_wait3A_498 = arith.constant 0 : i32
          %dma_wait3A_499 = arith.constant 0 : i32
          %dma_wait3A_500 = tpu.memref_slice %arg12[%select_n3A_481, %dma_wait3A_498, %dma_wait3A_499] : memref<2x16x128xi32, #tpu.memory_space<vmem>> -> memref<1x16x128xi32, #tpu.memory_space<vmem>>
          %dma_wait3A_501 = tpu.memref_squeeze %dma_wait3A_500 : memref<1x16x128xi32, #tpu.memory_space<vmem>> -> memref<16x128xi32, #tpu.memory_space<vmem>>
          %dma_wait3A_502 = arith.constant 0 : i32
          %dma_wait3A_503 = arith.constant 0 : i32
          %dma_wait3A_504 = tpu.memref_slice %arg3[%arg1, %select_n3A_441, %dma_wait3A_502, %dma_wait3A_503] : memref<16x10x16x128xi32, #tpu.memory_space<hbm>> -> memref<1x1x16x128xi32, #tpu.memory_space<hbm>>
          %dma_wait3A_505 = tpu.memref_squeeze %dma_wait3A_504 : memref<1x1x16x128xi32, #tpu.memory_space<hbm>> -> memref<16x128xi32, #tpu.memory_space<hbm>>
          %dma_wait3A_506 = arith.constant 0 : i32
          %dma_wait3A_507 = arith.constant 0 : i32
          %dma_wait3A_508 = tpu.memref_slice %arg12[%select_n3A_481, %dma_wait3A_506, %dma_wait3A_507] : memref<2x16x128xi32, #tpu.memory_space<vmem>> -> memref<1x16x128xi32, #tpu.memory_space<vmem>>
          %dma_wait3A_509 = tpu.memref_squeeze %dma_wait3A_508 : memref<1x16x128xi32, #tpu.memory_space<vmem>> -> memref<16x128xi32, #tpu.memory_space<vmem>>
          %dma_wait3A_510 = arith.constant 0 : i32
          %dma_wait3A_511 = arith.constant 0 : i32
          %dma_wait3A_512 = tpu.memref_slice %arg3[%arg1, %select_n3A_441, %dma_wait3A_510, %dma_wait3A_511] : memref<16x10x16x128xi32, #tpu.memory_space<hbm>> -> memref<1x1x16x128xi32, #tpu.memory_space<hbm>>
          %dma_wait3A_513 = tpu.memref_squeeze %dma_wait3A_512 : memref<1x1x16x128xi32, #tpu.memory_space<hbm>> -> memref<16x128xi32, #tpu.memory_space<hbm>>
          tpu.wait_dma2 semaphore(%arg34 : memref<!tpu.dma_semaphore, #tpu.memory_space<semaphore_mem>>) src(%dma_wait3A_513 : memref<16x128xi32, #tpu.memory_space<hbm>>) dst(%dma_wait3A_509 : memref<16x128xi32, #tpu.memory_space<vmem>>)
        } else {
        }
        %ge3A_321 = arith.constant 8 : i32
        %ge3A_322 = arith.cmpi sge, %add3A_194, %ge3A_321 : i32
        %convert_element_type3A_323 = arith.extui %ge3A_322 : i1 to i32
        %cond3A_324 = arith.constant 0 : i32
        %cond3A_325 = arith.cmpi ne, %convert_element_type3A_323, %cond3A_324 : i32
        scf.if %cond3A_325 {
          %dma_wait3A_418 = arith.constant 2 : i32
          %dma_wait3A_419 = arith.constant 0 : i32
          %dma_wait3A_420 = arith.constant 0 : i32
          %dma_wait3A_421 = arith.constant 0 : i32
          %dma_wait3A_422 = arith.constant 0 : i32
          %dma_wait3A_423 = tpu.memref_slice %arg13[%dma_wait3A_418, %dma_wait3A_421, %dma_wait3A_422] : memref<8x128x64xf32, #tpu.memory_space<vmem>> -> memref<1x128x64xf32, #tpu.memory_space<vmem>>
          %dma_wait3A_424 = tpu.memref_squeeze %dma_wait3A_423 : memref<1x128x64xf32, #tpu.memory_space<vmem>> -> memref<128x64xf32, #tpu.memory_space<vmem>>
          %dma_wait3A_425 = arith.constant 0 : i32
          %dma_wait3A_426 = tpu.memref_slice %arg12[%dma_wait3A_419, %dma_wait3A_420, %dma_wait3A_425] : memref<2x16x128xi32, #tpu.memory_space<vmem>> -> memref<1x1x128xi32, #tpu.memory_space<vmem>>
          %dma_wait3A_427 = tpu.memref_squeeze %dma_wait3A_426 : memref<1x1x128xi32, #tpu.memory_space<vmem>> -> memref<128xi32, #tpu.memory_space<vmem>>
          %dma_wait3A_428 = arith.constant 0 : i32
          %dma_wait3A_429 = arith.constant 0 : i32
          %dma_wait3A_430 = tpu.memref_slice %arg15[%dma_wait3A_428, %dma_wait3A_429] : memref<10240x64xf32, #tpu.memory_space<vmem_shared>> -> memref<10240x64xf32, #tpu.memory_space<vmem_shared>>
          tpu.wait_indirect_dma semaphore(%arg27 : memref<!tpu.dma_semaphore, #tpu.memory_space<semaphore_mem>>) src(%dma_wait3A_424 : memref<128x64xf32, #tpu.memory_space<vmem>>) dst(%dma_wait3A_430 : memref<10240x64xf32, #tpu.memory_space<vmem_shared>>)
        } else {
        }
        %jit3A_326 = arith.constant 16 : i32
        %div3A = arith.divsi %add3A_194, %jit3A_326 : i32
        %sign3A = arith.constant 0 : i32
        %sign3A_327 = arith.cmpi sgt, %add3A_194, %sign3A : i32
        %sign3A_328 = arith.extui %sign3A_327 : i1 to i32
        %sign3A_329 = arith.constant 0 : i32
        %sign3A_330 = arith.cmpi slt, %add3A_194, %sign3A_329 : i32
        %sign3A_331 = arith.extui %sign3A_330 : i1 to i32
        %sign3A_332 = arith.subi %sign3A_328, %sign3A_331 : i32
        %sign3A_333 = arith.constant 0 : i32
        %sign3A_334 = arith.cmpi sgt, %jit3A_326, %sign3A_333 : i32
        %sign3A_335 = arith.extui %sign3A_334 : i1 to i32
        %sign3A_336 = arith.constant 0 : i32
        %sign3A_337 = arith.cmpi slt, %jit3A_326, %sign3A_336 : i32
        %sign3A_338 = arith.extui %sign3A_337 : i1 to i32
        %sign3A_339 = arith.subi %sign3A_335, %sign3A_338 : i32
        %ne3A_340 = arith.cmpi ne, %sign3A_332, %sign3A_339 : i32
        %rem3A_341 = arith.remsi %add3A_194, %jit3A_326 : i32
        %ne3A_342 = arith.constant 0 : i32
        %ne3A_343 = arith.cmpi ne, %rem3A_341, %ne3A_342 : i32
        %and3A_344 = arith.andi %ne3A_340, %ne3A_343 : i1
        %sub3A_345 = arith.constant 1 : i32
        %sub3A_346 = arith.subi %div3A, %sub3A_345 : i32
        %select_n3A_347 = arith.select %and3A_344, %sub3A_346, %div3A : i32
        %jit3A_348 = arith.constant 2 : i32
        %eq3A_349 = arith.constant 0 : i32
        %eq3A_350 = arith.cmpi eq, %jit3A_348, %eq3A_349 : i32
        %jit3A_351 = arith.constant 1 : i32
        %select_n3A_352 = arith.select %eq3A_350, %jit3A_351, %jit3A_348 : i32
        %rem3A_353 = arith.remsi %select_n3A_347, %select_n3A_352 : i32
        %ne3A_354 = arith.constant 0 : i32
        %ne3A_355 = arith.cmpi ne, %rem3A_353, %ne3A_354 : i32
        %lt3A_356 = arith.constant 0 : i32
        %lt3A_357 = arith.cmpi slt, %rem3A_353, %lt3A_356 : i32
        %lt3A_358 = arith.constant 0 : i32
        %lt3A_359 = arith.cmpi slt, %select_n3A_352, %lt3A_358 : i32
        %ne3A_360 = arith.xori %lt3A_357, %lt3A_359 : i1
        %and3A_361 = arith.andi %ne3A_360, %ne3A_355 : i1
        %add3A_362 = arith.addi %rem3A_353, %select_n3A_352 : i32
        %select_n3A_363 = arith.select %and3A_361, %add3A_362, %rem3A_353 : i32
        %jit3A_364 = arith.constant 16 : i32
        %eq3A_365 = arith.constant 0 : i32
        %eq3A_366 = arith.cmpi eq, %jit3A_364, %eq3A_365 : i32
        %jit3A_367 = arith.constant 1 : i32
        %select_n3A_368 = arith.select %eq3A_366, %jit3A_367, %jit3A_364 : i32
        %rem3A_369 = arith.remsi %add3A_194, %select_n3A_368 : i32
        %ne3A_370 = arith.constant 0 : i32
        %ne3A_371 = arith.cmpi ne, %rem3A_369, %ne3A_370 : i32
        %lt3A_372 = arith.constant 0 : i32
        %lt3A_373 = arith.cmpi slt, %rem3A_369, %lt3A_372 : i32
        %lt3A_374 = arith.constant 0 : i32
        %lt3A_375 = arith.cmpi slt, %select_n3A_368, %lt3A_374 : i32
        %ne3A_376 = arith.xori %lt3A_373, %lt3A_375 : i1
        %and3A_377 = arith.andi %ne3A_376, %ne3A_371 : i1
        %add3A_378 = arith.addi %rem3A_369, %select_n3A_368 : i32
        %select_n3A_379 = arith.select %and3A_377, %add3A_378, %rem3A_369 : i32
        %eq3A_380 = arith.constant 0 : i32
        %eq3A_381 = arith.cmpi eq, %arg0, %eq3A_380 : i32
        %convert_element_type3A_382 = arith.extui %eq3A_381 : i1 to i32
        %cond3A_383 = arith.constant 0 : i32
        %cond3A_384 = arith.cmpi ne, %convert_element_type3A_382, %cond3A_383 : i32
        scf.if %cond3A_384 {
          %dma_start3A_418 = arith.constant 2 : i32
          %dma_start3A_419 = arith.constant 0 : i32
          %dma_start3A_420 = arith.constant 0 : i32
          %dma_start3A_421 = tpu.memref_slice %arg13[%dma_start3A_418, %dma_start3A_419, %dma_start3A_420] : memref<8x128x64xf32, #tpu.memory_space<vmem>> -> memref<1x128x64xf32, #tpu.memory_space<vmem>>
          %dma_start3A_422 = tpu.memref_squeeze %dma_start3A_421 : memref<1x128x64xf32, #tpu.memory_space<vmem>> -> memref<128x64xf32, #tpu.memory_space<vmem>>
          %dma_start3A_423 = arith.constant 0 : i32
          %dma_start3A_424 = tpu.memref_slice %arg11[%select_n3A_363, %select_n3A_379, %dma_start3A_423] : memref<2x16x128xi32, #tpu.memory_space<vmem>> -> memref<1x1x128xi32, #tpu.memory_space<vmem>>
          %dma_start3A_425 = tpu.memref_squeeze %dma_start3A_424 : memref<1x1x128xi32, #tpu.memory_space<vmem>> -> memref<128xi32, #tpu.memory_space<vmem>>
          %dma_start3A_426 = arith.constant 0 : i32
          %dma_start3A_427 = arith.constant 0 : i32
          %dma_start3A_428 = tpu.memref_slice %arg4[%dma_start3A_426, %dma_start3A_427] : memref<10000x64xf32, #tpu.memory_space<hbm>> -> memref<10000x64xf32, #tpu.memory_space<hbm>>
          tpu.enqueue_indirect_dma source(%dma_start3A_428 : memref<10000x64xf32, #tpu.memory_space<hbm>>) target(%dma_start3A_422 : memref<128x64xf32, #tpu.memory_space<vmem>>) offsets(%dma_start3A_425 : memref<128xi32, #tpu.memory_space<vmem>>) semaphore(%arg19 : memref<!tpu.dma_semaphore, #tpu.memory_space<semaphore_mem>>)
        } else {
        }
        %eq3A_385 = arith.constant 1 : i32
        %eq3A_386 = arith.cmpi eq, %arg0, %eq3A_385 : i32
        %convert_element_type3A_387 = arith.extui %eq3A_386 : i1 to i32
        %cond3A_388 = arith.constant 0 : i32
        %cond3A_389 = arith.cmpi ne, %convert_element_type3A_387, %cond3A_388 : i32
        scf.if %cond3A_389 {
          %dma_start3A_418 = arith.constant 2 : i32
          %dma_start3A_419 = arith.constant 0 : i32
          %dma_start3A_420 = arith.constant 0 : i32
          %dma_start3A_421 = tpu.memref_slice %arg13[%dma_start3A_418, %dma_start3A_419, %dma_start3A_420] : memref<8x128x64xf32, #tpu.memory_space<vmem>> -> memref<1x128x64xf32, #tpu.memory_space<vmem>>
          %dma_start3A_422 = tpu.memref_squeeze %dma_start3A_421 : memref<1x128x64xf32, #tpu.memory_space<vmem>> -> memref<128x64xf32, #tpu.memory_space<vmem>>
          %dma_start3A_423 = arith.constant 0 : i32
          %dma_start3A_424 = tpu.memref_slice %arg11[%select_n3A_363, %select_n3A_379, %dma_start3A_423] : memref<2x16x128xi32, #tpu.memory_space<vmem>> -> memref<1x1x128xi32, #tpu.memory_space<vmem>>
          %dma_start3A_425 = tpu.memref_squeeze %dma_start3A_424 : memref<1x1x128xi32, #tpu.memory_space<vmem>> -> memref<128xi32, #tpu.memory_space<vmem>>
          %dma_start3A_426 = arith.constant 0 : i32
          %dma_start3A_427 = arith.constant 0 : i32
          %dma_start3A_428 = tpu.memref_slice %arg5[%dma_start3A_426, %dma_start3A_427] : memref<10000x64xf32, #tpu.memory_space<hbm>> -> memref<10000x64xf32, #tpu.memory_space<hbm>>
          tpu.enqueue_indirect_dma source(%dma_start3A_428 : memref<10000x64xf32, #tpu.memory_space<hbm>>) target(%dma_start3A_422 : memref<128x64xf32, #tpu.memory_space<vmem>>) offsets(%dma_start3A_425 : memref<128xi32, #tpu.memory_space<vmem>>) semaphore(%arg19 : memref<!tpu.dma_semaphore, #tpu.memory_space<semaphore_mem>>)
        } else {
        }
        %jit3A_390 = arith.constant 16 : i32
        %eq3A_391 = arith.constant 0 : i32
        %eq3A_392 = arith.cmpi eq, %jit3A_390, %eq3A_391 : i32
        %jit3A_393 = arith.constant 1 : i32
        %select_n3A_394 = arith.select %eq3A_392, %jit3A_393, %jit3A_390 : i32
        %rem3A_395 = arith.remsi %add3A_194, %select_n3A_394 : i32
        %ne3A_396 = arith.constant 0 : i32
        %ne3A_397 = arith.cmpi ne, %rem3A_395, %ne3A_396 : i32
        %lt3A_398 = arith.constant 0 : i32
        %lt3A_399 = arith.cmpi slt, %rem3A_395, %lt3A_398 : i32
        %lt3A_400 = arith.constant 0 : i32
        %lt3A_401 = arith.cmpi slt, %select_n3A_394, %lt3A_400 : i32
        %ne3A_402 = arith.xori %lt3A_399, %lt3A_401 : i1
        %and3A_403 = arith.andi %ne3A_402, %ne3A_397 : i1
        %add3A_404 = arith.addi %rem3A_395, %select_n3A_394 : i32
        %select_n3A_405 = arith.select %and3A_403, %add3A_404, %rem3A_395 : i32
        %eq3A_406 = arith.constant 8 : i32
        %eq3A_407 = arith.cmpi eq, %select_n3A_405, %eq3A_406 : i32
        %add3A_408 = arith.constant 16 : i32
        %add3A_409 = arith.addi %add3A_194, %add3A_408 : i32
        %sub3A_410 = arith.constant 8 : i32
        %sub3A_411 = arith.subi %add3A_409, %sub3A_410 : i32
        %lt3A_412 = arith.constant 160 : i32
        %lt3A_413 = arith.cmpi slt, %sub3A_411, %lt3A_412 : i32
        %and3A_414 = arith.andi %eq3A_407, %lt3A_413 : i1
        %convert_element_type3A_415 = arith.extui %and3A_414 : i1 to i32
        %cond3A_416 = arith.constant 0 : i32
        %cond3A_417 = arith.cmpi ne, %convert_element_type3A_415, %cond3A_416 : i32
        scf.if %cond3A_417 {
          %jit3A_418 = arith.constant 16 : i32
          %div3A_419 = arith.divsi %add3A_194, %jit3A_418 : i32
          %sign3A_420 = arith.constant 0 : i32
          %sign3A_421 = arith.cmpi sgt, %add3A_194, %sign3A_420 : i32
          %sign3A_422 = arith.extui %sign3A_421 : i1 to i32
          %sign3A_423 = arith.constant 0 : i32
          %sign3A_424 = arith.cmpi slt, %add3A_194, %sign3A_423 : i32
          %sign3A_425 = arith.extui %sign3A_424 : i1 to i32
          %sign3A_426 = arith.subi %sign3A_422, %sign3A_425 : i32
          %sign3A_427 = arith.constant 0 : i32
          %sign3A_428 = arith.cmpi sgt, %jit3A_418, %sign3A_427 : i32
          %sign3A_429 = arith.extui %sign3A_428 : i1 to i32
          %sign3A_430 = arith.constant 0 : i32
          %sign3A_431 = arith.cmpi slt, %jit3A_418, %sign3A_430 : i32
          %sign3A_432 = arith.extui %sign3A_431 : i1 to i32
          %sign3A_433 = arith.subi %sign3A_429, %sign3A_432 : i32
          %ne3A_434 = arith.cmpi ne, %sign3A_426, %sign3A_433 : i32
          %rem3A_435 = arith.remsi %add3A_194, %jit3A_418 : i32
          %ne3A_436 = arith.constant 0 : i32
          %ne3A_437 = arith.cmpi ne, %rem3A_435, %ne3A_436 : i32
          %and3A_438 = arith.andi %ne3A_434, %ne3A_437 : i1
          %sub3A_439 = arith.constant 1 : i32
          %sub3A_440 = arith.subi %div3A_419, %sub3A_439 : i32
          %select_n3A_441 = arith.select %and3A_438, %sub3A_440, %div3A_419 : i32
          %add3A_442 = arith.constant 1 : i32
          %add3A_443 = arith.addi %select_n3A_441, %add3A_442 : i32
          %jit3A_444 = arith.constant 16 : i32
          %div3A_445 = arith.divsi %add3A_194, %jit3A_444 : i32
          %sign3A_446 = arith.constant 0 : i32
          %sign3A_447 = arith.cmpi sgt, %add3A_194, %sign3A_446 : i32
          %sign3A_448 = arith.extui %sign3A_447 : i1 to i32
          %sign3A_449 = arith.constant 0 : i32
          %sign3A_450 = arith.cmpi slt, %add3A_194, %sign3A_449 : i32
          %sign3A_451 = arith.extui %sign3A_450 : i1 to i32
          %sign3A_452 = arith.subi %sign3A_448, %sign3A_451 : i32
          %sign3A_453 = arith.constant 0 : i32
          %sign3A_454 = arith.cmpi sgt, %jit3A_444, %sign3A_453 : i32
          %sign3A_455 = arith.extui %sign3A_454 : i1 to i32
          %sign3A_456 = arith.constant 0 : i32
          %sign3A_457 = arith.cmpi slt, %jit3A_444, %sign3A_456 : i32
          %sign3A_458 = arith.extui %sign3A_457 : i1 to i32
          %sign3A_459 = arith.subi %sign3A_455, %sign3A_458 : i32
          %ne3A_460 = arith.cmpi ne, %sign3A_452, %sign3A_459 : i32
          %rem3A_461 = arith.remsi %add3A_194, %jit3A_444 : i32
          %ne3A_462 = arith.constant 0 : i32
          %ne3A_463 = arith.cmpi ne, %rem3A_461, %ne3A_462 : i32
          %and3A_464 = arith.andi %ne3A_460, %ne3A_463 : i1
          %sub3A_465 = arith.constant 1 : i32
          %sub3A_466 = arith.subi %div3A_445, %sub3A_465 : i32
          %select_n3A_467 = arith.select %and3A_464, %sub3A_466, %div3A_445 : i32
          %add3A_468 = arith.constant 1 : i32
          %add3A_469 = arith.addi %select_n3A_467, %add3A_468 : i32
          %jit3A_470 = arith.constant 2 : i32
          %eq3A_471 = arith.constant 0 : i32
          %eq3A_472 = arith.cmpi eq, %jit3A_470, %eq3A_471 : i32
          %jit3A_473 = arith.constant 1 : i32
          %select_n3A_474 = arith.select %eq3A_472, %jit3A_473, %jit3A_470 : i32
          %rem3A_475 = arith.remsi %add3A_469, %select_n3A_474 : i32
          %ne3A_476 = arith.constant 0 : i32
          %ne3A_477 = arith.cmpi ne, %rem3A_475, %ne3A_476 : i32
          %lt3A_478 = arith.constant 0 : i32
          %lt3A_479 = arith.cmpi slt, %rem3A_475, %lt3A_478 : i32
          %lt3A_480 = arith.constant 0 : i32
          %lt3A_481 = arith.cmpi slt, %select_n3A_474, %lt3A_480 : i32
          %ne3A_482 = arith.xori %lt3A_479, %lt3A_481 : i1
          %and3A_483 = arith.andi %ne3A_482, %ne3A_477 : i1
          %add3A_484 = arith.addi %rem3A_475, %select_n3A_474 : i32
          %select_n3A_485 = arith.select %and3A_483, %add3A_484, %rem3A_475 : i32
          %dma_start3A_486 = arith.constant 0 : i32
          %dma_start3A_487 = arith.constant 0 : i32
          %dma_start3A_488 = tpu.memref_slice %arg11[%select_n3A_485, %dma_start3A_486, %dma_start3A_487] : memref<2x16x128xi32, #tpu.memory_space<vmem>> -> memref<1x16x128xi32, #tpu.memory_space<vmem>>
          %dma_start3A_489 = tpu.memref_squeeze %dma_start3A_488 : memref<1x16x128xi32, #tpu.memory_space<vmem>> -> memref<16x128xi32, #tpu.memory_space<vmem>>
          %dma_start3A_490 = arith.constant 0 : i32
          %dma_start3A_491 = arith.constant 0 : i32
          %dma_start3A_492 = tpu.memref_slice %arg2[%arg1, %add3A_443, %dma_start3A_490, %dma_start3A_491] : memref<16x10x16x128xi32, #tpu.memory_space<hbm>> -> memref<1x1x16x128xi32, #tpu.memory_space<hbm>>
          %dma_start3A_493 = tpu.memref_squeeze %dma_start3A_492 : memref<1x1x16x128xi32, #tpu.memory_space<hbm>> -> memref<16x128xi32, #tpu.memory_space<hbm>>
          %dma_start3A_494 = arith.constant 0 : i32
          %dma_start3A_495 = arith.constant 0 : i32
          %dma_start3A_496 = tpu.memref_slice %arg11[%select_n3A_485, %dma_start3A_494, %dma_start3A_495] : memref<2x16x128xi32, #tpu.memory_space<vmem>> -> memref<1x16x128xi32, #tpu.memory_space<vmem>>
          %dma_start3A_497 = tpu.memref_squeeze %dma_start3A_496 : memref<1x16x128xi32, #tpu.memory_space<vmem>> -> memref<16x128xi32, #tpu.memory_space<vmem>>
          %dma_start3A_498 = arith.constant 0 : i32
          %dma_start3A_499 = arith.constant 0 : i32
          %dma_start3A_500 = tpu.memref_slice %arg2[%arg1, %add3A_443, %dma_start3A_498, %dma_start3A_499] : memref<16x10x16x128xi32, #tpu.memory_space<hbm>> -> memref<1x1x16x128xi32, #tpu.memory_space<hbm>>
          %dma_start3A_501 = tpu.memref_squeeze %dma_start3A_500 : memref<1x1x16x128xi32, #tpu.memory_space<hbm>> -> memref<16x128xi32, #tpu.memory_space<hbm>>
          tpu.enqueue_dma source(%dma_start3A_501 : memref<16x128xi32, #tpu.memory_space<hbm>>) target(%dma_start3A_497 : memref<16x128xi32, #tpu.memory_space<vmem>>) target_semaphore(%arg34 : memref<!tpu.dma_semaphore, #tpu.memory_space<semaphore_mem>>)
          %dma_start3A_502 = arith.constant 0 : i32
          %dma_start3A_503 = arith.constant 0 : i32
          %dma_start3A_504 = tpu.memref_slice %arg12[%select_n3A_485, %dma_start3A_502, %dma_start3A_503] : memref<2x16x128xi32, #tpu.memory_space<vmem>> -> memref<1x16x128xi32, #tpu.memory_space<vmem>>
          %dma_start3A_505 = tpu.memref_squeeze %dma_start3A_504 : memref<1x16x128xi32, #tpu.memory_space<vmem>> -> memref<16x128xi32, #tpu.memory_space<vmem>>
          %dma_start3A_506 = arith.constant 0 : i32
          %dma_start3A_507 = arith.constant 0 : i32
          %dma_start3A_508 = tpu.memref_slice %arg3[%arg1, %add3A_443, %dma_start3A_506, %dma_start3A_507] : memref<16x10x16x128xi32, #tpu.memory_space<hbm>> -> memref<1x1x16x128xi32, #tpu.memory_space<hbm>>
          %dma_start3A_509 = tpu.memref_squeeze %dma_start3A_508 : memref<1x1x16x128xi32, #tpu.memory_space<hbm>> -> memref<16x128xi32, #tpu.memory_space<hbm>>
          %dma_start3A_510 = arith.constant 0 : i32
          %dma_start3A_511 = arith.constant 0 : i32
          %dma_start3A_512 = tpu.memref_slice %arg12[%select_n3A_485, %dma_start3A_510, %dma_start3A_511] : memref<2x16x128xi32, #tpu.memory_space<vmem>> -> memref<1x16x128xi32, #tpu.memory_space<vmem>>
          %dma_start3A_513 = tpu.memref_squeeze %dma_start3A_512 : memref<1x16x128xi32, #tpu.memory_space<vmem>> -> memref<16x128xi32, #tpu.memory_space<vmem>>
          %dma_start3A_514 = arith.constant 0 : i32
          %dma_start3A_515 = arith.constant 0 : i32
          %dma_start3A_516 = tpu.memref_slice %arg3[%arg1, %add3A_443, %dma_start3A_514, %dma_start3A_515] : memref<16x10x16x128xi32, #tpu.memory_space<hbm>> -> memref<1x1x16x128xi32, #tpu.memory_space<hbm>>
          %dma_start3A_517 = tpu.memref_squeeze %dma_start3A_516 : memref<1x1x16x128xi32, #tpu.memory_space<hbm>> -> memref<16x128xi32, #tpu.memory_space<hbm>>
          tpu.enqueue_dma source(%dma_start3A_517 : memref<16x128xi32, #tpu.memory_space<hbm>>) target(%dma_start3A_513 : memref<16x128xi32, #tpu.memory_space<vmem>>) target_semaphore(%arg34 : memref<!tpu.dma_semaphore, #tpu.memory_space<semaphore_mem>>)
        } else {
        }
      } else {
      }
      %sub3A_200 = arith.constant 4 : i32
      %sub3A_201 = arith.subi %add3A_194, %sub3A_200 : i32
      %ge3A_202 = arith.constant 0 : i32
      %ge3A_203 = arith.cmpi sge, %sub3A_201, %ge3A_202 : i32
      %lt3A_204 = arith.constant 160 : i32
      %lt3A_205 = arith.cmpi slt, %sub3A_201, %lt3A_204 : i32
      %and3A_206 = arith.andi %ge3A_203, %lt3A_205 : i1
      %convert_element_type3A_207 = arith.extui %and3A_206 : i1 to i32
      %cond3A_208 = arith.constant 0 : i32
      %cond3A_209 = arith.cmpi ne, %convert_element_type3A_207, %cond3A_208 : i32
      scf.if %cond3A_209 {
        %dma_wait3A_305 = arith.constant 0 : i32
        %dma_wait3A_306 = arith.constant 0 : i32
        %dma_wait3A_307 = arith.constant 6 : i32
        %dma_wait3A_308 = arith.constant 0 : i32
        %dma_wait3A_309 = arith.constant 0 : i32
        %dma_wait3A_310 = tpu.memref_slice %arg13[%dma_wait3A_307, %dma_wait3A_308, %dma_wait3A_309] : memref<8x128x64xf32, #tpu.memory_space<vmem>> -> memref<1x128x64xf32, #tpu.memory_space<vmem>>
        %dma_wait3A_311 = tpu.memref_squeeze %dma_wait3A_310 : memref<1x128x64xf32, #tpu.memory_space<vmem>> -> memref<128x64xf32, #tpu.memory_space<vmem>>
        %dma_wait3A_312 = arith.constant 0 : i32
        %dma_wait3A_313 = tpu.memref_slice %arg11[%dma_wait3A_305, %dma_wait3A_306, %dma_wait3A_312] : memref<2x16x128xi32, #tpu.memory_space<vmem>> -> memref<1x1x128xi32, #tpu.memory_space<vmem>>
        %dma_wait3A_314 = tpu.memref_squeeze %dma_wait3A_313 : memref<1x1x128xi32, #tpu.memory_space<vmem>> -> memref<128xi32, #tpu.memory_space<vmem>>
        %dma_wait3A_315 = arith.constant 0 : i32
        %dma_wait3A_316 = arith.constant 0 : i32
        %dma_wait3A_317 = tpu.memref_slice %arg4[%dma_wait3A_315, %dma_wait3A_316] : memref<10000x64xf32, #tpu.memory_space<hbm>> -> memref<10000x64xf32, #tpu.memory_space<hbm>>
        tpu.wait_indirect_dma semaphore(%arg23 : memref<!tpu.dma_semaphore, #tpu.memory_space<semaphore_mem>>) src(%dma_wait3A_317 : memref<10000x64xf32, #tpu.memory_space<hbm>>) dst(%dma_wait3A_311 : memref<128x64xf32, #tpu.memory_space<vmem>>)
        %jit3A = arith.constant 16 : i32
        %div3A = arith.divsi %sub3A_201, %jit3A : i32
        %sign3A = arith.constant 0 : i32
        %sign3A_318 = arith.cmpi sgt, %sub3A_201, %sign3A : i32
        %sign3A_319 = arith.extui %sign3A_318 : i1 to i32
        %sign3A_320 = arith.constant 0 : i32
        %sign3A_321 = arith.cmpi slt, %sub3A_201, %sign3A_320 : i32
        %sign3A_322 = arith.extui %sign3A_321 : i1 to i32
        %sign3A_323 = arith.subi %sign3A_319, %sign3A_322 : i32
        %sign3A_324 = arith.constant 0 : i32
        %sign3A_325 = arith.cmpi sgt, %jit3A, %sign3A_324 : i32
        %sign3A_326 = arith.extui %sign3A_325 : i1 to i32
        %sign3A_327 = arith.constant 0 : i32
        %sign3A_328 = arith.cmpi slt, %jit3A, %sign3A_327 : i32
        %sign3A_329 = arith.extui %sign3A_328 : i1 to i32
        %sign3A_330 = arith.subi %sign3A_326, %sign3A_329 : i32
        %ne3A = arith.cmpi ne, %sign3A_323, %sign3A_330 : i32
        %rem3A = arith.remsi %sub3A_201, %jit3A : i32
        %ne3A_331 = arith.constant 0 : i32
        %ne3A_332 = arith.cmpi ne, %rem3A, %ne3A_331 : i32
        %and3A_333 = arith.andi %ne3A, %ne3A_332 : i1
        %sub3A_334 = arith.constant 1 : i32
        %sub3A_335 = arith.subi %div3A, %sub3A_334 : i32
        %select_n3A = arith.select %and3A_333, %sub3A_335, %div3A : i32
        %jit3A_336 = arith.constant 2 : i32
        %eq3A = arith.constant 0 : i32
        %eq3A_337 = arith.cmpi eq, %jit3A_336, %eq3A : i32
        %jit3A_338 = arith.constant 1 : i32
        %select_n3A_339 = arith.select %eq3A_337, %jit3A_338, %jit3A_336 : i32
        %rem3A_340 = arith.remsi %select_n3A, %select_n3A_339 : i32
        %ne3A_341 = arith.constant 0 : i32
        %ne3A_342 = arith.cmpi ne, %rem3A_340, %ne3A_341 : i32
        %lt3A_343 = arith.constant 0 : i32
        %lt3A_344 = arith.cmpi slt, %rem3A_340, %lt3A_343 : i32
        %lt3A_345 = arith.constant 0 : i32
        %lt3A_346 = arith.cmpi slt, %select_n3A_339, %lt3A_345 : i32
        %ne3A_347 = arith.xori %lt3A_344, %lt3A_346 : i1
        %and3A_348 = arith.andi %ne3A_347, %ne3A_342 : i1
        %add3A_349 = arith.addi %rem3A_340, %select_n3A_339 : i32
        %select_n3A_350 = arith.select %and3A_348, %add3A_349, %rem3A_340 : i32
        %jit3A_351 = arith.constant 16 : i32
        %eq3A_352 = arith.constant 0 : i32
        %eq3A_353 = arith.cmpi eq, %jit3A_351, %eq3A_352 : i32
        %jit3A_354 = arith.constant 1 : i32
        %select_n3A_355 = arith.select %eq3A_353, %jit3A_354, %jit3A_351 : i32
        %rem3A_356 = arith.remsi %sub3A_201, %select_n3A_355 : i32
        %ne3A_357 = arith.constant 0 : i32
        %ne3A_358 = arith.cmpi ne, %rem3A_356, %ne3A_357 : i32
        %lt3A_359 = arith.constant 0 : i32
        %lt3A_360 = arith.cmpi slt, %rem3A_356, %lt3A_359 : i32
        %lt3A_361 = arith.constant 0 : i32
        %lt3A_362 = arith.cmpi slt, %select_n3A_355, %lt3A_361 : i32
        %ne3A_363 = arith.xori %lt3A_360, %lt3A_362 : i1
        %and3A_364 = arith.andi %ne3A_363, %ne3A_358 : i1
        %add3A_365 = arith.addi %rem3A_356, %select_n3A_355 : i32
        %select_n3A_366 = arith.select %and3A_364, %add3A_365, %rem3A_356 : i32
        %dma_start3A_367 = arith.constant 6 : i32
        %dma_start3A_368 = arith.constant 0 : i32
        %dma_start3A_369 = arith.constant 0 : i32
        %dma_start3A_370 = tpu.memref_slice %arg13[%dma_start3A_367, %dma_start3A_368, %dma_start3A_369] : memref<8x128x64xf32, #tpu.memory_space<vmem>> -> memref<1x128x64xf32, #tpu.memory_space<vmem>>
        %dma_start3A_371 = tpu.memref_squeeze %dma_start3A_370 : memref<1x128x64xf32, #tpu.memory_space<vmem>> -> memref<128x64xf32, #tpu.memory_space<vmem>>
        %dma_start3A_372 = arith.constant 0 : i32
        %dma_start3A_373 = tpu.memref_slice %arg12[%select_n3A_350, %select_n3A_366, %dma_start3A_372] : memref<2x16x128xi32, #tpu.memory_space<vmem>> -> memref<1x1x128xi32, #tpu.memory_space<vmem>>
        %dma_start3A_374 = tpu.memref_squeeze %dma_start3A_373 : memref<1x1x128xi32, #tpu.memory_space<vmem>> -> memref<128xi32, #tpu.memory_space<vmem>>
        %dma_start3A_375 = arith.constant 0 : i32
        %dma_start3A_376 = arith.constant 0 : i32
        %dma_start3A_377 = tpu.memref_slice %arg15[%dma_start3A_375, %dma_start3A_376] : memref<10240x64xf32, #tpu.memory_space<vmem_shared>> -> memref<10240x64xf32, #tpu.memory_space<vmem_shared>>
        tpu.enqueue_indirect_dma source(%dma_start3A_371 : memref<128x64xf32, #tpu.memory_space<vmem>>) target(%dma_start3A_377 : memref<10240x64xf32, #tpu.memory_space<vmem_shared>>) offsets(%dma_start3A_374 : memref<128xi32, #tpu.memory_space<vmem>>) semaphore(%arg31 : memref<!tpu.dma_semaphore, #tpu.memory_space<semaphore_mem>>) {add = true}
        %lt3A_378 = arith.constant 80 : i32
        %lt3A_379 = arith.cmpi slt, %sub3A_201, %lt3A_378 : i32
        %eq3A_380 = arith.constant 0 : i32
        %eq3A_381 = arith.cmpi eq, %arg0, %eq3A_380 : i32
        %eq3A_382 = arith.xori %lt3A_379, %eq3A_381 : i1
        %eq3A_383 = arith.constant true
        %eq3A_384 = arith.xori %eq3A_382, %eq3A_383 : i1
        %convert_element_type3A_385 = arith.extui %eq3A_384 : i1 to i32
        %cond3A_386 = arith.constant 0 : i32
        %cond3A_387 = arith.cmpi ne, %convert_element_type3A_385, %cond3A_386 : i32
        scf.if %cond3A_387 {
          %dma_start3A_388 = arith.constant 0 : i32
          %dma_start3A_389 = tpu.memref_slice %arg12[%select_n3A_350, %select_n3A_366, %dma_start3A_388] : memref<2x16x128xi32, #tpu.memory_space<vmem>> -> memref<1x1x128xi32, #tpu.memory_space<vmem>>
          %dma_start3A_390 = tpu.memref_squeeze %dma_start3A_389 : memref<1x1x128xi32, #tpu.memory_space<vmem>> -> memref<128xi32, #tpu.memory_space<vmem>>
          %dma_start3A_391 = arith.constant 0 : i32
          %dma_start3A_392 = arith.constant 0 : i32
          %dma_start3A_393 = tpu.memref_slice %arg16[%dma_start3A_391, %dma_start3A_392] : memref<10240x16xf32, #tpu.memory_space<vmem_shared>> -> memref<10240x16xf32, #tpu.memory_space<vmem_shared>>
          tpu.enqueue_indirect_dma source(%arg14 : memref<128x16xf32, #tpu.memory_space<vmem>>) target(%dma_start3A_393 : memref<10240x16xf32, #tpu.memory_space<vmem_shared>>) offsets(%dma_start3A_390 : memref<128xi32, #tpu.memory_space<vmem>>) semaphore(%arg33 : memref<!tpu.dma_semaphore, #tpu.memory_space<semaphore_mem>>) {add = true}
        } else {
        }
      } else {
      }
      %mul3A_210 = arith.constant 8 : i32
      %mul3A_211 = arith.muli %scan3A_159, %mul3A_210 : i32
      %add3A_212 = arith.constant 3 : i32
      %add3A_213 = arith.addi %mul3A_211, %add3A_212 : i32
      %lt3A_214 = arith.constant 160 : i32
      %lt3A_215 = arith.cmpi slt, %add3A_213, %lt3A_214 : i32
      %convert_element_type3A_216 = arith.extui %lt3A_215 : i1 to i32
      %cond3A_217 = arith.constant 0 : i32
      %cond3A_218 = arith.cmpi ne, %convert_element_type3A_216, %cond3A_217 : i32
      scf.if %cond3A_218 {
        %jit3A = arith.constant 16 : i32
        %eq3A = arith.constant 0 : i32
        %eq3A_305 = arith.cmpi eq, %jit3A, %eq3A : i32
        %jit3A_306 = arith.constant 1 : i32
        %select_n3A = arith.select %eq3A_305, %jit3A_306, %jit3A : i32
        %rem3A = arith.remsi %add3A_213, %select_n3A : i32
        %ne3A = arith.constant 0 : i32
        %ne3A_307 = arith.cmpi ne, %rem3A, %ne3A : i32
        %lt3A_308 = arith.constant 0 : i32
        %lt3A_309 = arith.cmpi slt, %rem3A, %lt3A_308 : i32
        %lt3A_310 = arith.constant 0 : i32
        %lt3A_311 = arith.cmpi slt, %select_n3A, %lt3A_310 : i32
        %ne3A_312 = arith.xori %lt3A_309, %lt3A_311 : i1
        %and3A_313 = arith.andi %ne3A_312, %ne3A_307 : i1
        %add3A_314 = arith.addi %rem3A, %select_n3A : i32
        %select_n3A_315 = arith.select %and3A_313, %add3A_314, %rem3A : i32
        %eq3A_316 = arith.constant 0 : i32
        %eq3A_317 = arith.cmpi eq, %select_n3A_315, %eq3A_316 : i32
        %convert_element_type3A_318 = arith.extui %eq3A_317 : i1 to i32
        %cond3A_319 = arith.constant 0 : i32
        %cond3A_320 = arith.cmpi ne, %convert_element_type3A_318, %cond3A_319 : i32
        scf.if %cond3A_320 {
          %jit3A_418 = arith.constant 16 : i32
          %div3A_419 = arith.divsi %add3A_213, %jit3A_418 : i32
          %sign3A_420 = arith.constant 0 : i32
          %sign3A_421 = arith.cmpi sgt, %add3A_213, %sign3A_420 : i32
          %sign3A_422 = arith.extui %sign3A_421 : i1 to i32
          %sign3A_423 = arith.constant 0 : i32
          %sign3A_424 = arith.cmpi slt, %add3A_213, %sign3A_423 : i32
          %sign3A_425 = arith.extui %sign3A_424 : i1 to i32
          %sign3A_426 = arith.subi %sign3A_422, %sign3A_425 : i32
          %sign3A_427 = arith.constant 0 : i32
          %sign3A_428 = arith.cmpi sgt, %jit3A_418, %sign3A_427 : i32
          %sign3A_429 = arith.extui %sign3A_428 : i1 to i32
          %sign3A_430 = arith.constant 0 : i32
          %sign3A_431 = arith.cmpi slt, %jit3A_418, %sign3A_430 : i32
          %sign3A_432 = arith.extui %sign3A_431 : i1 to i32
          %sign3A_433 = arith.subi %sign3A_429, %sign3A_432 : i32
          %ne3A_434 = arith.cmpi ne, %sign3A_426, %sign3A_433 : i32
          %rem3A_435 = arith.remsi %add3A_213, %jit3A_418 : i32
          %ne3A_436 = arith.constant 0 : i32
          %ne3A_437 = arith.cmpi ne, %rem3A_435, %ne3A_436 : i32
          %and3A_438 = arith.andi %ne3A_434, %ne3A_437 : i1
          %sub3A_439 = arith.constant 1 : i32
          %sub3A_440 = arith.subi %div3A_419, %sub3A_439 : i32
          %select_n3A_441 = arith.select %and3A_438, %sub3A_440, %div3A_419 : i32
          %jit3A_442 = arith.constant 16 : i32
          %div3A_443 = arith.divsi %add3A_213, %jit3A_442 : i32
          %sign3A_444 = arith.constant 0 : i32
          %sign3A_445 = arith.cmpi sgt, %add3A_213, %sign3A_444 : i32
          %sign3A_446 = arith.extui %sign3A_445 : i1 to i32
          %sign3A_447 = arith.constant 0 : i32
          %sign3A_448 = arith.cmpi slt, %add3A_213, %sign3A_447 : i32
          %sign3A_449 = arith.extui %sign3A_448 : i1 to i32
          %sign3A_450 = arith.subi %sign3A_446, %sign3A_449 : i32
          %sign3A_451 = arith.constant 0 : i32
          %sign3A_452 = arith.cmpi sgt, %jit3A_442, %sign3A_451 : i32
          %sign3A_453 = arith.extui %sign3A_452 : i1 to i32
          %sign3A_454 = arith.constant 0 : i32
          %sign3A_455 = arith.cmpi slt, %jit3A_442, %sign3A_454 : i32
          %sign3A_456 = arith.extui %sign3A_455 : i1 to i32
          %sign3A_457 = arith.subi %sign3A_453, %sign3A_456 : i32
          %ne3A_458 = arith.cmpi ne, %sign3A_450, %sign3A_457 : i32
          %rem3A_459 = arith.remsi %add3A_213, %jit3A_442 : i32
          %ne3A_460 = arith.constant 0 : i32
          %ne3A_461 = arith.cmpi ne, %rem3A_459, %ne3A_460 : i32
          %and3A_462 = arith.andi %ne3A_458, %ne3A_461 : i1
          %sub3A_463 = arith.constant 1 : i32
          %sub3A_464 = arith.subi %div3A_443, %sub3A_463 : i32
          %select_n3A_465 = arith.select %and3A_462, %sub3A_464, %div3A_443 : i32
          %jit3A_466 = arith.constant 2 : i32
          %eq3A_467 = arith.constant 0 : i32
          %eq3A_468 = arith.cmpi eq, %jit3A_466, %eq3A_467 : i32
          %jit3A_469 = arith.constant 1 : i32
          %select_n3A_470 = arith.select %eq3A_468, %jit3A_469, %jit3A_466 : i32
          %rem3A_471 = arith.remsi %select_n3A_465, %select_n3A_470 : i32
          %ne3A_472 = arith.constant 0 : i32
          %ne3A_473 = arith.cmpi ne, %rem3A_471, %ne3A_472 : i32
          %lt3A_474 = arith.constant 0 : i32
          %lt3A_475 = arith.cmpi slt, %rem3A_471, %lt3A_474 : i32
          %lt3A_476 = arith.constant 0 : i32
          %lt3A_477 = arith.cmpi slt, %select_n3A_470, %lt3A_476 : i32
          %ne3A_478 = arith.xori %lt3A_475, %lt3A_477 : i1
          %and3A_479 = arith.andi %ne3A_478, %ne3A_473 : i1
          %add3A_480 = arith.addi %rem3A_471, %select_n3A_470 : i32
          %select_n3A_481 = arith.select %and3A_479, %add3A_480, %rem3A_471 : i32
          %dma_wait3A_482 = arith.constant 0 : i32
          %dma_wait3A_483 = arith.constant 0 : i32
          %dma_wait3A_484 = tpu.memref_slice %arg11[%select_n3A_481, %dma_wait3A_482, %dma_wait3A_483] : memref<2x16x128xi32, #tpu.memory_space<vmem>> -> memref<1x16x128xi32, #tpu.memory_space<vmem>>
          %dma_wait3A_485 = tpu.memref_squeeze %dma_wait3A_484 : memref<1x16x128xi32, #tpu.memory_space<vmem>> -> memref<16x128xi32, #tpu.memory_space<vmem>>
          %dma_wait3A_486 = arith.constant 0 : i32
          %dma_wait3A_487 = arith.constant 0 : i32
          %dma_wait3A_488 = tpu.memref_slice %arg2[%arg1, %select_n3A_441, %dma_wait3A_486, %dma_wait3A_487] : memref<16x10x16x128xi32, #tpu.memory_space<hbm>> -> memref<1x1x16x128xi32, #tpu.memory_space<hbm>>
          %dma_wait3A_489 = tpu.memref_squeeze %dma_wait3A_488 : memref<1x1x16x128xi32, #tpu.memory_space<hbm>> -> memref<16x128xi32, #tpu.memory_space<hbm>>
          %dma_wait3A_490 = arith.constant 0 : i32
          %dma_wait3A_491 = arith.constant 0 : i32
          %dma_wait3A_492 = tpu.memref_slice %arg11[%select_n3A_481, %dma_wait3A_490, %dma_wait3A_491] : memref<2x16x128xi32, #tpu.memory_space<vmem>> -> memref<1x16x128xi32, #tpu.memory_space<vmem>>
          %dma_wait3A_493 = tpu.memref_squeeze %dma_wait3A_492 : memref<1x16x128xi32, #tpu.memory_space<vmem>> -> memref<16x128xi32, #tpu.memory_space<vmem>>
          %dma_wait3A_494 = arith.constant 0 : i32
          %dma_wait3A_495 = arith.constant 0 : i32
          %dma_wait3A_496 = tpu.memref_slice %arg2[%arg1, %select_n3A_441, %dma_wait3A_494, %dma_wait3A_495] : memref<16x10x16x128xi32, #tpu.memory_space<hbm>> -> memref<1x1x16x128xi32, #tpu.memory_space<hbm>>
          %dma_wait3A_497 = tpu.memref_squeeze %dma_wait3A_496 : memref<1x1x16x128xi32, #tpu.memory_space<hbm>> -> memref<16x128xi32, #tpu.memory_space<hbm>>
          tpu.wait_dma2 semaphore(%arg34 : memref<!tpu.dma_semaphore, #tpu.memory_space<semaphore_mem>>) src(%dma_wait3A_497 : memref<16x128xi32, #tpu.memory_space<hbm>>) dst(%dma_wait3A_493 : memref<16x128xi32, #tpu.memory_space<vmem>>)
          %dma_wait3A_498 = arith.constant 0 : i32
          %dma_wait3A_499 = arith.constant 0 : i32
          %dma_wait3A_500 = tpu.memref_slice %arg12[%select_n3A_481, %dma_wait3A_498, %dma_wait3A_499] : memref<2x16x128xi32, #tpu.memory_space<vmem>> -> memref<1x16x128xi32, #tpu.memory_space<vmem>>
          %dma_wait3A_501 = tpu.memref_squeeze %dma_wait3A_500 : memref<1x16x128xi32, #tpu.memory_space<vmem>> -> memref<16x128xi32, #tpu.memory_space<vmem>>
          %dma_wait3A_502 = arith.constant 0 : i32
          %dma_wait3A_503 = arith.constant 0 : i32
          %dma_wait3A_504 = tpu.memref_slice %arg3[%arg1, %select_n3A_441, %dma_wait3A_502, %dma_wait3A_503] : memref<16x10x16x128xi32, #tpu.memory_space<hbm>> -> memref<1x1x16x128xi32, #tpu.memory_space<hbm>>
          %dma_wait3A_505 = tpu.memref_squeeze %dma_wait3A_504 : memref<1x1x16x128xi32, #tpu.memory_space<hbm>> -> memref<16x128xi32, #tpu.memory_space<hbm>>
          %dma_wait3A_506 = arith.constant 0 : i32
          %dma_wait3A_507 = arith.constant 0 : i32
          %dma_wait3A_508 = tpu.memref_slice %arg12[%select_n3A_481, %dma_wait3A_506, %dma_wait3A_507] : memref<2x16x128xi32, #tpu.memory_space<vmem>> -> memref<1x16x128xi32, #tpu.memory_space<vmem>>
          %dma_wait3A_509 = tpu.memref_squeeze %dma_wait3A_508 : memref<1x16x128xi32, #tpu.memory_space<vmem>> -> memref<16x128xi32, #tpu.memory_space<vmem>>
          %dma_wait3A_510 = arith.constant 0 : i32
          %dma_wait3A_511 = arith.constant 0 : i32
          %dma_wait3A_512 = tpu.memref_slice %arg3[%arg1, %select_n3A_441, %dma_wait3A_510, %dma_wait3A_511] : memref<16x10x16x128xi32, #tpu.memory_space<hbm>> -> memref<1x1x16x128xi32, #tpu.memory_space<hbm>>
          %dma_wait3A_513 = tpu.memref_squeeze %dma_wait3A_512 : memref<1x1x16x128xi32, #tpu.memory_space<hbm>> -> memref<16x128xi32, #tpu.memory_space<hbm>>
          tpu.wait_dma2 semaphore(%arg34 : memref<!tpu.dma_semaphore, #tpu.memory_space<semaphore_mem>>) src(%dma_wait3A_513 : memref<16x128xi32, #tpu.memory_space<hbm>>) dst(%dma_wait3A_509 : memref<16x128xi32, #tpu.memory_space<vmem>>)
        } else {
        }
        %ge3A_321 = arith.constant 8 : i32
        %ge3A_322 = arith.cmpi sge, %add3A_213, %ge3A_321 : i32
        %convert_element_type3A_323 = arith.extui %ge3A_322 : i1 to i32
        %cond3A_324 = arith.constant 0 : i32
        %cond3A_325 = arith.cmpi ne, %convert_element_type3A_323, %cond3A_324 : i32
        scf.if %cond3A_325 {
          %dma_wait3A_418 = arith.constant 3 : i32
          %dma_wait3A_419 = arith.constant 0 : i32
          %dma_wait3A_420 = arith.constant 0 : i32
          %dma_wait3A_421 = arith.constant 0 : i32
          %dma_wait3A_422 = arith.constant 0 : i32
          %dma_wait3A_423 = tpu.memref_slice %arg13[%dma_wait3A_418, %dma_wait3A_421, %dma_wait3A_422] : memref<8x128x64xf32, #tpu.memory_space<vmem>> -> memref<1x128x64xf32, #tpu.memory_space<vmem>>
          %dma_wait3A_424 = tpu.memref_squeeze %dma_wait3A_423 : memref<1x128x64xf32, #tpu.memory_space<vmem>> -> memref<128x64xf32, #tpu.memory_space<vmem>>
          %dma_wait3A_425 = arith.constant 0 : i32
          %dma_wait3A_426 = tpu.memref_slice %arg12[%dma_wait3A_419, %dma_wait3A_420, %dma_wait3A_425] : memref<2x16x128xi32, #tpu.memory_space<vmem>> -> memref<1x1x128xi32, #tpu.memory_space<vmem>>
          %dma_wait3A_427 = tpu.memref_squeeze %dma_wait3A_426 : memref<1x1x128xi32, #tpu.memory_space<vmem>> -> memref<128xi32, #tpu.memory_space<vmem>>
          %dma_wait3A_428 = arith.constant 0 : i32
          %dma_wait3A_429 = arith.constant 0 : i32
          %dma_wait3A_430 = tpu.memref_slice %arg15[%dma_wait3A_428, %dma_wait3A_429] : memref<10240x64xf32, #tpu.memory_space<vmem_shared>> -> memref<10240x64xf32, #tpu.memory_space<vmem_shared>>
          tpu.wait_indirect_dma semaphore(%arg28 : memref<!tpu.dma_semaphore, #tpu.memory_space<semaphore_mem>>) src(%dma_wait3A_424 : memref<128x64xf32, #tpu.memory_space<vmem>>) dst(%dma_wait3A_430 : memref<10240x64xf32, #tpu.memory_space<vmem_shared>>)
        } else {
        }
        %jit3A_326 = arith.constant 16 : i32
        %div3A = arith.divsi %add3A_213, %jit3A_326 : i32
        %sign3A = arith.constant 0 : i32
        %sign3A_327 = arith.cmpi sgt, %add3A_213, %sign3A : i32
        %sign3A_328 = arith.extui %sign3A_327 : i1 to i32
        %sign3A_329 = arith.constant 0 : i32
        %sign3A_330 = arith.cmpi slt, %add3A_213, %sign3A_329 : i32
        %sign3A_331 = arith.extui %sign3A_330 : i1 to i32
        %sign3A_332 = arith.subi %sign3A_328, %sign3A_331 : i32
        %sign3A_333 = arith.constant 0 : i32
        %sign3A_334 = arith.cmpi sgt, %jit3A_326, %sign3A_333 : i32
        %sign3A_335 = arith.extui %sign3A_334 : i1 to i32
        %sign3A_336 = arith.constant 0 : i32
        %sign3A_337 = arith.cmpi slt, %jit3A_326, %sign3A_336 : i32
        %sign3A_338 = arith.extui %sign3A_337 : i1 to i32
        %sign3A_339 = arith.subi %sign3A_335, %sign3A_338 : i32
        %ne3A_340 = arith.cmpi ne, %sign3A_332, %sign3A_339 : i32
        %rem3A_341 = arith.remsi %add3A_213, %jit3A_326 : i32
        %ne3A_342 = arith.constant 0 : i32
        %ne3A_343 = arith.cmpi ne, %rem3A_341, %ne3A_342 : i32
        %and3A_344 = arith.andi %ne3A_340, %ne3A_343 : i1
        %sub3A_345 = arith.constant 1 : i32
        %sub3A_346 = arith.subi %div3A, %sub3A_345 : i32
        %select_n3A_347 = arith.select %and3A_344, %sub3A_346, %div3A : i32
        %jit3A_348 = arith.constant 2 : i32
        %eq3A_349 = arith.constant 0 : i32
        %eq3A_350 = arith.cmpi eq, %jit3A_348, %eq3A_349 : i32
        %jit3A_351 = arith.constant 1 : i32
        %select_n3A_352 = arith.select %eq3A_350, %jit3A_351, %jit3A_348 : i32
        %rem3A_353 = arith.remsi %select_n3A_347, %select_n3A_352 : i32
        %ne3A_354 = arith.constant 0 : i32
        %ne3A_355 = arith.cmpi ne, %rem3A_353, %ne3A_354 : i32
        %lt3A_356 = arith.constant 0 : i32
        %lt3A_357 = arith.cmpi slt, %rem3A_353, %lt3A_356 : i32
        %lt3A_358 = arith.constant 0 : i32
        %lt3A_359 = arith.cmpi slt, %select_n3A_352, %lt3A_358 : i32
        %ne3A_360 = arith.xori %lt3A_357, %lt3A_359 : i1
        %and3A_361 = arith.andi %ne3A_360, %ne3A_355 : i1
        %add3A_362 = arith.addi %rem3A_353, %select_n3A_352 : i32
        %select_n3A_363 = arith.select %and3A_361, %add3A_362, %rem3A_353 : i32
        %jit3A_364 = arith.constant 16 : i32
        %eq3A_365 = arith.constant 0 : i32
        %eq3A_366 = arith.cmpi eq, %jit3A_364, %eq3A_365 : i32
        %jit3A_367 = arith.constant 1 : i32
        %select_n3A_368 = arith.select %eq3A_366, %jit3A_367, %jit3A_364 : i32
        %rem3A_369 = arith.remsi %add3A_213, %select_n3A_368 : i32
        %ne3A_370 = arith.constant 0 : i32
        %ne3A_371 = arith.cmpi ne, %rem3A_369, %ne3A_370 : i32
        %lt3A_372 = arith.constant 0 : i32
        %lt3A_373 = arith.cmpi slt, %rem3A_369, %lt3A_372 : i32
        %lt3A_374 = arith.constant 0 : i32
        %lt3A_375 = arith.cmpi slt, %select_n3A_368, %lt3A_374 : i32
        %ne3A_376 = arith.xori %lt3A_373, %lt3A_375 : i1
        %and3A_377 = arith.andi %ne3A_376, %ne3A_371 : i1
        %add3A_378 = arith.addi %rem3A_369, %select_n3A_368 : i32
        %select_n3A_379 = arith.select %and3A_377, %add3A_378, %rem3A_369 : i32
        %eq3A_380 = arith.constant 0 : i32
        %eq3A_381 = arith.cmpi eq, %arg0, %eq3A_380 : i32
        %convert_element_type3A_382 = arith.extui %eq3A_381 : i1 to i32
        %cond3A_383 = arith.constant 0 : i32
        %cond3A_384 = arith.cmpi ne, %convert_element_type3A_382, %cond3A_383 : i32
        scf.if %cond3A_384 {
          %dma_start3A_418 = arith.constant 3 : i32
          %dma_start3A_419 = arith.constant 0 : i32
          %dma_start3A_420 = arith.constant 0 : i32
          %dma_start3A_421 = tpu.memref_slice %arg13[%dma_start3A_418, %dma_start3A_419, %dma_start3A_420] : memref<8x128x64xf32, #tpu.memory_space<vmem>> -> memref<1x128x64xf32, #tpu.memory_space<vmem>>
          %dma_start3A_422 = tpu.memref_squeeze %dma_start3A_421 : memref<1x128x64xf32, #tpu.memory_space<vmem>> -> memref<128x64xf32, #tpu.memory_space<vmem>>
          %dma_start3A_423 = arith.constant 0 : i32
          %dma_start3A_424 = tpu.memref_slice %arg11[%select_n3A_363, %select_n3A_379, %dma_start3A_423] : memref<2x16x128xi32, #tpu.memory_space<vmem>> -> memref<1x1x128xi32, #tpu.memory_space<vmem>>
          %dma_start3A_425 = tpu.memref_squeeze %dma_start3A_424 : memref<1x1x128xi32, #tpu.memory_space<vmem>> -> memref<128xi32, #tpu.memory_space<vmem>>
          %dma_start3A_426 = arith.constant 0 : i32
          %dma_start3A_427 = arith.constant 0 : i32
          %dma_start3A_428 = tpu.memref_slice %arg4[%dma_start3A_426, %dma_start3A_427] : memref<10000x64xf32, #tpu.memory_space<hbm>> -> memref<10000x64xf32, #tpu.memory_space<hbm>>
          tpu.enqueue_indirect_dma source(%dma_start3A_428 : memref<10000x64xf32, #tpu.memory_space<hbm>>) target(%dma_start3A_422 : memref<128x64xf32, #tpu.memory_space<vmem>>) offsets(%dma_start3A_425 : memref<128xi32, #tpu.memory_space<vmem>>) semaphore(%arg20 : memref<!tpu.dma_semaphore, #tpu.memory_space<semaphore_mem>>)
        } else {
        }
        %eq3A_385 = arith.constant 1 : i32
        %eq3A_386 = arith.cmpi eq, %arg0, %eq3A_385 : i32
        %convert_element_type3A_387 = arith.extui %eq3A_386 : i1 to i32
        %cond3A_388 = arith.constant 0 : i32
        %cond3A_389 = arith.cmpi ne, %convert_element_type3A_387, %cond3A_388 : i32
        scf.if %cond3A_389 {
          %dma_start3A_418 = arith.constant 3 : i32
          %dma_start3A_419 = arith.constant 0 : i32
          %dma_start3A_420 = arith.constant 0 : i32
          %dma_start3A_421 = tpu.memref_slice %arg13[%dma_start3A_418, %dma_start3A_419, %dma_start3A_420] : memref<8x128x64xf32, #tpu.memory_space<vmem>> -> memref<1x128x64xf32, #tpu.memory_space<vmem>>
          %dma_start3A_422 = tpu.memref_squeeze %dma_start3A_421 : memref<1x128x64xf32, #tpu.memory_space<vmem>> -> memref<128x64xf32, #tpu.memory_space<vmem>>
          %dma_start3A_423 = arith.constant 0 : i32
          %dma_start3A_424 = tpu.memref_slice %arg11[%select_n3A_363, %select_n3A_379, %dma_start3A_423] : memref<2x16x128xi32, #tpu.memory_space<vmem>> -> memref<1x1x128xi32, #tpu.memory_space<vmem>>
          %dma_start3A_425 = tpu.memref_squeeze %dma_start3A_424 : memref<1x1x128xi32, #tpu.memory_space<vmem>> -> memref<128xi32, #tpu.memory_space<vmem>>
          %dma_start3A_426 = arith.constant 0 : i32
          %dma_start3A_427 = arith.constant 0 : i32
          %dma_start3A_428 = tpu.memref_slice %arg5[%dma_start3A_426, %dma_start3A_427] : memref<10000x64xf32, #tpu.memory_space<hbm>> -> memref<10000x64xf32, #tpu.memory_space<hbm>>
          tpu.enqueue_indirect_dma source(%dma_start3A_428 : memref<10000x64xf32, #tpu.memory_space<hbm>>) target(%dma_start3A_422 : memref<128x64xf32, #tpu.memory_space<vmem>>) offsets(%dma_start3A_425 : memref<128xi32, #tpu.memory_space<vmem>>) semaphore(%arg20 : memref<!tpu.dma_semaphore, #tpu.memory_space<semaphore_mem>>)
        } else {
        }
        %jit3A_390 = arith.constant 16 : i32
        %eq3A_391 = arith.constant 0 : i32
        %eq3A_392 = arith.cmpi eq, %jit3A_390, %eq3A_391 : i32
        %jit3A_393 = arith.constant 1 : i32
        %select_n3A_394 = arith.select %eq3A_392, %jit3A_393, %jit3A_390 : i32
        %rem3A_395 = arith.remsi %add3A_213, %select_n3A_394 : i32
        %ne3A_396 = arith.constant 0 : i32
        %ne3A_397 = arith.cmpi ne, %rem3A_395, %ne3A_396 : i32
        %lt3A_398 = arith.constant 0 : i32
        %lt3A_399 = arith.cmpi slt, %rem3A_395, %lt3A_398 : i32
        %lt3A_400 = arith.constant 0 : i32
        %lt3A_401 = arith.cmpi slt, %select_n3A_394, %lt3A_400 : i32
        %ne3A_402 = arith.xori %lt3A_399, %lt3A_401 : i1
        %and3A_403 = arith.andi %ne3A_402, %ne3A_397 : i1
        %add3A_404 = arith.addi %rem3A_395, %select_n3A_394 : i32
        %select_n3A_405 = arith.select %and3A_403, %add3A_404, %rem3A_395 : i32
        %eq3A_406 = arith.constant 8 : i32
        %eq3A_407 = arith.cmpi eq, %select_n3A_405, %eq3A_406 : i32
        %add3A_408 = arith.constant 16 : i32
        %add3A_409 = arith.addi %add3A_213, %add3A_408 : i32
        %sub3A_410 = arith.constant 8 : i32
        %sub3A_411 = arith.subi %add3A_409, %sub3A_410 : i32
        %lt3A_412 = arith.constant 160 : i32
        %lt3A_413 = arith.cmpi slt, %sub3A_411, %lt3A_412 : i32
        %and3A_414 = arith.andi %eq3A_407, %lt3A_413 : i1
        %convert_element_type3A_415 = arith.extui %and3A_414 : i1 to i32
        %cond3A_416 = arith.constant 0 : i32
        %cond3A_417 = arith.cmpi ne, %convert_element_type3A_415, %cond3A_416 : i32
        scf.if %cond3A_417 {
          %jit3A_418 = arith.constant 16 : i32
          %div3A_419 = arith.divsi %add3A_213, %jit3A_418 : i32
          %sign3A_420 = arith.constant 0 : i32
          %sign3A_421 = arith.cmpi sgt, %add3A_213, %sign3A_420 : i32
          %sign3A_422 = arith.extui %sign3A_421 : i1 to i32
          %sign3A_423 = arith.constant 0 : i32
          %sign3A_424 = arith.cmpi slt, %add3A_213, %sign3A_423 : i32
          %sign3A_425 = arith.extui %sign3A_424 : i1 to i32
          %sign3A_426 = arith.subi %sign3A_422, %sign3A_425 : i32
          %sign3A_427 = arith.constant 0 : i32
          %sign3A_428 = arith.cmpi sgt, %jit3A_418, %sign3A_427 : i32
          %sign3A_429 = arith.extui %sign3A_428 : i1 to i32
          %sign3A_430 = arith.constant 0 : i32
          %sign3A_431 = arith.cmpi slt, %jit3A_418, %sign3A_430 : i32
          %sign3A_432 = arith.extui %sign3A_431 : i1 to i32
          %sign3A_433 = arith.subi %sign3A_429, %sign3A_432 : i32
          %ne3A_434 = arith.cmpi ne, %sign3A_426, %sign3A_433 : i32
          %rem3A_435 = arith.remsi %add3A_213, %jit3A_418 : i32
          %ne3A_436 = arith.constant 0 : i32
          %ne3A_437 = arith.cmpi ne, %rem3A_435, %ne3A_436 : i32
          %and3A_438 = arith.andi %ne3A_434, %ne3A_437 : i1
          %sub3A_439 = arith.constant 1 : i32
          %sub3A_440 = arith.subi %div3A_419, %sub3A_439 : i32
          %select_n3A_441 = arith.select %and3A_438, %sub3A_440, %div3A_419 : i32
          %add3A_442 = arith.constant 1 : i32
          %add3A_443 = arith.addi %select_n3A_441, %add3A_442 : i32
          %jit3A_444 = arith.constant 16 : i32
          %div3A_445 = arith.divsi %add3A_213, %jit3A_444 : i32
          %sign3A_446 = arith.constant 0 : i32
          %sign3A_447 = arith.cmpi sgt, %add3A_213, %sign3A_446 : i32
          %sign3A_448 = arith.extui %sign3A_447 : i1 to i32
          %sign3A_449 = arith.constant 0 : i32
          %sign3A_450 = arith.cmpi slt, %add3A_213, %sign3A_449 : i32
          %sign3A_451 = arith.extui %sign3A_450 : i1 to i32
          %sign3A_452 = arith.subi %sign3A_448, %sign3A_451 : i32
          %sign3A_453 = arith.constant 0 : i32
          %sign3A_454 = arith.cmpi sgt, %jit3A_444, %sign3A_453 : i32
          %sign3A_455 = arith.extui %sign3A_454 : i1 to i32
          %sign3A_456 = arith.constant 0 : i32
          %sign3A_457 = arith.cmpi slt, %jit3A_444, %sign3A_456 : i32
          %sign3A_458 = arith.extui %sign3A_457 : i1 to i32
          %sign3A_459 = arith.subi %sign3A_455, %sign3A_458 : i32
          %ne3A_460 = arith.cmpi ne, %sign3A_452, %sign3A_459 : i32
          %rem3A_461 = arith.remsi %add3A_213, %jit3A_444 : i32
          %ne3A_462 = arith.constant 0 : i32
          %ne3A_463 = arith.cmpi ne, %rem3A_461, %ne3A_462 : i32
          %and3A_464 = arith.andi %ne3A_460, %ne3A_463 : i1
          %sub3A_465 = arith.constant 1 : i32
          %sub3A_466 = arith.subi %div3A_445, %sub3A_465 : i32
          %select_n3A_467 = arith.select %and3A_464, %sub3A_466, %div3A_445 : i32
          %add3A_468 = arith.constant 1 : i32
          %add3A_469 = arith.addi %select_n3A_467, %add3A_468 : i32
          %jit3A_470 = arith.constant 2 : i32
          %eq3A_471 = arith.constant 0 : i32
          %eq3A_472 = arith.cmpi eq, %jit3A_470, %eq3A_471 : i32
          %jit3A_473 = arith.constant 1 : i32
          %select_n3A_474 = arith.select %eq3A_472, %jit3A_473, %jit3A_470 : i32
          %rem3A_475 = arith.remsi %add3A_469, %select_n3A_474 : i32
          %ne3A_476 = arith.constant 0 : i32
          %ne3A_477 = arith.cmpi ne, %rem3A_475, %ne3A_476 : i32
          %lt3A_478 = arith.constant 0 : i32
          %lt3A_479 = arith.cmpi slt, %rem3A_475, %lt3A_478 : i32
          %lt3A_480 = arith.constant 0 : i32
          %lt3A_481 = arith.cmpi slt, %select_n3A_474, %lt3A_480 : i32
          %ne3A_482 = arith.xori %lt3A_479, %lt3A_481 : i1
          %and3A_483 = arith.andi %ne3A_482, %ne3A_477 : i1
          %add3A_484 = arith.addi %rem3A_475, %select_n3A_474 : i32
          %select_n3A_485 = arith.select %and3A_483, %add3A_484, %rem3A_475 : i32
          %dma_start3A_486 = arith.constant 0 : i32
          %dma_start3A_487 = arith.constant 0 : i32
          %dma_start3A_488 = tpu.memref_slice %arg11[%select_n3A_485, %dma_start3A_486, %dma_start3A_487] : memref<2x16x128xi32, #tpu.memory_space<vmem>> -> memref<1x16x128xi32, #tpu.memory_space<vmem>>
          %dma_start3A_489 = tpu.memref_squeeze %dma_start3A_488 : memref<1x16x128xi32, #tpu.memory_space<vmem>> -> memref<16x128xi32, #tpu.memory_space<vmem>>
          %dma_start3A_490 = arith.constant 0 : i32
          %dma_start3A_491 = arith.constant 0 : i32
          %dma_start3A_492 = tpu.memref_slice %arg2[%arg1, %add3A_443, %dma_start3A_490, %dma_start3A_491] : memref<16x10x16x128xi32, #tpu.memory_space<hbm>> -> memref<1x1x16x128xi32, #tpu.memory_space<hbm>>
          %dma_start3A_493 = tpu.memref_squeeze %dma_start3A_492 : memref<1x1x16x128xi32, #tpu.memory_space<hbm>> -> memref<16x128xi32, #tpu.memory_space<hbm>>
          %dma_start3A_494 = arith.constant 0 : i32
          %dma_start3A_495 = arith.constant 0 : i32
          %dma_start3A_496 = tpu.memref_slice %arg11[%select_n3A_485, %dma_start3A_494, %dma_start3A_495] : memref<2x16x128xi32, #tpu.memory_space<vmem>> -> memref<1x16x128xi32, #tpu.memory_space<vmem>>
          %dma_start3A_497 = tpu.memref_squeeze %dma_start3A_496 : memref<1x16x128xi32, #tpu.memory_space<vmem>> -> memref<16x128xi32, #tpu.memory_space<vmem>>
          %dma_start3A_498 = arith.constant 0 : i32
          %dma_start3A_499 = arith.constant 0 : i32
          %dma_start3A_500 = tpu.memref_slice %arg2[%arg1, %add3A_443, %dma_start3A_498, %dma_start3A_499] : memref<16x10x16x128xi32, #tpu.memory_space<hbm>> -> memref<1x1x16x128xi32, #tpu.memory_space<hbm>>
          %dma_start3A_501 = tpu.memref_squeeze %dma_start3A_500 : memref<1x1x16x128xi32, #tpu.memory_space<hbm>> -> memref<16x128xi32, #tpu.memory_space<hbm>>
          tpu.enqueue_dma source(%dma_start3A_501 : memref<16x128xi32, #tpu.memory_space<hbm>>) target(%dma_start3A_497 : memref<16x128xi32, #tpu.memory_space<vmem>>) target_semaphore(%arg34 : memref<!tpu.dma_semaphore, #tpu.memory_space<semaphore_mem>>)
          %dma_start3A_502 = arith.constant 0 : i32
          %dma_start3A_503 = arith.constant 0 : i32
          %dma_start3A_504 = tpu.memref_slice %arg12[%select_n3A_485, %dma_start3A_502, %dma_start3A_503] : memref<2x16x128xi32, #tpu.memory_space<vmem>> -> memref<1x16x128xi32, #tpu.memory_space<vmem>>
          %dma_start3A_505 = tpu.memref_squeeze %dma_start3A_504 : memref<1x16x128xi32, #tpu.memory_space<vmem>> -> memref<16x128xi32, #tpu.memory_space<vmem>>
          %dma_start3A_506 = arith.constant 0 : i32
          %dma_start3A_507 = arith.constant 0 : i32
          %dma_start3A_508 = tpu.memref_slice %arg3[%arg1, %add3A_443, %dma_start3A_506, %dma_start3A_507] : memref<16x10x16x128xi32, #tpu.memory_space<hbm>> -> memref<1x1x16x128xi32, #tpu.memory_space<hbm>>
          %dma_start3A_509 = tpu.memref_squeeze %dma_start3A_508 : memref<1x1x16x128xi32, #tpu.memory_space<hbm>> -> memref<16x128xi32, #tpu.memory_space<hbm>>
          %dma_start3A_510 = arith.constant 0 : i32
          %dma_start3A_511 = arith.constant 0 : i32
          %dma_start3A_512 = tpu.memref_slice %arg12[%select_n3A_485, %dma_start3A_510, %dma_start3A_511] : memref<2x16x128xi32, #tpu.memory_space<vmem>> -> memref<1x16x128xi32, #tpu.memory_space<vmem>>
          %dma_start3A_513 = tpu.memref_squeeze %dma_start3A_512 : memref<1x16x128xi32, #tpu.memory_space<vmem>> -> memref<16x128xi32, #tpu.memory_space<vmem>>
          %dma_start3A_514 = arith.constant 0 : i32
          %dma_start3A_515 = arith.constant 0 : i32
          %dma_start3A_516 = tpu.memref_slice %arg3[%arg1, %add3A_443, %dma_start3A_514, %dma_start3A_515] : memref<16x10x16x128xi32, #tpu.memory_space<hbm>> -> memref<1x1x16x128xi32, #tpu.memory_space<hbm>>
          %dma_start3A_517 = tpu.memref_squeeze %dma_start3A_516 : memref<1x1x16x128xi32, #tpu.memory_space<hbm>> -> memref<16x128xi32, #tpu.memory_space<hbm>>
          tpu.enqueue_dma source(%dma_start3A_517 : memref<16x128xi32, #tpu.memory_space<hbm>>) target(%dma_start3A_513 : memref<16x128xi32, #tpu.memory_space<vmem>>) target_semaphore(%arg34 : memref<!tpu.dma_semaphore, #tpu.memory_space<semaphore_mem>>)
        } else {
        }
      } else {
      }
      %sub3A_219 = arith.constant 4 : i32
      %sub3A_220 = arith.subi %add3A_213, %sub3A_219 : i32
      %ge3A_221 = arith.constant 0 : i32
      %ge3A_222 = arith.cmpi sge, %sub3A_220, %ge3A_221 : i32
      %lt3A_223 = arith.constant 160 : i32
      %lt3A_224 = arith.cmpi slt, %sub3A_220, %lt3A_223 : i32
      %and3A_225 = arith.andi %ge3A_222, %lt3A_224 : i1
      %convert_element_type3A_226 = arith.extui %and3A_225 : i1 to i32
      %cond3A_227 = arith.constant 0 : i32
      %cond3A_228 = arith.cmpi ne, %convert_element_type3A_226, %cond3A_227 : i32
      scf.if %cond3A_228 {
        %dma_wait3A_305 = arith.constant 0 : i32
        %dma_wait3A_306 = arith.constant 0 : i32
        %dma_wait3A_307 = arith.constant 7 : i32
        %dma_wait3A_308 = arith.constant 0 : i32
        %dma_wait3A_309 = arith.constant 0 : i32
        %dma_wait3A_310 = tpu.memref_slice %arg13[%dma_wait3A_307, %dma_wait3A_308, %dma_wait3A_309] : memref<8x128x64xf32, #tpu.memory_space<vmem>> -> memref<1x128x64xf32, #tpu.memory_space<vmem>>
        %dma_wait3A_311 = tpu.memref_squeeze %dma_wait3A_310 : memref<1x128x64xf32, #tpu.memory_space<vmem>> -> memref<128x64xf32, #tpu.memory_space<vmem>>
        %dma_wait3A_312 = arith.constant 0 : i32
        %dma_wait3A_313 = tpu.memref_slice %arg11[%dma_wait3A_305, %dma_wait3A_306, %dma_wait3A_312] : memref<2x16x128xi32, #tpu.memory_space<vmem>> -> memref<1x1x128xi32, #tpu.memory_space<vmem>>
        %dma_wait3A_314 = tpu.memref_squeeze %dma_wait3A_313 : memref<1x1x128xi32, #tpu.memory_space<vmem>> -> memref<128xi32, #tpu.memory_space<vmem>>
        %dma_wait3A_315 = arith.constant 0 : i32
        %dma_wait3A_316 = arith.constant 0 : i32
        %dma_wait3A_317 = tpu.memref_slice %arg4[%dma_wait3A_315, %dma_wait3A_316] : memref<10000x64xf32, #tpu.memory_space<hbm>> -> memref<10000x64xf32, #tpu.memory_space<hbm>>
        tpu.wait_indirect_dma semaphore(%arg24 : memref<!tpu.dma_semaphore, #tpu.memory_space<semaphore_mem>>) src(%dma_wait3A_317 : memref<10000x64xf32, #tpu.memory_space<hbm>>) dst(%dma_wait3A_311 : memref<128x64xf32, #tpu.memory_space<vmem>>)
        %jit3A = arith.constant 16 : i32
        %div3A = arith.divsi %sub3A_220, %jit3A : i32
        %sign3A = arith.constant 0 : i32
        %sign3A_318 = arith.cmpi sgt, %sub3A_220, %sign3A : i32
        %sign3A_319 = arith.extui %sign3A_318 : i1 to i32
        %sign3A_320 = arith.constant 0 : i32
        %sign3A_321 = arith.cmpi slt, %sub3A_220, %sign3A_320 : i32
        %sign3A_322 = arith.extui %sign3A_321 : i1 to i32
        %sign3A_323 = arith.subi %sign3A_319, %sign3A_322 : i32
        %sign3A_324 = arith.constant 0 : i32
        %sign3A_325 = arith.cmpi sgt, %jit3A, %sign3A_324 : i32
        %sign3A_326 = arith.extui %sign3A_325 : i1 to i32
        %sign3A_327 = arith.constant 0 : i32
        %sign3A_328 = arith.cmpi slt, %jit3A, %sign3A_327 : i32
        %sign3A_329 = arith.extui %sign3A_328 : i1 to i32
        %sign3A_330 = arith.subi %sign3A_326, %sign3A_329 : i32
        %ne3A = arith.cmpi ne, %sign3A_323, %sign3A_330 : i32
        %rem3A = arith.remsi %sub3A_220, %jit3A : i32
        %ne3A_331 = arith.constant 0 : i32
        %ne3A_332 = arith.cmpi ne, %rem3A, %ne3A_331 : i32
        %and3A_333 = arith.andi %ne3A, %ne3A_332 : i1
        %sub3A_334 = arith.constant 1 : i32
        %sub3A_335 = arith.subi %div3A, %sub3A_334 : i32
        %select_n3A = arith.select %and3A_333, %sub3A_335, %div3A : i32
        %jit3A_336 = arith.constant 2 : i32
        %eq3A = arith.constant 0 : i32
        %eq3A_337 = arith.cmpi eq, %jit3A_336, %eq3A : i32
        %jit3A_338 = arith.constant 1 : i32
        %select_n3A_339 = arith.select %eq3A_337, %jit3A_338, %jit3A_336 : i32
        %rem3A_340 = arith.remsi %select_n3A, %select_n3A_339 : i32
        %ne3A_341 = arith.constant 0 : i32
        %ne3A_342 = arith.cmpi ne, %rem3A_340, %ne3A_341 : i32
        %lt3A_343 = arith.constant 0 : i32
        %lt3A_344 = arith.cmpi slt, %rem3A_340, %lt3A_343 : i32
        %lt3A_345 = arith.constant 0 : i32
        %lt3A_346 = arith.cmpi slt, %select_n3A_339, %lt3A_345 : i32
        %ne3A_347 = arith.xori %lt3A_344, %lt3A_346 : i1
        %and3A_348 = arith.andi %ne3A_347, %ne3A_342 : i1
        %add3A_349 = arith.addi %rem3A_340, %select_n3A_339 : i32
        %select_n3A_350 = arith.select %and3A_348, %add3A_349, %rem3A_340 : i32
        %jit3A_351 = arith.constant 16 : i32
        %eq3A_352 = arith.constant 0 : i32
        %eq3A_353 = arith.cmpi eq, %jit3A_351, %eq3A_352 : i32
        %jit3A_354 = arith.constant 1 : i32
        %select_n3A_355 = arith.select %eq3A_353, %jit3A_354, %jit3A_351 : i32
        %rem3A_356 = arith.remsi %sub3A_220, %select_n3A_355 : i32
        %ne3A_357 = arith.constant 0 : i32
        %ne3A_358 = arith.cmpi ne, %rem3A_356, %ne3A_357 : i32
        %lt3A_359 = arith.constant 0 : i32
        %lt3A_360 = arith.cmpi slt, %rem3A_356, %lt3A_359 : i32
        %lt3A_361 = arith.constant 0 : i32
        %lt3A_362 = arith.cmpi slt, %select_n3A_355, %lt3A_361 : i32
        %ne3A_363 = arith.xori %lt3A_360, %lt3A_362 : i1
        %and3A_364 = arith.andi %ne3A_363, %ne3A_358 : i1
        %add3A_365 = arith.addi %rem3A_356, %select_n3A_355 : i32
        %select_n3A_366 = arith.select %and3A_364, %add3A_365, %rem3A_356 : i32
        %dma_start3A_367 = arith.constant 7 : i32
        %dma_start3A_368 = arith.constant 0 : i32
        %dma_start3A_369 = arith.constant 0 : i32
        %dma_start3A_370 = tpu.memref_slice %arg13[%dma_start3A_367, %dma_start3A_368, %dma_start3A_369] : memref<8x128x64xf32, #tpu.memory_space<vmem>> -> memref<1x128x64xf32, #tpu.memory_space<vmem>>
        %dma_start3A_371 = tpu.memref_squeeze %dma_start3A_370 : memref<1x128x64xf32, #tpu.memory_space<vmem>> -> memref<128x64xf32, #tpu.memory_space<vmem>>
        %dma_start3A_372 = arith.constant 0 : i32
        %dma_start3A_373 = tpu.memref_slice %arg12[%select_n3A_350, %select_n3A_366, %dma_start3A_372] : memref<2x16x128xi32, #tpu.memory_space<vmem>> -> memref<1x1x128xi32, #tpu.memory_space<vmem>>
        %dma_start3A_374 = tpu.memref_squeeze %dma_start3A_373 : memref<1x1x128xi32, #tpu.memory_space<vmem>> -> memref<128xi32, #tpu.memory_space<vmem>>
        %dma_start3A_375 = arith.constant 0 : i32
        %dma_start3A_376 = arith.constant 0 : i32
        %dma_start3A_377 = tpu.memref_slice %arg15[%dma_start3A_375, %dma_start3A_376] : memref<10240x64xf32, #tpu.memory_space<vmem_shared>> -> memref<10240x64xf32, #tpu.memory_space<vmem_shared>>
        tpu.enqueue_indirect_dma source(%dma_start3A_371 : memref<128x64xf32, #tpu.memory_space<vmem>>) target(%dma_start3A_377 : memref<10240x64xf32, #tpu.memory_space<vmem_shared>>) offsets(%dma_start3A_374 : memref<128xi32, #tpu.memory_space<vmem>>) semaphore(%arg32 : memref<!tpu.dma_semaphore, #tpu.memory_space<semaphore_mem>>) {add = true}
        %lt3A_378 = arith.constant 80 : i32
        %lt3A_379 = arith.cmpi slt, %sub3A_220, %lt3A_378 : i32
        %eq3A_380 = arith.constant 0 : i32
        %eq3A_381 = arith.cmpi eq, %arg0, %eq3A_380 : i32
        %eq3A_382 = arith.xori %lt3A_379, %eq3A_381 : i1
        %eq3A_383 = arith.constant true
        %eq3A_384 = arith.xori %eq3A_382, %eq3A_383 : i1
        %convert_element_type3A_385 = arith.extui %eq3A_384 : i1 to i32
        %cond3A_386 = arith.constant 0 : i32
        %cond3A_387 = arith.cmpi ne, %convert_element_type3A_385, %cond3A_386 : i32
        scf.if %cond3A_387 {
          %dma_start3A_388 = arith.constant 0 : i32
          %dma_start3A_389 = tpu.memref_slice %arg12[%select_n3A_350, %select_n3A_366, %dma_start3A_388] : memref<2x16x128xi32, #tpu.memory_space<vmem>> -> memref<1x1x128xi32, #tpu.memory_space<vmem>>
          %dma_start3A_390 = tpu.memref_squeeze %dma_start3A_389 : memref<1x1x128xi32, #tpu.memory_space<vmem>> -> memref<128xi32, #tpu.memory_space<vmem>>
          %dma_start3A_391 = arith.constant 0 : i32
          %dma_start3A_392 = arith.constant 0 : i32
          %dma_start3A_393 = tpu.memref_slice %arg16[%dma_start3A_391, %dma_start3A_392] : memref<10240x16xf32, #tpu.memory_space<vmem_shared>> -> memref<10240x16xf32, #tpu.memory_space<vmem_shared>>
          tpu.enqueue_indirect_dma source(%arg14 : memref<128x16xf32, #tpu.memory_space<vmem>>) target(%dma_start3A_393 : memref<10240x16xf32, #tpu.memory_space<vmem_shared>>) offsets(%dma_start3A_390 : memref<128xi32, #tpu.memory_space<vmem>>) semaphore(%arg33 : memref<!tpu.dma_semaphore, #tpu.memory_space<semaphore_mem>>) {add = true}
        } else {
        }
      } else {
      }
      %mul3A_229 = arith.constant 8 : i32
      %mul3A_230 = arith.muli %scan3A_159, %mul3A_229 : i32
      %add3A_231 = arith.constant 4 : i32
      %add3A_232 = arith.addi %mul3A_230, %add3A_231 : i32
      %lt3A_233 = arith.constant 160 : i32
      %lt3A_234 = arith.cmpi slt, %add3A_232, %lt3A_233 : i32
      %convert_element_type3A_235 = arith.extui %lt3A_234 : i1 to i32
      %cond3A_236 = arith.constant 0 : i32
      %cond3A_237 = arith.cmpi ne, %convert_element_type3A_235, %cond3A_236 : i32
      scf.if %cond3A_237 {
        %jit3A = arith.constant 16 : i32
        %eq3A = arith.constant 0 : i32
        %eq3A_305 = arith.cmpi eq, %jit3A, %eq3A : i32
        %jit3A_306 = arith.constant 1 : i32
        %select_n3A = arith.select %eq3A_305, %jit3A_306, %jit3A : i32
        %rem3A = arith.remsi %add3A_232, %select_n3A : i32
        %ne3A = arith.constant 0 : i32
        %ne3A_307 = arith.cmpi ne, %rem3A, %ne3A : i32
        %lt3A_308 = arith.constant 0 : i32
        %lt3A_309 = arith.cmpi slt, %rem3A, %lt3A_308 : i32
        %lt3A_310 = arith.constant 0 : i32
        %lt3A_311 = arith.cmpi slt, %select_n3A, %lt3A_310 : i32
        %ne3A_312 = arith.xori %lt3A_309, %lt3A_311 : i1
        %and3A_313 = arith.andi %ne3A_312, %ne3A_307 : i1
        %add3A_314 = arith.addi %rem3A, %select_n3A : i32
        %select_n3A_315 = arith.select %and3A_313, %add3A_314, %rem3A : i32
        %eq3A_316 = arith.constant 0 : i32
        %eq3A_317 = arith.cmpi eq, %select_n3A_315, %eq3A_316 : i32
        %convert_element_type3A_318 = arith.extui %eq3A_317 : i1 to i32
        %cond3A_319 = arith.constant 0 : i32
        %cond3A_320 = arith.cmpi ne, %convert_element_type3A_318, %cond3A_319 : i32
        scf.if %cond3A_320 {
          %jit3A_418 = arith.constant 16 : i32
          %div3A_419 = arith.divsi %add3A_232, %jit3A_418 : i32
          %sign3A_420 = arith.constant 0 : i32
          %sign3A_421 = arith.cmpi sgt, %add3A_232, %sign3A_420 : i32
          %sign3A_422 = arith.extui %sign3A_421 : i1 to i32
          %sign3A_423 = arith.constant 0 : i32
          %sign3A_424 = arith.cmpi slt, %add3A_232, %sign3A_423 : i32
          %sign3A_425 = arith.extui %sign3A_424 : i1 to i32
          %sign3A_426 = arith.subi %sign3A_422, %sign3A_425 : i32
          %sign3A_427 = arith.constant 0 : i32
          %sign3A_428 = arith.cmpi sgt, %jit3A_418, %sign3A_427 : i32
          %sign3A_429 = arith.extui %sign3A_428 : i1 to i32
          %sign3A_430 = arith.constant 0 : i32
          %sign3A_431 = arith.cmpi slt, %jit3A_418, %sign3A_430 : i32
          %sign3A_432 = arith.extui %sign3A_431 : i1 to i32
          %sign3A_433 = arith.subi %sign3A_429, %sign3A_432 : i32
          %ne3A_434 = arith.cmpi ne, %sign3A_426, %sign3A_433 : i32
          %rem3A_435 = arith.remsi %add3A_232, %jit3A_418 : i32
          %ne3A_436 = arith.constant 0 : i32
          %ne3A_437 = arith.cmpi ne, %rem3A_435, %ne3A_436 : i32
          %and3A_438 = arith.andi %ne3A_434, %ne3A_437 : i1
          %sub3A_439 = arith.constant 1 : i32
          %sub3A_440 = arith.subi %div3A_419, %sub3A_439 : i32
          %select_n3A_441 = arith.select %and3A_438, %sub3A_440, %div3A_419 : i32
          %jit3A_442 = arith.constant 16 : i32
          %div3A_443 = arith.divsi %add3A_232, %jit3A_442 : i32
          %sign3A_444 = arith.constant 0 : i32
          %sign3A_445 = arith.cmpi sgt, %add3A_232, %sign3A_444 : i32
          %sign3A_446 = arith.extui %sign3A_445 : i1 to i32
          %sign3A_447 = arith.constant 0 : i32
          %sign3A_448 = arith.cmpi slt, %add3A_232, %sign3A_447 : i32
          %sign3A_449 = arith.extui %sign3A_448 : i1 to i32
          %sign3A_450 = arith.subi %sign3A_446, %sign3A_449 : i32
          %sign3A_451 = arith.constant 0 : i32
          %sign3A_452 = arith.cmpi sgt, %jit3A_442, %sign3A_451 : i32
          %sign3A_453 = arith.extui %sign3A_452 : i1 to i32
          %sign3A_454 = arith.constant 0 : i32
          %sign3A_455 = arith.cmpi slt, %jit3A_442, %sign3A_454 : i32
          %sign3A_456 = arith.extui %sign3A_455 : i1 to i32
          %sign3A_457 = arith.subi %sign3A_453, %sign3A_456 : i32
          %ne3A_458 = arith.cmpi ne, %sign3A_450, %sign3A_457 : i32
          %rem3A_459 = arith.remsi %add3A_232, %jit3A_442 : i32
          %ne3A_460 = arith.constant 0 : i32
          %ne3A_461 = arith.cmpi ne, %rem3A_459, %ne3A_460 : i32
          %and3A_462 = arith.andi %ne3A_458, %ne3A_461 : i1
          %sub3A_463 = arith.constant 1 : i32
          %sub3A_464 = arith.subi %div3A_443, %sub3A_463 : i32
          %select_n3A_465 = arith.select %and3A_462, %sub3A_464, %div3A_443 : i32
          %jit3A_466 = arith.constant 2 : i32
          %eq3A_467 = arith.constant 0 : i32
          %eq3A_468 = arith.cmpi eq, %jit3A_466, %eq3A_467 : i32
          %jit3A_469 = arith.constant 1 : i32
          %select_n3A_470 = arith.select %eq3A_468, %jit3A_469, %jit3A_466 : i32
          %rem3A_471 = arith.remsi %select_n3A_465, %select_n3A_470 : i32
          %ne3A_472 = arith.constant 0 : i32
          %ne3A_473 = arith.cmpi ne, %rem3A_471, %ne3A_472 : i32
          %lt3A_474 = arith.constant 0 : i32
          %lt3A_475 = arith.cmpi slt, %rem3A_471, %lt3A_474 : i32
          %lt3A_476 = arith.constant 0 : i32
          %lt3A_477 = arith.cmpi slt, %select_n3A_470, %lt3A_476 : i32
          %ne3A_478 = arith.xori %lt3A_475, %lt3A_477 : i1
          %and3A_479 = arith.andi %ne3A_478, %ne3A_473 : i1
          %add3A_480 = arith.addi %rem3A_471, %select_n3A_470 : i32
          %select_n3A_481 = arith.select %and3A_479, %add3A_480, %rem3A_471 : i32
          %dma_wait3A_482 = arith.constant 0 : i32
          %dma_wait3A_483 = arith.constant 0 : i32
          %dma_wait3A_484 = tpu.memref_slice %arg11[%select_n3A_481, %dma_wait3A_482, %dma_wait3A_483] : memref<2x16x128xi32, #tpu.memory_space<vmem>> -> memref<1x16x128xi32, #tpu.memory_space<vmem>>
          %dma_wait3A_485 = tpu.memref_squeeze %dma_wait3A_484 : memref<1x16x128xi32, #tpu.memory_space<vmem>> -> memref<16x128xi32, #tpu.memory_space<vmem>>
          %dma_wait3A_486 = arith.constant 0 : i32
          %dma_wait3A_487 = arith.constant 0 : i32
          %dma_wait3A_488 = tpu.memref_slice %arg2[%arg1, %select_n3A_441, %dma_wait3A_486, %dma_wait3A_487] : memref<16x10x16x128xi32, #tpu.memory_space<hbm>> -> memref<1x1x16x128xi32, #tpu.memory_space<hbm>>
          %dma_wait3A_489 = tpu.memref_squeeze %dma_wait3A_488 : memref<1x1x16x128xi32, #tpu.memory_space<hbm>> -> memref<16x128xi32, #tpu.memory_space<hbm>>
          %dma_wait3A_490 = arith.constant 0 : i32
          %dma_wait3A_491 = arith.constant 0 : i32
          %dma_wait3A_492 = tpu.memref_slice %arg11[%select_n3A_481, %dma_wait3A_490, %dma_wait3A_491] : memref<2x16x128xi32, #tpu.memory_space<vmem>> -> memref<1x16x128xi32, #tpu.memory_space<vmem>>
          %dma_wait3A_493 = tpu.memref_squeeze %dma_wait3A_492 : memref<1x16x128xi32, #tpu.memory_space<vmem>> -> memref<16x128xi32, #tpu.memory_space<vmem>>
          %dma_wait3A_494 = arith.constant 0 : i32
          %dma_wait3A_495 = arith.constant 0 : i32
          %dma_wait3A_496 = tpu.memref_slice %arg2[%arg1, %select_n3A_441, %dma_wait3A_494, %dma_wait3A_495] : memref<16x10x16x128xi32, #tpu.memory_space<hbm>> -> memref<1x1x16x128xi32, #tpu.memory_space<hbm>>
          %dma_wait3A_497 = tpu.memref_squeeze %dma_wait3A_496 : memref<1x1x16x128xi32, #tpu.memory_space<hbm>> -> memref<16x128xi32, #tpu.memory_space<hbm>>
          tpu.wait_dma2 semaphore(%arg34 : memref<!tpu.dma_semaphore, #tpu.memory_space<semaphore_mem>>) src(%dma_wait3A_497 : memref<16x128xi32, #tpu.memory_space<hbm>>) dst(%dma_wait3A_493 : memref<16x128xi32, #tpu.memory_space<vmem>>)
          %dma_wait3A_498 = arith.constant 0 : i32
          %dma_wait3A_499 = arith.constant 0 : i32
          %dma_wait3A_500 = tpu.memref_slice %arg12[%select_n3A_481, %dma_wait3A_498, %dma_wait3A_499] : memref<2x16x128xi32, #tpu.memory_space<vmem>> -> memref<1x16x128xi32, #tpu.memory_space<vmem>>
          %dma_wait3A_501 = tpu.memref_squeeze %dma_wait3A_500 : memref<1x16x128xi32, #tpu.memory_space<vmem>> -> memref<16x128xi32, #tpu.memory_space<vmem>>
          %dma_wait3A_502 = arith.constant 0 : i32
          %dma_wait3A_503 = arith.constant 0 : i32
          %dma_wait3A_504 = tpu.memref_slice %arg3[%arg1, %select_n3A_441, %dma_wait3A_502, %dma_wait3A_503] : memref<16x10x16x128xi32, #tpu.memory_space<hbm>> -> memref<1x1x16x128xi32, #tpu.memory_space<hbm>>
          %dma_wait3A_505 = tpu.memref_squeeze %dma_wait3A_504 : memref<1x1x16x128xi32, #tpu.memory_space<hbm>> -> memref<16x128xi32, #tpu.memory_space<hbm>>
          %dma_wait3A_506 = arith.constant 0 : i32
          %dma_wait3A_507 = arith.constant 0 : i32
          %dma_wait3A_508 = tpu.memref_slice %arg12[%select_n3A_481, %dma_wait3A_506, %dma_wait3A_507] : memref<2x16x128xi32, #tpu.memory_space<vmem>> -> memref<1x16x128xi32, #tpu.memory_space<vmem>>
          %dma_wait3A_509 = tpu.memref_squeeze %dma_wait3A_508 : memref<1x16x128xi32, #tpu.memory_space<vmem>> -> memref<16x128xi32, #tpu.memory_space<vmem>>
          %dma_wait3A_510 = arith.constant 0 : i32
          %dma_wait3A_511 = arith.constant 0 : i32
          %dma_wait3A_512 = tpu.memref_slice %arg3[%arg1, %select_n3A_441, %dma_wait3A_510, %dma_wait3A_511] : memref<16x10x16x128xi32, #tpu.memory_space<hbm>> -> memref<1x1x16x128xi32, #tpu.memory_space<hbm>>
          %dma_wait3A_513 = tpu.memref_squeeze %dma_wait3A_512 : memref<1x1x16x128xi32, #tpu.memory_space<hbm>> -> memref<16x128xi32, #tpu.memory_space<hbm>>
          tpu.wait_dma2 semaphore(%arg34 : memref<!tpu.dma_semaphore, #tpu.memory_space<semaphore_mem>>) src(%dma_wait3A_513 : memref<16x128xi32, #tpu.memory_space<hbm>>) dst(%dma_wait3A_509 : memref<16x128xi32, #tpu.memory_space<vmem>>)
        } else {
        }
        %ge3A_321 = arith.constant 8 : i32
        %ge3A_322 = arith.cmpi sge, %add3A_232, %ge3A_321 : i32
        %convert_element_type3A_323 = arith.extui %ge3A_322 : i1 to i32
        %cond3A_324 = arith.constant 0 : i32
        %cond3A_325 = arith.cmpi ne, %convert_element_type3A_323, %cond3A_324 : i32
        scf.if %cond3A_325 {
          %dma_wait3A_418 = arith.constant 4 : i32
          %dma_wait3A_419 = arith.constant 0 : i32
          %dma_wait3A_420 = arith.constant 0 : i32
          %dma_wait3A_421 = arith.constant 0 : i32
          %dma_wait3A_422 = arith.constant 0 : i32
          %dma_wait3A_423 = tpu.memref_slice %arg13[%dma_wait3A_418, %dma_wait3A_421, %dma_wait3A_422] : memref<8x128x64xf32, #tpu.memory_space<vmem>> -> memref<1x128x64xf32, #tpu.memory_space<vmem>>
          %dma_wait3A_424 = tpu.memref_squeeze %dma_wait3A_423 : memref<1x128x64xf32, #tpu.memory_space<vmem>> -> memref<128x64xf32, #tpu.memory_space<vmem>>
          %dma_wait3A_425 = arith.constant 0 : i32
          %dma_wait3A_426 = tpu.memref_slice %arg12[%dma_wait3A_419, %dma_wait3A_420, %dma_wait3A_425] : memref<2x16x128xi32, #tpu.memory_space<vmem>> -> memref<1x1x128xi32, #tpu.memory_space<vmem>>
          %dma_wait3A_427 = tpu.memref_squeeze %dma_wait3A_426 : memref<1x1x128xi32, #tpu.memory_space<vmem>> -> memref<128xi32, #tpu.memory_space<vmem>>
          %dma_wait3A_428 = arith.constant 0 : i32
          %dma_wait3A_429 = arith.constant 0 : i32
          %dma_wait3A_430 = tpu.memref_slice %arg15[%dma_wait3A_428, %dma_wait3A_429] : memref<10240x64xf32, #tpu.memory_space<vmem_shared>> -> memref<10240x64xf32, #tpu.memory_space<vmem_shared>>
          tpu.wait_indirect_dma semaphore(%arg29 : memref<!tpu.dma_semaphore, #tpu.memory_space<semaphore_mem>>) src(%dma_wait3A_424 : memref<128x64xf32, #tpu.memory_space<vmem>>) dst(%dma_wait3A_430 : memref<10240x64xf32, #tpu.memory_space<vmem_shared>>)
        } else {
        }
        %jit3A_326 = arith.constant 16 : i32
        %div3A = arith.divsi %add3A_232, %jit3A_326 : i32
        %sign3A = arith.constant 0 : i32
        %sign3A_327 = arith.cmpi sgt, %add3A_232, %sign3A : i32
        %sign3A_328 = arith.extui %sign3A_327 : i1 to i32
        %sign3A_329 = arith.constant 0 : i32
        %sign3A_330 = arith.cmpi slt, %add3A_232, %sign3A_329 : i32
        %sign3A_331 = arith.extui %sign3A_330 : i1 to i32
        %sign3A_332 = arith.subi %sign3A_328, %sign3A_331 : i32
        %sign3A_333 = arith.constant 0 : i32
        %sign3A_334 = arith.cmpi sgt, %jit3A_326, %sign3A_333 : i32
        %sign3A_335 = arith.extui %sign3A_334 : i1 to i32
        %sign3A_336 = arith.constant 0 : i32
        %sign3A_337 = arith.cmpi slt, %jit3A_326, %sign3A_336 : i32
        %sign3A_338 = arith.extui %sign3A_337 : i1 to i32
        %sign3A_339 = arith.subi %sign3A_335, %sign3A_338 : i32
        %ne3A_340 = arith.cmpi ne, %sign3A_332, %sign3A_339 : i32
        %rem3A_341 = arith.remsi %add3A_232, %jit3A_326 : i32
        %ne3A_342 = arith.constant 0 : i32
        %ne3A_343 = arith.cmpi ne, %rem3A_341, %ne3A_342 : i32
        %and3A_344 = arith.andi %ne3A_340, %ne3A_343 : i1
        %sub3A_345 = arith.constant 1 : i32
        %sub3A_346 = arith.subi %div3A, %sub3A_345 : i32
        %select_n3A_347 = arith.select %and3A_344, %sub3A_346, %div3A : i32
        %jit3A_348 = arith.constant 2 : i32
        %eq3A_349 = arith.constant 0 : i32
        %eq3A_350 = arith.cmpi eq, %jit3A_348, %eq3A_349 : i32
        %jit3A_351 = arith.constant 1 : i32
        %select_n3A_352 = arith.select %eq3A_350, %jit3A_351, %jit3A_348 : i32
        %rem3A_353 = arith.remsi %select_n3A_347, %select_n3A_352 : i32
        %ne3A_354 = arith.constant 0 : i32
        %ne3A_355 = arith.cmpi ne, %rem3A_353, %ne3A_354 : i32
        %lt3A_356 = arith.constant 0 : i32
        %lt3A_357 = arith.cmpi slt, %rem3A_353, %lt3A_356 : i32
        %lt3A_358 = arith.constant 0 : i32
        %lt3A_359 = arith.cmpi slt, %select_n3A_352, %lt3A_358 : i32
        %ne3A_360 = arith.xori %lt3A_357, %lt3A_359 : i1
        %and3A_361 = arith.andi %ne3A_360, %ne3A_355 : i1
        %add3A_362 = arith.addi %rem3A_353, %select_n3A_352 : i32
        %select_n3A_363 = arith.select %and3A_361, %add3A_362, %rem3A_353 : i32
        %jit3A_364 = arith.constant 16 : i32
        %eq3A_365 = arith.constant 0 : i32
        %eq3A_366 = arith.cmpi eq, %jit3A_364, %eq3A_365 : i32
        %jit3A_367 = arith.constant 1 : i32
        %select_n3A_368 = arith.select %eq3A_366, %jit3A_367, %jit3A_364 : i32
        %rem3A_369 = arith.remsi %add3A_232, %select_n3A_368 : i32
        %ne3A_370 = arith.constant 0 : i32
        %ne3A_371 = arith.cmpi ne, %rem3A_369, %ne3A_370 : i32
        %lt3A_372 = arith.constant 0 : i32
        %lt3A_373 = arith.cmpi slt, %rem3A_369, %lt3A_372 : i32
        %lt3A_374 = arith.constant 0 : i32
        %lt3A_375 = arith.cmpi slt, %select_n3A_368, %lt3A_374 : i32
        %ne3A_376 = arith.xori %lt3A_373, %lt3A_375 : i1
        %and3A_377 = arith.andi %ne3A_376, %ne3A_371 : i1
        %add3A_378 = arith.addi %rem3A_369, %select_n3A_368 : i32
        %select_n3A_379 = arith.select %and3A_377, %add3A_378, %rem3A_369 : i32
        %eq3A_380 = arith.constant 0 : i32
        %eq3A_381 = arith.cmpi eq, %arg0, %eq3A_380 : i32
        %convert_element_type3A_382 = arith.extui %eq3A_381 : i1 to i32
        %cond3A_383 = arith.constant 0 : i32
        %cond3A_384 = arith.cmpi ne, %convert_element_type3A_382, %cond3A_383 : i32
        scf.if %cond3A_384 {
          %dma_start3A_418 = arith.constant 4 : i32
          %dma_start3A_419 = arith.constant 0 : i32
          %dma_start3A_420 = arith.constant 0 : i32
          %dma_start3A_421 = tpu.memref_slice %arg13[%dma_start3A_418, %dma_start3A_419, %dma_start3A_420] : memref<8x128x64xf32, #tpu.memory_space<vmem>> -> memref<1x128x64xf32, #tpu.memory_space<vmem>>
          %dma_start3A_422 = tpu.memref_squeeze %dma_start3A_421 : memref<1x128x64xf32, #tpu.memory_space<vmem>> -> memref<128x64xf32, #tpu.memory_space<vmem>>
          %dma_start3A_423 = arith.constant 0 : i32
          %dma_start3A_424 = tpu.memref_slice %arg11[%select_n3A_363, %select_n3A_379, %dma_start3A_423] : memref<2x16x128xi32, #tpu.memory_space<vmem>> -> memref<1x1x128xi32, #tpu.memory_space<vmem>>
          %dma_start3A_425 = tpu.memref_squeeze %dma_start3A_424 : memref<1x1x128xi32, #tpu.memory_space<vmem>> -> memref<128xi32, #tpu.memory_space<vmem>>
          %dma_start3A_426 = arith.constant 0 : i32
          %dma_start3A_427 = arith.constant 0 : i32
          %dma_start3A_428 = tpu.memref_slice %arg4[%dma_start3A_426, %dma_start3A_427] : memref<10000x64xf32, #tpu.memory_space<hbm>> -> memref<10000x64xf32, #tpu.memory_space<hbm>>
          tpu.enqueue_indirect_dma source(%dma_start3A_428 : memref<10000x64xf32, #tpu.memory_space<hbm>>) target(%dma_start3A_422 : memref<128x64xf32, #tpu.memory_space<vmem>>) offsets(%dma_start3A_425 : memref<128xi32, #tpu.memory_space<vmem>>) semaphore(%arg21 : memref<!tpu.dma_semaphore, #tpu.memory_space<semaphore_mem>>)
        } else {
        }
        %eq3A_385 = arith.constant 1 : i32
        %eq3A_386 = arith.cmpi eq, %arg0, %eq3A_385 : i32
        %convert_element_type3A_387 = arith.extui %eq3A_386 : i1 to i32
        %cond3A_388 = arith.constant 0 : i32
        %cond3A_389 = arith.cmpi ne, %convert_element_type3A_387, %cond3A_388 : i32
        scf.if %cond3A_389 {
          %dma_start3A_418 = arith.constant 4 : i32
          %dma_start3A_419 = arith.constant 0 : i32
          %dma_start3A_420 = arith.constant 0 : i32
          %dma_start3A_421 = tpu.memref_slice %arg13[%dma_start3A_418, %dma_start3A_419, %dma_start3A_420] : memref<8x128x64xf32, #tpu.memory_space<vmem>> -> memref<1x128x64xf32, #tpu.memory_space<vmem>>
          %dma_start3A_422 = tpu.memref_squeeze %dma_start3A_421 : memref<1x128x64xf32, #tpu.memory_space<vmem>> -> memref<128x64xf32, #tpu.memory_space<vmem>>
          %dma_start3A_423 = arith.constant 0 : i32
          %dma_start3A_424 = tpu.memref_slice %arg11[%select_n3A_363, %select_n3A_379, %dma_start3A_423] : memref<2x16x128xi32, #tpu.memory_space<vmem>> -> memref<1x1x128xi32, #tpu.memory_space<vmem>>
          %dma_start3A_425 = tpu.memref_squeeze %dma_start3A_424 : memref<1x1x128xi32, #tpu.memory_space<vmem>> -> memref<128xi32, #tpu.memory_space<vmem>>
          %dma_start3A_426 = arith.constant 0 : i32
          %dma_start3A_427 = arith.constant 0 : i32
          %dma_start3A_428 = tpu.memref_slice %arg5[%dma_start3A_426, %dma_start3A_427] : memref<10000x64xf32, #tpu.memory_space<hbm>> -> memref<10000x64xf32, #tpu.memory_space<hbm>>
          tpu.enqueue_indirect_dma source(%dma_start3A_428 : memref<10000x64xf32, #tpu.memory_space<hbm>>) target(%dma_start3A_422 : memref<128x64xf32, #tpu.memory_space<vmem>>) offsets(%dma_start3A_425 : memref<128xi32, #tpu.memory_space<vmem>>) semaphore(%arg21 : memref<!tpu.dma_semaphore, #tpu.memory_space<semaphore_mem>>)
        } else {
        }
        %jit3A_390 = arith.constant 16 : i32
        %eq3A_391 = arith.constant 0 : i32
        %eq3A_392 = arith.cmpi eq, %jit3A_390, %eq3A_391 : i32
        %jit3A_393 = arith.constant 1 : i32
        %select_n3A_394 = arith.select %eq3A_392, %jit3A_393, %jit3A_390 : i32
        %rem3A_395 = arith.remsi %add3A_232, %select_n3A_394 : i32
        %ne3A_396 = arith.constant 0 : i32
        %ne3A_397 = arith.cmpi ne, %rem3A_395, %ne3A_396 : i32
        %lt3A_398 = arith.constant 0 : i32
        %lt3A_399 = arith.cmpi slt, %rem3A_395, %lt3A_398 : i32
        %lt3A_400 = arith.constant 0 : i32
        %lt3A_401 = arith.cmpi slt, %select_n3A_394, %lt3A_400 : i32
        %ne3A_402 = arith.xori %lt3A_399, %lt3A_401 : i1
        %and3A_403 = arith.andi %ne3A_402, %ne3A_397 : i1
        %add3A_404 = arith.addi %rem3A_395, %select_n3A_394 : i32
        %select_n3A_405 = arith.select %and3A_403, %add3A_404, %rem3A_395 : i32
        %eq3A_406 = arith.constant 8 : i32
        %eq3A_407 = arith.cmpi eq, %select_n3A_405, %eq3A_406 : i32
        %add3A_408 = arith.constant 16 : i32
        %add3A_409 = arith.addi %add3A_232, %add3A_408 : i32
        %sub3A_410 = arith.constant 8 : i32
        %sub3A_411 = arith.subi %add3A_409, %sub3A_410 : i32
        %lt3A_412 = arith.constant 160 : i32
        %lt3A_413 = arith.cmpi slt, %sub3A_411, %lt3A_412 : i32
        %and3A_414 = arith.andi %eq3A_407, %lt3A_413 : i1
        %convert_element_type3A_415 = arith.extui %and3A_414 : i1 to i32
        %cond3A_416 = arith.constant 0 : i32
        %cond3A_417 = arith.cmpi ne, %convert_element_type3A_415, %cond3A_416 : i32
        scf.if %cond3A_417 {
          %jit3A_418 = arith.constant 16 : i32
          %div3A_419 = arith.divsi %add3A_232, %jit3A_418 : i32
          %sign3A_420 = arith.constant 0 : i32
          %sign3A_421 = arith.cmpi sgt, %add3A_232, %sign3A_420 : i32
          %sign3A_422 = arith.extui %sign3A_421 : i1 to i32
          %sign3A_423 = arith.constant 0 : i32
          %sign3A_424 = arith.cmpi slt, %add3A_232, %sign3A_423 : i32
          %sign3A_425 = arith.extui %sign3A_424 : i1 to i32
          %sign3A_426 = arith.subi %sign3A_422, %sign3A_425 : i32
          %sign3A_427 = arith.constant 0 : i32
          %sign3A_428 = arith.cmpi sgt, %jit3A_418, %sign3A_427 : i32
          %sign3A_429 = arith.extui %sign3A_428 : i1 to i32
          %sign3A_430 = arith.constant 0 : i32
          %sign3A_431 = arith.cmpi slt, %jit3A_418, %sign3A_430 : i32
          %sign3A_432 = arith.extui %sign3A_431 : i1 to i32
          %sign3A_433 = arith.subi %sign3A_429, %sign3A_432 : i32
          %ne3A_434 = arith.cmpi ne, %sign3A_426, %sign3A_433 : i32
          %rem3A_435 = arith.remsi %add3A_232, %jit3A_418 : i32
          %ne3A_436 = arith.constant 0 : i32
          %ne3A_437 = arith.cmpi ne, %rem3A_435, %ne3A_436 : i32
          %and3A_438 = arith.andi %ne3A_434, %ne3A_437 : i1
          %sub3A_439 = arith.constant 1 : i32
          %sub3A_440 = arith.subi %div3A_419, %sub3A_439 : i32
          %select_n3A_441 = arith.select %and3A_438, %sub3A_440, %div3A_419 : i32
          %add3A_442 = arith.constant 1 : i32
          %add3A_443 = arith.addi %select_n3A_441, %add3A_442 : i32
          %jit3A_444 = arith.constant 16 : i32
          %div3A_445 = arith.divsi %add3A_232, %jit3A_444 : i32
          %sign3A_446 = arith.constant 0 : i32
          %sign3A_447 = arith.cmpi sgt, %add3A_232, %sign3A_446 : i32
          %sign3A_448 = arith.extui %sign3A_447 : i1 to i32
          %sign3A_449 = arith.constant 0 : i32
          %sign3A_450 = arith.cmpi slt, %add3A_232, %sign3A_449 : i32
          %sign3A_451 = arith.extui %sign3A_450 : i1 to i32
          %sign3A_452 = arith.subi %sign3A_448, %sign3A_451 : i32
          %sign3A_453 = arith.constant 0 : i32
          %sign3A_454 = arith.cmpi sgt, %jit3A_444, %sign3A_453 : i32
          %sign3A_455 = arith.extui %sign3A_454 : i1 to i32
          %sign3A_456 = arith.constant 0 : i32
          %sign3A_457 = arith.cmpi slt, %jit3A_444, %sign3A_456 : i32
          %sign3A_458 = arith.extui %sign3A_457 : i1 to i32
          %sign3A_459 = arith.subi %sign3A_455, %sign3A_458 : i32
          %ne3A_460 = arith.cmpi ne, %sign3A_452, %sign3A_459 : i32
          %rem3A_461 = arith.remsi %add3A_232, %jit3A_444 : i32
          %ne3A_462 = arith.constant 0 : i32
          %ne3A_463 = arith.cmpi ne, %rem3A_461, %ne3A_462 : i32
          %and3A_464 = arith.andi %ne3A_460, %ne3A_463 : i1
          %sub3A_465 = arith.constant 1 : i32
          %sub3A_466 = arith.subi %div3A_445, %sub3A_465 : i32
          %select_n3A_467 = arith.select %and3A_464, %sub3A_466, %div3A_445 : i32
          %add3A_468 = arith.constant 1 : i32
          %add3A_469 = arith.addi %select_n3A_467, %add3A_468 : i32
          %jit3A_470 = arith.constant 2 : i32
          %eq3A_471 = arith.constant 0 : i32
          %eq3A_472 = arith.cmpi eq, %jit3A_470, %eq3A_471 : i32
          %jit3A_473 = arith.constant 1 : i32
          %select_n3A_474 = arith.select %eq3A_472, %jit3A_473, %jit3A_470 : i32
          %rem3A_475 = arith.remsi %add3A_469, %select_n3A_474 : i32
          %ne3A_476 = arith.constant 0 : i32
          %ne3A_477 = arith.cmpi ne, %rem3A_475, %ne3A_476 : i32
          %lt3A_478 = arith.constant 0 : i32
          %lt3A_479 = arith.cmpi slt, %rem3A_475, %lt3A_478 : i32
          %lt3A_480 = arith.constant 0 : i32
          %lt3A_481 = arith.cmpi slt, %select_n3A_474, %lt3A_480 : i32
          %ne3A_482 = arith.xori %lt3A_479, %lt3A_481 : i1
          %and3A_483 = arith.andi %ne3A_482, %ne3A_477 : i1
          %add3A_484 = arith.addi %rem3A_475, %select_n3A_474 : i32
          %select_n3A_485 = arith.select %and3A_483, %add3A_484, %rem3A_475 : i32
          %dma_start3A_486 = arith.constant 0 : i32
          %dma_start3A_487 = arith.constant 0 : i32
          %dma_start3A_488 = tpu.memref_slice %arg11[%select_n3A_485, %dma_start3A_486, %dma_start3A_487] : memref<2x16x128xi32, #tpu.memory_space<vmem>> -> memref<1x16x128xi32, #tpu.memory_space<vmem>>
          %dma_start3A_489 = tpu.memref_squeeze %dma_start3A_488 : memref<1x16x128xi32, #tpu.memory_space<vmem>> -> memref<16x128xi32, #tpu.memory_space<vmem>>
          %dma_start3A_490 = arith.constant 0 : i32
          %dma_start3A_491 = arith.constant 0 : i32
          %dma_start3A_492 = tpu.memref_slice %arg2[%arg1, %add3A_443, %dma_start3A_490, %dma_start3A_491] : memref<16x10x16x128xi32, #tpu.memory_space<hbm>> -> memref<1x1x16x128xi32, #tpu.memory_space<hbm>>
          %dma_start3A_493 = tpu.memref_squeeze %dma_start3A_492 : memref<1x1x16x128xi32, #tpu.memory_space<hbm>> -> memref<16x128xi32, #tpu.memory_space<hbm>>
          %dma_start3A_494 = arith.constant 0 : i32
          %dma_start3A_495 = arith.constant 0 : i32
          %dma_start3A_496 = tpu.memref_slice %arg11[%select_n3A_485, %dma_start3A_494, %dma_start3A_495] : memref<2x16x128xi32, #tpu.memory_space<vmem>> -> memref<1x16x128xi32, #tpu.memory_space<vmem>>
          %dma_start3A_497 = tpu.memref_squeeze %dma_start3A_496 : memref<1x16x128xi32, #tpu.memory_space<vmem>> -> memref<16x128xi32, #tpu.memory_space<vmem>>
          %dma_start3A_498 = arith.constant 0 : i32
          %dma_start3A_499 = arith.constant 0 : i32
          %dma_start3A_500 = tpu.memref_slice %arg2[%arg1, %add3A_443, %dma_start3A_498, %dma_start3A_499] : memref<16x10x16x128xi32, #tpu.memory_space<hbm>> -> memref<1x1x16x128xi32, #tpu.memory_space<hbm>>
          %dma_start3A_501 = tpu.memref_squeeze %dma_start3A_500 : memref<1x1x16x128xi32, #tpu.memory_space<hbm>> -> memref<16x128xi32, #tpu.memory_space<hbm>>
          tpu.enqueue_dma source(%dma_start3A_501 : memref<16x128xi32, #tpu.memory_space<hbm>>) target(%dma_start3A_497 : memref<16x128xi32, #tpu.memory_space<vmem>>) target_semaphore(%arg34 : memref<!tpu.dma_semaphore, #tpu.memory_space<semaphore_mem>>)
          %dma_start3A_502 = arith.constant 0 : i32
          %dma_start3A_503 = arith.constant 0 : i32
          %dma_start3A_504 = tpu.memref_slice %arg12[%select_n3A_485, %dma_start3A_502, %dma_start3A_503] : memref<2x16x128xi32, #tpu.memory_space<vmem>> -> memref<1x16x128xi32, #tpu.memory_space<vmem>>
          %dma_start3A_505 = tpu.memref_squeeze %dma_start3A_504 : memref<1x16x128xi32, #tpu.memory_space<vmem>> -> memref<16x128xi32, #tpu.memory_space<vmem>>
          %dma_start3A_506 = arith.constant 0 : i32
          %dma_start3A_507 = arith.constant 0 : i32
          %dma_start3A_508 = tpu.memref_slice %arg3[%arg1, %add3A_443, %dma_start3A_506, %dma_start3A_507] : memref<16x10x16x128xi32, #tpu.memory_space<hbm>> -> memref<1x1x16x128xi32, #tpu.memory_space<hbm>>
          %dma_start3A_509 = tpu.memref_squeeze %dma_start3A_508 : memref<1x1x16x128xi32, #tpu.memory_space<hbm>> -> memref<16x128xi32, #tpu.memory_space<hbm>>
          %dma_start3A_510 = arith.constant 0 : i32
          %dma_start3A_511 = arith.constant 0 : i32
          %dma_start3A_512 = tpu.memref_slice %arg12[%select_n3A_485, %dma_start3A_510, %dma_start3A_511] : memref<2x16x128xi32, #tpu.memory_space<vmem>> -> memref<1x16x128xi32, #tpu.memory_space<vmem>>
          %dma_start3A_513 = tpu.memref_squeeze %dma_start3A_512 : memref<1x16x128xi32, #tpu.memory_space<vmem>> -> memref<16x128xi32, #tpu.memory_space<vmem>>
          %dma_start3A_514 = arith.constant 0 : i32
          %dma_start3A_515 = arith.constant 0 : i32
          %dma_start3A_516 = tpu.memref_slice %arg3[%arg1, %add3A_443, %dma_start3A_514, %dma_start3A_515] : memref<16x10x16x128xi32, #tpu.memory_space<hbm>> -> memref<1x1x16x128xi32, #tpu.memory_space<hbm>>
          %dma_start3A_517 = tpu.memref_squeeze %dma_start3A_516 : memref<1x1x16x128xi32, #tpu.memory_space<hbm>> -> memref<16x128xi32, #tpu.memory_space<hbm>>
          tpu.enqueue_dma source(%dma_start3A_517 : memref<16x128xi32, #tpu.memory_space<hbm>>) target(%dma_start3A_513 : memref<16x128xi32, #tpu.memory_space<vmem>>) target_semaphore(%arg34 : memref<!tpu.dma_semaphore, #tpu.memory_space<semaphore_mem>>)
        } else {
        }
      } else {
      }
      %sub3A_238 = arith.constant 4 : i32
      %sub3A_239 = arith.subi %add3A_232, %sub3A_238 : i32
      %ge3A_240 = arith.constant 0 : i32
      %ge3A_241 = arith.cmpi sge, %sub3A_239, %ge3A_240 : i32
      %lt3A_242 = arith.constant 160 : i32
      %lt3A_243 = arith.cmpi slt, %sub3A_239, %lt3A_242 : i32
      %and3A_244 = arith.andi %ge3A_241, %lt3A_243 : i1
      %convert_element_type3A_245 = arith.extui %and3A_244 : i1 to i32
      %cond3A_246 = arith.constant 0 : i32
      %cond3A_247 = arith.cmpi ne, %convert_element_type3A_245, %cond3A_246 : i32
      scf.if %cond3A_247 {
        %dma_wait3A_305 = arith.constant 0 : i32
        %dma_wait3A_306 = arith.constant 0 : i32
        %dma_wait3A_307 = arith.constant 0 : i32
        %dma_wait3A_308 = arith.constant 0 : i32
        %dma_wait3A_309 = arith.constant 0 : i32
        %dma_wait3A_310 = tpu.memref_slice %arg13[%dma_wait3A_307, %dma_wait3A_308, %dma_wait3A_309] : memref<8x128x64xf32, #tpu.memory_space<vmem>> -> memref<1x128x64xf32, #tpu.memory_space<vmem>>
        %dma_wait3A_311 = tpu.memref_squeeze %dma_wait3A_310 : memref<1x128x64xf32, #tpu.memory_space<vmem>> -> memref<128x64xf32, #tpu.memory_space<vmem>>
        %dma_wait3A_312 = arith.constant 0 : i32
        %dma_wait3A_313 = tpu.memref_slice %arg11[%dma_wait3A_305, %dma_wait3A_306, %dma_wait3A_312] : memref<2x16x128xi32, #tpu.memory_space<vmem>> -> memref<1x1x128xi32, #tpu.memory_space<vmem>>
        %dma_wait3A_314 = tpu.memref_squeeze %dma_wait3A_313 : memref<1x1x128xi32, #tpu.memory_space<vmem>> -> memref<128xi32, #tpu.memory_space<vmem>>
        %dma_wait3A_315 = arith.constant 0 : i32
        %dma_wait3A_316 = arith.constant 0 : i32
        %dma_wait3A_317 = tpu.memref_slice %arg4[%dma_wait3A_315, %dma_wait3A_316] : memref<10000x64xf32, #tpu.memory_space<hbm>> -> memref<10000x64xf32, #tpu.memory_space<hbm>>
        tpu.wait_indirect_dma semaphore(%arg17 : memref<!tpu.dma_semaphore, #tpu.memory_space<semaphore_mem>>) src(%dma_wait3A_317 : memref<10000x64xf32, #tpu.memory_space<hbm>>) dst(%dma_wait3A_311 : memref<128x64xf32, #tpu.memory_space<vmem>>)
        %jit3A = arith.constant 16 : i32
        %div3A = arith.divsi %sub3A_239, %jit3A : i32
        %sign3A = arith.constant 0 : i32
        %sign3A_318 = arith.cmpi sgt, %sub3A_239, %sign3A : i32
        %sign3A_319 = arith.extui %sign3A_318 : i1 to i32
        %sign3A_320 = arith.constant 0 : i32
        %sign3A_321 = arith.cmpi slt, %sub3A_239, %sign3A_320 : i32
        %sign3A_322 = arith.extui %sign3A_321 : i1 to i32
        %sign3A_323 = arith.subi %sign3A_319, %sign3A_322 : i32
        %sign3A_324 = arith.constant 0 : i32
        %sign3A_325 = arith.cmpi sgt, %jit3A, %sign3A_324 : i32
        %sign3A_326 = arith.extui %sign3A_325 : i1 to i32
        %sign3A_327 = arith.constant 0 : i32
        %sign3A_328 = arith.cmpi slt, %jit3A, %sign3A_327 : i32
        %sign3A_329 = arith.extui %sign3A_328 : i1 to i32
        %sign3A_330 = arith.subi %sign3A_326, %sign3A_329 : i32
        %ne3A = arith.cmpi ne, %sign3A_323, %sign3A_330 : i32
        %rem3A = arith.remsi %sub3A_239, %jit3A : i32
        %ne3A_331 = arith.constant 0 : i32
        %ne3A_332 = arith.cmpi ne, %rem3A, %ne3A_331 : i32
        %and3A_333 = arith.andi %ne3A, %ne3A_332 : i1
        %sub3A_334 = arith.constant 1 : i32
        %sub3A_335 = arith.subi %div3A, %sub3A_334 : i32
        %select_n3A = arith.select %and3A_333, %sub3A_335, %div3A : i32
        %jit3A_336 = arith.constant 2 : i32
        %eq3A = arith.constant 0 : i32
        %eq3A_337 = arith.cmpi eq, %jit3A_336, %eq3A : i32
        %jit3A_338 = arith.constant 1 : i32
        %select_n3A_339 = arith.select %eq3A_337, %jit3A_338, %jit3A_336 : i32
        %rem3A_340 = arith.remsi %select_n3A, %select_n3A_339 : i32
        %ne3A_341 = arith.constant 0 : i32
        %ne3A_342 = arith.cmpi ne, %rem3A_340, %ne3A_341 : i32
        %lt3A_343 = arith.constant 0 : i32
        %lt3A_344 = arith.cmpi slt, %rem3A_340, %lt3A_343 : i32
        %lt3A_345 = arith.constant 0 : i32
        %lt3A_346 = arith.cmpi slt, %select_n3A_339, %lt3A_345 : i32
        %ne3A_347 = arith.xori %lt3A_344, %lt3A_346 : i1
        %and3A_348 = arith.andi %ne3A_347, %ne3A_342 : i1
        %add3A_349 = arith.addi %rem3A_340, %select_n3A_339 : i32
        %select_n3A_350 = arith.select %and3A_348, %add3A_349, %rem3A_340 : i32
        %jit3A_351 = arith.constant 16 : i32
        %eq3A_352 = arith.constant 0 : i32
        %eq3A_353 = arith.cmpi eq, %jit3A_351, %eq3A_352 : i32
        %jit3A_354 = arith.constant 1 : i32
        %select_n3A_355 = arith.select %eq3A_353, %jit3A_354, %jit3A_351 : i32
        %rem3A_356 = arith.remsi %sub3A_239, %select_n3A_355 : i32
        %ne3A_357 = arith.constant 0 : i32
        %ne3A_358 = arith.cmpi ne, %rem3A_356, %ne3A_357 : i32
        %lt3A_359 = arith.constant 0 : i32
        %lt3A_360 = arith.cmpi slt, %rem3A_356, %lt3A_359 : i32
        %lt3A_361 = arith.constant 0 : i32
        %lt3A_362 = arith.cmpi slt, %select_n3A_355, %lt3A_361 : i32
        %ne3A_363 = arith.xori %lt3A_360, %lt3A_362 : i1
        %and3A_364 = arith.andi %ne3A_363, %ne3A_358 : i1
        %add3A_365 = arith.addi %rem3A_356, %select_n3A_355 : i32
        %select_n3A_366 = arith.select %and3A_364, %add3A_365, %rem3A_356 : i32
        %dma_start3A_367 = arith.constant 0 : i32
        %dma_start3A_368 = arith.constant 0 : i32
        %dma_start3A_369 = arith.constant 0 : i32
        %dma_start3A_370 = tpu.memref_slice %arg13[%dma_start3A_367, %dma_start3A_368, %dma_start3A_369] : memref<8x128x64xf32, #tpu.memory_space<vmem>> -> memref<1x128x64xf32, #tpu.memory_space<vmem>>
        %dma_start3A_371 = tpu.memref_squeeze %dma_start3A_370 : memref<1x128x64xf32, #tpu.memory_space<vmem>> -> memref<128x64xf32, #tpu.memory_space<vmem>>
        %dma_start3A_372 = arith.constant 0 : i32
        %dma_start3A_373 = tpu.memref_slice %arg12[%select_n3A_350, %select_n3A_366, %dma_start3A_372] : memref<2x16x128xi32, #tpu.memory_space<vmem>> -> memref<1x1x128xi32, #tpu.memory_space<vmem>>
        %dma_start3A_374 = tpu.memref_squeeze %dma_start3A_373 : memref<1x1x128xi32, #tpu.memory_space<vmem>> -> memref<128xi32, #tpu.memory_space<vmem>>
        %dma_start3A_375 = arith.constant 0 : i32
        %dma_start3A_376 = arith.constant 0 : i32
        %dma_start3A_377 = tpu.memref_slice %arg15[%dma_start3A_375, %dma_start3A_376] : memref<10240x64xf32, #tpu.memory_space<vmem_shared>> -> memref<10240x64xf32, #tpu.memory_space<vmem_shared>>
        tpu.enqueue_indirect_dma source(%dma_start3A_371 : memref<128x64xf32, #tpu.memory_space<vmem>>) target(%dma_start3A_377 : memref<10240x64xf32, #tpu.memory_space<vmem_shared>>) offsets(%dma_start3A_374 : memref<128xi32, #tpu.memory_space<vmem>>) semaphore(%arg25 : memref<!tpu.dma_semaphore, #tpu.memory_space<semaphore_mem>>) {add = true}
        %lt3A_378 = arith.constant 80 : i32
        %lt3A_379 = arith.cmpi slt, %sub3A_239, %lt3A_378 : i32
        %eq3A_380 = arith.constant 0 : i32
        %eq3A_381 = arith.cmpi eq, %arg0, %eq3A_380 : i32
        %eq3A_382 = arith.xori %lt3A_379, %eq3A_381 : i1
        %eq3A_383 = arith.constant true
        %eq3A_384 = arith.xori %eq3A_382, %eq3A_383 : i1
        %convert_element_type3A_385 = arith.extui %eq3A_384 : i1 to i32
        %cond3A_386 = arith.constant 0 : i32
        %cond3A_387 = arith.cmpi ne, %convert_element_type3A_385, %cond3A_386 : i32
        scf.if %cond3A_387 {
          %dma_start3A_388 = arith.constant 0 : i32
          %dma_start3A_389 = tpu.memref_slice %arg12[%select_n3A_350, %select_n3A_366, %dma_start3A_388] : memref<2x16x128xi32, #tpu.memory_space<vmem>> -> memref<1x1x128xi32, #tpu.memory_space<vmem>>
          %dma_start3A_390 = tpu.memref_squeeze %dma_start3A_389 : memref<1x1x128xi32, #tpu.memory_space<vmem>> -> memref<128xi32, #tpu.memory_space<vmem>>
          %dma_start3A_391 = arith.constant 0 : i32
          %dma_start3A_392 = arith.constant 0 : i32
          %dma_start3A_393 = tpu.memref_slice %arg16[%dma_start3A_391, %dma_start3A_392] : memref<10240x16xf32, #tpu.memory_space<vmem_shared>> -> memref<10240x16xf32, #tpu.memory_space<vmem_shared>>
          tpu.enqueue_indirect_dma source(%arg14 : memref<128x16xf32, #tpu.memory_space<vmem>>) target(%dma_start3A_393 : memref<10240x16xf32, #tpu.memory_space<vmem_shared>>) offsets(%dma_start3A_390 : memref<128xi32, #tpu.memory_space<vmem>>) semaphore(%arg33 : memref<!tpu.dma_semaphore, #tpu.memory_space<semaphore_mem>>) {add = true}
        } else {
        }
      } else {
      }
      %mul3A_248 = arith.constant 8 : i32
      %mul3A_249 = arith.muli %scan3A_159, %mul3A_248 : i32
      %add3A_250 = arith.constant 5 : i32
      %add3A_251 = arith.addi %mul3A_249, %add3A_250 : i32
      %lt3A_252 = arith.constant 160 : i32
      %lt3A_253 = arith.cmpi slt, %add3A_251, %lt3A_252 : i32
      %convert_element_type3A_254 = arith.extui %lt3A_253 : i1 to i32
      %cond3A_255 = arith.constant 0 : i32
      %cond3A_256 = arith.cmpi ne, %convert_element_type3A_254, %cond3A_255 : i32
      scf.if %cond3A_256 {
        %jit3A = arith.constant 16 : i32
        %eq3A = arith.constant 0 : i32
        %eq3A_305 = arith.cmpi eq, %jit3A, %eq3A : i32
        %jit3A_306 = arith.constant 1 : i32
        %select_n3A = arith.select %eq3A_305, %jit3A_306, %jit3A : i32
        %rem3A = arith.remsi %add3A_251, %select_n3A : i32
        %ne3A = arith.constant 0 : i32
        %ne3A_307 = arith.cmpi ne, %rem3A, %ne3A : i32
        %lt3A_308 = arith.constant 0 : i32
        %lt3A_309 = arith.cmpi slt, %rem3A, %lt3A_308 : i32
        %lt3A_310 = arith.constant 0 : i32
        %lt3A_311 = arith.cmpi slt, %select_n3A, %lt3A_310 : i32
        %ne3A_312 = arith.xori %lt3A_309, %lt3A_311 : i1
        %and3A_313 = arith.andi %ne3A_312, %ne3A_307 : i1
        %add3A_314 = arith.addi %rem3A, %select_n3A : i32
        %select_n3A_315 = arith.select %and3A_313, %add3A_314, %rem3A : i32
        %eq3A_316 = arith.constant 0 : i32
        %eq3A_317 = arith.cmpi eq, %select_n3A_315, %eq3A_316 : i32
        %convert_element_type3A_318 = arith.extui %eq3A_317 : i1 to i32
        %cond3A_319 = arith.constant 0 : i32
        %cond3A_320 = arith.cmpi ne, %convert_element_type3A_318, %cond3A_319 : i32
        scf.if %cond3A_320 {
          %jit3A_418 = arith.constant 16 : i32
          %div3A_419 = arith.divsi %add3A_251, %jit3A_418 : i32
          %sign3A_420 = arith.constant 0 : i32
          %sign3A_421 = arith.cmpi sgt, %add3A_251, %sign3A_420 : i32
          %sign3A_422 = arith.extui %sign3A_421 : i1 to i32
          %sign3A_423 = arith.constant 0 : i32
          %sign3A_424 = arith.cmpi slt, %add3A_251, %sign3A_423 : i32
          %sign3A_425 = arith.extui %sign3A_424 : i1 to i32
          %sign3A_426 = arith.subi %sign3A_422, %sign3A_425 : i32
          %sign3A_427 = arith.constant 0 : i32
          %sign3A_428 = arith.cmpi sgt, %jit3A_418, %sign3A_427 : i32
          %sign3A_429 = arith.extui %sign3A_428 : i1 to i32
          %sign3A_430 = arith.constant 0 : i32
          %sign3A_431 = arith.cmpi slt, %jit3A_418, %sign3A_430 : i32
          %sign3A_432 = arith.extui %sign3A_431 : i1 to i32
          %sign3A_433 = arith.subi %sign3A_429, %sign3A_432 : i32
          %ne3A_434 = arith.cmpi ne, %sign3A_426, %sign3A_433 : i32
          %rem3A_435 = arith.remsi %add3A_251, %jit3A_418 : i32
          %ne3A_436 = arith.constant 0 : i32
          %ne3A_437 = arith.cmpi ne, %rem3A_435, %ne3A_436 : i32
          %and3A_438 = arith.andi %ne3A_434, %ne3A_437 : i1
          %sub3A_439 = arith.constant 1 : i32
          %sub3A_440 = arith.subi %div3A_419, %sub3A_439 : i32
          %select_n3A_441 = arith.select %and3A_438, %sub3A_440, %div3A_419 : i32
          %jit3A_442 = arith.constant 16 : i32
          %div3A_443 = arith.divsi %add3A_251, %jit3A_442 : i32
          %sign3A_444 = arith.constant 0 : i32
          %sign3A_445 = arith.cmpi sgt, %add3A_251, %sign3A_444 : i32
          %sign3A_446 = arith.extui %sign3A_445 : i1 to i32
          %sign3A_447 = arith.constant 0 : i32
          %sign3A_448 = arith.cmpi slt, %add3A_251, %sign3A_447 : i32
          %sign3A_449 = arith.extui %sign3A_448 : i1 to i32
          %sign3A_450 = arith.subi %sign3A_446, %sign3A_449 : i32
          %sign3A_451 = arith.constant 0 : i32
          %sign3A_452 = arith.cmpi sgt, %jit3A_442, %sign3A_451 : i32
          %sign3A_453 = arith.extui %sign3A_452 : i1 to i32
          %sign3A_454 = arith.constant 0 : i32
          %sign3A_455 = arith.cmpi slt, %jit3A_442, %sign3A_454 : i32
          %sign3A_456 = arith.extui %sign3A_455 : i1 to i32
          %sign3A_457 = arith.subi %sign3A_453, %sign3A_456 : i32
          %ne3A_458 = arith.cmpi ne, %sign3A_450, %sign3A_457 : i32
          %rem3A_459 = arith.remsi %add3A_251, %jit3A_442 : i32
          %ne3A_460 = arith.constant 0 : i32
          %ne3A_461 = arith.cmpi ne, %rem3A_459, %ne3A_460 : i32
          %and3A_462 = arith.andi %ne3A_458, %ne3A_461 : i1
          %sub3A_463 = arith.constant 1 : i32
          %sub3A_464 = arith.subi %div3A_443, %sub3A_463 : i32
          %select_n3A_465 = arith.select %and3A_462, %sub3A_464, %div3A_443 : i32
          %jit3A_466 = arith.constant 2 : i32
          %eq3A_467 = arith.constant 0 : i32
          %eq3A_468 = arith.cmpi eq, %jit3A_466, %eq3A_467 : i32
          %jit3A_469 = arith.constant 1 : i32
          %select_n3A_470 = arith.select %eq3A_468, %jit3A_469, %jit3A_466 : i32
          %rem3A_471 = arith.remsi %select_n3A_465, %select_n3A_470 : i32
          %ne3A_472 = arith.constant 0 : i32
          %ne3A_473 = arith.cmpi ne, %rem3A_471, %ne3A_472 : i32
          %lt3A_474 = arith.constant 0 : i32
          %lt3A_475 = arith.cmpi slt, %rem3A_471, %lt3A_474 : i32
          %lt3A_476 = arith.constant 0 : i32
          %lt3A_477 = arith.cmpi slt, %select_n3A_470, %lt3A_476 : i32
          %ne3A_478 = arith.xori %lt3A_475, %lt3A_477 : i1
          %and3A_479 = arith.andi %ne3A_478, %ne3A_473 : i1
          %add3A_480 = arith.addi %rem3A_471, %select_n3A_470 : i32
          %select_n3A_481 = arith.select %and3A_479, %add3A_480, %rem3A_471 : i32
          %dma_wait3A_482 = arith.constant 0 : i32
          %dma_wait3A_483 = arith.constant 0 : i32
          %dma_wait3A_484 = tpu.memref_slice %arg11[%select_n3A_481, %dma_wait3A_482, %dma_wait3A_483] : memref<2x16x128xi32, #tpu.memory_space<vmem>> -> memref<1x16x128xi32, #tpu.memory_space<vmem>>
          %dma_wait3A_485 = tpu.memref_squeeze %dma_wait3A_484 : memref<1x16x128xi32, #tpu.memory_space<vmem>> -> memref<16x128xi32, #tpu.memory_space<vmem>>
          %dma_wait3A_486 = arith.constant 0 : i32
          %dma_wait3A_487 = arith.constant 0 : i32
          %dma_wait3A_488 = tpu.memref_slice %arg2[%arg1, %select_n3A_441, %dma_wait3A_486, %dma_wait3A_487] : memref<16x10x16x128xi32, #tpu.memory_space<hbm>> -> memref<1x1x16x128xi32, #tpu.memory_space<hbm>>
          %dma_wait3A_489 = tpu.memref_squeeze %dma_wait3A_488 : memref<1x1x16x128xi32, #tpu.memory_space<hbm>> -> memref<16x128xi32, #tpu.memory_space<hbm>>
          %dma_wait3A_490 = arith.constant 0 : i32
          %dma_wait3A_491 = arith.constant 0 : i32
          %dma_wait3A_492 = tpu.memref_slice %arg11[%select_n3A_481, %dma_wait3A_490, %dma_wait3A_491] : memref<2x16x128xi32, #tpu.memory_space<vmem>> -> memref<1x16x128xi32, #tpu.memory_space<vmem>>
          %dma_wait3A_493 = tpu.memref_squeeze %dma_wait3A_492 : memref<1x16x128xi32, #tpu.memory_space<vmem>> -> memref<16x128xi32, #tpu.memory_space<vmem>>
          %dma_wait3A_494 = arith.constant 0 : i32
          %dma_wait3A_495 = arith.constant 0 : i32
          %dma_wait3A_496 = tpu.memref_slice %arg2[%arg1, %select_n3A_441, %dma_wait3A_494, %dma_wait3A_495] : memref<16x10x16x128xi32, #tpu.memory_space<hbm>> -> memref<1x1x16x128xi32, #tpu.memory_space<hbm>>
          %dma_wait3A_497 = tpu.memref_squeeze %dma_wait3A_496 : memref<1x1x16x128xi32, #tpu.memory_space<hbm>> -> memref<16x128xi32, #tpu.memory_space<hbm>>
          tpu.wait_dma2 semaphore(%arg34 : memref<!tpu.dma_semaphore, #tpu.memory_space<semaphore_mem>>) src(%dma_wait3A_497 : memref<16x128xi32, #tpu.memory_space<hbm>>) dst(%dma_wait3A_493 : memref<16x128xi32, #tpu.memory_space<vmem>>)
          %dma_wait3A_498 = arith.constant 0 : i32
          %dma_wait3A_499 = arith.constant 0 : i32
          %dma_wait3A_500 = tpu.memref_slice %arg12[%select_n3A_481, %dma_wait3A_498, %dma_wait3A_499] : memref<2x16x128xi32, #tpu.memory_space<vmem>> -> memref<1x16x128xi32, #tpu.memory_space<vmem>>
          %dma_wait3A_501 = tpu.memref_squeeze %dma_wait3A_500 : memref<1x16x128xi32, #tpu.memory_space<vmem>> -> memref<16x128xi32, #tpu.memory_space<vmem>>
          %dma_wait3A_502 = arith.constant 0 : i32
          %dma_wait3A_503 = arith.constant 0 : i32
          %dma_wait3A_504 = tpu.memref_slice %arg3[%arg1, %select_n3A_441, %dma_wait3A_502, %dma_wait3A_503] : memref<16x10x16x128xi32, #tpu.memory_space<hbm>> -> memref<1x1x16x128xi32, #tpu.memory_space<hbm>>
          %dma_wait3A_505 = tpu.memref_squeeze %dma_wait3A_504 : memref<1x1x16x128xi32, #tpu.memory_space<hbm>> -> memref<16x128xi32, #tpu.memory_space<hbm>>
          %dma_wait3A_506 = arith.constant 0 : i32
          %dma_wait3A_507 = arith.constant 0 : i32
          %dma_wait3A_508 = tpu.memref_slice %arg12[%select_n3A_481, %dma_wait3A_506, %dma_wait3A_507] : memref<2x16x128xi32, #tpu.memory_space<vmem>> -> memref<1x16x128xi32, #tpu.memory_space<vmem>>
          %dma_wait3A_509 = tpu.memref_squeeze %dma_wait3A_508 : memref<1x16x128xi32, #tpu.memory_space<vmem>> -> memref<16x128xi32, #tpu.memory_space<vmem>>
          %dma_wait3A_510 = arith.constant 0 : i32
          %dma_wait3A_511 = arith.constant 0 : i32
          %dma_wait3A_512 = tpu.memref_slice %arg3[%arg1, %select_n3A_441, %dma_wait3A_510, %dma_wait3A_511] : memref<16x10x16x128xi32, #tpu.memory_space<hbm>> -> memref<1x1x16x128xi32, #tpu.memory_space<hbm>>
          %dma_wait3A_513 = tpu.memref_squeeze %dma_wait3A_512 : memref<1x1x16x128xi32, #tpu.memory_space<hbm>> -> memref<16x128xi32, #tpu.memory_space<hbm>>
          tpu.wait_dma2 semaphore(%arg34 : memref<!tpu.dma_semaphore, #tpu.memory_space<semaphore_mem>>) src(%dma_wait3A_513 : memref<16x128xi32, #tpu.memory_space<hbm>>) dst(%dma_wait3A_509 : memref<16x128xi32, #tpu.memory_space<vmem>>)
        } else {
        }
        %ge3A_321 = arith.constant 8 : i32
        %ge3A_322 = arith.cmpi sge, %add3A_251, %ge3A_321 : i32
        %convert_element_type3A_323 = arith.extui %ge3A_322 : i1 to i32
        %cond3A_324 = arith.constant 0 : i32
        %cond3A_325 = arith.cmpi ne, %convert_element_type3A_323, %cond3A_324 : i32
        scf.if %cond3A_325 {
          %dma_wait3A_418 = arith.constant 5 : i32
          %dma_wait3A_419 = arith.constant 0 : i32
          %dma_wait3A_420 = arith.constant 0 : i32
          %dma_wait3A_421 = arith.constant 0 : i32
          %dma_wait3A_422 = arith.constant 0 : i32
          %dma_wait3A_423 = tpu.memref_slice %arg13[%dma_wait3A_418, %dma_wait3A_421, %dma_wait3A_422] : memref<8x128x64xf32, #tpu.memory_space<vmem>> -> memref<1x128x64xf32, #tpu.memory_space<vmem>>
          %dma_wait3A_424 = tpu.memref_squeeze %dma_wait3A_423 : memref<1x128x64xf32, #tpu.memory_space<vmem>> -> memref<128x64xf32, #tpu.memory_space<vmem>>
          %dma_wait3A_425 = arith.constant 0 : i32
          %dma_wait3A_426 = tpu.memref_slice %arg12[%dma_wait3A_419, %dma_wait3A_420, %dma_wait3A_425] : memref<2x16x128xi32, #tpu.memory_space<vmem>> -> memref<1x1x128xi32, #tpu.memory_space<vmem>>
          %dma_wait3A_427 = tpu.memref_squeeze %dma_wait3A_426 : memref<1x1x128xi32, #tpu.memory_space<vmem>> -> memref<128xi32, #tpu.memory_space<vmem>>
          %dma_wait3A_428 = arith.constant 0 : i32
          %dma_wait3A_429 = arith.constant 0 : i32
          %dma_wait3A_430 = tpu.memref_slice %arg15[%dma_wait3A_428, %dma_wait3A_429] : memref<10240x64xf32, #tpu.memory_space<vmem_shared>> -> memref<10240x64xf32, #tpu.memory_space<vmem_shared>>
          tpu.wait_indirect_dma semaphore(%arg30 : memref<!tpu.dma_semaphore, #tpu.memory_space<semaphore_mem>>) src(%dma_wait3A_424 : memref<128x64xf32, #tpu.memory_space<vmem>>) dst(%dma_wait3A_430 : memref<10240x64xf32, #tpu.memory_space<vmem_shared>>)
        } else {
        }
        %jit3A_326 = arith.constant 16 : i32
        %div3A = arith.divsi %add3A_251, %jit3A_326 : i32
        %sign3A = arith.constant 0 : i32
        %sign3A_327 = arith.cmpi sgt, %add3A_251, %sign3A : i32
        %sign3A_328 = arith.extui %sign3A_327 : i1 to i32
        %sign3A_329 = arith.constant 0 : i32
        %sign3A_330 = arith.cmpi slt, %add3A_251, %sign3A_329 : i32
        %sign3A_331 = arith.extui %sign3A_330 : i1 to i32
        %sign3A_332 = arith.subi %sign3A_328, %sign3A_331 : i32
        %sign3A_333 = arith.constant 0 : i32
        %sign3A_334 = arith.cmpi sgt, %jit3A_326, %sign3A_333 : i32
        %sign3A_335 = arith.extui %sign3A_334 : i1 to i32
        %sign3A_336 = arith.constant 0 : i32
        %sign3A_337 = arith.cmpi slt, %jit3A_326, %sign3A_336 : i32
        %sign3A_338 = arith.extui %sign3A_337 : i1 to i32
        %sign3A_339 = arith.subi %sign3A_335, %sign3A_338 : i32
        %ne3A_340 = arith.cmpi ne, %sign3A_332, %sign3A_339 : i32
        %rem3A_341 = arith.remsi %add3A_251, %jit3A_326 : i32
        %ne3A_342 = arith.constant 0 : i32
        %ne3A_343 = arith.cmpi ne, %rem3A_341, %ne3A_342 : i32
        %and3A_344 = arith.andi %ne3A_340, %ne3A_343 : i1
        %sub3A_345 = arith.constant 1 : i32
        %sub3A_346 = arith.subi %div3A, %sub3A_345 : i32
        %select_n3A_347 = arith.select %and3A_344, %sub3A_346, %div3A : i32
        %jit3A_348 = arith.constant 2 : i32
        %eq3A_349 = arith.constant 0 : i32
        %eq3A_350 = arith.cmpi eq, %jit3A_348, %eq3A_349 : i32
        %jit3A_351 = arith.constant 1 : i32
        %select_n3A_352 = arith.select %eq3A_350, %jit3A_351, %jit3A_348 : i32
        %rem3A_353 = arith.remsi %select_n3A_347, %select_n3A_352 : i32
        %ne3A_354 = arith.constant 0 : i32
        %ne3A_355 = arith.cmpi ne, %rem3A_353, %ne3A_354 : i32
        %lt3A_356 = arith.constant 0 : i32
        %lt3A_357 = arith.cmpi slt, %rem3A_353, %lt3A_356 : i32
        %lt3A_358 = arith.constant 0 : i32
        %lt3A_359 = arith.cmpi slt, %select_n3A_352, %lt3A_358 : i32
        %ne3A_360 = arith.xori %lt3A_357, %lt3A_359 : i1
        %and3A_361 = arith.andi %ne3A_360, %ne3A_355 : i1
        %add3A_362 = arith.addi %rem3A_353, %select_n3A_352 : i32
        %select_n3A_363 = arith.select %and3A_361, %add3A_362, %rem3A_353 : i32
        %jit3A_364 = arith.constant 16 : i32
        %eq3A_365 = arith.constant 0 : i32
        %eq3A_366 = arith.cmpi eq, %jit3A_364, %eq3A_365 : i32
        %jit3A_367 = arith.constant 1 : i32
        %select_n3A_368 = arith.select %eq3A_366, %jit3A_367, %jit3A_364 : i32
        %rem3A_369 = arith.remsi %add3A_251, %select_n3A_368 : i32
        %ne3A_370 = arith.constant 0 : i32
        %ne3A_371 = arith.cmpi ne, %rem3A_369, %ne3A_370 : i32
        %lt3A_372 = arith.constant 0 : i32
        %lt3A_373 = arith.cmpi slt, %rem3A_369, %lt3A_372 : i32
        %lt3A_374 = arith.constant 0 : i32
        %lt3A_375 = arith.cmpi slt, %select_n3A_368, %lt3A_374 : i32
        %ne3A_376 = arith.xori %lt3A_373, %lt3A_375 : i1
        %and3A_377 = arith.andi %ne3A_376, %ne3A_371 : i1
        %add3A_378 = arith.addi %rem3A_369, %select_n3A_368 : i32
        %select_n3A_379 = arith.select %and3A_377, %add3A_378, %rem3A_369 : i32
        %eq3A_380 = arith.constant 0 : i32
        %eq3A_381 = arith.cmpi eq, %arg0, %eq3A_380 : i32
        %convert_element_type3A_382 = arith.extui %eq3A_381 : i1 to i32
        %cond3A_383 = arith.constant 0 : i32
        %cond3A_384 = arith.cmpi ne, %convert_element_type3A_382, %cond3A_383 : i32
        scf.if %cond3A_384 {
          %dma_start3A_418 = arith.constant 5 : i32
          %dma_start3A_419 = arith.constant 0 : i32
          %dma_start3A_420 = arith.constant 0 : i32
          %dma_start3A_421 = tpu.memref_slice %arg13[%dma_start3A_418, %dma_start3A_419, %dma_start3A_420] : memref<8x128x64xf32, #tpu.memory_space<vmem>> -> memref<1x128x64xf32, #tpu.memory_space<vmem>>
          %dma_start3A_422 = tpu.memref_squeeze %dma_start3A_421 : memref<1x128x64xf32, #tpu.memory_space<vmem>> -> memref<128x64xf32, #tpu.memory_space<vmem>>
          %dma_start3A_423 = arith.constant 0 : i32
          %dma_start3A_424 = tpu.memref_slice %arg11[%select_n3A_363, %select_n3A_379, %dma_start3A_423] : memref<2x16x128xi32, #tpu.memory_space<vmem>> -> memref<1x1x128xi32, #tpu.memory_space<vmem>>
          %dma_start3A_425 = tpu.memref_squeeze %dma_start3A_424 : memref<1x1x128xi32, #tpu.memory_space<vmem>> -> memref<128xi32, #tpu.memory_space<vmem>>
          %dma_start3A_426 = arith.constant 0 : i32
          %dma_start3A_427 = arith.constant 0 : i32
          %dma_start3A_428 = tpu.memref_slice %arg4[%dma_start3A_426, %dma_start3A_427] : memref<10000x64xf32, #tpu.memory_space<hbm>> -> memref<10000x64xf32, #tpu.memory_space<hbm>>
          tpu.enqueue_indirect_dma source(%dma_start3A_428 : memref<10000x64xf32, #tpu.memory_space<hbm>>) target(%dma_start3A_422 : memref<128x64xf32, #tpu.memory_space<vmem>>) offsets(%dma_start3A_425 : memref<128xi32, #tpu.memory_space<vmem>>) semaphore(%arg22 : memref<!tpu.dma_semaphore, #tpu.memory_space<semaphore_mem>>)
        } else {
        }
        %eq3A_385 = arith.constant 1 : i32
        %eq3A_386 = arith.cmpi eq, %arg0, %eq3A_385 : i32
        %convert_element_type3A_387 = arith.extui %eq3A_386 : i1 to i32
        %cond3A_388 = arith.constant 0 : i32
        %cond3A_389 = arith.cmpi ne, %convert_element_type3A_387, %cond3A_388 : i32
        scf.if %cond3A_389 {
          %dma_start3A_418 = arith.constant 5 : i32
          %dma_start3A_419 = arith.constant 0 : i32
          %dma_start3A_420 = arith.constant 0 : i32
          %dma_start3A_421 = tpu.memref_slice %arg13[%dma_start3A_418, %dma_start3A_419, %dma_start3A_420] : memref<8x128x64xf32, #tpu.memory_space<vmem>> -> memref<1x128x64xf32, #tpu.memory_space<vmem>>
          %dma_start3A_422 = tpu.memref_squeeze %dma_start3A_421 : memref<1x128x64xf32, #tpu.memory_space<vmem>> -> memref<128x64xf32, #tpu.memory_space<vmem>>
          %dma_start3A_423 = arith.constant 0 : i32
          %dma_start3A_424 = tpu.memref_slice %arg11[%select_n3A_363, %select_n3A_379, %dma_start3A_423] : memref<2x16x128xi32, #tpu.memory_space<vmem>> -> memref<1x1x128xi32, #tpu.memory_space<vmem>>
          %dma_start3A_425 = tpu.memref_squeeze %dma_start3A_424 : memref<1x1x128xi32, #tpu.memory_space<vmem>> -> memref<128xi32, #tpu.memory_space<vmem>>
          %dma_start3A_426 = arith.constant 0 : i32
          %dma_start3A_427 = arith.constant 0 : i32
          %dma_start3A_428 = tpu.memref_slice %arg5[%dma_start3A_426, %dma_start3A_427] : memref<10000x64xf32, #tpu.memory_space<hbm>> -> memref<10000x64xf32, #tpu.memory_space<hbm>>
          tpu.enqueue_indirect_dma source(%dma_start3A_428 : memref<10000x64xf32, #tpu.memory_space<hbm>>) target(%dma_start3A_422 : memref<128x64xf32, #tpu.memory_space<vmem>>) offsets(%dma_start3A_425 : memref<128xi32, #tpu.memory_space<vmem>>) semaphore(%arg22 : memref<!tpu.dma_semaphore, #tpu.memory_space<semaphore_mem>>)
        } else {
        }
        %jit3A_390 = arith.constant 16 : i32
        %eq3A_391 = arith.constant 0 : i32
        %eq3A_392 = arith.cmpi eq, %jit3A_390, %eq3A_391 : i32
        %jit3A_393 = arith.constant 1 : i32
        %select_n3A_394 = arith.select %eq3A_392, %jit3A_393, %jit3A_390 : i32
        %rem3A_395 = arith.remsi %add3A_251, %select_n3A_394 : i32
        %ne3A_396 = arith.constant 0 : i32
        %ne3A_397 = arith.cmpi ne, %rem3A_395, %ne3A_396 : i32
        %lt3A_398 = arith.constant 0 : i32
        %lt3A_399 = arith.cmpi slt, %rem3A_395, %lt3A_398 : i32
        %lt3A_400 = arith.constant 0 : i32
        %lt3A_401 = arith.cmpi slt, %select_n3A_394, %lt3A_400 : i32
        %ne3A_402 = arith.xori %lt3A_399, %lt3A_401 : i1
        %and3A_403 = arith.andi %ne3A_402, %ne3A_397 : i1
        %add3A_404 = arith.addi %rem3A_395, %select_n3A_394 : i32
        %select_n3A_405 = arith.select %and3A_403, %add3A_404, %rem3A_395 : i32
        %eq3A_406 = arith.constant 8 : i32
        %eq3A_407 = arith.cmpi eq, %select_n3A_405, %eq3A_406 : i32
        %add3A_408 = arith.constant 16 : i32
        %add3A_409 = arith.addi %add3A_251, %add3A_408 : i32
        %sub3A_410 = arith.constant 8 : i32
        %sub3A_411 = arith.subi %add3A_409, %sub3A_410 : i32
        %lt3A_412 = arith.constant 160 : i32
        %lt3A_413 = arith.cmpi slt, %sub3A_411, %lt3A_412 : i32
        %and3A_414 = arith.andi %eq3A_407, %lt3A_413 : i1
        %convert_element_type3A_415 = arith.extui %and3A_414 : i1 to i32
        %cond3A_416 = arith.constant 0 : i32
        %cond3A_417 = arith.cmpi ne, %convert_element_type3A_415, %cond3A_416 : i32
        scf.if %cond3A_417 {
          %jit3A_418 = arith.constant 16 : i32
          %div3A_419 = arith.divsi %add3A_251, %jit3A_418 : i32
          %sign3A_420 = arith.constant 0 : i32
          %sign3A_421 = arith.cmpi sgt, %add3A_251, %sign3A_420 : i32
          %sign3A_422 = arith.extui %sign3A_421 : i1 to i32
          %sign3A_423 = arith.constant 0 : i32
          %sign3A_424 = arith.cmpi slt, %add3A_251, %sign3A_423 : i32
          %sign3A_425 = arith.extui %sign3A_424 : i1 to i32
          %sign3A_426 = arith.subi %sign3A_422, %sign3A_425 : i32
          %sign3A_427 = arith.constant 0 : i32
          %sign3A_428 = arith.cmpi sgt, %jit3A_418, %sign3A_427 : i32
          %sign3A_429 = arith.extui %sign3A_428 : i1 to i32
          %sign3A_430 = arith.constant 0 : i32
          %sign3A_431 = arith.cmpi slt, %jit3A_418, %sign3A_430 : i32
          %sign3A_432 = arith.extui %sign3A_431 : i1 to i32
          %sign3A_433 = arith.subi %sign3A_429, %sign3A_432 : i32
          %ne3A_434 = arith.cmpi ne, %sign3A_426, %sign3A_433 : i32
          %rem3A_435 = arith.remsi %add3A_251, %jit3A_418 : i32
          %ne3A_436 = arith.constant 0 : i32
          %ne3A_437 = arith.cmpi ne, %rem3A_435, %ne3A_436 : i32
          %and3A_438 = arith.andi %ne3A_434, %ne3A_437 : i1
          %sub3A_439 = arith.constant 1 : i32
          %sub3A_440 = arith.subi %div3A_419, %sub3A_439 : i32
          %select_n3A_441 = arith.select %and3A_438, %sub3A_440, %div3A_419 : i32
          %add3A_442 = arith.constant 1 : i32
          %add3A_443 = arith.addi %select_n3A_441, %add3A_442 : i32
          %jit3A_444 = arith.constant 16 : i32
          %div3A_445 = arith.divsi %add3A_251, %jit3A_444 : i32
          %sign3A_446 = arith.constant 0 : i32
          %sign3A_447 = arith.cmpi sgt, %add3A_251, %sign3A_446 : i32
          %sign3A_448 = arith.extui %sign3A_447 : i1 to i32
          %sign3A_449 = arith.constant 0 : i32
          %sign3A_450 = arith.cmpi slt, %add3A_251, %sign3A_449 : i32
          %sign3A_451 = arith.extui %sign3A_450 : i1 to i32
          %sign3A_452 = arith.subi %sign3A_448, %sign3A_451 : i32
          %sign3A_453 = arith.constant 0 : i32
          %sign3A_454 = arith.cmpi sgt, %jit3A_444, %sign3A_453 : i32
          %sign3A_455 = arith.extui %sign3A_454 : i1 to i32
          %sign3A_456 = arith.constant 0 : i32
          %sign3A_457 = arith.cmpi slt, %jit3A_444, %sign3A_456 : i32
          %sign3A_458 = arith.extui %sign3A_457 : i1 to i32
          %sign3A_459 = arith.subi %sign3A_455, %sign3A_458 : i32
          %ne3A_460 = arith.cmpi ne, %sign3A_452, %sign3A_459 : i32
          %rem3A_461 = arith.remsi %add3A_251, %jit3A_444 : i32
          %ne3A_462 = arith.constant 0 : i32
          %ne3A_463 = arith.cmpi ne, %rem3A_461, %ne3A_462 : i32
          %and3A_464 = arith.andi %ne3A_460, %ne3A_463 : i1
          %sub3A_465 = arith.constant 1 : i32
          %sub3A_466 = arith.subi %div3A_445, %sub3A_465 : i32
          %select_n3A_467 = arith.select %and3A_464, %sub3A_466, %div3A_445 : i32
          %add3A_468 = arith.constant 1 : i32
          %add3A_469 = arith.addi %select_n3A_467, %add3A_468 : i32
          %jit3A_470 = arith.constant 2 : i32
          %eq3A_471 = arith.constant 0 : i32
          %eq3A_472 = arith.cmpi eq, %jit3A_470, %eq3A_471 : i32
          %jit3A_473 = arith.constant 1 : i32
          %select_n3A_474 = arith.select %eq3A_472, %jit3A_473, %jit3A_470 : i32
          %rem3A_475 = arith.remsi %add3A_469, %select_n3A_474 : i32
          %ne3A_476 = arith.constant 0 : i32
          %ne3A_477 = arith.cmpi ne, %rem3A_475, %ne3A_476 : i32
          %lt3A_478 = arith.constant 0 : i32
          %lt3A_479 = arith.cmpi slt, %rem3A_475, %lt3A_478 : i32
          %lt3A_480 = arith.constant 0 : i32
          %lt3A_481 = arith.cmpi slt, %select_n3A_474, %lt3A_480 : i32
          %ne3A_482 = arith.xori %lt3A_479, %lt3A_481 : i1
          %and3A_483 = arith.andi %ne3A_482, %ne3A_477 : i1
          %add3A_484 = arith.addi %rem3A_475, %select_n3A_474 : i32
          %select_n3A_485 = arith.select %and3A_483, %add3A_484, %rem3A_475 : i32
          %dma_start3A_486 = arith.constant 0 : i32
          %dma_start3A_487 = arith.constant 0 : i32
          %dma_start3A_488 = tpu.memref_slice %arg11[%select_n3A_485, %dma_start3A_486, %dma_start3A_487] : memref<2x16x128xi32, #tpu.memory_space<vmem>> -> memref<1x16x128xi32, #tpu.memory_space<vmem>>
          %dma_start3A_489 = tpu.memref_squeeze %dma_start3A_488 : memref<1x16x128xi32, #tpu.memory_space<vmem>> -> memref<16x128xi32, #tpu.memory_space<vmem>>
          %dma_start3A_490 = arith.constant 0 : i32
          %dma_start3A_491 = arith.constant 0 : i32
          %dma_start3A_492 = tpu.memref_slice %arg2[%arg1, %add3A_443, %dma_start3A_490, %dma_start3A_491] : memref<16x10x16x128xi32, #tpu.memory_space<hbm>> -> memref<1x1x16x128xi32, #tpu.memory_space<hbm>>
          %dma_start3A_493 = tpu.memref_squeeze %dma_start3A_492 : memref<1x1x16x128xi32, #tpu.memory_space<hbm>> -> memref<16x128xi32, #tpu.memory_space<hbm>>
          %dma_start3A_494 = arith.constant 0 : i32
          %dma_start3A_495 = arith.constant 0 : i32
          %dma_start3A_496 = tpu.memref_slice %arg11[%select_n3A_485, %dma_start3A_494, %dma_start3A_495] : memref<2x16x128xi32, #tpu.memory_space<vmem>> -> memref<1x16x128xi32, #tpu.memory_space<vmem>>
          %dma_start3A_497 = tpu.memref_squeeze %dma_start3A_496 : memref<1x16x128xi32, #tpu.memory_space<vmem>> -> memref<16x128xi32, #tpu.memory_space<vmem>>
          %dma_start3A_498 = arith.constant 0 : i32
          %dma_start3A_499 = arith.constant 0 : i32
          %dma_start3A_500 = tpu.memref_slice %arg2[%arg1, %add3A_443, %dma_start3A_498, %dma_start3A_499] : memref<16x10x16x128xi32, #tpu.memory_space<hbm>> -> memref<1x1x16x128xi32, #tpu.memory_space<hbm>>
          %dma_start3A_501 = tpu.memref_squeeze %dma_start3A_500 : memref<1x1x16x128xi32, #tpu.memory_space<hbm>> -> memref<16x128xi32, #tpu.memory_space<hbm>>
          tpu.enqueue_dma source(%dma_start3A_501 : memref<16x128xi32, #tpu.memory_space<hbm>>) target(%dma_start3A_497 : memref<16x128xi32, #tpu.memory_space<vmem>>) target_semaphore(%arg34 : memref<!tpu.dma_semaphore, #tpu.memory_space<semaphore_mem>>)
          %dma_start3A_502 = arith.constant 0 : i32
          %dma_start3A_503 = arith.constant 0 : i32
          %dma_start3A_504 = tpu.memref_slice %arg12[%select_n3A_485, %dma_start3A_502, %dma_start3A_503] : memref<2x16x128xi32, #tpu.memory_space<vmem>> -> memref<1x16x128xi32, #tpu.memory_space<vmem>>
          %dma_start3A_505 = tpu.memref_squeeze %dma_start3A_504 : memref<1x16x128xi32, #tpu.memory_space<vmem>> -> memref<16x128xi32, #tpu.memory_space<vmem>>
          %dma_start3A_506 = arith.constant 0 : i32
          %dma_start3A_507 = arith.constant 0 : i32
          %dma_start3A_508 = tpu.memref_slice %arg3[%arg1, %add3A_443, %dma_start3A_506, %dma_start3A_507] : memref<16x10x16x128xi32, #tpu.memory_space<hbm>> -> memref<1x1x16x128xi32, #tpu.memory_space<hbm>>
          %dma_start3A_509 = tpu.memref_squeeze %dma_start3A_508 : memref<1x1x16x128xi32, #tpu.memory_space<hbm>> -> memref<16x128xi32, #tpu.memory_space<hbm>>
          %dma_start3A_510 = arith.constant 0 : i32
          %dma_start3A_511 = arith.constant 0 : i32
          %dma_start3A_512 = tpu.memref_slice %arg12[%select_n3A_485, %dma_start3A_510, %dma_start3A_511] : memref<2x16x128xi32, #tpu.memory_space<vmem>> -> memref<1x16x128xi32, #tpu.memory_space<vmem>>
          %dma_start3A_513 = tpu.memref_squeeze %dma_start3A_512 : memref<1x16x128xi32, #tpu.memory_space<vmem>> -> memref<16x128xi32, #tpu.memory_space<vmem>>
          %dma_start3A_514 = arith.constant 0 : i32
          %dma_start3A_515 = arith.constant 0 : i32
          %dma_start3A_516 = tpu.memref_slice %arg3[%arg1, %add3A_443, %dma_start3A_514, %dma_start3A_515] : memref<16x10x16x128xi32, #tpu.memory_space<hbm>> -> memref<1x1x16x128xi32, #tpu.memory_space<hbm>>
          %dma_start3A_517 = tpu.memref_squeeze %dma_start3A_516 : memref<1x1x16x128xi32, #tpu.memory_space<hbm>> -> memref<16x128xi32, #tpu.memory_space<hbm>>
          tpu.enqueue_dma source(%dma_start3A_517 : memref<16x128xi32, #tpu.memory_space<hbm>>) target(%dma_start3A_513 : memref<16x128xi32, #tpu.memory_space<vmem>>) target_semaphore(%arg34 : memref<!tpu.dma_semaphore, #tpu.memory_space<semaphore_mem>>)
        } else {
        }
      } else {
      }
      %sub3A_257 = arith.constant 4 : i32
      %sub3A_258 = arith.subi %add3A_251, %sub3A_257 : i32
      %ge3A_259 = arith.constant 0 : i32
      %ge3A_260 = arith.cmpi sge, %sub3A_258, %ge3A_259 : i32
      %lt3A_261 = arith.constant 160 : i32
      %lt3A_262 = arith.cmpi slt, %sub3A_258, %lt3A_261 : i32
      %and3A_263 = arith.andi %ge3A_260, %lt3A_262 : i1
      %convert_element_type3A_264 = arith.extui %and3A_263 : i1 to i32
      %cond3A_265 = arith.constant 0 : i32
      %cond3A_266 = arith.cmpi ne, %convert_element_type3A_264, %cond3A_265 : i32
      scf.if %cond3A_266 {
        %dma_wait3A_305 = arith.constant 0 : i32
        %dma_wait3A_306 = arith.constant 0 : i32
        %dma_wait3A_307 = arith.constant 1 : i32
        %dma_wait3A_308 = arith.constant 0 : i32
        %dma_wait3A_309 = arith.constant 0 : i32
        %dma_wait3A_310 = tpu.memref_slice %arg13[%dma_wait3A_307, %dma_wait3A_308, %dma_wait3A_309] : memref<8x128x64xf32, #tpu.memory_space<vmem>> -> memref<1x128x64xf32, #tpu.memory_space<vmem>>
        %dma_wait3A_311 = tpu.memref_squeeze %dma_wait3A_310 : memref<1x128x64xf32, #tpu.memory_space<vmem>> -> memref<128x64xf32, #tpu.memory_space<vmem>>
        %dma_wait3A_312 = arith.constant 0 : i32
        %dma_wait3A_313 = tpu.memref_slice %arg11[%dma_wait3A_305, %dma_wait3A_306, %dma_wait3A_312] : memref<2x16x128xi32, #tpu.memory_space<vmem>> -> memref<1x1x128xi32, #tpu.memory_space<vmem>>
        %dma_wait3A_314 = tpu.memref_squeeze %dma_wait3A_313 : memref<1x1x128xi32, #tpu.memory_space<vmem>> -> memref<128xi32, #tpu.memory_space<vmem>>
        %dma_wait3A_315 = arith.constant 0 : i32
        %dma_wait3A_316 = arith.constant 0 : i32
        %dma_wait3A_317 = tpu.memref_slice %arg4[%dma_wait3A_315, %dma_wait3A_316] : memref<10000x64xf32, #tpu.memory_space<hbm>> -> memref<10000x64xf32, #tpu.memory_space<hbm>>
        tpu.wait_indirect_dma semaphore(%arg18 : memref<!tpu.dma_semaphore, #tpu.memory_space<semaphore_mem>>) src(%dma_wait3A_317 : memref<10000x64xf32, #tpu.memory_space<hbm>>) dst(%dma_wait3A_311 : memref<128x64xf32, #tpu.memory_space<vmem>>)
        %jit3A = arith.constant 16 : i32
        %div3A = arith.divsi %sub3A_258, %jit3A : i32
        %sign3A = arith.constant 0 : i32
        %sign3A_318 = arith.cmpi sgt, %sub3A_258, %sign3A : i32
        %sign3A_319 = arith.extui %sign3A_318 : i1 to i32
        %sign3A_320 = arith.constant 0 : i32
        %sign3A_321 = arith.cmpi slt, %sub3A_258, %sign3A_320 : i32
        %sign3A_322 = arith.extui %sign3A_321 : i1 to i32
        %sign3A_323 = arith.subi %sign3A_319, %sign3A_322 : i32
        %sign3A_324 = arith.constant 0 : i32
        %sign3A_325 = arith.cmpi sgt, %jit3A, %sign3A_324 : i32
        %sign3A_326 = arith.extui %sign3A_325 : i1 to i32
        %sign3A_327 = arith.constant 0 : i32
        %sign3A_328 = arith.cmpi slt, %jit3A, %sign3A_327 : i32
        %sign3A_329 = arith.extui %sign3A_328 : i1 to i32
        %sign3A_330 = arith.subi %sign3A_326, %sign3A_329 : i32
        %ne3A = arith.cmpi ne, %sign3A_323, %sign3A_330 : i32
        %rem3A = arith.remsi %sub3A_258, %jit3A : i32
        %ne3A_331 = arith.constant 0 : i32
        %ne3A_332 = arith.cmpi ne, %rem3A, %ne3A_331 : i32
        %and3A_333 = arith.andi %ne3A, %ne3A_332 : i1
        %sub3A_334 = arith.constant 1 : i32
        %sub3A_335 = arith.subi %div3A, %sub3A_334 : i32
        %select_n3A = arith.select %and3A_333, %sub3A_335, %div3A : i32
        %jit3A_336 = arith.constant 2 : i32
        %eq3A = arith.constant 0 : i32
        %eq3A_337 = arith.cmpi eq, %jit3A_336, %eq3A : i32
        %jit3A_338 = arith.constant 1 : i32
        %select_n3A_339 = arith.select %eq3A_337, %jit3A_338, %jit3A_336 : i32
        %rem3A_340 = arith.remsi %select_n3A, %select_n3A_339 : i32
        %ne3A_341 = arith.constant 0 : i32
        %ne3A_342 = arith.cmpi ne, %rem3A_340, %ne3A_341 : i32
        %lt3A_343 = arith.constant 0 : i32
        %lt3A_344 = arith.cmpi slt, %rem3A_340, %lt3A_343 : i32
        %lt3A_345 = arith.constant 0 : i32
        %lt3A_346 = arith.cmpi slt, %select_n3A_339, %lt3A_345 : i32
        %ne3A_347 = arith.xori %lt3A_344, %lt3A_346 : i1
        %and3A_348 = arith.andi %ne3A_347, %ne3A_342 : i1
        %add3A_349 = arith.addi %rem3A_340, %select_n3A_339 : i32
        %select_n3A_350 = arith.select %and3A_348, %add3A_349, %rem3A_340 : i32
        %jit3A_351 = arith.constant 16 : i32
        %eq3A_352 = arith.constant 0 : i32
        %eq3A_353 = arith.cmpi eq, %jit3A_351, %eq3A_352 : i32
        %jit3A_354 = arith.constant 1 : i32
        %select_n3A_355 = arith.select %eq3A_353, %jit3A_354, %jit3A_351 : i32
        %rem3A_356 = arith.remsi %sub3A_258, %select_n3A_355 : i32
        %ne3A_357 = arith.constant 0 : i32
        %ne3A_358 = arith.cmpi ne, %rem3A_356, %ne3A_357 : i32
        %lt3A_359 = arith.constant 0 : i32
        %lt3A_360 = arith.cmpi slt, %rem3A_356, %lt3A_359 : i32
        %lt3A_361 = arith.constant 0 : i32
        %lt3A_362 = arith.cmpi slt, %select_n3A_355, %lt3A_361 : i32
        %ne3A_363 = arith.xori %lt3A_360, %lt3A_362 : i1
        %and3A_364 = arith.andi %ne3A_363, %ne3A_358 : i1
        %add3A_365 = arith.addi %rem3A_356, %select_n3A_355 : i32
        %select_n3A_366 = arith.select %and3A_364, %add3A_365, %rem3A_356 : i32
        %dma_start3A_367 = arith.constant 1 : i32
        %dma_start3A_368 = arith.constant 0 : i32
        %dma_start3A_369 = arith.constant 0 : i32
        %dma_start3A_370 = tpu.memref_slice %arg13[%dma_start3A_367, %dma_start3A_368, %dma_start3A_369] : memref<8x128x64xf32, #tpu.memory_space<vmem>> -> memref<1x128x64xf32, #tpu.memory_space<vmem>>
        %dma_start3A_371 = tpu.memref_squeeze %dma_start3A_370 : memref<1x128x64xf32, #tpu.memory_space<vmem>> -> memref<128x64xf32, #tpu.memory_space<vmem>>
        %dma_start3A_372 = arith.constant 0 : i32
        %dma_start3A_373 = tpu.memref_slice %arg12[%select_n3A_350, %select_n3A_366, %dma_start3A_372] : memref<2x16x128xi32, #tpu.memory_space<vmem>> -> memref<1x1x128xi32, #tpu.memory_space<vmem>>
        %dma_start3A_374 = tpu.memref_squeeze %dma_start3A_373 : memref<1x1x128xi32, #tpu.memory_space<vmem>> -> memref<128xi32, #tpu.memory_space<vmem>>
        %dma_start3A_375 = arith.constant 0 : i32
        %dma_start3A_376 = arith.constant 0 : i32
        %dma_start3A_377 = tpu.memref_slice %arg15[%dma_start3A_375, %dma_start3A_376] : memref<10240x64xf32, #tpu.memory_space<vmem_shared>> -> memref<10240x64xf32, #tpu.memory_space<vmem_shared>>
        tpu.enqueue_indirect_dma source(%dma_start3A_371 : memref<128x64xf32, #tpu.memory_space<vmem>>) target(%dma_start3A_377 : memref<10240x64xf32, #tpu.memory_space<vmem_shared>>) offsets(%dma_start3A_374 : memref<128xi32, #tpu.memory_space<vmem>>) semaphore(%arg26 : memref<!tpu.dma_semaphore, #tpu.memory_space<semaphore_mem>>) {add = true}
        %lt3A_378 = arith.constant 80 : i32
        %lt3A_379 = arith.cmpi slt, %sub3A_258, %lt3A_378 : i32
        %eq3A_380 = arith.constant 0 : i32
        %eq3A_381 = arith.cmpi eq, %arg0, %eq3A_380 : i32
        %eq3A_382 = arith.xori %lt3A_379, %eq3A_381 : i1
        %eq3A_383 = arith.constant true
        %eq3A_384 = arith.xori %eq3A_382, %eq3A_383 : i1
        %convert_element_type3A_385 = arith.extui %eq3A_384 : i1 to i32
        %cond3A_386 = arith.constant 0 : i32
        %cond3A_387 = arith.cmpi ne, %convert_element_type3A_385, %cond3A_386 : i32
        scf.if %cond3A_387 {
          %dma_start3A_388 = arith.constant 0 : i32
          %dma_start3A_389 = tpu.memref_slice %arg12[%select_n3A_350, %select_n3A_366, %dma_start3A_388] : memref<2x16x128xi32, #tpu.memory_space<vmem>> -> memref<1x1x128xi32, #tpu.memory_space<vmem>>
          %dma_start3A_390 = tpu.memref_squeeze %dma_start3A_389 : memref<1x1x128xi32, #tpu.memory_space<vmem>> -> memref<128xi32, #tpu.memory_space<vmem>>
          %dma_start3A_391 = arith.constant 0 : i32
          %dma_start3A_392 = arith.constant 0 : i32
          %dma_start3A_393 = tpu.memref_slice %arg16[%dma_start3A_391, %dma_start3A_392] : memref<10240x16xf32, #tpu.memory_space<vmem_shared>> -> memref<10240x16xf32, #tpu.memory_space<vmem_shared>>
          tpu.enqueue_indirect_dma source(%arg14 : memref<128x16xf32, #tpu.memory_space<vmem>>) target(%dma_start3A_393 : memref<10240x16xf32, #tpu.memory_space<vmem_shared>>) offsets(%dma_start3A_390 : memref<128xi32, #tpu.memory_space<vmem>>) semaphore(%arg33 : memref<!tpu.dma_semaphore, #tpu.memory_space<semaphore_mem>>) {add = true}
        } else {
        }
      } else {
      }
      %mul3A_267 = arith.constant 8 : i32
      %mul3A_268 = arith.muli %scan3A_159, %mul3A_267 : i32
      %add3A_269 = arith.constant 6 : i32
      %add3A_270 = arith.addi %mul3A_268, %add3A_269 : i32
      %lt3A_271 = arith.constant 160 : i32
      %lt3A_272 = arith.cmpi slt, %add3A_270, %lt3A_271 : i32
      %convert_element_type3A_273 = arith.extui %lt3A_272 : i1 to i32
      %cond3A_274 = arith.constant 0 : i32
      %cond3A_275 = arith.cmpi ne, %convert_element_type3A_273, %cond3A_274 : i32
      scf.if %cond3A_275 {
        %jit3A = arith.constant 16 : i32
        %eq3A = arith.constant 0 : i32
        %eq3A_305 = arith.cmpi eq, %jit3A, %eq3A : i32
        %jit3A_306 = arith.constant 1 : i32
        %select_n3A = arith.select %eq3A_305, %jit3A_306, %jit3A : i32
        %rem3A = arith.remsi %add3A_270, %select_n3A : i32
        %ne3A = arith.constant 0 : i32
        %ne3A_307 = arith.cmpi ne, %rem3A, %ne3A : i32
        %lt3A_308 = arith.constant 0 : i32
        %lt3A_309 = arith.cmpi slt, %rem3A, %lt3A_308 : i32
        %lt3A_310 = arith.constant 0 : i32
        %lt3A_311 = arith.cmpi slt, %select_n3A, %lt3A_310 : i32
        %ne3A_312 = arith.xori %lt3A_309, %lt3A_311 : i1
        %and3A_313 = arith.andi %ne3A_312, %ne3A_307 : i1
        %add3A_314 = arith.addi %rem3A, %select_n3A : i32
        %select_n3A_315 = arith.select %and3A_313, %add3A_314, %rem3A : i32
        %eq3A_316 = arith.constant 0 : i32
        %eq3A_317 = arith.cmpi eq, %select_n3A_315, %eq3A_316 : i32
        %convert_element_type3A_318 = arith.extui %eq3A_317 : i1 to i32
        %cond3A_319 = arith.constant 0 : i32
        %cond3A_320 = arith.cmpi ne, %convert_element_type3A_318, %cond3A_319 : i32
        scf.if %cond3A_320 {
          %jit3A_418 = arith.constant 16 : i32
          %div3A_419 = arith.divsi %add3A_270, %jit3A_418 : i32
          %sign3A_420 = arith.constant 0 : i32
          %sign3A_421 = arith.cmpi sgt, %add3A_270, %sign3A_420 : i32
          %sign3A_422 = arith.extui %sign3A_421 : i1 to i32
          %sign3A_423 = arith.constant 0 : i32
          %sign3A_424 = arith.cmpi slt, %add3A_270, %sign3A_423 : i32
          %sign3A_425 = arith.extui %sign3A_424 : i1 to i32
          %sign3A_426 = arith.subi %sign3A_422, %sign3A_425 : i32
          %sign3A_427 = arith.constant 0 : i32
          %sign3A_428 = arith.cmpi sgt, %jit3A_418, %sign3A_427 : i32
          %sign3A_429 = arith.extui %sign3A_428 : i1 to i32
          %sign3A_430 = arith.constant 0 : i32
          %sign3A_431 = arith.cmpi slt, %jit3A_418, %sign3A_430 : i32
          %sign3A_432 = arith.extui %sign3A_431 : i1 to i32
          %sign3A_433 = arith.subi %sign3A_429, %sign3A_432 : i32
          %ne3A_434 = arith.cmpi ne, %sign3A_426, %sign3A_433 : i32
          %rem3A_435 = arith.remsi %add3A_270, %jit3A_418 : i32
          %ne3A_436 = arith.constant 0 : i32
          %ne3A_437 = arith.cmpi ne, %rem3A_435, %ne3A_436 : i32
          %and3A_438 = arith.andi %ne3A_434, %ne3A_437 : i1
          %sub3A_439 = arith.constant 1 : i32
          %sub3A_440 = arith.subi %div3A_419, %sub3A_439 : i32
          %select_n3A_441 = arith.select %and3A_438, %sub3A_440, %div3A_419 : i32
          %jit3A_442 = arith.constant 16 : i32
          %div3A_443 = arith.divsi %add3A_270, %jit3A_442 : i32
          %sign3A_444 = arith.constant 0 : i32
          %sign3A_445 = arith.cmpi sgt, %add3A_270, %sign3A_444 : i32
          %sign3A_446 = arith.extui %sign3A_445 : i1 to i32
          %sign3A_447 = arith.constant 0 : i32
          %sign3A_448 = arith.cmpi slt, %add3A_270, %sign3A_447 : i32
          %sign3A_449 = arith.extui %sign3A_448 : i1 to i32
          %sign3A_450 = arith.subi %sign3A_446, %sign3A_449 : i32
          %sign3A_451 = arith.constant 0 : i32
          %sign3A_452 = arith.cmpi sgt, %jit3A_442, %sign3A_451 : i32
          %sign3A_453 = arith.extui %sign3A_452 : i1 to i32
          %sign3A_454 = arith.constant 0 : i32
          %sign3A_455 = arith.cmpi slt, %jit3A_442, %sign3A_454 : i32
          %sign3A_456 = arith.extui %sign3A_455 : i1 to i32
          %sign3A_457 = arith.subi %sign3A_453, %sign3A_456 : i32
          %ne3A_458 = arith.cmpi ne, %sign3A_450, %sign3A_457 : i32
          %rem3A_459 = arith.remsi %add3A_270, %jit3A_442 : i32
          %ne3A_460 = arith.constant 0 : i32
          %ne3A_461 = arith.cmpi ne, %rem3A_459, %ne3A_460 : i32
          %and3A_462 = arith.andi %ne3A_458, %ne3A_461 : i1
          %sub3A_463 = arith.constant 1 : i32
          %sub3A_464 = arith.subi %div3A_443, %sub3A_463 : i32
          %select_n3A_465 = arith.select %and3A_462, %sub3A_464, %div3A_443 : i32
          %jit3A_466 = arith.constant 2 : i32
          %eq3A_467 = arith.constant 0 : i32
          %eq3A_468 = arith.cmpi eq, %jit3A_466, %eq3A_467 : i32
          %jit3A_469 = arith.constant 1 : i32
          %select_n3A_470 = arith.select %eq3A_468, %jit3A_469, %jit3A_466 : i32
          %rem3A_471 = arith.remsi %select_n3A_465, %select_n3A_470 : i32
          %ne3A_472 = arith.constant 0 : i32
          %ne3A_473 = arith.cmpi ne, %rem3A_471, %ne3A_472 : i32
          %lt3A_474 = arith.constant 0 : i32
          %lt3A_475 = arith.cmpi slt, %rem3A_471, %lt3A_474 : i32
          %lt3A_476 = arith.constant 0 : i32
          %lt3A_477 = arith.cmpi slt, %select_n3A_470, %lt3A_476 : i32
          %ne3A_478 = arith.xori %lt3A_475, %lt3A_477 : i1
          %and3A_479 = arith.andi %ne3A_478, %ne3A_473 : i1
          %add3A_480 = arith.addi %rem3A_471, %select_n3A_470 : i32
          %select_n3A_481 = arith.select %and3A_479, %add3A_480, %rem3A_471 : i32
          %dma_wait3A_482 = arith.constant 0 : i32
          %dma_wait3A_483 = arith.constant 0 : i32
          %dma_wait3A_484 = tpu.memref_slice %arg11[%select_n3A_481, %dma_wait3A_482, %dma_wait3A_483] : memref<2x16x128xi32, #tpu.memory_space<vmem>> -> memref<1x16x128xi32, #tpu.memory_space<vmem>>
          %dma_wait3A_485 = tpu.memref_squeeze %dma_wait3A_484 : memref<1x16x128xi32, #tpu.memory_space<vmem>> -> memref<16x128xi32, #tpu.memory_space<vmem>>
          %dma_wait3A_486 = arith.constant 0 : i32
          %dma_wait3A_487 = arith.constant 0 : i32
          %dma_wait3A_488 = tpu.memref_slice %arg2[%arg1, %select_n3A_441, %dma_wait3A_486, %dma_wait3A_487] : memref<16x10x16x128xi32, #tpu.memory_space<hbm>> -> memref<1x1x16x128xi32, #tpu.memory_space<hbm>>
          %dma_wait3A_489 = tpu.memref_squeeze %dma_wait3A_488 : memref<1x1x16x128xi32, #tpu.memory_space<hbm>> -> memref<16x128xi32, #tpu.memory_space<hbm>>
          %dma_wait3A_490 = arith.constant 0 : i32
          %dma_wait3A_491 = arith.constant 0 : i32
          %dma_wait3A_492 = tpu.memref_slice %arg11[%select_n3A_481, %dma_wait3A_490, %dma_wait3A_491] : memref<2x16x128xi32, #tpu.memory_space<vmem>> -> memref<1x16x128xi32, #tpu.memory_space<vmem>>
          %dma_wait3A_493 = tpu.memref_squeeze %dma_wait3A_492 : memref<1x16x128xi32, #tpu.memory_space<vmem>> -> memref<16x128xi32, #tpu.memory_space<vmem>>
          %dma_wait3A_494 = arith.constant 0 : i32
          %dma_wait3A_495 = arith.constant 0 : i32
          %dma_wait3A_496 = tpu.memref_slice %arg2[%arg1, %select_n3A_441, %dma_wait3A_494, %dma_wait3A_495] : memref<16x10x16x128xi32, #tpu.memory_space<hbm>> -> memref<1x1x16x128xi32, #tpu.memory_space<hbm>>
          %dma_wait3A_497 = tpu.memref_squeeze %dma_wait3A_496 : memref<1x1x16x128xi32, #tpu.memory_space<hbm>> -> memref<16x128xi32, #tpu.memory_space<hbm>>
          tpu.wait_dma2 semaphore(%arg34 : memref<!tpu.dma_semaphore, #tpu.memory_space<semaphore_mem>>) src(%dma_wait3A_497 : memref<16x128xi32, #tpu.memory_space<hbm>>) dst(%dma_wait3A_493 : memref<16x128xi32, #tpu.memory_space<vmem>>)
          %dma_wait3A_498 = arith.constant 0 : i32
          %dma_wait3A_499 = arith.constant 0 : i32
          %dma_wait3A_500 = tpu.memref_slice %arg12[%select_n3A_481, %dma_wait3A_498, %dma_wait3A_499] : memref<2x16x128xi32, #tpu.memory_space<vmem>> -> memref<1x16x128xi32, #tpu.memory_space<vmem>>
          %dma_wait3A_501 = tpu.memref_squeeze %dma_wait3A_500 : memref<1x16x128xi32, #tpu.memory_space<vmem>> -> memref<16x128xi32, #tpu.memory_space<vmem>>
          %dma_wait3A_502 = arith.constant 0 : i32
          %dma_wait3A_503 = arith.constant 0 : i32
          %dma_wait3A_504 = tpu.memref_slice %arg3[%arg1, %select_n3A_441, %dma_wait3A_502, %dma_wait3A_503] : memref<16x10x16x128xi32, #tpu.memory_space<hbm>> -> memref<1x1x16x128xi32, #tpu.memory_space<hbm>>
          %dma_wait3A_505 = tpu.memref_squeeze %dma_wait3A_504 : memref<1x1x16x128xi32, #tpu.memory_space<hbm>> -> memref<16x128xi32, #tpu.memory_space<hbm>>
          %dma_wait3A_506 = arith.constant 0 : i32
          %dma_wait3A_507 = arith.constant 0 : i32
          %dma_wait3A_508 = tpu.memref_slice %arg12[%select_n3A_481, %dma_wait3A_506, %dma_wait3A_507] : memref<2x16x128xi32, #tpu.memory_space<vmem>> -> memref<1x16x128xi32, #tpu.memory_space<vmem>>
          %dma_wait3A_509 = tpu.memref_squeeze %dma_wait3A_508 : memref<1x16x128xi32, #tpu.memory_space<vmem>> -> memref<16x128xi32, #tpu.memory_space<vmem>>
          %dma_wait3A_510 = arith.constant 0 : i32
          %dma_wait3A_511 = arith.constant 0 : i32
          %dma_wait3A_512 = tpu.memref_slice %arg3[%arg1, %select_n3A_441, %dma_wait3A_510, %dma_wait3A_511] : memref<16x10x16x128xi32, #tpu.memory_space<hbm>> -> memref<1x1x16x128xi32, #tpu.memory_space<hbm>>
          %dma_wait3A_513 = tpu.memref_squeeze %dma_wait3A_512 : memref<1x1x16x128xi32, #tpu.memory_space<hbm>> -> memref<16x128xi32, #tpu.memory_space<hbm>>
          tpu.wait_dma2 semaphore(%arg34 : memref<!tpu.dma_semaphore, #tpu.memory_space<semaphore_mem>>) src(%dma_wait3A_513 : memref<16x128xi32, #tpu.memory_space<hbm>>) dst(%dma_wait3A_509 : memref<16x128xi32, #tpu.memory_space<vmem>>)
        } else {
        }
        %ge3A_321 = arith.constant 8 : i32
        %ge3A_322 = arith.cmpi sge, %add3A_270, %ge3A_321 : i32
        %convert_element_type3A_323 = arith.extui %ge3A_322 : i1 to i32
        %cond3A_324 = arith.constant 0 : i32
        %cond3A_325 = arith.cmpi ne, %convert_element_type3A_323, %cond3A_324 : i32
        scf.if %cond3A_325 {
          %dma_wait3A_418 = arith.constant 6 : i32
          %dma_wait3A_419 = arith.constant 0 : i32
          %dma_wait3A_420 = arith.constant 0 : i32
          %dma_wait3A_421 = arith.constant 0 : i32
          %dma_wait3A_422 = arith.constant 0 : i32
          %dma_wait3A_423 = tpu.memref_slice %arg13[%dma_wait3A_418, %dma_wait3A_421, %dma_wait3A_422] : memref<8x128x64xf32, #tpu.memory_space<vmem>> -> memref<1x128x64xf32, #tpu.memory_space<vmem>>
          %dma_wait3A_424 = tpu.memref_squeeze %dma_wait3A_423 : memref<1x128x64xf32, #tpu.memory_space<vmem>> -> memref<128x64xf32, #tpu.memory_space<vmem>>
          %dma_wait3A_425 = arith.constant 0 : i32
          %dma_wait3A_426 = tpu.memref_slice %arg12[%dma_wait3A_419, %dma_wait3A_420, %dma_wait3A_425] : memref<2x16x128xi32, #tpu.memory_space<vmem>> -> memref<1x1x128xi32, #tpu.memory_space<vmem>>
          %dma_wait3A_427 = tpu.memref_squeeze %dma_wait3A_426 : memref<1x1x128xi32, #tpu.memory_space<vmem>> -> memref<128xi32, #tpu.memory_space<vmem>>
          %dma_wait3A_428 = arith.constant 0 : i32
          %dma_wait3A_429 = arith.constant 0 : i32
          %dma_wait3A_430 = tpu.memref_slice %arg15[%dma_wait3A_428, %dma_wait3A_429] : memref<10240x64xf32, #tpu.memory_space<vmem_shared>> -> memref<10240x64xf32, #tpu.memory_space<vmem_shared>>
          tpu.wait_indirect_dma semaphore(%arg31 : memref<!tpu.dma_semaphore, #tpu.memory_space<semaphore_mem>>) src(%dma_wait3A_424 : memref<128x64xf32, #tpu.memory_space<vmem>>) dst(%dma_wait3A_430 : memref<10240x64xf32, #tpu.memory_space<vmem_shared>>)
        } else {
        }
        %jit3A_326 = arith.constant 16 : i32
        %div3A = arith.divsi %add3A_270, %jit3A_326 : i32
        %sign3A = arith.constant 0 : i32
        %sign3A_327 = arith.cmpi sgt, %add3A_270, %sign3A : i32
        %sign3A_328 = arith.extui %sign3A_327 : i1 to i32
        %sign3A_329 = arith.constant 0 : i32
        %sign3A_330 = arith.cmpi slt, %add3A_270, %sign3A_329 : i32
        %sign3A_331 = arith.extui %sign3A_330 : i1 to i32
        %sign3A_332 = arith.subi %sign3A_328, %sign3A_331 : i32
        %sign3A_333 = arith.constant 0 : i32
        %sign3A_334 = arith.cmpi sgt, %jit3A_326, %sign3A_333 : i32
        %sign3A_335 = arith.extui %sign3A_334 : i1 to i32
        %sign3A_336 = arith.constant 0 : i32
        %sign3A_337 = arith.cmpi slt, %jit3A_326, %sign3A_336 : i32
        %sign3A_338 = arith.extui %sign3A_337 : i1 to i32
        %sign3A_339 = arith.subi %sign3A_335, %sign3A_338 : i32
        %ne3A_340 = arith.cmpi ne, %sign3A_332, %sign3A_339 : i32
        %rem3A_341 = arith.remsi %add3A_270, %jit3A_326 : i32
        %ne3A_342 = arith.constant 0 : i32
        %ne3A_343 = arith.cmpi ne, %rem3A_341, %ne3A_342 : i32
        %and3A_344 = arith.andi %ne3A_340, %ne3A_343 : i1
        %sub3A_345 = arith.constant 1 : i32
        %sub3A_346 = arith.subi %div3A, %sub3A_345 : i32
        %select_n3A_347 = arith.select %and3A_344, %sub3A_346, %div3A : i32
        %jit3A_348 = arith.constant 2 : i32
        %eq3A_349 = arith.constant 0 : i32
        %eq3A_350 = arith.cmpi eq, %jit3A_348, %eq3A_349 : i32
        %jit3A_351 = arith.constant 1 : i32
        %select_n3A_352 = arith.select %eq3A_350, %jit3A_351, %jit3A_348 : i32
        %rem3A_353 = arith.remsi %select_n3A_347, %select_n3A_352 : i32
        %ne3A_354 = arith.constant 0 : i32
        %ne3A_355 = arith.cmpi ne, %rem3A_353, %ne3A_354 : i32
        %lt3A_356 = arith.constant 0 : i32
        %lt3A_357 = arith.cmpi slt, %rem3A_353, %lt3A_356 : i32
        %lt3A_358 = arith.constant 0 : i32
        %lt3A_359 = arith.cmpi slt, %select_n3A_352, %lt3A_358 : i32
        %ne3A_360 = arith.xori %lt3A_357, %lt3A_359 : i1
        %and3A_361 = arith.andi %ne3A_360, %ne3A_355 : i1
        %add3A_362 = arith.addi %rem3A_353, %select_n3A_352 : i32
        %select_n3A_363 = arith.select %and3A_361, %add3A_362, %rem3A_353 : i32
        %jit3A_364 = arith.constant 16 : i32
        %eq3A_365 = arith.constant 0 : i32
        %eq3A_366 = arith.cmpi eq, %jit3A_364, %eq3A_365 : i32
        %jit3A_367 = arith.constant 1 : i32
        %select_n3A_368 = arith.select %eq3A_366, %jit3A_367, %jit3A_364 : i32
        %rem3A_369 = arith.remsi %add3A_270, %select_n3A_368 : i32
        %ne3A_370 = arith.constant 0 : i32
        %ne3A_371 = arith.cmpi ne, %rem3A_369, %ne3A_370 : i32
        %lt3A_372 = arith.constant 0 : i32
        %lt3A_373 = arith.cmpi slt, %rem3A_369, %lt3A_372 : i32
        %lt3A_374 = arith.constant 0 : i32
        %lt3A_375 = arith.cmpi slt, %select_n3A_368, %lt3A_374 : i32
        %ne3A_376 = arith.xori %lt3A_373, %lt3A_375 : i1
        %and3A_377 = arith.andi %ne3A_376, %ne3A_371 : i1
        %add3A_378 = arith.addi %rem3A_369, %select_n3A_368 : i32
        %select_n3A_379 = arith.select %and3A_377, %add3A_378, %rem3A_369 : i32
        %eq3A_380 = arith.constant 0 : i32
        %eq3A_381 = arith.cmpi eq, %arg0, %eq3A_380 : i32
        %convert_element_type3A_382 = arith.extui %eq3A_381 : i1 to i32
        %cond3A_383 = arith.constant 0 : i32
        %cond3A_384 = arith.cmpi ne, %convert_element_type3A_382, %cond3A_383 : i32
        scf.if %cond3A_384 {
          %dma_start3A_418 = arith.constant 6 : i32
          %dma_start3A_419 = arith.constant 0 : i32
          %dma_start3A_420 = arith.constant 0 : i32
          %dma_start3A_421 = tpu.memref_slice %arg13[%dma_start3A_418, %dma_start3A_419, %dma_start3A_420] : memref<8x128x64xf32, #tpu.memory_space<vmem>> -> memref<1x128x64xf32, #tpu.memory_space<vmem>>
          %dma_start3A_422 = tpu.memref_squeeze %dma_start3A_421 : memref<1x128x64xf32, #tpu.memory_space<vmem>> -> memref<128x64xf32, #tpu.memory_space<vmem>>
          %dma_start3A_423 = arith.constant 0 : i32
          %dma_start3A_424 = tpu.memref_slice %arg11[%select_n3A_363, %select_n3A_379, %dma_start3A_423] : memref<2x16x128xi32, #tpu.memory_space<vmem>> -> memref<1x1x128xi32, #tpu.memory_space<vmem>>
          %dma_start3A_425 = tpu.memref_squeeze %dma_start3A_424 : memref<1x1x128xi32, #tpu.memory_space<vmem>> -> memref<128xi32, #tpu.memory_space<vmem>>
          %dma_start3A_426 = arith.constant 0 : i32
          %dma_start3A_427 = arith.constant 0 : i32
          %dma_start3A_428 = tpu.memref_slice %arg4[%dma_start3A_426, %dma_start3A_427] : memref<10000x64xf32, #tpu.memory_space<hbm>> -> memref<10000x64xf32, #tpu.memory_space<hbm>>
          tpu.enqueue_indirect_dma source(%dma_start3A_428 : memref<10000x64xf32, #tpu.memory_space<hbm>>) target(%dma_start3A_422 : memref<128x64xf32, #tpu.memory_space<vmem>>) offsets(%dma_start3A_425 : memref<128xi32, #tpu.memory_space<vmem>>) semaphore(%arg23 : memref<!tpu.dma_semaphore, #tpu.memory_space<semaphore_mem>>)
        } else {
        }
        %eq3A_385 = arith.constant 1 : i32
        %eq3A_386 = arith.cmpi eq, %arg0, %eq3A_385 : i32
        %convert_element_type3A_387 = arith.extui %eq3A_386 : i1 to i32
        %cond3A_388 = arith.constant 0 : i32
        %cond3A_389 = arith.cmpi ne, %convert_element_type3A_387, %cond3A_388 : i32
        scf.if %cond3A_389 {
          %dma_start3A_418 = arith.constant 6 : i32
          %dma_start3A_419 = arith.constant 0 : i32
          %dma_start3A_420 = arith.constant 0 : i32
          %dma_start3A_421 = tpu.memref_slice %arg13[%dma_start3A_418, %dma_start3A_419, %dma_start3A_420] : memref<8x128x64xf32, #tpu.memory_space<vmem>> -> memref<1x128x64xf32, #tpu.memory_space<vmem>>
          %dma_start3A_422 = tpu.memref_squeeze %dma_start3A_421 : memref<1x128x64xf32, #tpu.memory_space<vmem>> -> memref<128x64xf32, #tpu.memory_space<vmem>>
          %dma_start3A_423 = arith.constant 0 : i32
          %dma_start3A_424 = tpu.memref_slice %arg11[%select_n3A_363, %select_n3A_379, %dma_start3A_423] : memref<2x16x128xi32, #tpu.memory_space<vmem>> -> memref<1x1x128xi32, #tpu.memory_space<vmem>>
          %dma_start3A_425 = tpu.memref_squeeze %dma_start3A_424 : memref<1x1x128xi32, #tpu.memory_space<vmem>> -> memref<128xi32, #tpu.memory_space<vmem>>
          %dma_start3A_426 = arith.constant 0 : i32
          %dma_start3A_427 = arith.constant 0 : i32
          %dma_start3A_428 = tpu.memref_slice %arg5[%dma_start3A_426, %dma_start3A_427] : memref<10000x64xf32, #tpu.memory_space<hbm>> -> memref<10000x64xf32, #tpu.memory_space<hbm>>
          tpu.enqueue_indirect_dma source(%dma_start3A_428 : memref<10000x64xf32, #tpu.memory_space<hbm>>) target(%dma_start3A_422 : memref<128x64xf32, #tpu.memory_space<vmem>>) offsets(%dma_start3A_425 : memref<128xi32, #tpu.memory_space<vmem>>) semaphore(%arg23 : memref<!tpu.dma_semaphore, #tpu.memory_space<semaphore_mem>>)
        } else {
        }
        %jit3A_390 = arith.constant 16 : i32
        %eq3A_391 = arith.constant 0 : i32
        %eq3A_392 = arith.cmpi eq, %jit3A_390, %eq3A_391 : i32
        %jit3A_393 = arith.constant 1 : i32
        %select_n3A_394 = arith.select %eq3A_392, %jit3A_393, %jit3A_390 : i32
        %rem3A_395 = arith.remsi %add3A_270, %select_n3A_394 : i32
        %ne3A_396 = arith.constant 0 : i32
        %ne3A_397 = arith.cmpi ne, %rem3A_395, %ne3A_396 : i32
        %lt3A_398 = arith.constant 0 : i32
        %lt3A_399 = arith.cmpi slt, %rem3A_395, %lt3A_398 : i32
        %lt3A_400 = arith.constant 0 : i32
        %lt3A_401 = arith.cmpi slt, %select_n3A_394, %lt3A_400 : i32
        %ne3A_402 = arith.xori %lt3A_399, %lt3A_401 : i1
        %and3A_403 = arith.andi %ne3A_402, %ne3A_397 : i1
        %add3A_404 = arith.addi %rem3A_395, %select_n3A_394 : i32
        %select_n3A_405 = arith.select %and3A_403, %add3A_404, %rem3A_395 : i32
        %eq3A_406 = arith.constant 8 : i32
        %eq3A_407 = arith.cmpi eq, %select_n3A_405, %eq3A_406 : i32
        %add3A_408 = arith.constant 16 : i32
        %add3A_409 = arith.addi %add3A_270, %add3A_408 : i32
        %sub3A_410 = arith.constant 8 : i32
        %sub3A_411 = arith.subi %add3A_409, %sub3A_410 : i32
        %lt3A_412 = arith.constant 160 : i32
        %lt3A_413 = arith.cmpi slt, %sub3A_411, %lt3A_412 : i32
        %and3A_414 = arith.andi %eq3A_407, %lt3A_413 : i1
        %convert_element_type3A_415 = arith.extui %and3A_414 : i1 to i32
        %cond3A_416 = arith.constant 0 : i32
        %cond3A_417 = arith.cmpi ne, %convert_element_type3A_415, %cond3A_416 : i32
        scf.if %cond3A_417 {
          %jit3A_418 = arith.constant 16 : i32
          %div3A_419 = arith.divsi %add3A_270, %jit3A_418 : i32
          %sign3A_420 = arith.constant 0 : i32
          %sign3A_421 = arith.cmpi sgt, %add3A_270, %sign3A_420 : i32
          %sign3A_422 = arith.extui %sign3A_421 : i1 to i32
          %sign3A_423 = arith.constant 0 : i32
          %sign3A_424 = arith.cmpi slt, %add3A_270, %sign3A_423 : i32
          %sign3A_425 = arith.extui %sign3A_424 : i1 to i32
          %sign3A_426 = arith.subi %sign3A_422, %sign3A_425 : i32
          %sign3A_427 = arith.constant 0 : i32
          %sign3A_428 = arith.cmpi sgt, %jit3A_418, %sign3A_427 : i32
          %sign3A_429 = arith.extui %sign3A_428 : i1 to i32
          %sign3A_430 = arith.constant 0 : i32
          %sign3A_431 = arith.cmpi slt, %jit3A_418, %sign3A_430 : i32
          %sign3A_432 = arith.extui %sign3A_431 : i1 to i32
          %sign3A_433 = arith.subi %sign3A_429, %sign3A_432 : i32
          %ne3A_434 = arith.cmpi ne, %sign3A_426, %sign3A_433 : i32
          %rem3A_435 = arith.remsi %add3A_270, %jit3A_418 : i32
          %ne3A_436 = arith.constant 0 : i32
          %ne3A_437 = arith.cmpi ne, %rem3A_435, %ne3A_436 : i32
          %and3A_438 = arith.andi %ne3A_434, %ne3A_437 : i1
          %sub3A_439 = arith.constant 1 : i32
          %sub3A_440 = arith.subi %div3A_419, %sub3A_439 : i32
          %select_n3A_441 = arith.select %and3A_438, %sub3A_440, %div3A_419 : i32
          %add3A_442 = arith.constant 1 : i32
          %add3A_443 = arith.addi %select_n3A_441, %add3A_442 : i32
          %jit3A_444 = arith.constant 16 : i32
          %div3A_445 = arith.divsi %add3A_270, %jit3A_444 : i32
          %sign3A_446 = arith.constant 0 : i32
          %sign3A_447 = arith.cmpi sgt, %add3A_270, %sign3A_446 : i32
          %sign3A_448 = arith.extui %sign3A_447 : i1 to i32
          %sign3A_449 = arith.constant 0 : i32
          %sign3A_450 = arith.cmpi slt, %add3A_270, %sign3A_449 : i32
          %sign3A_451 = arith.extui %sign3A_450 : i1 to i32
          %sign3A_452 = arith.subi %sign3A_448, %sign3A_451 : i32
          %sign3A_453 = arith.constant 0 : i32
          %sign3A_454 = arith.cmpi sgt, %jit3A_444, %sign3A_453 : i32
          %sign3A_455 = arith.extui %sign3A_454 : i1 to i32
          %sign3A_456 = arith.constant 0 : i32
          %sign3A_457 = arith.cmpi slt, %jit3A_444, %sign3A_456 : i32
          %sign3A_458 = arith.extui %sign3A_457 : i1 to i32
          %sign3A_459 = arith.subi %sign3A_455, %sign3A_458 : i32
          %ne3A_460 = arith.cmpi ne, %sign3A_452, %sign3A_459 : i32
          %rem3A_461 = arith.remsi %add3A_270, %jit3A_444 : i32
          %ne3A_462 = arith.constant 0 : i32
          %ne3A_463 = arith.cmpi ne, %rem3A_461, %ne3A_462 : i32
          %and3A_464 = arith.andi %ne3A_460, %ne3A_463 : i1
          %sub3A_465 = arith.constant 1 : i32
          %sub3A_466 = arith.subi %div3A_445, %sub3A_465 : i32
          %select_n3A_467 = arith.select %and3A_464, %sub3A_466, %div3A_445 : i32
          %add3A_468 = arith.constant 1 : i32
          %add3A_469 = arith.addi %select_n3A_467, %add3A_468 : i32
          %jit3A_470 = arith.constant 2 : i32
          %eq3A_471 = arith.constant 0 : i32
          %eq3A_472 = arith.cmpi eq, %jit3A_470, %eq3A_471 : i32
          %jit3A_473 = arith.constant 1 : i32
          %select_n3A_474 = arith.select %eq3A_472, %jit3A_473, %jit3A_470 : i32
          %rem3A_475 = arith.remsi %add3A_469, %select_n3A_474 : i32
          %ne3A_476 = arith.constant 0 : i32
          %ne3A_477 = arith.cmpi ne, %rem3A_475, %ne3A_476 : i32
          %lt3A_478 = arith.constant 0 : i32
          %lt3A_479 = arith.cmpi slt, %rem3A_475, %lt3A_478 : i32
          %lt3A_480 = arith.constant 0 : i32
          %lt3A_481 = arith.cmpi slt, %select_n3A_474, %lt3A_480 : i32
          %ne3A_482 = arith.xori %lt3A_479, %lt3A_481 : i1
          %and3A_483 = arith.andi %ne3A_482, %ne3A_477 : i1
          %add3A_484 = arith.addi %rem3A_475, %select_n3A_474 : i32
          %select_n3A_485 = arith.select %and3A_483, %add3A_484, %rem3A_475 : i32
          %dma_start3A_486 = arith.constant 0 : i32
          %dma_start3A_487 = arith.constant 0 : i32
          %dma_start3A_488 = tpu.memref_slice %arg11[%select_n3A_485, %dma_start3A_486, %dma_start3A_487] : memref<2x16x128xi32, #tpu.memory_space<vmem>> -> memref<1x16x128xi32, #tpu.memory_space<vmem>>
          %dma_start3A_489 = tpu.memref_squeeze %dma_start3A_488 : memref<1x16x128xi32, #tpu.memory_space<vmem>> -> memref<16x128xi32, #tpu.memory_space<vmem>>
          %dma_start3A_490 = arith.constant 0 : i32
          %dma_start3A_491 = arith.constant 0 : i32
          %dma_start3A_492 = tpu.memref_slice %arg2[%arg1, %add3A_443, %dma_start3A_490, %dma_start3A_491] : memref<16x10x16x128xi32, #tpu.memory_space<hbm>> -> memref<1x1x16x128xi32, #tpu.memory_space<hbm>>
          %dma_start3A_493 = tpu.memref_squeeze %dma_start3A_492 : memref<1x1x16x128xi32, #tpu.memory_space<hbm>> -> memref<16x128xi32, #tpu.memory_space<hbm>>
          %dma_start3A_494 = arith.constant 0 : i32
          %dma_start3A_495 = arith.constant 0 : i32
          %dma_start3A_496 = tpu.memref_slice %arg11[%select_n3A_485, %dma_start3A_494, %dma_start3A_495] : memref<2x16x128xi32, #tpu.memory_space<vmem>> -> memref<1x16x128xi32, #tpu.memory_space<vmem>>
          %dma_start3A_497 = tpu.memref_squeeze %dma_start3A_496 : memref<1x16x128xi32, #tpu.memory_space<vmem>> -> memref<16x128xi32, #tpu.memory_space<vmem>>
          %dma_start3A_498 = arith.constant 0 : i32
          %dma_start3A_499 = arith.constant 0 : i32
          %dma_start3A_500 = tpu.memref_slice %arg2[%arg1, %add3A_443, %dma_start3A_498, %dma_start3A_499] : memref<16x10x16x128xi32, #tpu.memory_space<hbm>> -> memref<1x1x16x128xi32, #tpu.memory_space<hbm>>
          %dma_start3A_501 = tpu.memref_squeeze %dma_start3A_500 : memref<1x1x16x128xi32, #tpu.memory_space<hbm>> -> memref<16x128xi32, #tpu.memory_space<hbm>>
          tpu.enqueue_dma source(%dma_start3A_501 : memref<16x128xi32, #tpu.memory_space<hbm>>) target(%dma_start3A_497 : memref<16x128xi32, #tpu.memory_space<vmem>>) target_semaphore(%arg34 : memref<!tpu.dma_semaphore, #tpu.memory_space<semaphore_mem>>)
          %dma_start3A_502 = arith.constant 0 : i32
          %dma_start3A_503 = arith.constant 0 : i32
          %dma_start3A_504 = tpu.memref_slice %arg12[%select_n3A_485, %dma_start3A_502, %dma_start3A_503] : memref<2x16x128xi32, #tpu.memory_space<vmem>> -> memref<1x16x128xi32, #tpu.memory_space<vmem>>
          %dma_start3A_505 = tpu.memref_squeeze %dma_start3A_504 : memref<1x16x128xi32, #tpu.memory_space<vmem>> -> memref<16x128xi32, #tpu.memory_space<vmem>>
          %dma_start3A_506 = arith.constant 0 : i32
          %dma_start3A_507 = arith.constant 0 : i32
          %dma_start3A_508 = tpu.memref_slice %arg3[%arg1, %add3A_443, %dma_start3A_506, %dma_start3A_507] : memref<16x10x16x128xi32, #tpu.memory_space<hbm>> -> memref<1x1x16x128xi32, #tpu.memory_space<hbm>>
          %dma_start3A_509 = tpu.memref_squeeze %dma_start3A_508 : memref<1x1x16x128xi32, #tpu.memory_space<hbm>> -> memref<16x128xi32, #tpu.memory_space<hbm>>
          %dma_start3A_510 = arith.constant 0 : i32
          %dma_start3A_511 = arith.constant 0 : i32
          %dma_start3A_512 = tpu.memref_slice %arg12[%select_n3A_485, %dma_start3A_510, %dma_start3A_511] : memref<2x16x128xi32, #tpu.memory_space<vmem>> -> memref<1x16x128xi32, #tpu.memory_space<vmem>>
          %dma_start3A_513 = tpu.memref_squeeze %dma_start3A_512 : memref<1x16x128xi32, #tpu.memory_space<vmem>> -> memref<16x128xi32, #tpu.memory_space<vmem>>
          %dma_start3A_514 = arith.constant 0 : i32
          %dma_start3A_515 = arith.constant 0 : i32
          %dma_start3A_516 = tpu.memref_slice %arg3[%arg1, %add3A_443, %dma_start3A_514, %dma_start3A_515] : memref<16x10x16x128xi32, #tpu.memory_space<hbm>> -> memref<1x1x16x128xi32, #tpu.memory_space<hbm>>
          %dma_start3A_517 = tpu.memref_squeeze %dma_start3A_516 : memref<1x1x16x128xi32, #tpu.memory_space<hbm>> -> memref<16x128xi32, #tpu.memory_space<hbm>>
          tpu.enqueue_dma source(%dma_start3A_517 : memref<16x128xi32, #tpu.memory_space<hbm>>) target(%dma_start3A_513 : memref<16x128xi32, #tpu.memory_space<vmem>>) target_semaphore(%arg34 : memref<!tpu.dma_semaphore, #tpu.memory_space<semaphore_mem>>)
        } else {
        }
      } else {
      }
      %sub3A_276 = arith.constant 4 : i32
      %sub3A_277 = arith.subi %add3A_270, %sub3A_276 : i32
      %ge3A_278 = arith.constant 0 : i32
      %ge3A_279 = arith.cmpi sge, %sub3A_277, %ge3A_278 : i32
      %lt3A_280 = arith.constant 160 : i32
      %lt3A_281 = arith.cmpi slt, %sub3A_277, %lt3A_280 : i32
      %and3A_282 = arith.andi %ge3A_279, %lt3A_281 : i1
      %convert_element_type3A_283 = arith.extui %and3A_282 : i1 to i32
      %cond3A_284 = arith.constant 0 : i32
      %cond3A_285 = arith.cmpi ne, %convert_element_type3A_283, %cond3A_284 : i32
      scf.if %cond3A_285 {
        %dma_wait3A_305 = arith.constant 0 : i32
        %dma_wait3A_306 = arith.constant 0 : i32
        %dma_wait3A_307 = arith.constant 2 : i32
        %dma_wait3A_308 = arith.constant 0 : i32
        %dma_wait3A_309 = arith.constant 0 : i32
        %dma_wait3A_310 = tpu.memref_slice %arg13[%dma_wait3A_307, %dma_wait3A_308, %dma_wait3A_309] : memref<8x128x64xf32, #tpu.memory_space<vmem>> -> memref<1x128x64xf32, #tpu.memory_space<vmem>>
        %dma_wait3A_311 = tpu.memref_squeeze %dma_wait3A_310 : memref<1x128x64xf32, #tpu.memory_space<vmem>> -> memref<128x64xf32, #tpu.memory_space<vmem>>
        %dma_wait3A_312 = arith.constant 0 : i32
        %dma_wait3A_313 = tpu.memref_slice %arg11[%dma_wait3A_305, %dma_wait3A_306, %dma_wait3A_312] : memref<2x16x128xi32, #tpu.memory_space<vmem>> -> memref<1x1x128xi32, #tpu.memory_space<vmem>>
        %dma_wait3A_314 = tpu.memref_squeeze %dma_wait3A_313 : memref<1x1x128xi32, #tpu.memory_space<vmem>> -> memref<128xi32, #tpu.memory_space<vmem>>
        %dma_wait3A_315 = arith.constant 0 : i32
        %dma_wait3A_316 = arith.constant 0 : i32
        %dma_wait3A_317 = tpu.memref_slice %arg4[%dma_wait3A_315, %dma_wait3A_316] : memref<10000x64xf32, #tpu.memory_space<hbm>> -> memref<10000x64xf32, #tpu.memory_space<hbm>>
        tpu.wait_indirect_dma semaphore(%arg19 : memref<!tpu.dma_semaphore, #tpu.memory_space<semaphore_mem>>) src(%dma_wait3A_317 : memref<10000x64xf32, #tpu.memory_space<hbm>>) dst(%dma_wait3A_311 : memref<128x64xf32, #tpu.memory_space<vmem>>)
        %jit3A = arith.constant 16 : i32
        %div3A = arith.divsi %sub3A_277, %jit3A : i32
        %sign3A = arith.constant 0 : i32
        %sign3A_318 = arith.cmpi sgt, %sub3A_277, %sign3A : i32
        %sign3A_319 = arith.extui %sign3A_318 : i1 to i32
        %sign3A_320 = arith.constant 0 : i32
        %sign3A_321 = arith.cmpi slt, %sub3A_277, %sign3A_320 : i32
        %sign3A_322 = arith.extui %sign3A_321 : i1 to i32
        %sign3A_323 = arith.subi %sign3A_319, %sign3A_322 : i32
        %sign3A_324 = arith.constant 0 : i32
        %sign3A_325 = arith.cmpi sgt, %jit3A, %sign3A_324 : i32
        %sign3A_326 = arith.extui %sign3A_325 : i1 to i32
        %sign3A_327 = arith.constant 0 : i32
        %sign3A_328 = arith.cmpi slt, %jit3A, %sign3A_327 : i32
        %sign3A_329 = arith.extui %sign3A_328 : i1 to i32
        %sign3A_330 = arith.subi %sign3A_326, %sign3A_329 : i32
        %ne3A = arith.cmpi ne, %sign3A_323, %sign3A_330 : i32
        %rem3A = arith.remsi %sub3A_277, %jit3A : i32
        %ne3A_331 = arith.constant 0 : i32
        %ne3A_332 = arith.cmpi ne, %rem3A, %ne3A_331 : i32
        %and3A_333 = arith.andi %ne3A, %ne3A_332 : i1
        %sub3A_334 = arith.constant 1 : i32
        %sub3A_335 = arith.subi %div3A, %sub3A_334 : i32
        %select_n3A = arith.select %and3A_333, %sub3A_335, %div3A : i32
        %jit3A_336 = arith.constant 2 : i32
        %eq3A = arith.constant 0 : i32
        %eq3A_337 = arith.cmpi eq, %jit3A_336, %eq3A : i32
        %jit3A_338 = arith.constant 1 : i32
        %select_n3A_339 = arith.select %eq3A_337, %jit3A_338, %jit3A_336 : i32
        %rem3A_340 = arith.remsi %select_n3A, %select_n3A_339 : i32
        %ne3A_341 = arith.constant 0 : i32
        %ne3A_342 = arith.cmpi ne, %rem3A_340, %ne3A_341 : i32
        %lt3A_343 = arith.constant 0 : i32
        %lt3A_344 = arith.cmpi slt, %rem3A_340, %lt3A_343 : i32
        %lt3A_345 = arith.constant 0 : i32
        %lt3A_346 = arith.cmpi slt, %select_n3A_339, %lt3A_345 : i32
        %ne3A_347 = arith.xori %lt3A_344, %lt3A_346 : i1
        %and3A_348 = arith.andi %ne3A_347, %ne3A_342 : i1
        %add3A_349 = arith.addi %rem3A_340, %select_n3A_339 : i32
        %select_n3A_350 = arith.select %and3A_348, %add3A_349, %rem3A_340 : i32
        %jit3A_351 = arith.constant 16 : i32
        %eq3A_352 = arith.constant 0 : i32
        %eq3A_353 = arith.cmpi eq, %jit3A_351, %eq3A_352 : i32
        %jit3A_354 = arith.constant 1 : i32
        %select_n3A_355 = arith.select %eq3A_353, %jit3A_354, %jit3A_351 : i32
        %rem3A_356 = arith.remsi %sub3A_277, %select_n3A_355 : i32
        %ne3A_357 = arith.constant 0 : i32
        %ne3A_358 = arith.cmpi ne, %rem3A_356, %ne3A_357 : i32
        %lt3A_359 = arith.constant 0 : i32
        %lt3A_360 = arith.cmpi slt, %rem3A_356, %lt3A_359 : i32
        %lt3A_361 = arith.constant 0 : i32
        %lt3A_362 = arith.cmpi slt, %select_n3A_355, %lt3A_361 : i32
        %ne3A_363 = arith.xori %lt3A_360, %lt3A_362 : i1
        %and3A_364 = arith.andi %ne3A_363, %ne3A_358 : i1
        %add3A_365 = arith.addi %rem3A_356, %select_n3A_355 : i32
        %select_n3A_366 = arith.select %and3A_364, %add3A_365, %rem3A_356 : i32
        %dma_start3A_367 = arith.constant 2 : i32
        %dma_start3A_368 = arith.constant 0 : i32
        %dma_start3A_369 = arith.constant 0 : i32
        %dma_start3A_370 = tpu.memref_slice %arg13[%dma_start3A_367, %dma_start3A_368, %dma_start3A_369] : memref<8x128x64xf32, #tpu.memory_space<vmem>> -> memref<1x128x64xf32, #tpu.memory_space<vmem>>
        %dma_start3A_371 = tpu.memref_squeeze %dma_start3A_370 : memref<1x128x64xf32, #tpu.memory_space<vmem>> -> memref<128x64xf32, #tpu.memory_space<vmem>>
        %dma_start3A_372 = arith.constant 0 : i32
        %dma_start3A_373 = tpu.memref_slice %arg12[%select_n3A_350, %select_n3A_366, %dma_start3A_372] : memref<2x16x128xi32, #tpu.memory_space<vmem>> -> memref<1x1x128xi32, #tpu.memory_space<vmem>>
        %dma_start3A_374 = tpu.memref_squeeze %dma_start3A_373 : memref<1x1x128xi32, #tpu.memory_space<vmem>> -> memref<128xi32, #tpu.memory_space<vmem>>
        %dma_start3A_375 = arith.constant 0 : i32
        %dma_start3A_376 = arith.constant 0 : i32
        %dma_start3A_377 = tpu.memref_slice %arg15[%dma_start3A_375, %dma_start3A_376] : memref<10240x64xf32, #tpu.memory_space<vmem_shared>> -> memref<10240x64xf32, #tpu.memory_space<vmem_shared>>
        tpu.enqueue_indirect_dma source(%dma_start3A_371 : memref<128x64xf32, #tpu.memory_space<vmem>>) target(%dma_start3A_377 : memref<10240x64xf32, #tpu.memory_space<vmem_shared>>) offsets(%dma_start3A_374 : memref<128xi32, #tpu.memory_space<vmem>>) semaphore(%arg27 : memref<!tpu.dma_semaphore, #tpu.memory_space<semaphore_mem>>) {add = true}
        %lt3A_378 = arith.constant 80 : i32
        %lt3A_379 = arith.cmpi slt, %sub3A_277, %lt3A_378 : i32
        %eq3A_380 = arith.constant 0 : i32
        %eq3A_381 = arith.cmpi eq, %arg0, %eq3A_380 : i32
        %eq3A_382 = arith.xori %lt3A_379, %eq3A_381 : i1
        %eq3A_383 = arith.constant true
        %eq3A_384 = arith.xori %eq3A_382, %eq3A_383 : i1
        %convert_element_type3A_385 = arith.extui %eq3A_384 : i1 to i32
        %cond3A_386 = arith.constant 0 : i32
        %cond3A_387 = arith.cmpi ne, %convert_element_type3A_385, %cond3A_386 : i32
        scf.if %cond3A_387 {
          %dma_start3A_388 = arith.constant 0 : i32
          %dma_start3A_389 = tpu.memref_slice %arg12[%select_n3A_350, %select_n3A_366, %dma_start3A_388] : memref<2x16x128xi32, #tpu.memory_space<vmem>> -> memref<1x1x128xi32, #tpu.memory_space<vmem>>
          %dma_start3A_390 = tpu.memref_squeeze %dma_start3A_389 : memref<1x1x128xi32, #tpu.memory_space<vmem>> -> memref<128xi32, #tpu.memory_space<vmem>>
          %dma_start3A_391 = arith.constant 0 : i32
          %dma_start3A_392 = arith.constant 0 : i32
          %dma_start3A_393 = tpu.memref_slice %arg16[%dma_start3A_391, %dma_start3A_392] : memref<10240x16xf32, #tpu.memory_space<vmem_shared>> -> memref<10240x16xf32, #tpu.memory_space<vmem_shared>>
          tpu.enqueue_indirect_dma source(%arg14 : memref<128x16xf32, #tpu.memory_space<vmem>>) target(%dma_start3A_393 : memref<10240x16xf32, #tpu.memory_space<vmem_shared>>) offsets(%dma_start3A_390 : memref<128xi32, #tpu.memory_space<vmem>>) semaphore(%arg33 : memref<!tpu.dma_semaphore, #tpu.memory_space<semaphore_mem>>) {add = true}
        } else {
        }
      } else {
      }
      %mul3A_286 = arith.constant 8 : i32
      %mul3A_287 = arith.muli %scan3A_159, %mul3A_286 : i32
      %add3A_288 = arith.constant 7 : i32
      %add3A_289 = arith.addi %mul3A_287, %add3A_288 : i32
      %lt3A_290 = arith.constant 160 : i32
      %lt3A_291 = arith.cmpi slt, %add3A_289, %lt3A_290 : i32
      %convert_element_type3A_292 = arith.extui %lt3A_291 : i1 to i32
      %cond3A_293 = arith.constant 0 : i32
      %cond3A_294 = arith.cmpi ne, %convert_element_type3A_292, %cond3A_293 : i32
      scf.if %cond3A_294 {
        %jit3A = arith.constant 16 : i32
        %eq3A = arith.constant 0 : i32
        %eq3A_305 = arith.cmpi eq, %jit3A, %eq3A : i32
        %jit3A_306 = arith.constant 1 : i32
        %select_n3A = arith.select %eq3A_305, %jit3A_306, %jit3A : i32
        %rem3A = arith.remsi %add3A_289, %select_n3A : i32
        %ne3A = arith.constant 0 : i32
        %ne3A_307 = arith.cmpi ne, %rem3A, %ne3A : i32
        %lt3A_308 = arith.constant 0 : i32
        %lt3A_309 = arith.cmpi slt, %rem3A, %lt3A_308 : i32
        %lt3A_310 = arith.constant 0 : i32
        %lt3A_311 = arith.cmpi slt, %select_n3A, %lt3A_310 : i32
        %ne3A_312 = arith.xori %lt3A_309, %lt3A_311 : i1
        %and3A_313 = arith.andi %ne3A_312, %ne3A_307 : i1
        %add3A_314 = arith.addi %rem3A, %select_n3A : i32
        %select_n3A_315 = arith.select %and3A_313, %add3A_314, %rem3A : i32
        %eq3A_316 = arith.constant 0 : i32
        %eq3A_317 = arith.cmpi eq, %select_n3A_315, %eq3A_316 : i32
        %convert_element_type3A_318 = arith.extui %eq3A_317 : i1 to i32
        %cond3A_319 = arith.constant 0 : i32
        %cond3A_320 = arith.cmpi ne, %convert_element_type3A_318, %cond3A_319 : i32
        scf.if %cond3A_320 {
          %jit3A_418 = arith.constant 16 : i32
          %div3A_419 = arith.divsi %add3A_289, %jit3A_418 : i32
          %sign3A_420 = arith.constant 0 : i32
          %sign3A_421 = arith.cmpi sgt, %add3A_289, %sign3A_420 : i32
          %sign3A_422 = arith.extui %sign3A_421 : i1 to i32
          %sign3A_423 = arith.constant 0 : i32
          %sign3A_424 = arith.cmpi slt, %add3A_289, %sign3A_423 : i32
          %sign3A_425 = arith.extui %sign3A_424 : i1 to i32
          %sign3A_426 = arith.subi %sign3A_422, %sign3A_425 : i32
          %sign3A_427 = arith.constant 0 : i32
          %sign3A_428 = arith.cmpi sgt, %jit3A_418, %sign3A_427 : i32
          %sign3A_429 = arith.extui %sign3A_428 : i1 to i32
          %sign3A_430 = arith.constant 0 : i32
          %sign3A_431 = arith.cmpi slt, %jit3A_418, %sign3A_430 : i32
          %sign3A_432 = arith.extui %sign3A_431 : i1 to i32
          %sign3A_433 = arith.subi %sign3A_429, %sign3A_432 : i32
          %ne3A_434 = arith.cmpi ne, %sign3A_426, %sign3A_433 : i32
          %rem3A_435 = arith.remsi %add3A_289, %jit3A_418 : i32
          %ne3A_436 = arith.constant 0 : i32
          %ne3A_437 = arith.cmpi ne, %rem3A_435, %ne3A_436 : i32
          %and3A_438 = arith.andi %ne3A_434, %ne3A_437 : i1
          %sub3A_439 = arith.constant 1 : i32
          %sub3A_440 = arith.subi %div3A_419, %sub3A_439 : i32
          %select_n3A_441 = arith.select %and3A_438, %sub3A_440, %div3A_419 : i32
          %jit3A_442 = arith.constant 16 : i32
          %div3A_443 = arith.divsi %add3A_289, %jit3A_442 : i32
          %sign3A_444 = arith.constant 0 : i32
          %sign3A_445 = arith.cmpi sgt, %add3A_289, %sign3A_444 : i32
          %sign3A_446 = arith.extui %sign3A_445 : i1 to i32
          %sign3A_447 = arith.constant 0 : i32
          %sign3A_448 = arith.cmpi slt, %add3A_289, %sign3A_447 : i32
          %sign3A_449 = arith.extui %sign3A_448 : i1 to i32
          %sign3A_450 = arith.subi %sign3A_446, %sign3A_449 : i32
          %sign3A_451 = arith.constant 0 : i32
          %sign3A_452 = arith.cmpi sgt, %jit3A_442, %sign3A_451 : i32
          %sign3A_453 = arith.extui %sign3A_452 : i1 to i32
          %sign3A_454 = arith.constant 0 : i32
          %sign3A_455 = arith.cmpi slt, %jit3A_442, %sign3A_454 : i32
          %sign3A_456 = arith.extui %sign3A_455 : i1 to i32
          %sign3A_457 = arith.subi %sign3A_453, %sign3A_456 : i32
          %ne3A_458 = arith.cmpi ne, %sign3A_450, %sign3A_457 : i32
          %rem3A_459 = arith.remsi %add3A_289, %jit3A_442 : i32
          %ne3A_460 = arith.constant 0 : i32
          %ne3A_461 = arith.cmpi ne, %rem3A_459, %ne3A_460 : i32
          %and3A_462 = arith.andi %ne3A_458, %ne3A_461 : i1
          %sub3A_463 = arith.constant 1 : i32
          %sub3A_464 = arith.subi %div3A_443, %sub3A_463 : i32
          %select_n3A_465 = arith.select %and3A_462, %sub3A_464, %div3A_443 : i32
          %jit3A_466 = arith.constant 2 : i32
          %eq3A_467 = arith.constant 0 : i32
          %eq3A_468 = arith.cmpi eq, %jit3A_466, %eq3A_467 : i32
          %jit3A_469 = arith.constant 1 : i32
          %select_n3A_470 = arith.select %eq3A_468, %jit3A_469, %jit3A_466 : i32
          %rem3A_471 = arith.remsi %select_n3A_465, %select_n3A_470 : i32
          %ne3A_472 = arith.constant 0 : i32
          %ne3A_473 = arith.cmpi ne, %rem3A_471, %ne3A_472 : i32
          %lt3A_474 = arith.constant 0 : i32
          %lt3A_475 = arith.cmpi slt, %rem3A_471, %lt3A_474 : i32
          %lt3A_476 = arith.constant 0 : i32
          %lt3A_477 = arith.cmpi slt, %select_n3A_470, %lt3A_476 : i32
          %ne3A_478 = arith.xori %lt3A_475, %lt3A_477 : i1
          %and3A_479 = arith.andi %ne3A_478, %ne3A_473 : i1
          %add3A_480 = arith.addi %rem3A_471, %select_n3A_470 : i32
          %select_n3A_481 = arith.select %and3A_479, %add3A_480, %rem3A_471 : i32
          %dma_wait3A_482 = arith.constant 0 : i32
          %dma_wait3A_483 = arith.constant 0 : i32
          %dma_wait3A_484 = tpu.memref_slice %arg11[%select_n3A_481, %dma_wait3A_482, %dma_wait3A_483] : memref<2x16x128xi32, #tpu.memory_space<vmem>> -> memref<1x16x128xi32, #tpu.memory_space<vmem>>
          %dma_wait3A_485 = tpu.memref_squeeze %dma_wait3A_484 : memref<1x16x128xi32, #tpu.memory_space<vmem>> -> memref<16x128xi32, #tpu.memory_space<vmem>>
          %dma_wait3A_486 = arith.constant 0 : i32
          %dma_wait3A_487 = arith.constant 0 : i32
          %dma_wait3A_488 = tpu.memref_slice %arg2[%arg1, %select_n3A_441, %dma_wait3A_486, %dma_wait3A_487] : memref<16x10x16x128xi32, #tpu.memory_space<hbm>> -> memref<1x1x16x128xi32, #tpu.memory_space<hbm>>
          %dma_wait3A_489 = tpu.memref_squeeze %dma_wait3A_488 : memref<1x1x16x128xi32, #tpu.memory_space<hbm>> -> memref<16x128xi32, #tpu.memory_space<hbm>>
          %dma_wait3A_490 = arith.constant 0 : i32
          %dma_wait3A_491 = arith.constant 0 : i32
          %dma_wait3A_492 = tpu.memref_slice %arg11[%select_n3A_481, %dma_wait3A_490, %dma_wait3A_491] : memref<2x16x128xi32, #tpu.memory_space<vmem>> -> memref<1x16x128xi32, #tpu.memory_space<vmem>>
          %dma_wait3A_493 = tpu.memref_squeeze %dma_wait3A_492 : memref<1x16x128xi32, #tpu.memory_space<vmem>> -> memref<16x128xi32, #tpu.memory_space<vmem>>
          %dma_wait3A_494 = arith.constant 0 : i32
          %dma_wait3A_495 = arith.constant 0 : i32
          %dma_wait3A_496 = tpu.memref_slice %arg2[%arg1, %select_n3A_441, %dma_wait3A_494, %dma_wait3A_495] : memref<16x10x16x128xi32, #tpu.memory_space<hbm>> -> memref<1x1x16x128xi32, #tpu.memory_space<hbm>>
          %dma_wait3A_497 = tpu.memref_squeeze %dma_wait3A_496 : memref<1x1x16x128xi32, #tpu.memory_space<hbm>> -> memref<16x128xi32, #tpu.memory_space<hbm>>
          tpu.wait_dma2 semaphore(%arg34 : memref<!tpu.dma_semaphore, #tpu.memory_space<semaphore_mem>>) src(%dma_wait3A_497 : memref<16x128xi32, #tpu.memory_space<hbm>>) dst(%dma_wait3A_493 : memref<16x128xi32, #tpu.memory_space<vmem>>)
          %dma_wait3A_498 = arith.constant 0 : i32
          %dma_wait3A_499 = arith.constant 0 : i32
          %dma_wait3A_500 = tpu.memref_slice %arg12[%select_n3A_481, %dma_wait3A_498, %dma_wait3A_499] : memref<2x16x128xi32, #tpu.memory_space<vmem>> -> memref<1x16x128xi32, #tpu.memory_space<vmem>>
          %dma_wait3A_501 = tpu.memref_squeeze %dma_wait3A_500 : memref<1x16x128xi32, #tpu.memory_space<vmem>> -> memref<16x128xi32, #tpu.memory_space<vmem>>
          %dma_wait3A_502 = arith.constant 0 : i32
          %dma_wait3A_503 = arith.constant 0 : i32
          %dma_wait3A_504 = tpu.memref_slice %arg3[%arg1, %select_n3A_441, %dma_wait3A_502, %dma_wait3A_503] : memref<16x10x16x128xi32, #tpu.memory_space<hbm>> -> memref<1x1x16x128xi32, #tpu.memory_space<hbm>>
          %dma_wait3A_505 = tpu.memref_squeeze %dma_wait3A_504 : memref<1x1x16x128xi32, #tpu.memory_space<hbm>> -> memref<16x128xi32, #tpu.memory_space<hbm>>
          %dma_wait3A_506 = arith.constant 0 : i32
          %dma_wait3A_507 = arith.constant 0 : i32
          %dma_wait3A_508 = tpu.memref_slice %arg12[%select_n3A_481, %dma_wait3A_506, %dma_wait3A_507] : memref<2x16x128xi32, #tpu.memory_space<vmem>> -> memref<1x16x128xi32, #tpu.memory_space<vmem>>
          %dma_wait3A_509 = tpu.memref_squeeze %dma_wait3A_508 : memref<1x16x128xi32, #tpu.memory_space<vmem>> -> memref<16x128xi32, #tpu.memory_space<vmem>>
          %dma_wait3A_510 = arith.constant 0 : i32
          %dma_wait3A_511 = arith.constant 0 : i32
          %dma_wait3A_512 = tpu.memref_slice %arg3[%arg1, %select_n3A_441, %dma_wait3A_510, %dma_wait3A_511] : memref<16x10x16x128xi32, #tpu.memory_space<hbm>> -> memref<1x1x16x128xi32, #tpu.memory_space<hbm>>
          %dma_wait3A_513 = tpu.memref_squeeze %dma_wait3A_512 : memref<1x1x16x128xi32, #tpu.memory_space<hbm>> -> memref<16x128xi32, #tpu.memory_space<hbm>>
          tpu.wait_dma2 semaphore(%arg34 : memref<!tpu.dma_semaphore, #tpu.memory_space<semaphore_mem>>) src(%dma_wait3A_513 : memref<16x128xi32, #tpu.memory_space<hbm>>) dst(%dma_wait3A_509 : memref<16x128xi32, #tpu.memory_space<vmem>>)
        } else {
        }
        %ge3A_321 = arith.constant 8 : i32
        %ge3A_322 = arith.cmpi sge, %add3A_289, %ge3A_321 : i32
        %convert_element_type3A_323 = arith.extui %ge3A_322 : i1 to i32
        %cond3A_324 = arith.constant 0 : i32
        %cond3A_325 = arith.cmpi ne, %convert_element_type3A_323, %cond3A_324 : i32
        scf.if %cond3A_325 {
          %dma_wait3A_418 = arith.constant 7 : i32
          %dma_wait3A_419 = arith.constant 0 : i32
          %dma_wait3A_420 = arith.constant 0 : i32
          %dma_wait3A_421 = arith.constant 0 : i32
          %dma_wait3A_422 = arith.constant 0 : i32
          %dma_wait3A_423 = tpu.memref_slice %arg13[%dma_wait3A_418, %dma_wait3A_421, %dma_wait3A_422] : memref<8x128x64xf32, #tpu.memory_space<vmem>> -> memref<1x128x64xf32, #tpu.memory_space<vmem>>
          %dma_wait3A_424 = tpu.memref_squeeze %dma_wait3A_423 : memref<1x128x64xf32, #tpu.memory_space<vmem>> -> memref<128x64xf32, #tpu.memory_space<vmem>>
          %dma_wait3A_425 = arith.constant 0 : i32
          %dma_wait3A_426 = tpu.memref_slice %arg12[%dma_wait3A_419, %dma_wait3A_420, %dma_wait3A_425] : memref<2x16x128xi32, #tpu.memory_space<vmem>> -> memref<1x1x128xi32, #tpu.memory_space<vmem>>
          %dma_wait3A_427 = tpu.memref_squeeze %dma_wait3A_426 : memref<1x1x128xi32, #tpu.memory_space<vmem>> -> memref<128xi32, #tpu.memory_space<vmem>>
          %dma_wait3A_428 = arith.constant 0 : i32
          %dma_wait3A_429 = arith.constant 0 : i32
          %dma_wait3A_430 = tpu.memref_slice %arg15[%dma_wait3A_428, %dma_wait3A_429] : memref<10240x64xf32, #tpu.memory_space<vmem_shared>> -> memref<10240x64xf32, #tpu.memory_space<vmem_shared>>
          tpu.wait_indirect_dma semaphore(%arg32 : memref<!tpu.dma_semaphore, #tpu.memory_space<semaphore_mem>>) src(%dma_wait3A_424 : memref<128x64xf32, #tpu.memory_space<vmem>>) dst(%dma_wait3A_430 : memref<10240x64xf32, #tpu.memory_space<vmem_shared>>)
        } else {
        }
        %jit3A_326 = arith.constant 16 : i32
        %div3A = arith.divsi %add3A_289, %jit3A_326 : i32
        %sign3A = arith.constant 0 : i32
        %sign3A_327 = arith.cmpi sgt, %add3A_289, %sign3A : i32
        %sign3A_328 = arith.extui %sign3A_327 : i1 to i32
        %sign3A_329 = arith.constant 0 : i32
        %sign3A_330 = arith.cmpi slt, %add3A_289, %sign3A_329 : i32
        %sign3A_331 = arith.extui %sign3A_330 : i1 to i32
        %sign3A_332 = arith.subi %sign3A_328, %sign3A_331 : i32
        %sign3A_333 = arith.constant 0 : i32
        %sign3A_334 = arith.cmpi sgt, %jit3A_326, %sign3A_333 : i32
        %sign3A_335 = arith.extui %sign3A_334 : i1 to i32
        %sign3A_336 = arith.constant 0 : i32
        %sign3A_337 = arith.cmpi slt, %jit3A_326, %sign3A_336 : i32
        %sign3A_338 = arith.extui %sign3A_337 : i1 to i32
        %sign3A_339 = arith.subi %sign3A_335, %sign3A_338 : i32
        %ne3A_340 = arith.cmpi ne, %sign3A_332, %sign3A_339 : i32
        %rem3A_341 = arith.remsi %add3A_289, %jit3A_326 : i32
        %ne3A_342 = arith.constant 0 : i32
        %ne3A_343 = arith.cmpi ne, %rem3A_341, %ne3A_342 : i32
        %and3A_344 = arith.andi %ne3A_340, %ne3A_343 : i1
        %sub3A_345 = arith.constant 1 : i32
        %sub3A_346 = arith.subi %div3A, %sub3A_345 : i32
        %select_n3A_347 = arith.select %and3A_344, %sub3A_346, %div3A : i32
        %jit3A_348 = arith.constant 2 : i32
        %eq3A_349 = arith.constant 0 : i32
        %eq3A_350 = arith.cmpi eq, %jit3A_348, %eq3A_349 : i32
        %jit3A_351 = arith.constant 1 : i32
        %select_n3A_352 = arith.select %eq3A_350, %jit3A_351, %jit3A_348 : i32
        %rem3A_353 = arith.remsi %select_n3A_347, %select_n3A_352 : i32
        %ne3A_354 = arith.constant 0 : i32
        %ne3A_355 = arith.cmpi ne, %rem3A_353, %ne3A_354 : i32
        %lt3A_356 = arith.constant 0 : i32
        %lt3A_357 = arith.cmpi slt, %rem3A_353, %lt3A_356 : i32
        %lt3A_358 = arith.constant 0 : i32
        %lt3A_359 = arith.cmpi slt, %select_n3A_352, %lt3A_358 : i32
        %ne3A_360 = arith.xori %lt3A_357, %lt3A_359 : i1
        %and3A_361 = arith.andi %ne3A_360, %ne3A_355 : i1
        %add3A_362 = arith.addi %rem3A_353, %select_n3A_352 : i32
        %select_n3A_363 = arith.select %and3A_361, %add3A_362, %rem3A_353 : i32
        %jit3A_364 = arith.constant 16 : i32
        %eq3A_365 = arith.constant 0 : i32
        %eq3A_366 = arith.cmpi eq, %jit3A_364, %eq3A_365 : i32
        %jit3A_367 = arith.constant 1 : i32
        %select_n3A_368 = arith.select %eq3A_366, %jit3A_367, %jit3A_364 : i32
        %rem3A_369 = arith.remsi %add3A_289, %select_n3A_368 : i32
        %ne3A_370 = arith.constant 0 : i32
        %ne3A_371 = arith.cmpi ne, %rem3A_369, %ne3A_370 : i32
        %lt3A_372 = arith.constant 0 : i32
        %lt3A_373 = arith.cmpi slt, %rem3A_369, %lt3A_372 : i32
        %lt3A_374 = arith.constant 0 : i32
        %lt3A_375 = arith.cmpi slt, %select_n3A_368, %lt3A_374 : i32
        %ne3A_376 = arith.xori %lt3A_373, %lt3A_375 : i1
        %and3A_377 = arith.andi %ne3A_376, %ne3A_371 : i1
        %add3A_378 = arith.addi %rem3A_369, %select_n3A_368 : i32
        %select_n3A_379 = arith.select %and3A_377, %add3A_378, %rem3A_369 : i32
        %eq3A_380 = arith.constant 0 : i32
        %eq3A_381 = arith.cmpi eq, %arg0, %eq3A_380 : i32
        %convert_element_type3A_382 = arith.extui %eq3A_381 : i1 to i32
        %cond3A_383 = arith.constant 0 : i32
        %cond3A_384 = arith.cmpi ne, %convert_element_type3A_382, %cond3A_383 : i32
        scf.if %cond3A_384 {
          %dma_start3A_418 = arith.constant 7 : i32
          %dma_start3A_419 = arith.constant 0 : i32
          %dma_start3A_420 = arith.constant 0 : i32
          %dma_start3A_421 = tpu.memref_slice %arg13[%dma_start3A_418, %dma_start3A_419, %dma_start3A_420] : memref<8x128x64xf32, #tpu.memory_space<vmem>> -> memref<1x128x64xf32, #tpu.memory_space<vmem>>
          %dma_start3A_422 = tpu.memref_squeeze %dma_start3A_421 : memref<1x128x64xf32, #tpu.memory_space<vmem>> -> memref<128x64xf32, #tpu.memory_space<vmem>>
          %dma_start3A_423 = arith.constant 0 : i32
          %dma_start3A_424 = tpu.memref_slice %arg11[%select_n3A_363, %select_n3A_379, %dma_start3A_423] : memref<2x16x128xi32, #tpu.memory_space<vmem>> -> memref<1x1x128xi32, #tpu.memory_space<vmem>>
          %dma_start3A_425 = tpu.memref_squeeze %dma_start3A_424 : memref<1x1x128xi32, #tpu.memory_space<vmem>> -> memref<128xi32, #tpu.memory_space<vmem>>
          %dma_start3A_426 = arith.constant 0 : i32
          %dma_start3A_427 = arith.constant 0 : i32
          %dma_start3A_428 = tpu.memref_slice %arg4[%dma_start3A_426, %dma_start3A_427] : memref<10000x64xf32, #tpu.memory_space<hbm>> -> memref<10000x64xf32, #tpu.memory_space<hbm>>
          tpu.enqueue_indirect_dma source(%dma_start3A_428 : memref<10000x64xf32, #tpu.memory_space<hbm>>) target(%dma_start3A_422 : memref<128x64xf32, #tpu.memory_space<vmem>>) offsets(%dma_start3A_425 : memref<128xi32, #tpu.memory_space<vmem>>) semaphore(%arg24 : memref<!tpu.dma_semaphore, #tpu.memory_space<semaphore_mem>>)
        } else {
        }
        %eq3A_385 = arith.constant 1 : i32
        %eq3A_386 = arith.cmpi eq, %arg0, %eq3A_385 : i32
        %convert_element_type3A_387 = arith.extui %eq3A_386 : i1 to i32
        %cond3A_388 = arith.constant 0 : i32
        %cond3A_389 = arith.cmpi ne, %convert_element_type3A_387, %cond3A_388 : i32
        scf.if %cond3A_389 {
          %dma_start3A_418 = arith.constant 7 : i32
          %dma_start3A_419 = arith.constant 0 : i32
          %dma_start3A_420 = arith.constant 0 : i32
          %dma_start3A_421 = tpu.memref_slice %arg13[%dma_start3A_418, %dma_start3A_419, %dma_start3A_420] : memref<8x128x64xf32, #tpu.memory_space<vmem>> -> memref<1x128x64xf32, #tpu.memory_space<vmem>>
          %dma_start3A_422 = tpu.memref_squeeze %dma_start3A_421 : memref<1x128x64xf32, #tpu.memory_space<vmem>> -> memref<128x64xf32, #tpu.memory_space<vmem>>
          %dma_start3A_423 = arith.constant 0 : i32
          %dma_start3A_424 = tpu.memref_slice %arg11[%select_n3A_363, %select_n3A_379, %dma_start3A_423] : memref<2x16x128xi32, #tpu.memory_space<vmem>> -> memref<1x1x128xi32, #tpu.memory_space<vmem>>
          %dma_start3A_425 = tpu.memref_squeeze %dma_start3A_424 : memref<1x1x128xi32, #tpu.memory_space<vmem>> -> memref<128xi32, #tpu.memory_space<vmem>>
          %dma_start3A_426 = arith.constant 0 : i32
          %dma_start3A_427 = arith.constant 0 : i32
          %dma_start3A_428 = tpu.memref_slice %arg5[%dma_start3A_426, %dma_start3A_427] : memref<10000x64xf32, #tpu.memory_space<hbm>> -> memref<10000x64xf32, #tpu.memory_space<hbm>>
          tpu.enqueue_indirect_dma source(%dma_start3A_428 : memref<10000x64xf32, #tpu.memory_space<hbm>>) target(%dma_start3A_422 : memref<128x64xf32, #tpu.memory_space<vmem>>) offsets(%dma_start3A_425 : memref<128xi32, #tpu.memory_space<vmem>>) semaphore(%arg24 : memref<!tpu.dma_semaphore, #tpu.memory_space<semaphore_mem>>)
        } else {
        }
        %jit3A_390 = arith.constant 16 : i32
        %eq3A_391 = arith.constant 0 : i32
        %eq3A_392 = arith.cmpi eq, %jit3A_390, %eq3A_391 : i32
        %jit3A_393 = arith.constant 1 : i32
        %select_n3A_394 = arith.select %eq3A_392, %jit3A_393, %jit3A_390 : i32
        %rem3A_395 = arith.remsi %add3A_289, %select_n3A_394 : i32
        %ne3A_396 = arith.constant 0 : i32
        %ne3A_397 = arith.cmpi ne, %rem3A_395, %ne3A_396 : i32
        %lt3A_398 = arith.constant 0 : i32
        %lt3A_399 = arith.cmpi slt, %rem3A_395, %lt3A_398 : i32
        %lt3A_400 = arith.constant 0 : i32
        %lt3A_401 = arith.cmpi slt, %select_n3A_394, %lt3A_400 : i32
        %ne3A_402 = arith.xori %lt3A_399, %lt3A_401 : i1
        %and3A_403 = arith.andi %ne3A_402, %ne3A_397 : i1
        %add3A_404 = arith.addi %rem3A_395, %select_n3A_394 : i32
        %select_n3A_405 = arith.select %and3A_403, %add3A_404, %rem3A_395 : i32
        %eq3A_406 = arith.constant 8 : i32
        %eq3A_407 = arith.cmpi eq, %select_n3A_405, %eq3A_406 : i32
        %add3A_408 = arith.constant 16 : i32
        %add3A_409 = arith.addi %add3A_289, %add3A_408 : i32
        %sub3A_410 = arith.constant 8 : i32
        %sub3A_411 = arith.subi %add3A_409, %sub3A_410 : i32
        %lt3A_412 = arith.constant 160 : i32
        %lt3A_413 = arith.cmpi slt, %sub3A_411, %lt3A_412 : i32
        %and3A_414 = arith.andi %eq3A_407, %lt3A_413 : i1
        %convert_element_type3A_415 = arith.extui %and3A_414 : i1 to i32
        %cond3A_416 = arith.constant 0 : i32
        %cond3A_417 = arith.cmpi ne, %convert_element_type3A_415, %cond3A_416 : i32
        scf.if %cond3A_417 {
          %jit3A_418 = arith.constant 16 : i32
          %div3A_419 = arith.divsi %add3A_289, %jit3A_418 : i32
          %sign3A_420 = arith.constant 0 : i32
          %sign3A_421 = arith.cmpi sgt, %add3A_289, %sign3A_420 : i32
          %sign3A_422 = arith.extui %sign3A_421 : i1 to i32
          %sign3A_423 = arith.constant 0 : i32
          %sign3A_424 = arith.cmpi slt, %add3A_289, %sign3A_423 : i32
          %sign3A_425 = arith.extui %sign3A_424 : i1 to i32
          %sign3A_426 = arith.subi %sign3A_422, %sign3A_425 : i32
          %sign3A_427 = arith.constant 0 : i32
          %sign3A_428 = arith.cmpi sgt, %jit3A_418, %sign3A_427 : i32
          %sign3A_429 = arith.extui %sign3A_428 : i1 to i32
          %sign3A_430 = arith.constant 0 : i32
          %sign3A_431 = arith.cmpi slt, %jit3A_418, %sign3A_430 : i32
          %sign3A_432 = arith.extui %sign3A_431 : i1 to i32
          %sign3A_433 = arith.subi %sign3A_429, %sign3A_432 : i32
          %ne3A_434 = arith.cmpi ne, %sign3A_426, %sign3A_433 : i32
          %rem3A_435 = arith.remsi %add3A_289, %jit3A_418 : i32
          %ne3A_436 = arith.constant 0 : i32
          %ne3A_437 = arith.cmpi ne, %rem3A_435, %ne3A_436 : i32
          %and3A_438 = arith.andi %ne3A_434, %ne3A_437 : i1
          %sub3A_439 = arith.constant 1 : i32
          %sub3A_440 = arith.subi %div3A_419, %sub3A_439 : i32
          %select_n3A_441 = arith.select %and3A_438, %sub3A_440, %div3A_419 : i32
          %add3A_442 = arith.constant 1 : i32
          %add3A_443 = arith.addi %select_n3A_441, %add3A_442 : i32
          %jit3A_444 = arith.constant 16 : i32
          %div3A_445 = arith.divsi %add3A_289, %jit3A_444 : i32
          %sign3A_446 = arith.constant 0 : i32
          %sign3A_447 = arith.cmpi sgt, %add3A_289, %sign3A_446 : i32
          %sign3A_448 = arith.extui %sign3A_447 : i1 to i32
          %sign3A_449 = arith.constant 0 : i32
          %sign3A_450 = arith.cmpi slt, %add3A_289, %sign3A_449 : i32
          %sign3A_451 = arith.extui %sign3A_450 : i1 to i32
          %sign3A_452 = arith.subi %sign3A_448, %sign3A_451 : i32
          %sign3A_453 = arith.constant 0 : i32
          %sign3A_454 = arith.cmpi sgt, %jit3A_444, %sign3A_453 : i32
          %sign3A_455 = arith.extui %sign3A_454 : i1 to i32
          %sign3A_456 = arith.constant 0 : i32
          %sign3A_457 = arith.cmpi slt, %jit3A_444, %sign3A_456 : i32
          %sign3A_458 = arith.extui %sign3A_457 : i1 to i32
          %sign3A_459 = arith.subi %sign3A_455, %sign3A_458 : i32
          %ne3A_460 = arith.cmpi ne, %sign3A_452, %sign3A_459 : i32
          %rem3A_461 = arith.remsi %add3A_289, %jit3A_444 : i32
          %ne3A_462 = arith.constant 0 : i32
          %ne3A_463 = arith.cmpi ne, %rem3A_461, %ne3A_462 : i32
          %and3A_464 = arith.andi %ne3A_460, %ne3A_463 : i1
          %sub3A_465 = arith.constant 1 : i32
          %sub3A_466 = arith.subi %div3A_445, %sub3A_465 : i32
          %select_n3A_467 = arith.select %and3A_464, %sub3A_466, %div3A_445 : i32
          %add3A_468 = arith.constant 1 : i32
          %add3A_469 = arith.addi %select_n3A_467, %add3A_468 : i32
          %jit3A_470 = arith.constant 2 : i32
          %eq3A_471 = arith.constant 0 : i32
          %eq3A_472 = arith.cmpi eq, %jit3A_470, %eq3A_471 : i32
          %jit3A_473 = arith.constant 1 : i32
          %select_n3A_474 = arith.select %eq3A_472, %jit3A_473, %jit3A_470 : i32
          %rem3A_475 = arith.remsi %add3A_469, %select_n3A_474 : i32
          %ne3A_476 = arith.constant 0 : i32
          %ne3A_477 = arith.cmpi ne, %rem3A_475, %ne3A_476 : i32
          %lt3A_478 = arith.constant 0 : i32
          %lt3A_479 = arith.cmpi slt, %rem3A_475, %lt3A_478 : i32
          %lt3A_480 = arith.constant 0 : i32
          %lt3A_481 = arith.cmpi slt, %select_n3A_474, %lt3A_480 : i32
          %ne3A_482 = arith.xori %lt3A_479, %lt3A_481 : i1
          %and3A_483 = arith.andi %ne3A_482, %ne3A_477 : i1
          %add3A_484 = arith.addi %rem3A_475, %select_n3A_474 : i32
          %select_n3A_485 = arith.select %and3A_483, %add3A_484, %rem3A_475 : i32
          %dma_start3A_486 = arith.constant 0 : i32
          %dma_start3A_487 = arith.constant 0 : i32
          %dma_start3A_488 = tpu.memref_slice %arg11[%select_n3A_485, %dma_start3A_486, %dma_start3A_487] : memref<2x16x128xi32, #tpu.memory_space<vmem>> -> memref<1x16x128xi32, #tpu.memory_space<vmem>>
          %dma_start3A_489 = tpu.memref_squeeze %dma_start3A_488 : memref<1x16x128xi32, #tpu.memory_space<vmem>> -> memref<16x128xi32, #tpu.memory_space<vmem>>
          %dma_start3A_490 = arith.constant 0 : i32
          %dma_start3A_491 = arith.constant 0 : i32
          %dma_start3A_492 = tpu.memref_slice %arg2[%arg1, %add3A_443, %dma_start3A_490, %dma_start3A_491] : memref<16x10x16x128xi32, #tpu.memory_space<hbm>> -> memref<1x1x16x128xi32, #tpu.memory_space<hbm>>
          %dma_start3A_493 = tpu.memref_squeeze %dma_start3A_492 : memref<1x1x16x128xi32, #tpu.memory_space<hbm>> -> memref<16x128xi32, #tpu.memory_space<hbm>>
          %dma_start3A_494 = arith.constant 0 : i32
          %dma_start3A_495 = arith.constant 0 : i32
          %dma_start3A_496 = tpu.memref_slice %arg11[%select_n3A_485, %dma_start3A_494, %dma_start3A_495] : memref<2x16x128xi32, #tpu.memory_space<vmem>> -> memref<1x16x128xi32, #tpu.memory_space<vmem>>
          %dma_start3A_497 = tpu.memref_squeeze %dma_start3A_496 : memref<1x16x128xi32, #tpu.memory_space<vmem>> -> memref<16x128xi32, #tpu.memory_space<vmem>>
          %dma_start3A_498 = arith.constant 0 : i32
          %dma_start3A_499 = arith.constant 0 : i32
          %dma_start3A_500 = tpu.memref_slice %arg2[%arg1, %add3A_443, %dma_start3A_498, %dma_start3A_499] : memref<16x10x16x128xi32, #tpu.memory_space<hbm>> -> memref<1x1x16x128xi32, #tpu.memory_space<hbm>>
          %dma_start3A_501 = tpu.memref_squeeze %dma_start3A_500 : memref<1x1x16x128xi32, #tpu.memory_space<hbm>> -> memref<16x128xi32, #tpu.memory_space<hbm>>
          tpu.enqueue_dma source(%dma_start3A_501 : memref<16x128xi32, #tpu.memory_space<hbm>>) target(%dma_start3A_497 : memref<16x128xi32, #tpu.memory_space<vmem>>) target_semaphore(%arg34 : memref<!tpu.dma_semaphore, #tpu.memory_space<semaphore_mem>>)
          %dma_start3A_502 = arith.constant 0 : i32
          %dma_start3A_503 = arith.constant 0 : i32
          %dma_start3A_504 = tpu.memref_slice %arg12[%select_n3A_485, %dma_start3A_502, %dma_start3A_503] : memref<2x16x128xi32, #tpu.memory_space<vmem>> -> memref<1x16x128xi32, #tpu.memory_space<vmem>>
          %dma_start3A_505 = tpu.memref_squeeze %dma_start3A_504 : memref<1x16x128xi32, #tpu.memory_space<vmem>> -> memref<16x128xi32, #tpu.memory_space<vmem>>
          %dma_start3A_506 = arith.constant 0 : i32
          %dma_start3A_507 = arith.constant 0 : i32
          %dma_start3A_508 = tpu.memref_slice %arg3[%arg1, %add3A_443, %dma_start3A_506, %dma_start3A_507] : memref<16x10x16x128xi32, #tpu.memory_space<hbm>> -> memref<1x1x16x128xi32, #tpu.memory_space<hbm>>
          %dma_start3A_509 = tpu.memref_squeeze %dma_start3A_508 : memref<1x1x16x128xi32, #tpu.memory_space<hbm>> -> memref<16x128xi32, #tpu.memory_space<hbm>>
          %dma_start3A_510 = arith.constant 0 : i32
          %dma_start3A_511 = arith.constant 0 : i32
          %dma_start3A_512 = tpu.memref_slice %arg12[%select_n3A_485, %dma_start3A_510, %dma_start3A_511] : memref<2x16x128xi32, #tpu.memory_space<vmem>> -> memref<1x16x128xi32, #tpu.memory_space<vmem>>
          %dma_start3A_513 = tpu.memref_squeeze %dma_start3A_512 : memref<1x16x128xi32, #tpu.memory_space<vmem>> -> memref<16x128xi32, #tpu.memory_space<vmem>>
          %dma_start3A_514 = arith.constant 0 : i32
          %dma_start3A_515 = arith.constant 0 : i32
          %dma_start3A_516 = tpu.memref_slice %arg3[%arg1, %add3A_443, %dma_start3A_514, %dma_start3A_515] : memref<16x10x16x128xi32, #tpu.memory_space<hbm>> -> memref<1x1x16x128xi32, #tpu.memory_space<hbm>>
          %dma_start3A_517 = tpu.memref_squeeze %dma_start3A_516 : memref<1x1x16x128xi32, #tpu.memory_space<hbm>> -> memref<16x128xi32, #tpu.memory_space<hbm>>
          tpu.enqueue_dma source(%dma_start3A_517 : memref<16x128xi32, #tpu.memory_space<hbm>>) target(%dma_start3A_513 : memref<16x128xi32, #tpu.memory_space<vmem>>) target_semaphore(%arg34 : memref<!tpu.dma_semaphore, #tpu.memory_space<semaphore_mem>>)
        } else {
        }
      } else {
      }
      %sub3A_295 = arith.constant 4 : i32
      %sub3A_296 = arith.subi %add3A_289, %sub3A_295 : i32
      %ge3A_297 = arith.constant 0 : i32
      %ge3A_298 = arith.cmpi sge, %sub3A_296, %ge3A_297 : i32
      %lt3A_299 = arith.constant 160 : i32
      %lt3A_300 = arith.cmpi slt, %sub3A_296, %lt3A_299 : i32
      %and3A_301 = arith.andi %ge3A_298, %lt3A_300 : i1
      %convert_element_type3A_302 = arith.extui %and3A_301 : i1 to i32
      %cond3A_303 = arith.constant 0 : i32
      %cond3A_304 = arith.cmpi ne, %convert_element_type3A_302, %cond3A_303 : i32
      scf.if %cond3A_304 {
        %dma_wait3A_305 = arith.constant 0 : i32
        %dma_wait3A_306 = arith.constant 0 : i32
        %dma_wait3A_307 = arith.constant 3 : i32
        %dma_wait3A_308 = arith.constant 0 : i32
        %dma_wait3A_309 = arith.constant 0 : i32
        %dma_wait3A_310 = tpu.memref_slice %arg13[%dma_wait3A_307, %dma_wait3A_308, %dma_wait3A_309] : memref<8x128x64xf32, #tpu.memory_space<vmem>> -> memref<1x128x64xf32, #tpu.memory_space<vmem>>
        %dma_wait3A_311 = tpu.memref_squeeze %dma_wait3A_310 : memref<1x128x64xf32, #tpu.memory_space<vmem>> -> memref<128x64xf32, #tpu.memory_space<vmem>>
        %dma_wait3A_312 = arith.constant 0 : i32
        %dma_wait3A_313 = tpu.memref_slice %arg11[%dma_wait3A_305, %dma_wait3A_306, %dma_wait3A_312] : memref<2x16x128xi32, #tpu.memory_space<vmem>> -> memref<1x1x128xi32, #tpu.memory_space<vmem>>
        %dma_wait3A_314 = tpu.memref_squeeze %dma_wait3A_313 : memref<1x1x128xi32, #tpu.memory_space<vmem>> -> memref<128xi32, #tpu.memory_space<vmem>>
        %dma_wait3A_315 = arith.constant 0 : i32
        %dma_wait3A_316 = arith.constant 0 : i32
        %dma_wait3A_317 = tpu.memref_slice %arg4[%dma_wait3A_315, %dma_wait3A_316] : memref<10000x64xf32, #tpu.memory_space<hbm>> -> memref<10000x64xf32, #tpu.memory_space<hbm>>
        tpu.wait_indirect_dma semaphore(%arg20 : memref<!tpu.dma_semaphore, #tpu.memory_space<semaphore_mem>>) src(%dma_wait3A_317 : memref<10000x64xf32, #tpu.memory_space<hbm>>) dst(%dma_wait3A_311 : memref<128x64xf32, #tpu.memory_space<vmem>>)
        %jit3A = arith.constant 16 : i32
        %div3A = arith.divsi %sub3A_296, %jit3A : i32
        %sign3A = arith.constant 0 : i32
        %sign3A_318 = arith.cmpi sgt, %sub3A_296, %sign3A : i32
        %sign3A_319 = arith.extui %sign3A_318 : i1 to i32
        %sign3A_320 = arith.constant 0 : i32
        %sign3A_321 = arith.cmpi slt, %sub3A_296, %sign3A_320 : i32
        %sign3A_322 = arith.extui %sign3A_321 : i1 to i32
        %sign3A_323 = arith.subi %sign3A_319, %sign3A_322 : i32
        %sign3A_324 = arith.constant 0 : i32
        %sign3A_325 = arith.cmpi sgt, %jit3A, %sign3A_324 : i32
        %sign3A_326 = arith.extui %sign3A_325 : i1 to i32
        %sign3A_327 = arith.constant 0 : i32
        %sign3A_328 = arith.cmpi slt, %jit3A, %sign3A_327 : i32
        %sign3A_329 = arith.extui %sign3A_328 : i1 to i32
        %sign3A_330 = arith.subi %sign3A_326, %sign3A_329 : i32
        %ne3A = arith.cmpi ne, %sign3A_323, %sign3A_330 : i32
        %rem3A = arith.remsi %sub3A_296, %jit3A : i32
        %ne3A_331 = arith.constant 0 : i32
        %ne3A_332 = arith.cmpi ne, %rem3A, %ne3A_331 : i32
        %and3A_333 = arith.andi %ne3A, %ne3A_332 : i1
        %sub3A_334 = arith.constant 1 : i32
        %sub3A_335 = arith.subi %div3A, %sub3A_334 : i32
        %select_n3A = arith.select %and3A_333, %sub3A_335, %div3A : i32
        %jit3A_336 = arith.constant 2 : i32
        %eq3A = arith.constant 0 : i32
        %eq3A_337 = arith.cmpi eq, %jit3A_336, %eq3A : i32
        %jit3A_338 = arith.constant 1 : i32
        %select_n3A_339 = arith.select %eq3A_337, %jit3A_338, %jit3A_336 : i32
        %rem3A_340 = arith.remsi %select_n3A, %select_n3A_339 : i32
        %ne3A_341 = arith.constant 0 : i32
        %ne3A_342 = arith.cmpi ne, %rem3A_340, %ne3A_341 : i32
        %lt3A_343 = arith.constant 0 : i32
        %lt3A_344 = arith.cmpi slt, %rem3A_340, %lt3A_343 : i32
        %lt3A_345 = arith.constant 0 : i32
        %lt3A_346 = arith.cmpi slt, %select_n3A_339, %lt3A_345 : i32
        %ne3A_347 = arith.xori %lt3A_344, %lt3A_346 : i1
        %and3A_348 = arith.andi %ne3A_347, %ne3A_342 : i1
        %add3A_349 = arith.addi %rem3A_340, %select_n3A_339 : i32
        %select_n3A_350 = arith.select %and3A_348, %add3A_349, %rem3A_340 : i32
        %jit3A_351 = arith.constant 16 : i32
        %eq3A_352 = arith.constant 0 : i32
        %eq3A_353 = arith.cmpi eq, %jit3A_351, %eq3A_352 : i32
        %jit3A_354 = arith.constant 1 : i32
        %select_n3A_355 = arith.select %eq3A_353, %jit3A_354, %jit3A_351 : i32
        %rem3A_356 = arith.remsi %sub3A_296, %select_n3A_355 : i32
        %ne3A_357 = arith.constant 0 : i32
        %ne3A_358 = arith.cmpi ne, %rem3A_356, %ne3A_357 : i32
        %lt3A_359 = arith.constant 0 : i32
        %lt3A_360 = arith.cmpi slt, %rem3A_356, %lt3A_359 : i32
        %lt3A_361 = arith.constant 0 : i32
        %lt3A_362 = arith.cmpi slt, %select_n3A_355, %lt3A_361 : i32
        %ne3A_363 = arith.xori %lt3A_360, %lt3A_362 : i1
        %and3A_364 = arith.andi %ne3A_363, %ne3A_358 : i1
        %add3A_365 = arith.addi %rem3A_356, %select_n3A_355 : i32
        %select_n3A_366 = arith.select %and3A_364, %add3A_365, %rem3A_356 : i32
        %dma_start3A_367 = arith.constant 3 : i32
        %dma_start3A_368 = arith.constant 0 : i32
        %dma_start3A_369 = arith.constant 0 : i32
        %dma_start3A_370 = tpu.memref_slice %arg13[%dma_start3A_367, %dma_start3A_368, %dma_start3A_369] : memref<8x128x64xf32, #tpu.memory_space<vmem>> -> memref<1x128x64xf32, #tpu.memory_space<vmem>>
        %dma_start3A_371 = tpu.memref_squeeze %dma_start3A_370 : memref<1x128x64xf32, #tpu.memory_space<vmem>> -> memref<128x64xf32, #tpu.memory_space<vmem>>
        %dma_start3A_372 = arith.constant 0 : i32
        %dma_start3A_373 = tpu.memref_slice %arg12[%select_n3A_350, %select_n3A_366, %dma_start3A_372] : memref<2x16x128xi32, #tpu.memory_space<vmem>> -> memref<1x1x128xi32, #tpu.memory_space<vmem>>
        %dma_start3A_374 = tpu.memref_squeeze %dma_start3A_373 : memref<1x1x128xi32, #tpu.memory_space<vmem>> -> memref<128xi32, #tpu.memory_space<vmem>>
        %dma_start3A_375 = arith.constant 0 : i32
        %dma_start3A_376 = arith.constant 0 : i32
        %dma_start3A_377 = tpu.memref_slice %arg15[%dma_start3A_375, %dma_start3A_376] : memref<10240x64xf32, #tpu.memory_space<vmem_shared>> -> memref<10240x64xf32, #tpu.memory_space<vmem_shared>>
        tpu.enqueue_indirect_dma source(%dma_start3A_371 : memref<128x64xf32, #tpu.memory_space<vmem>>) target(%dma_start3A_377 : memref<10240x64xf32, #tpu.memory_space<vmem_shared>>) offsets(%dma_start3A_374 : memref<128xi32, #tpu.memory_space<vmem>>) semaphore(%arg28 : memref<!tpu.dma_semaphore, #tpu.memory_space<semaphore_mem>>) {add = true}
        %lt3A_378 = arith.constant 80 : i32
        %lt3A_379 = arith.cmpi slt, %sub3A_296, %lt3A_378 : i32
        %eq3A_380 = arith.constant 0 : i32
        %eq3A_381 = arith.cmpi eq, %arg0, %eq3A_380 : i32
        %eq3A_382 = arith.xori %lt3A_379, %eq3A_381 : i1
        %eq3A_383 = arith.constant true
        %eq3A_384 = arith.xori %eq3A_382, %eq3A_383 : i1
        %convert_element_type3A_385 = arith.extui %eq3A_384 : i1 to i32
        %cond3A_386 = arith.constant 0 : i32
        %cond3A_387 = arith.cmpi ne, %convert_element_type3A_385, %cond3A_386 : i32
        scf.if %cond3A_387 {
          %dma_start3A_388 = arith.constant 0 : i32
          %dma_start3A_389 = tpu.memref_slice %arg12[%select_n3A_350, %select_n3A_366, %dma_start3A_388] : memref<2x16x128xi32, #tpu.memory_space<vmem>> -> memref<1x1x128xi32, #tpu.memory_space<vmem>>
          %dma_start3A_390 = tpu.memref_squeeze %dma_start3A_389 : memref<1x1x128xi32, #tpu.memory_space<vmem>> -> memref<128xi32, #tpu.memory_space<vmem>>
          %dma_start3A_391 = arith.constant 0 : i32
          %dma_start3A_392 = arith.constant 0 : i32
          %dma_start3A_393 = tpu.memref_slice %arg16[%dma_start3A_391, %dma_start3A_392] : memref<10240x16xf32, #tpu.memory_space<vmem_shared>> -> memref<10240x16xf32, #tpu.memory_space<vmem_shared>>
          tpu.enqueue_indirect_dma source(%arg14 : memref<128x16xf32, #tpu.memory_space<vmem>>) target(%dma_start3A_393 : memref<10240x16xf32, #tpu.memory_space<vmem_shared>>) offsets(%dma_start3A_390 : memref<128xi32, #tpu.memory_space<vmem>>) semaphore(%arg33 : memref<!tpu.dma_semaphore, #tpu.memory_space<semaphore_mem>>) {add = true}
        } else {
        }
      } else {
      }
    }
    %scan3A_42 = arith.constant 21 : i32
    %dma_wait3A = arith.constant 0 : i32
    %dma_wait3A_43 = arith.constant 0 : i32
    %dma_wait3A_44 = arith.constant 0 : i32
    %dma_wait3A_45 = arith.constant 0 : i32
    %dma_wait3A_46 = arith.constant 0 : i32
    %dma_wait3A_47 = tpu.memref_slice %arg13[%dma_wait3A, %dma_wait3A_45, %dma_wait3A_46] : memref<8x128x64xf32, #tpu.memory_space<vmem>> -> memref<1x128x64xf32, #tpu.memory_space<vmem>>
    %dma_wait3A_48 = tpu.memref_squeeze %dma_wait3A_47 : memref<1x128x64xf32, #tpu.memory_space<vmem>> -> memref<128x64xf32, #tpu.memory_space<vmem>>
    %dma_wait3A_49 = arith.constant 0 : i32
    %dma_wait3A_50 = tpu.memref_slice %arg12[%dma_wait3A_43, %dma_wait3A_44, %dma_wait3A_49] : memref<2x16x128xi32, #tpu.memory_space<vmem>> -> memref<1x1x128xi32, #tpu.memory_space<vmem>>
    %dma_wait3A_51 = tpu.memref_squeeze %dma_wait3A_50 : memref<1x1x128xi32, #tpu.memory_space<vmem>> -> memref<128xi32, #tpu.memory_space<vmem>>
    %dma_wait3A_52 = arith.constant 0 : i32
    %dma_wait3A_53 = arith.constant 0 : i32
    %dma_wait3A_54 = tpu.memref_slice %arg15[%dma_wait3A_52, %dma_wait3A_53] : memref<10240x64xf32, #tpu.memory_space<vmem_shared>> -> memref<10240x64xf32, #tpu.memory_space<vmem_shared>>
    tpu.wait_indirect_dma semaphore(%arg25 : memref<!tpu.dma_semaphore, #tpu.memory_space<semaphore_mem>>) src(%dma_wait3A_48 : memref<128x64xf32, #tpu.memory_space<vmem>>) dst(%dma_wait3A_54 : memref<10240x64xf32, #tpu.memory_space<vmem_shared>>)
    %dma_wait3A_55 = arith.constant 1 : i32
    %dma_wait3A_56 = arith.constant 0 : i32
    %dma_wait3A_57 = arith.constant 0 : i32
    %dma_wait3A_58 = arith.constant 0 : i32
    %dma_wait3A_59 = arith.constant 0 : i32
    %dma_wait3A_60 = tpu.memref_slice %arg13[%dma_wait3A_55, %dma_wait3A_58, %dma_wait3A_59] : memref<8x128x64xf32, #tpu.memory_space<vmem>> -> memref<1x128x64xf32, #tpu.memory_space<vmem>>
    %dma_wait3A_61 = tpu.memref_squeeze %dma_wait3A_60 : memref<1x128x64xf32, #tpu.memory_space<vmem>> -> memref<128x64xf32, #tpu.memory_space<vmem>>
    %dma_wait3A_62 = arith.constant 0 : i32
    %dma_wait3A_63 = tpu.memref_slice %arg12[%dma_wait3A_56, %dma_wait3A_57, %dma_wait3A_62] : memref<2x16x128xi32, #tpu.memory_space<vmem>> -> memref<1x1x128xi32, #tpu.memory_space<vmem>>
    %dma_wait3A_64 = tpu.memref_squeeze %dma_wait3A_63 : memref<1x1x128xi32, #tpu.memory_space<vmem>> -> memref<128xi32, #tpu.memory_space<vmem>>
    %dma_wait3A_65 = arith.constant 0 : i32
    %dma_wait3A_66 = arith.constant 0 : i32
    %dma_wait3A_67 = tpu.memref_slice %arg15[%dma_wait3A_65, %dma_wait3A_66] : memref<10240x64xf32, #tpu.memory_space<vmem_shared>> -> memref<10240x64xf32, #tpu.memory_space<vmem_shared>>
    tpu.wait_indirect_dma semaphore(%arg26 : memref<!tpu.dma_semaphore, #tpu.memory_space<semaphore_mem>>) src(%dma_wait3A_61 : memref<128x64xf32, #tpu.memory_space<vmem>>) dst(%dma_wait3A_67 : memref<10240x64xf32, #tpu.memory_space<vmem_shared>>)
    %dma_wait3A_68 = arith.constant 2 : i32
    %dma_wait3A_69 = arith.constant 0 : i32
    %dma_wait3A_70 = arith.constant 0 : i32
    %dma_wait3A_71 = arith.constant 0 : i32
    %dma_wait3A_72 = arith.constant 0 : i32
    %dma_wait3A_73 = tpu.memref_slice %arg13[%dma_wait3A_68, %dma_wait3A_71, %dma_wait3A_72] : memref<8x128x64xf32, #tpu.memory_space<vmem>> -> memref<1x128x64xf32, #tpu.memory_space<vmem>>
    %dma_wait3A_74 = tpu.memref_squeeze %dma_wait3A_73 : memref<1x128x64xf32, #tpu.memory_space<vmem>> -> memref<128x64xf32, #tpu.memory_space<vmem>>
    %dma_wait3A_75 = arith.constant 0 : i32
    %dma_wait3A_76 = tpu.memref_slice %arg12[%dma_wait3A_69, %dma_wait3A_70, %dma_wait3A_75] : memref<2x16x128xi32, #tpu.memory_space<vmem>> -> memref<1x1x128xi32, #tpu.memory_space<vmem>>
    %dma_wait3A_77 = tpu.memref_squeeze %dma_wait3A_76 : memref<1x1x128xi32, #tpu.memory_space<vmem>> -> memref<128xi32, #tpu.memory_space<vmem>>
    %dma_wait3A_78 = arith.constant 0 : i32
    %dma_wait3A_79 = arith.constant 0 : i32
    %dma_wait3A_80 = tpu.memref_slice %arg15[%dma_wait3A_78, %dma_wait3A_79] : memref<10240x64xf32, #tpu.memory_space<vmem_shared>> -> memref<10240x64xf32, #tpu.memory_space<vmem_shared>>
    tpu.wait_indirect_dma semaphore(%arg27 : memref<!tpu.dma_semaphore, #tpu.memory_space<semaphore_mem>>) src(%dma_wait3A_74 : memref<128x64xf32, #tpu.memory_space<vmem>>) dst(%dma_wait3A_80 : memref<10240x64xf32, #tpu.memory_space<vmem_shared>>)
    %dma_wait3A_81 = arith.constant 3 : i32
    %dma_wait3A_82 = arith.constant 0 : i32
    %dma_wait3A_83 = arith.constant 0 : i32
    %dma_wait3A_84 = arith.constant 0 : i32
    %dma_wait3A_85 = arith.constant 0 : i32
    %dma_wait3A_86 = tpu.memref_slice %arg13[%dma_wait3A_81, %dma_wait3A_84, %dma_wait3A_85] : memref<8x128x64xf32, #tpu.memory_space<vmem>> -> memref<1x128x64xf32, #tpu.memory_space<vmem>>
    %dma_wait3A_87 = tpu.memref_squeeze %dma_wait3A_86 : memref<1x128x64xf32, #tpu.memory_space<vmem>> -> memref<128x64xf32, #tpu.memory_space<vmem>>
    %dma_wait3A_88 = arith.constant 0 : i32
    %dma_wait3A_89 = tpu.memref_slice %arg12[%dma_wait3A_82, %dma_wait3A_83, %dma_wait3A_88] : memref<2x16x128xi32, #tpu.memory_space<vmem>> -> memref<1x1x128xi32, #tpu.memory_space<vmem>>
    %dma_wait3A_90 = tpu.memref_squeeze %dma_wait3A_89 : memref<1x1x128xi32, #tpu.memory_space<vmem>> -> memref<128xi32, #tpu.memory_space<vmem>>
    %dma_wait3A_91 = arith.constant 0 : i32
    %dma_wait3A_92 = arith.constant 0 : i32
    %dma_wait3A_93 = tpu.memref_slice %arg15[%dma_wait3A_91, %dma_wait3A_92] : memref<10240x64xf32, #tpu.memory_space<vmem_shared>> -> memref<10240x64xf32, #tpu.memory_space<vmem_shared>>
    tpu.wait_indirect_dma semaphore(%arg28 : memref<!tpu.dma_semaphore, #tpu.memory_space<semaphore_mem>>) src(%dma_wait3A_87 : memref<128x64xf32, #tpu.memory_space<vmem>>) dst(%dma_wait3A_93 : memref<10240x64xf32, #tpu.memory_space<vmem_shared>>)
    %dma_wait3A_94 = arith.constant 4 : i32
    %dma_wait3A_95 = arith.constant 0 : i32
    %dma_wait3A_96 = arith.constant 0 : i32
    %dma_wait3A_97 = arith.constant 0 : i32
    %dma_wait3A_98 = arith.constant 0 : i32
    %dma_wait3A_99 = tpu.memref_slice %arg13[%dma_wait3A_94, %dma_wait3A_97, %dma_wait3A_98] : memref<8x128x64xf32, #tpu.memory_space<vmem>> -> memref<1x128x64xf32, #tpu.memory_space<vmem>>
    %dma_wait3A_100 = tpu.memref_squeeze %dma_wait3A_99 : memref<1x128x64xf32, #tpu.memory_space<vmem>> -> memref<128x64xf32, #tpu.memory_space<vmem>>
    %dma_wait3A_101 = arith.constant 0 : i32
    %dma_wait3A_102 = tpu.memref_slice %arg12[%dma_wait3A_95, %dma_wait3A_96, %dma_wait3A_101] : memref<2x16x128xi32, #tpu.memory_space<vmem>> -> memref<1x1x128xi32, #tpu.memory_space<vmem>>
    %dma_wait3A_103 = tpu.memref_squeeze %dma_wait3A_102 : memref<1x1x128xi32, #tpu.memory_space<vmem>> -> memref<128xi32, #tpu.memory_space<vmem>>
    %dma_wait3A_104 = arith.constant 0 : i32
    %dma_wait3A_105 = arith.constant 0 : i32
    %dma_wait3A_106 = tpu.memref_slice %arg15[%dma_wait3A_104, %dma_wait3A_105] : memref<10240x64xf32, #tpu.memory_space<vmem_shared>> -> memref<10240x64xf32, #tpu.memory_space<vmem_shared>>
    tpu.wait_indirect_dma semaphore(%arg29 : memref<!tpu.dma_semaphore, #tpu.memory_space<semaphore_mem>>) src(%dma_wait3A_100 : memref<128x64xf32, #tpu.memory_space<vmem>>) dst(%dma_wait3A_106 : memref<10240x64xf32, #tpu.memory_space<vmem_shared>>)
    %dma_wait3A_107 = arith.constant 5 : i32
    %dma_wait3A_108 = arith.constant 0 : i32
    %dma_wait3A_109 = arith.constant 0 : i32
    %dma_wait3A_110 = arith.constant 0 : i32
    %dma_wait3A_111 = arith.constant 0 : i32
    %dma_wait3A_112 = tpu.memref_slice %arg13[%dma_wait3A_107, %dma_wait3A_110, %dma_wait3A_111] : memref<8x128x64xf32, #tpu.memory_space<vmem>> -> memref<1x128x64xf32, #tpu.memory_space<vmem>>
    %dma_wait3A_113 = tpu.memref_squeeze %dma_wait3A_112 : memref<1x128x64xf32, #tpu.memory_space<vmem>> -> memref<128x64xf32, #tpu.memory_space<vmem>>
    %dma_wait3A_114 = arith.constant 0 : i32
    %dma_wait3A_115 = tpu.memref_slice %arg12[%dma_wait3A_108, %dma_wait3A_109, %dma_wait3A_114] : memref<2x16x128xi32, #tpu.memory_space<vmem>> -> memref<1x1x128xi32, #tpu.memory_space<vmem>>
    %dma_wait3A_116 = tpu.memref_squeeze %dma_wait3A_115 : memref<1x1x128xi32, #tpu.memory_space<vmem>> -> memref<128xi32, #tpu.memory_space<vmem>>
    %dma_wait3A_117 = arith.constant 0 : i32
    %dma_wait3A_118 = arith.constant 0 : i32
    %dma_wait3A_119 = tpu.memref_slice %arg15[%dma_wait3A_117, %dma_wait3A_118] : memref<10240x64xf32, #tpu.memory_space<vmem_shared>> -> memref<10240x64xf32, #tpu.memory_space<vmem_shared>>
    tpu.wait_indirect_dma semaphore(%arg30 : memref<!tpu.dma_semaphore, #tpu.memory_space<semaphore_mem>>) src(%dma_wait3A_113 : memref<128x64xf32, #tpu.memory_space<vmem>>) dst(%dma_wait3A_119 : memref<10240x64xf32, #tpu.memory_space<vmem_shared>>)
    %dma_wait3A_120 = arith.constant 6 : i32
    %dma_wait3A_121 = arith.constant 0 : i32
    %dma_wait3A_122 = arith.constant 0 : i32
    %dma_wait3A_123 = arith.constant 0 : i32
    %dma_wait3A_124 = arith.constant 0 : i32
    %dma_wait3A_125 = tpu.memref_slice %arg13[%dma_wait3A_120, %dma_wait3A_123, %dma_wait3A_124] : memref<8x128x64xf32, #tpu.memory_space<vmem>> -> memref<1x128x64xf32, #tpu.memory_space<vmem>>
    %dma_wait3A_126 = tpu.memref_squeeze %dma_wait3A_125 : memref<1x128x64xf32, #tpu.memory_space<vmem>> -> memref<128x64xf32, #tpu.memory_space<vmem>>
    %dma_wait3A_127 = arith.constant 0 : i32
    %dma_wait3A_128 = tpu.memref_slice %arg12[%dma_wait3A_121, %dma_wait3A_122, %dma_wait3A_127] : memref<2x16x128xi32, #tpu.memory_space<vmem>> -> memref<1x1x128xi32, #tpu.memory_space<vmem>>
    %dma_wait3A_129 = tpu.memref_squeeze %dma_wait3A_128 : memref<1x1x128xi32, #tpu.memory_space<vmem>> -> memref<128xi32, #tpu.memory_space<vmem>>
    %dma_wait3A_130 = arith.constant 0 : i32
    %dma_wait3A_131 = arith.constant 0 : i32
    %dma_wait3A_132 = tpu.memref_slice %arg15[%dma_wait3A_130, %dma_wait3A_131] : memref<10240x64xf32, #tpu.memory_space<vmem_shared>> -> memref<10240x64xf32, #tpu.memory_space<vmem_shared>>
    tpu.wait_indirect_dma semaphore(%arg31 : memref<!tpu.dma_semaphore, #tpu.memory_space<semaphore_mem>>) src(%dma_wait3A_126 : memref<128x64xf32, #tpu.memory_space<vmem>>) dst(%dma_wait3A_132 : memref<10240x64xf32, #tpu.memory_space<vmem_shared>>)
    %dma_wait3A_133 = arith.constant 7 : i32
    %dma_wait3A_134 = arith.constant 0 : i32
    %dma_wait3A_135 = arith.constant 0 : i32
    %dma_wait3A_136 = arith.constant 0 : i32
    %dma_wait3A_137 = arith.constant 0 : i32
    %dma_wait3A_138 = tpu.memref_slice %arg13[%dma_wait3A_133, %dma_wait3A_136, %dma_wait3A_137] : memref<8x128x64xf32, #tpu.memory_space<vmem>> -> memref<1x128x64xf32, #tpu.memory_space<vmem>>
    %dma_wait3A_139 = tpu.memref_squeeze %dma_wait3A_138 : memref<1x128x64xf32, #tpu.memory_space<vmem>> -> memref<128x64xf32, #tpu.memory_space<vmem>>
    %dma_wait3A_140 = arith.constant 0 : i32
    %dma_wait3A_141 = tpu.memref_slice %arg12[%dma_wait3A_134, %dma_wait3A_135, %dma_wait3A_140] : memref<2x16x128xi32, #tpu.memory_space<vmem>> -> memref<1x1x128xi32, #tpu.memory_space<vmem>>
    %dma_wait3A_142 = tpu.memref_squeeze %dma_wait3A_141 : memref<1x1x128xi32, #tpu.memory_space<vmem>> -> memref<128xi32, #tpu.memory_space<vmem>>
    %dma_wait3A_143 = arith.constant 0 : i32
    %dma_wait3A_144 = arith.constant 0 : i32
    %dma_wait3A_145 = tpu.memref_slice %arg15[%dma_wait3A_143, %dma_wait3A_144] : memref<10240x64xf32, #tpu.memory_space<vmem_shared>> -> memref<10240x64xf32, #tpu.memory_space<vmem_shared>>
    tpu.wait_indirect_dma semaphore(%arg32 : memref<!tpu.dma_semaphore, #tpu.memory_space<semaphore_mem>>) src(%dma_wait3A_139 : memref<128x64xf32, #tpu.memory_space<vmem>>) dst(%dma_wait3A_145 : memref<10240x64xf32, #tpu.memory_space<vmem_shared>>)
    %dma_wait3A_146 = arith.constant 0 : i32
    %dma_wait3A_147 = arith.constant 0 : i32
    %dma_wait3A_148 = tpu.memref_slice %arg10[%arg0, %dma_wait3A_146, %dma_wait3A_147] : memref<2x10240x16xf32, #tpu.memory_space<hbm>> -> memref<1x10240x16xf32, #tpu.memory_space<hbm>>
    %dma_wait3A_149 = tpu.memref_squeeze %dma_wait3A_148 : memref<1x10240x16xf32, #tpu.memory_space<hbm>> -> memref<10240x16xf32, #tpu.memory_space<hbm>>
    tpu.wait_dma2 semaphore(%arg33 : memref<!tpu.dma_semaphore, #tpu.memory_space<semaphore_mem>>) src(%dma_wait3A_149 : memref<10240x16xf32, #tpu.memory_space<hbm>>) dst(%arg16 : memref<10240x16xf32, #tpu.memory_space<vmem_shared>>)
    %barrier3A_150 = arith.constant 0 : index
    tpu.barrier barrier_id(%barrier3A_150)
    %mul3A_151 = arith.constant 640 : i32
    %mul3A_152 = arith.muli %arg1, %mul3A_151 : i32
    %mul3A_153 = arith.constant 640 : i32
    %mul3A_154 = arith.muli %arg1, %mul3A_153 : i32
    "tpu.region"() ({
      %run_scoped3A = tpu.sem_alloc : memref<!tpu.dma_semaphore, #tpu.memory_space<semaphore_mem>>
      %dma_start3A_159 = arith.constant 0 : i32
      %dma_start3A_160 = tpu.memref_slice %arg9[%arg0, %mul3A_154, %dma_start3A_159] : memref<2x10240x64xf32, #tpu.memory_space<hbm>> -> memref<1x640x64xf32, #tpu.memory_space<hbm>>
      %dma_start3A_161 = tpu.memref_squeeze %dma_start3A_160 : memref<1x640x64xf32, #tpu.memory_space<hbm>> -> memref<640x64xf32, #tpu.memory_space<hbm>>
      %dma_start3A_162 = arith.constant 0 : i32
      %dma_start3A_163 = tpu.memref_slice %arg15[%mul3A_152, %dma_start3A_162] : memref<10240x64xf32, #tpu.memory_space<vmem_shared>> -> memref<640x64xf32, #tpu.memory_space<vmem_shared>>
      tpu.enqueue_dma source(%dma_start3A_163 : memref<640x64xf32, #tpu.memory_space<vmem_shared>>) target(%dma_start3A_161 : memref<640x64xf32, #tpu.memory_space<hbm>>) target_semaphore(%run_scoped3A : memref<!tpu.dma_semaphore, #tpu.memory_space<semaphore_mem>>)
      %dma_wait3A_164 = arith.constant 0 : i32
      %dma_wait3A_165 = tpu.memref_slice %arg9[%arg0, %mul3A_154, %dma_wait3A_164] : memref<2x10240x64xf32, #tpu.memory_space<hbm>> -> memref<1x640x64xf32, #tpu.memory_space<hbm>>
      %dma_wait3A_166 = tpu.memref_squeeze %dma_wait3A_165 : memref<1x640x64xf32, #tpu.memory_space<hbm>> -> memref<640x64xf32, #tpu.memory_space<hbm>>
      %dma_wait3A_167 = arith.constant 0 : i32
      %dma_wait3A_168 = tpu.memref_slice %arg15[%mul3A_152, %dma_wait3A_167] : memref<10240x64xf32, #tpu.memory_space<vmem_shared>> -> memref<640x64xf32, #tpu.memory_space<vmem_shared>>
      tpu.wait_dma2 semaphore(%run_scoped3A : memref<!tpu.dma_semaphore, #tpu.memory_space<semaphore_mem>>) src(%dma_wait3A_168 : memref<640x64xf32, #tpu.memory_space<vmem_shared>>) dst(%dma_wait3A_166 : memref<640x64xf32, #tpu.memory_space<hbm>>)
      tpu.yield
    }) : () -> ()
    %mul3A_155 = arith.constant 640 : i32
    %mul3A_156 = arith.muli %arg1, %mul3A_155 : i32
    %mul3A_157 = arith.constant 640 : i32
    %mul3A_158 = arith.muli %arg1, %mul3A_157 : i32
    "tpu.region"() ({
      %run_scoped3A = tpu.sem_alloc : memref<!tpu.dma_semaphore, #tpu.memory_space<semaphore_mem>>
      %dma_start3A_159 = arith.constant 0 : i32
      %dma_start3A_160 = tpu.memref_slice %arg10[%arg0, %mul3A_158, %dma_start3A_159] : memref<2x10240x16xf32, #tpu.memory_space<hbm>> -> memref<1x640x16xf32, #tpu.memory_space<hbm>>
      %dma_start3A_161 = tpu.memref_squeeze %dma_start3A_160 : memref<1x640x16xf32, #tpu.memory_space<hbm>> -> memref<640x16xf32, #tpu.memory_space<hbm>>
      %dma_start3A_162 = arith.constant 0 : i32
      %dma_start3A_163 = tpu.memref_slice %arg16[%mul3A_156, %dma_start3A_162] : memref<10240x16xf32, #tpu.memory_space<vmem_shared>> -> memref<640x16xf32, #tpu.memory_space<vmem_shared>>
      tpu.enqueue_dma source(%dma_start3A_163 : memref<640x16xf32, #tpu.memory_space<vmem_shared>>) target(%dma_start3A_161 : memref<640x16xf32, #tpu.memory_space<hbm>>) target_semaphore(%run_scoped3A : memref<!tpu.dma_semaphore, #tpu.memory_space<semaphore_mem>>)
      %dma_wait3A_164 = arith.constant 0 : i32
      %dma_wait3A_165 = tpu.memref_slice %arg10[%arg0, %mul3A_158, %dma_wait3A_164] : memref<2x10240x16xf32, #tpu.memory_space<hbm>> -> memref<1x640x16xf32, #tpu.memory_space<hbm>>
      %dma_wait3A_166 = tpu.memref_squeeze %dma_wait3A_165 : memref<1x640x16xf32, #tpu.memory_space<hbm>> -> memref<640x16xf32, #tpu.memory_space<hbm>>
      %dma_wait3A_167 = arith.constant 0 : i32
      %dma_wait3A_168 = tpu.memref_slice %arg16[%mul3A_156, %dma_wait3A_167] : memref<10240x16xf32, #tpu.memory_space<vmem_shared>> -> memref<640x16xf32, #tpu.memory_space<vmem_shared>>
      tpu.wait_dma2 semaphore(%run_scoped3A : memref<!tpu.dma_semaphore, #tpu.memory_space<semaphore_mem>>) src(%dma_wait3A_168 : memref<640x16xf32, #tpu.memory_space<vmem_shared>>) dst(%dma_wait3A_166 : memref<640x16xf32, #tpu.memory_space<hbm>>)
      tpu.yield
    }) : () -> ()
    return
  }
}

module attributes {stable_mosaic.version = 14 : i64} {
  func.func @_lin1_body(%arg0: i32, %arg1: memref<1000x128xf32, #tpu.memory_space<vmem>>, %arg2: memref<128x128xf32, #tpu.memory_space<vmem>>, %arg3: memref<1x128xf32, #tpu.memory_space<vmem>>, %arg4: memref<1000x64xf32, #tpu.memory_space<vmem>>, %arg5: memref<1000x64xf32, #tpu.memory_space<vmem>>) attributes {dimension_semantics = [#tpu.dimension_semantics<arbitrary>], iteration_bounds = array<i64: 10>, scalar_prefetch = 0 : i64, scratch_operands = 0 : i64, tpu.core_type = #tpu.core_type<tc>, window_params = [{transform_indices = @transform_0, window_bounds = array<i64: 1000, 128>}, {pipeline_mode = #tpu.pipeline_mode<synchronous>, transform_indices = @transform_1, window_bounds = array<i64: 128, 128>}, {pipeline_mode = #tpu.pipeline_mode<synchronous>, transform_indices = @transform_2, window_bounds = array<i64: 1, 128>}, {transform_indices = @transform_3, window_bounds = array<i64: 1000, 64>}, {transform_indices = @transform_4, window_bounds = array<i64: 1000, 64>}]} {
    %get3A = arith.constant 0 : index
    %get3A_0 = arith.constant 0 : index
    %get3A_1 = vector.load %arg1[%get3A, %get3A_0] : memref<1000x128xf32, #tpu.memory_space<vmem>>, vector<1000x128xf32>
    %get3A_2 = arith.constant 0 : index
    %get3A_3 = arith.constant 0 : index
    %get3A_4 = vector.load %arg2[%get3A_2, %get3A_3] : memref<128x128xf32, #tpu.memory_space<vmem>>, vector<128x128xf32>
    %dot_general3A = arith.constant dense<0.000000e+00> : vector<1000x128xf32>
    %dot_general3A_5 = tpu.matmul %get3A_1, %get3A_4, %dot_general3A {dimension_numbers = #tpu.dot_dimension_numbers<[1], [0], [0], [1], [0, 0, 1, 1], [], []>, transpose_lhs_hint = false} : vector<1000x128xf32>, vector<128x128xf32>, vector<1000x128xf32> -> vector<1000x128xf32>
    %get3A_6 = arith.constant 0 : index
    %get3A_7 = arith.constant 0 : index
    %get3A_8 = vector.load %arg3[%get3A_6, %get3A_7] : memref<1x128xf32, #tpu.memory_space<vmem>>, vector<1x128xf32>
    %add3A = vector.broadcast %get3A_8 : vector<1x128xf32> to vector<1000x128xf32>
    %add3A_9 = arith.addf %dot_general3A_5, %add3A : vector<1000x128xf32>
    %max3A = arith.constant 0.000000e+00 : f32
    %max3A_10 = vector.broadcast %max3A : f32 to vector<1000x128xf32>
    %max3A_11 = arith.maximumf %add3A_9, %max3A_10 : vector<1000x128xf32>
    %slice3A = vector.extract_strided_slice %max3A_11 {offsets = [0, 0], sizes = [1000, 64], strides = [1, 1]} : vector<1000x128xf32> to vector<1000x64xf32>
    %swap3A = arith.constant 0 : index
    %swap3A_12 = arith.constant 0 : index
    %swap3A_13 = vector.load %arg4[%swap3A, %swap3A_12] : memref<1000x64xf32, #tpu.memory_space<vmem>>, vector<1000x64xf32>
    tpu.vector_store %arg4[%swap3A, %swap3A_12], %slice3A {strides = array<i32>} : memref<1000x64xf32, #tpu.memory_space<vmem>>, vector<1000x64xf32>,
    %slice3A_14 = vector.extract_strided_slice %max3A_11 {offsets = [0, 64], sizes = [1000, 64], strides = [1, 1]} : vector<1000x128xf32> to vector<1000x64xf32>
    %swap3A_15 = arith.constant 0 : index
    %swap3A_16 = arith.constant 0 : index
    %swap3A_17 = vector.load %arg5[%swap3A_15, %swap3A_16] : memref<1000x64xf32, #tpu.memory_space<vmem>>, vector<1000x64xf32>
    tpu.vector_store %arg5[%swap3A_15, %swap3A_16], %slice3A_14 {strides = array<i32>} : memref<1000x64xf32, #tpu.memory_space<vmem>>, vector<1000x64xf32>,
    return
  }
  func.func @transform_0(%arg0: i32) -> (i32, i32) {
    %c0_i32 = arith.constant 0 : i32
    %c0_i32_0 = arith.constant 0 : i32
    return %arg0, %c0_i32 : i32, i32
  }
  func.func @transform_1(%arg0: i32) -> (i32, i32) {
    %c0_i32 = arith.constant 0 : i32
    %c0_i32_0 = arith.constant 0 : i32
    %c0_i32_1 = arith.constant 0 : i32
    return %c0_i32, %c0_i32_0 : i32, i32
  }
  func.func @transform_2(%arg0: i32) -> (i32, i32) {
    %c0_i32 = arith.constant 0 : i32
    %c0_i32_0 = arith.constant 0 : i32
    %c0_i32_1 = arith.constant 0 : i32
    return %c0_i32, %c0_i32_0 : i32, i32
  }
  func.func @transform_3(%arg0: i32) -> (i32, i32) {
    %c0_i32 = arith.constant 0 : i32
    %c0_i32_0 = arith.constant 0 : i32
    return %arg0, %c0_i32 : i32, i32
  }
  func.func @transform_4(%arg0: i32) -> (i32, i32) {
    %c0_i32 = arith.constant 0 : i32
    %c0_i32_0 = arith.constant 0 : i32
    return %arg0, %c0_i32 : i32, i32
  }
}

module attributes {stable_mosaic.version = 14 : i64} {
  func.func @_final_body(%arg0: i32, %arg1: memref<2x1000x64xf32, #tpu.memory_space<vmem>>, %arg2: memref<2x1000x16xf32, #tpu.memory_space<vmem>>, %arg3: memref<1000x64xf32, #tpu.memory_space<vmem>>, %arg4: memref<1000x64xf32, #tpu.memory_space<vmem>>, %arg5: memref<128x128xf32, #tpu.memory_space<vmem>>, %arg6: memref<1x128xf32, #tpu.memory_space<vmem>>, %arg7: memref<1000x128xf32, #tpu.memory_space<vmem>>) attributes {dimension_semantics = [#tpu.dimension_semantics<arbitrary>], iteration_bounds = array<i64: 10>, scalar_prefetch = 0 : i64, scratch_operands = 0 : i64, tpu.core_type = #tpu.core_type<tc>, window_params = [{transform_indices = @transform_0, window_bounds = array<i64: 2, 1000, 64>}, {transform_indices = @transform_1, window_bounds = array<i64: 2, 1000, 16>}, {transform_indices = @transform_2, window_bounds = array<i64: 1000, 64>}, {transform_indices = @transform_3, window_bounds = array<i64: 1000, 64>}, {pipeline_mode = #tpu.pipeline_mode<synchronous>, transform_indices = @transform_4, window_bounds = array<i64: 128, 128>}, {pipeline_mode = #tpu.pipeline_mode<synchronous>, transform_indices = @transform_5, window_bounds = array<i64: 1, 128>}, {transform_indices = @transform_6, window_bounds = array<i64: 1000, 128>}]} {
    %get3A = arith.constant 0 : index
    %get3A_0 = arith.constant 0 : index
    %get3A_1 = arith.constant 0 : index
    %get3A_2 = vector.load %arg1[%get3A, %get3A_0, %get3A_1] : memref<2x1000x64xf32, #tpu.memory_space<vmem>>, vector<1x1000x64xf32>
    %get3A_3 = vector.shape_cast %get3A_2 : vector<1x1000x64xf32> to vector<1000x64xf32>
    %get3A_4 = arith.constant 1 : index
    %get3A_5 = arith.constant 0 : index
    %get3A_6 = arith.constant 0 : index
    %get3A_7 = vector.load %arg1[%get3A_4, %get3A_5, %get3A_6] : memref<2x1000x64xf32, #tpu.memory_space<vmem>>, vector<1x1000x64xf32>
    %get3A_8 = vector.shape_cast %get3A_7 : vector<1x1000x64xf32> to vector<1000x64xf32>
    %concatenate3A = tpu.concatenate %get3A_3, %get3A_8 in 1 : vector<1000x64xf32>, vector<1000x64xf32> -> vector<1000x128xf32>
    %get3A_9 = arith.constant 0 : index
    %get3A_10 = arith.constant 0 : index
    %get3A_11 = arith.constant 0 : index
    %get3A_12 = vector.load %arg2[%get3A_9, %get3A_10, %get3A_11] : memref<2x1000x16xf32, #tpu.memory_space<vmem>>, vector<1x1000x1xf32>
    %get3A_13 = vector.shape_cast %get3A_12 : vector<1x1000x1xf32> to vector<1000x1xf32>
    %get3A_14 = arith.constant 1 : index
    %get3A_15 = arith.constant 0 : index
    %get3A_16 = arith.constant 0 : index
    %get3A_17 = vector.load %arg2[%get3A_14, %get3A_15, %get3A_16] : memref<2x1000x16xf32, #tpu.memory_space<vmem>>, vector<1x1000x1xf32>
    %get3A_18 = vector.shape_cast %get3A_17 : vector<1x1000x1xf32> to vector<1000x1xf32>
    %add3A = arith.addf %get3A_13, %get3A_18 : vector<1000x1xf32>
    %max3A = arith.constant 1.000000e+00 : f32
    %max3A_19 = vector.broadcast %max3A : f32 to vector<1000x1xf32>
    %max3A_20 = arith.maximumf %add3A, %max3A_19 : vector<1000x1xf32>
    %get3A_21 = arith.constant 0 : index
    %get3A_22 = arith.constant 0 : index
    %get3A_23 = vector.load %arg3[%get3A_21, %get3A_22] : memref<1000x64xf32, #tpu.memory_space<vmem>>, vector<1000x64xf32>
    %get3A_24 = arith.constant 0 : index
    %get3A_25 = arith.constant 0 : index
    %get3A_26 = vector.load %arg4[%get3A_24, %get3A_25] : memref<1000x64xf32, #tpu.memory_space<vmem>>, vector<1000x64xf32>
    %concatenate3A_27 = tpu.concatenate %get3A_23, %get3A_26 in 1 : vector<1000x64xf32>, vector<1000x64xf32> -> vector<1000x128xf32>
    %div3A = vector.broadcast %max3A_20 : vector<1000x1xf32> to vector<1000x128xf32>
    %div3A_28 = arith.divf %concatenate3A, %div3A : vector<1000x128xf32>
    %add3A_29 = arith.addf %div3A_28, %concatenate3A_27 : vector<1000x128xf32>
    %get3A_30 = arith.constant 0 : index
    %get3A_31 = arith.constant 0 : index
    %get3A_32 = vector.load %arg5[%get3A_30, %get3A_31] : memref<128x128xf32, #tpu.memory_space<vmem>>, vector<128x128xf32>
    %dot_general3A = arith.constant dense<0.000000e+00> : vector<1000x128xf32>
    %dot_general3A_33 = tpu.matmul %add3A_29, %get3A_32, %dot_general3A {dimension_numbers = #tpu.dot_dimension_numbers<[1], [0], [0], [1], [0, 0, 1, 1], [], []>, transpose_lhs_hint = false} : vector<1000x128xf32>, vector<128x128xf32>, vector<1000x128xf32> -> vector<1000x128xf32>
    %get3A_34 = arith.constant 0 : index
    %get3A_35 = arith.constant 0 : index
    %get3A_36 = vector.load %arg6[%get3A_34, %get3A_35] : memref<1x128xf32, #tpu.memory_space<vmem>>, vector<1x128xf32>
    %add3A_37 = vector.broadcast %get3A_36 : vector<1x128xf32> to vector<1000x128xf32>
    %add3A_38 = arith.addf %dot_general3A_33, %add3A_37 : vector<1000x128xf32>
    %swap3A = arith.constant 0 : index
    %swap3A_39 = arith.constant 0 : index
    %swap3A_40 = vector.load %arg7[%swap3A, %swap3A_39] : memref<1000x128xf32, #tpu.memory_space<vmem>>, vector<1000x128xf32>
    tpu.vector_store %arg7[%swap3A, %swap3A_39], %add3A_38 {strides = array<i32>} : memref<1000x128xf32, #tpu.memory_space<vmem>>, vector<1000x128xf32>,
    return
  }
  func.func @transform_0(%arg0: i32) -> (i32, i32, i32) {
    %c0_i32 = arith.constant 0 : i32
    %c0_i32_0 = arith.constant 0 : i32
    %c0_i32_1 = arith.constant 0 : i32
    return %c0_i32, %arg0, %c0_i32_0 : i32, i32, i32
  }
  func.func @transform_1(%arg0: i32) -> (i32, i32, i32) {
    %c0_i32 = arith.constant 0 : i32
    %c0_i32_0 = arith.constant 0 : i32
    %c0_i32_1 = arith.constant 0 : i32
    return %c0_i32, %arg0, %c0_i32_0 : i32, i32, i32
  }
  func.func @transform_2(%arg0: i32) -> (i32, i32) {
    %c0_i32 = arith.constant 0 : i32
    %c0_i32_0 = arith.constant 0 : i32
    return %arg0, %c0_i32 : i32, i32
  }
  func.func @transform_3(%arg0: i32) -> (i32, i32) {
    %c0_i32 = arith.constant 0 : i32
    %c0_i32_0 = arith.constant 0 : i32
    return %arg0, %c0_i32 : i32, i32
  }
  func.func @transform_4(%arg0: i32) -> (i32, i32) {
    %c0_i32 = arith.constant 0 : i32
    %c0_i32_0 = arith.constant 0 : i32
    %c0_i32_1 = arith.constant 0 : i32
    return %c0_i32, %c0_i32_0 : i32, i32
  }
  func.func @transform_5(%arg0: i32) -> (i32, i32) {
    %c0_i32 = arith.constant 0 : i32
    %c0_i32_0 = arith.constant 0 : i32
    %c0_i32_1 = arith.constant 0 : i32
    return %c0_i32, %c0_i32_0 : i32, i32
  }
  func.func @transform_6(%arg0: i32) -> (i32, i32) {
    %c0_i32 = arith.constant 0 : i32
    %c0_i32_0 = arith.constant 0 : i32
    return %arg0, %c0_i32 : i32, i32
  }
}

</mosaic_0001>

<sc_bundles>
// kernel: kernel.5.cloned.1.call-start
scs
__scs_entry_jumppad:
0x0: {  	(pc) =	sbr.rel $0x88, $3  }
0x1: {  	(tag) =	ssettag $0x0;
	lr =	simm.s32 $0x1  }
0x2: {  	[smem:$0x3F9B] =	sst lr;
	_ =	strace $0xD0000000  }
0x3: {  	_ = 	snop  }
0x4: {  	_ = 	snop  }
0x5: {  	_ = 	snop  }
0x6: {  	_ = 	snop  }
0x7: {  	_ = 	snop  }
__scs_overlays_trampoline_lowered:
0x8: {  	[smem:$0x3FAA] =	sst s0  }
0x9: {  	[smem:$0x3FAB] =	sst s1  }
0xa: {  	[smem:$0x3FAC] =	sst s2  }
0xb: {  	[smem:$0x3FAD] =	sst s3  }
0xc: {  	[smem:$0x3FAE] =	sst s4  }
0xd: {  	[smem:$0x3FAF] =	sst s5  }
0xe: {  	[smem:$0x3FB0] =	sst s6  }
0xf: {  	[smem:$0x3FB1] =	sst s7  }
0x10: {  	[smem:$0x3FB2] =	sst s8  }
0x11: {  	[smem:$0x3FB3] =	sst s9;
	s0 =	simm.s32 @!p0 $0x0  }
0x12: {  	s1 =	sld [smem:$0x3F99];
	s0 =	simm.s32 @p0 $0x1  }
0x13: {  	[smem:$0x3FB4] =	sst s0;
	s0 =	simm.s32 @!p1 $0x0  }
0x14: {  	s2 =	sld [smem:$0x3F98];
	s0 =	simm.s32 @p1 $0x1  }
0x15: {  	[smem:$0x3FB5] =	sst s0;
	s0 =	simm.s32 @!p2 $0x0  }
0x16: {  	s3 =	sld [smem:$0x3FDB];
	s0 =	simm.s32 @p2 $0x1  }
0x17: {  	s4 =	simm.s32 $0x1BF5;
	[smem:$0x3FB7] =	sst s0  }
0x18: {  	s0 =	sld [smem:$0x3F9A];
	_ =	swait.ge [sflag:s4], $0x0  }
0x19: {  	s7 =	sld [smem:$0x3F9B]  }
0x1a: {  	s8 =	sadd.s32 $0xFFFFE003, lr  }
0x1b: {  	s9 =	sadd.s32 $0xFFFFFEF7, lr;
	s5 =	simm.s32 $0xFFFFFFFF;
	p2 =	slt.u32 s8, $0xFFFFF086  }
0x1c: {  	p1 =	slt.u32 s9, $0xF7A;
	s5 =	simm.s32 @!p2 $0x0  }
0x1d: {  	s5 =	simm.s32 @p1 $0x1;
	p0 =	seq.s32 s7, s2  }
0x1e: {  	s7 =	smul.u32 @!p0 $0xF7A, s2;
	p2 =	seq.s32 @!p0 s5, $0x0  }
0x1f: {  	s9 =	smul.u32 $0xF7A, s1;
	s8 =	simm.s32 @!p0 $0x1BF5;
	p2 =	por !p2, p0  }
0x20: {  	[sflag:s8] =	ssyncset.s32 @!p0 $0xFFFFF086;
	s6 =	sadd.s32 @!p0 s3, s7;
	s7 =	simm.s32 @!p0 $0x108  }
0x21: {  	s3 =	sadd.s32 s3, s9;
	s6 =	sadd.s32 @!p0 $0x88, s6;
	s7 =	simm.s32 @p2 $0x1082  }
0x22: {  	[simem:s7], [sflag:s8] =	dma.local @!p0 [hbm:s6], $0xF7A  }
0x23: {  	s9 =	sor.u32 $0xD0000000, s2;
	s6 =	simm.s32 $0x108;
	_ =	swait.ge @!p0 [sflag:s8], $0x0  }
0x24: {  	s3 =	sadd.s32 $0x88, s3;
	s6 =	simm.s32 @!p1 $0x1082;
	[sflag:s4] =	ssyncset.s32 $0xFFFFF086  }
0x25: {  	[simem:s6], [sflag:s4] =	dma.local [hbm:s3], $0xF7A  }
0x26: {  	[smem:$0x3F9B] =	sst s1;
	(tag) =	ssettag s2;
	_ =	strace s9  }
0x27: {  	s1 =	sld [smem:$0x3FAB]  }
0x28: {  	s2 =	sld [smem:$0x3FAC]  }
0x29: {  	s4 =	sld [smem:$0x3FAE]  }
0x2a: {  	p0 =	seq.s32 s5, $0x0;
	s5 =	sld [smem:$0x3FAF]  }
0x2b: {  	s6 =	sld [smem:$0x3FB0]  }
0x2c: {  	s7 =	sld [smem:$0x3FB1]  }
0x2d: {  	s3 =	simm.s32 $0x108;
	s8 =	sld [smem:$0x3FB2]  }
0x2e: {  	s3 =	simm.s32 @!p0 $0x1082;
	s9 =	sld [smem:$0x3FB3]  }
0x2f: {  	lr =	sadd.s32 s0, s3;
	s0 =	sld [smem:$0x3FAA]  }
0x30: {  	s3 =	sld [smem:$0x3FAD]  }
0x31: {  	[smem:$0x3FB6] =	sst s10  }
0x32: {  	s10 =	sld [smem:$0x3FB4];
	_ =	sdelay $0x3  }
0x33: {  	p0 =	seq.s32 s10, $0x1;
	s10 =	sld [smem:$0x3FB6];
	_ =	sdelay $0x3  }
0x34: {  	[smem:$0x3FB6] =	sst s10  }
0x35: {  	s10 =	sld [smem:$0x3FB5];
	_ =	sdelay $0x3  }
0x36: {  	p1 =	seq.s32 s10, $0x1;
	s10 =	sld [smem:$0x3FB6];
	_ =	sdelay $0x3  }
0x37: {  	[smem:$0x3FB6] =	sst s10  }
0x38: {  	s10 =	sld [smem:$0x3FB7]  }
0x39: {  	_ = 	snop;
	(pc) =	sbr.ind lr, $3  }
0x3a: {  	_ = 	snop  }
0x3b: {  	_ = 	snop  }
0x3c: {  	p2 =	seq.s32 s10, $0x1;
	s10 =	sld [smem:$0x3FB6]  }
0x3d: {  	_ =	shalt  }
0x3e: {  	_ =	shalt  }
0x3f: {  	_ =	shalt  }
0x40: {  	_ =	shalt  }
0x41: {  	_ =	shalt  }
0x42: {  	_ =	shalt  }
0x43: {  	_ =	shalt  }
0x44: {  	_ =	shalt  }
0x45: {  	_ =	shalt  }
0x46: {  	_ =	shalt  }
0x47: {  	_ =	shalt  }
0x48: {  	_ =	shalt  }
0x49: {  	_ =	shalt  }
0x4a: {  	_ =	shalt  }
0x4b: {  	_ =	shalt  }
0x4c: {  	_ =	shalt  }
0x4d: {  	_ =	shalt  }
0x4e: {  	_ =	shalt  }
0x4f: {  	_ =	shalt  }
0x50: {  	_ =	shalt  }
0x51: {  	_ =	shalt  }
0x52: {  	_ =	shalt  }
0x53: {  	_ =	shalt  }
0x54: {  	_ =	shalt  }
0x55: {  	_ =	shalt  }
0x56: {  	_ =	shalt  }
0x57: {  	_ =	shalt  }
0x58: {  	_ =	shalt  }
0x59: {  	_ =	shalt  }
0x5a: {  	_ =	shalt  }
0x5b: {  	_ =	shalt  }
0x5c: {  	_ =	shalt  }
0x5d: {  	_ =	shalt  }
0x5e: {  	_ =	shalt  }
0x5f: {  	_ =	shalt  }
0x60: {  	_ =	shalt  }
0x61: {  	_ =	shalt  }
0x62: {  	_ =	shalt  }
0x63: {  	_ =	shalt  }
0x64: {  	_ =	shalt  }
0x65: {  	_ =	shalt  }
0x66: {  	_ =	shalt  }
0x67: {  	_ =	shalt  }
0x68: {  	_ =	shalt  }
0x69: {  	_ =	shalt  }
0x6a: {  	_ =	shalt  }
0x6b: {  	_ =	shalt  }
0x6c: {  	_ =	shalt  }
0x6d: {  	_ =	shalt  }
0x6e: {  	_ =	shalt  }
0x6f: {  	_ =	shalt  }
0x70: {  	_ =	shalt  }
0x71: {  	_ =	shalt  }
0x72: {  	_ =	shalt  }
0x73: {  	_ =	shalt  }
0x74: {  	_ =	shalt  }
0x75: {  	_ =	shalt  }
0x76: {  	_ =	shalt  }
0x77: {  	_ =	shalt  }
0x78: {  	_ =	shalt  }
0x79: {  	_ =	shalt  }
0x7a: {  	_ =	shalt  }
0x7b: {  	_ =	shalt  }
0x7c: {  	_ =	shalt  }
0x7d: {  	_ =	shalt  }
0x7e: {  	_ =	shalt  }
0x7f: {  	_ =	shalt  }
0x80: {  	_ =	shalt  }
0x81: {  	_ =	shalt  }
0x82: {  	_ =	shalt  }
0x83: {  	_ =	shalt  }
0x84: {  	_ =	shalt  }
0x85: {  	_ =	shalt  }
0x86: {  	_ =	shalt  }
0x87: {  	_ =	shalt  }
.Lfunc_end0:
.L_simem_size_0:
called_computation_lowered:
.L_overlay_start_0:
0x88: {  	s2 =	sld [smem:$0x3FD9]  }
0x89: {  	s3 =	sld [smem:$0x3FFE];
	_ =	sdelay $0x1  }
0x8a: {  	s1 =	srdreg.scid  }
0x8b: {  	s0 =	sand.u32 $0x1, s1  }
0x8c: {  	s17 =	sshll.u32 s0, $0xA;
	s2 =	sadd.s32 s3, s2  }
0x8d: {  	s2 =	sadd.s32 s2, s17  }
0x8e: {  	[smem:$0x3FC2] =	sst s2  }
0x8f: {  	_ = 	snop  }
0x90: {  	s2 =	sld [smem:$0x3FD0];
	(tm) =	ssettm $0x1  }
0x91: {  	s18 =	sld [smem:$0x3FFB];
	_ =	sdelay $0x3  }
0x92: {  	_ =	strace s18  }
0x93: {  	s3 =	sld [smem:$0x3FFC];
	_ =	sdelay $0x3  }
0x94: {  	_ =	strace s3  }
0x95: {  	s3 =	sld [smem:$0x3FFD];
	_ =	sdelay $0x3  }
0x96: {  	_ =	strace s3  }
0x97: {  	_ =	strace $0x8FFFFFFF  }
0x98: {  	s19 =	sld [smem:$0x3FDB];
	_ =	sdelay $0x1  }
0x99: {  	s4 =	simm.s32 $_scs_section_size  }
0x9a: {  	s5 =	simm.s32 $_size__tile_overlayer_lowered;
	s6 =	simm.s32 $_tile_overlayer_lowered  }
0x9b: {  	s22 =	simm.s32 $0x1BFF;
	s21 =	sshll.u32 s6, $0x1;
	s3 =	sadd.s32 s4, s19  }
0x9c: {  	s7 =	simm.s32 $0x0;
	s20 =	sshll.u32 s5, $0x1;
	s5 =	sadd.s32 s21, s3  }
0x9d: {  	[timem:s7], [sflag:s22] =	dma.local [hbm:s5], s20  }
0x9e: {  	_ =	swait.ge [sflag:s22], s20  }
0x9f: {  	s4 =	ssub.s32 $0x0, s20;
	[sflag:s22] =	ssyncset.done $0x0  }
0xa0: {  	[sflag:s22] =	ssyncadd.s32 s4;
	_ =	sdelay $0x1  }
0xa1: {  	s23 =	simm.s32 $0x1B8B  }
0xa2: {  	_ =	swait.ge [sflag:s23], $0x1  }
0xa3: {  	[sflag:s23] =	ssyncset.done $0x0  }
0xa4: {  	s25 =	simm.s32 $0x1B8E;
	s24 =	sld [smem:$0x3FFE];
	[sflag:s23] =	ssyncadd.s32 $0xFFFFFFFF  }
0xa5: {  	s26 =	simm.s32 $execute0_lowered;
	[smem:$0x3FD2] =	sst s25  }
0xa6: {  	s5 =	sshll.u32 s26, $0x1;
	_ =	strace $0x80000046;
	[dreg:$0x1] =	wrdreg $0xFFFFFFFF  }
0xa7: {  	s28 =	simm.s32 $_size_execute0_lowered;
	s3 =	sadd.s32 s3, s5;
	[dreg:$0x0] =	wrdreg $0x0  }
0xa8: {  	s5 =	sshll.u32 s28, $0x1;
	[dreg:$0x2] =	wrdreg s3  }
0xa9: {  	[dreg:$0x3] =	wrdreg s5  }
0xaa: {  	[dreg:$0x4] =	wrdreg $0xC0  }
0xab: {  	_ =	task [dreg:s7], $0x5FFFF  }
0xac: {  	[dreg:$0x1] =	wrdreg $0xFFFFFFFF  }
0xad: {  	[dreg:$0x0] =	wrdreg $0x60  }
0xae: {  	[dreg:$0x2] =	wrdreg s24  }
0xaf: {  	[dreg:$0x3] =	wrdreg s2  }
0xb0: {  	[dreg:$0x4] =	wrdreg $0x128000  }
0xb1: {  	[dreg:$0x5] =	wrdreg $0x1C8000  }
0xb2: {  	[dreg:$0x6] =	wrdreg $0x9  }
0xb3: {  	_ =	task.clear_ibuf [dreg:s7], $0x7FFFF;
	_ =	strace $0x90000046  }
0xb4: {  	s29 =	simm.s32 $0x9;
	_ =	strace $0x80000048  }
0xb5: {  	_ =	swait.ge [sflag:s29], $0x1  }
0xb6: {  	[sflag:s29] =	ssyncadd.s32 $0xFFFFFFFF  }
0xb7: {  	_ =	strace $0x90000048  }
0xb8: {  	_ =	sfence  }
0xb9: {  	s30 =	sld [smem:$0x0];
	_ =	sdelay $0x2  }
0xba: {  	s31 =	sshll.u32 s1, $0xD;
	s1 =	sshrl.u32 s1, $0x2  }
0xbb: {  	s3 =	sand.u32 $0x4000, s31;
	s1 =	sadd.s32 s1, s30  }
0xbc: {  	s0 =	sor.u32 s3, s0;
	s1 =	sshll.u32 s1, $0x11  }
0xbd: {  	s0 =	sor.u32 s1, s0  }
0xbe: {  	s0 =	sadd.s32 $0x8F2B, s0  }
0xbf: {  	[sflag:s0] =	ssyncadd.remote.s32 $0x1  }
0xc0: {  	_ =	sfence.sel $0xFFFF  }
0xc1: {  	[dreg:$0x0] =	wrdreg $0xFFFFFFFF;
	(pc) =	sbr.abs _section_cstart, $3  }
0xc2: {  	[dreg:$0x1] =	wrdreg $0xFFFFFFFF  }
0xc3: {  	_ =	task.clear_ibuf [dreg:s7], $0x2FFFF;
	_ =	strace $0x9FFFFFFF  }
0xc4: {  	(tm) =	ssettm $0x7FFFFFFF  }
0xc5: {  	_ =	shalt  }
tec
execute0_lowered:
.L_overlay_start_1:
0x0: {  	(tag) =	ssettag $0x1  }
0x1: {  	s0 =	rddreg [dreg:$0x0]  }
0x2: {  	s1 =	rddreg [dreg:$0x1]  }
0x3: {  	s2 =	rddreg [dreg:$0x2]  }
0x4: {  	s4 =	rddreg [dreg:$0x3];
	s6 =	simm.s32 $0x0;
	s3 =	srdreg.scid  }
0x5: {  	s5 =	stileid.u32;
	s28 =	simm.s32 $0x6;
	s29 =	simm.s32 $0xC000  }
0x6: {  	s30 =	simm.s32 $0x7;
	s31 =	simm.s32 $0xE000;
	[smem:$0x7FF] =	sst s6  }
0x7: {  	s3 =	sand.u32 $0x1, s3;
	s16 =	smul.u32 $0xA000, s5;
	s11 =	sadd.s32 $0x1E600, s0  }
0x8: {  	s14 =	sadd.s32 $0x14600, s0;
	s8 =	smul.u32 $0x2800, s5;
	s10 =	sadd.s32 $0x28E00, s0  }
0x9: {  	s12 =	sadd.s32 $0x28800, s0;
	_ =	strace $0x80000047;
	[dreg:$0x7] =	wrdreg s10  }
0xa: {  	s18 =	sadd.s32 $0x28600, s0;
	s15 =	smul.u32 $0x5000, s5;
	[dreg:$0x8] =	wrdreg s12  }
0xb: {  	s9 =	sadd.s32 $0xC00, s0;
	s7 =	smul.u32 $0xA0000, s3;
	[dreg:$0x9] =	wrdreg s18  }
0xc: {  	s21 =	sshll.u32 s5, $0x6;
	s17 =	smul.u32 $0x28000, s3;
	[dreg:$0x5] =	wrdreg s11  }
0xd: {  	s19 =	ssub.s32 $0x2, s3;
	s12 =	sor.u32 $0x1C13, s21;
	[dreg:$0x6] =	wrdreg s14  }
0xe: {  	p0 =	seq.s32 s3, $0x1;
	s3 =	simm.s32 $0x10000;
	s21 =	simm.s32 $0x2  }
0xf: {  	s13 =	sshrl.u32 s19, $0x1;
	s6 =	sadd.s32 s16, s2;
	[dreg:$0xa] =	wrdreg s15  }
0x10: {  	s22 =	sshrl.u32 s15, $0x3;
	s1 =	smov.u32 @p0 s9;
	p1 =	por !p0, !p0  }
0x11: {  	s9 =	simm.s32 $0x6000;
	[dreg:$0xb] =	wrdreg s12;
	s7 =	sadd.s32 s16, s7  }
0x12: {  	s10 =	sadd.s32 s8, s17;
	s20 =	ssub.s32 s19, s13;
	s8 =	sadd.s32 s8, s4  }
0x13: {  	s23 =	sadd.s32 s11, s22;
	s24 =	sadd.s32 s14, s22;
	s6 =	sshrl.u32 s6, $0x3  }
0x14: {  	s22 =	simm.s32 $0x4000;
	s13 =	simm.s32 $0x8000;
	s14 =	simm.s32 $0x0  }
0x15: {  	s7 =	sshrl.u32 s7, $0x3;
	s10 =	sshrl.u32 s10, $0x3;
	[dreg:$0xc] =	wrdreg s23  }
0x16: {  	[dreg:$0xd] =	wrdreg s24;
	s26 =	smax.u32 s20, $0x1;
	s11 =	sshrl.u32 s8, $0x3  }
0x17: {  	s23 =	simm.s32 $0x5;
	s24 =	simm.s32 $0x80;
	s8 =	simm.s32 $0x3  }
.Ltmp0:
0x18: {  	[dreg:$0x11] =	wrdreg s6;
	s7 =	sadd.s32 s7, s0;
	(pc) =	sbr.rel .LBB2_1-.Ltmp0, $4  }
0x19: {  	s0 =	sadd.s32 s10, s0;
	[dreg:$0x10] =	wrdreg s26;
	s26 =	simm.s32 $0x1  }
0x1a: {  	s10 =	simm.s32 $0x4;
	[dreg:$0x12] =	wrdreg s11;
	s25 =	sadd.s32 $0x2A200, s7  }
0x1b: {  	s0 =	sadd.s32 $0x52200, s0;
	s7 =	simm.s32 $0x13;
	[dreg:$0xe] =	wrdreg s25  }
0x1c: {  	[dreg:$0xf] =	wrdreg s0;
	s25 =	simm.s32 $0xA000;
	s0 =	simm.s32 $0x8  }
.LBB2_19:
0x1d: {  	s5 =	simm.s32 $0x9  }
0x1e: {  	_ =	swait.ge [sflag:s5], $0x2000  }
0x1f: {  	[sflag:s5] =	ssyncset.done $0x0  }
0x20: {  	s6 =	simm.s32 $0xA;
	[sflag:s5] =	ssyncadd.s32 $0xFFFFE000  }
0x21: {  	_ =	swait.ge [sflag:s6], $0x2000  }
0x22: {  	[sflag:s6] =	ssyncset.done $0x0  }
0x23: {  	s7 =	simm.s32 $0xB;
	[sflag:s6] =	ssyncadd.s32 $0xFFFFE000  }
0x24: {  	_ =	swait.ge [sflag:s7], $0x2000  }
0x25: {  	[sflag:s7] =	ssyncset.done $0x0  }
0x26: {  	s11 =	simm.s32 $0xC;
	[sflag:s7] =	ssyncadd.s32 $0xFFFFE000  }
0x27: {  	_ =	swait.ge [sflag:s11], $0x2000  }
0x28: {  	[sflag:s11] =	ssyncset.done $0x0  }
0x29: {  	s12 =	simm.s32 $0xD;
	[sflag:s11] =	ssyncadd.s32 $0xFFFFE000  }
0x2a: {  	_ =	swait.ge [sflag:s12], $0x2000  }
0x2b: {  	[sflag:s12] =	ssyncset.done $0x0  }
0x2c: {  	s14 =	simm.s32 $0xE;
	[sflag:s12] =	ssyncadd.s32 $0xFFFFE000  }
0x2d: {  	_ =	swait.ge [sflag:s14], $0x2000  }
0x2e: {  	[sflag:s14] =	ssyncset.done $0x0  }
0x2f: {  	s15 =	simm.s32 $0xF;
	[sflag:s14] =	ssyncadd.s32 $0xFFFFE000  }
0x30: {  	_ =	swait.ge [sflag:s15], $0x2000  }
0x31: {  	[sflag:s15] =	ssyncset.done $0x0  }
0x32: {  	s16 =	simm.s32 $0x10;
	[sflag:s15] =	ssyncadd.s32 $0xFFFFE000  }
0x33: {  	_ =	swait.ge [sflag:s16], $0x2000  }
0x34: {  	[sflag:s16] =	ssyncset.done $0x0  }
0x35: {  	s17 =	simm.s32 $0x11;
	[sflag:s16] =	ssyncadd.s32 $0xFFFFE000  }
0x36: {  	_ =	swait.ge [sflag:s17], $0x5000  }
0x37: {  	[sflag:s17] =	ssyncset.done $0x0  }
0x38: {  	[sflag:s17] =	ssyncadd.s32 $0xFFFFB000  }
0x39: {  	[bflag:$0x0] =	sbarrier.arrive $0xFFFF  }
0x3a: {  	s12 =	rddreg [dreg:$0xb]  }
0x3b: {  	s18 =	rddreg [dreg:$0xe]  }
0x3c: {  	s7 =	simm.s32 $0x13;
	s6 =	rddreg [dreg:$0x11]  }
0x3d: {  	[hbm:s18], [sflag:s12] =	dma.local [spmem:s6], $0x1400  }
0x3e: {  	_ =	swait.ge [sflag:s7], $0x1400  }
0x3f: {  	[sflag:s7] =	ssyncset.done $0x0;
	s19 =	rddreg [dreg:$0xf]  }
0x40: {  	s11 =	rddreg [dreg:$0x12];
	[sflag:s7] =	ssyncadd.s32 $0xFFFFEC00  }
0x41: {  	[hbm:s19], [sflag:s12] =	dma.local [spmem:s11], $0x500  }
0x42: {  	_ =	swait.ge [sflag:s7], $0x500  }
0x43: {  	s14 =	rddreg [dreg:$0x13]  }
0x44: {  	s20 =	rddreg [dreg:$0x10];
	s14 =	sadd.s32 $0x1, s14  }
0x45: {  	p2 =	sne.s32 s14, s20  }
.Ltmp1:
0x46: {  	_ = 	snop;
	(pc) =	sbr.rel @!p2 .LBB2_20-.Ltmp1, $3  }
0x47: {  	_ =	sdelay $0x1  }
0x48: {  	[sflag:s7] =	ssyncset.done $0x0  }
0x49: {  	[sflag:s7] =	ssyncadd.s32 $0xFFFFFB00  }
.LBB2_1:
0x4a: {  	[dreg:$0x13] =	wrdreg s14  }
0x4b: {  	s5 =	rddreg [dreg:$0x7]  }
0x4c: {  	[spmem:s6], [sflag:s12] =	dma.local [hbm:s5], $0x1400  }
0x4d: {  	_ =	swait.ge [sflag:s7], $0x1400  }
0x4e: {  	[sflag:s7] =	ssyncset.done $0x0  }
0x4f: {  	s14 =	rddreg [dreg:$0x8];
	[sflag:s7] =	ssyncadd.s32 $0xFFFFEC00  }
0x50: {  	[spmem:s11], [sflag:s12] =	dma.local [hbm:s14], $0x500  }
0x51: {  	_ =	swait.ge [sflag:s7], $0x500  }
0x52: {  	s15 =	simm.s32 $0x0;
	[sflag:s7] =	ssyncset.done $0x0  }
0x53: {  	s17 =	simm.s32 $0x12000;
	s16 =	rddreg [dreg:$0x9];
	[sflag:s7] =	ssyncadd.s32 $0xFFFFFB00  }
0x54: {  	[tilespmem:s17], [sflag:$0x13] =	stream.linear.gather [hbm4b:s16+s15], $0x800, $0x38;
	[tilespmem:$0x1F000] =	vst v63  }
0x55: {  	_ =	swait.ge [sflag:s7], $0x800  }
0x56: {  	[sflag:s7] =	ssyncset.done $0x0  }
0x57: {  	s18 =	rddreg [dreg:$0xc];
	[sflag:s7] =	ssyncadd.s32 $0xFFFFF800  }
0x58: {  	[tilespmem:s15], [sflag:$0x12] =	stream.linear.gather [hbm4b:s18+s15], $0x800, $0x38;
	[tilespmem:$0x1F000] =	vst v63  }
.Ltmp2:
0x59: {  	_ = 	snop;
	(pc) =	sbr.rel .LBB2_2-.Ltmp2, $4  }
0x5a: {  	s20 =	simm.s32 $0x1000;
	s19 =	rddreg [dreg:$0xd]  }
0x5b: {  	[tilespmem:s20], [sflag:$0x12] =	stream.linear.gather [hbm4b:s19+s15], $0x800, $0x38;
	[tilespmem:$0x1F000] =	vst v63  }
0x5c: {  	s16 =	simm.s32 $0x0;
	[bflag:$0x0] =	sbarrier.arrive $0xFFFF  }
0x5d: {  	s18 =	simm.s32 $0x0;
	s15 =	simm.s32 $0x0;
	s20 =	simm.s32 $0x0  }
.LBB2_17:
0x5e: {  	_ =	swait.ge [sflag:s0], $0x2000  }
0x5f: {  	s5 =	sand.u32 $0xF80, s7;
	p3 =	slt.u32 s20, $0xB;
	s7 =	simm.s32 $0x1  }
.Ltmp3:
0x60: {  	[sflag:s0] =	ssyncset.done $0x0;
	s7 =	simm.s32 @!p3 $0x0;
	(pc) =	sbr.rel @p2 .LBB2_19-.Ltmp3, $4  }
0x61: {  	s5 =	sor.u32 $0x1000, s5;
	[sflag:s0] =	ssyncadd.s32 $0xFFFFE000;
	p3 =	seq.s32 s7, s12  }
0x62: {  	[spmem:s2] =	stream.indirect.scatter.add.f32 [tilespmem:s3], [sflag:$0x10], $0x40, s5, s24, $0xb8;
	[tilespmem:$0x1F000] =	vst v63  }
0x63: {  	s7 =	simm.s32 @!p3 $0x80;
	s11 =	simm.s32 @!p3 $0x12000  }
0x64: {  	[spmem:s4] =	stream.indirect.scatter.add.f32 @!p3 [tilespmem:s11], [sflag:$0x11], $0x10, s5, s7, $0xb8;
	[tilespmem:$0x1F000] =	vst v63  }
.LBB2_18:
0x65: {  	p2 =	seq.s32 s20, $0x0  }
0x66: {  	s5 =	simm.s32 @!p2 $0xD  }
0x67: {  	s7 =	sshrl.u32 s18, $0x2;
	_ =	swait.ge @!p2 [sflag:s5], $0x2000  }
0x68: {  	s17 =	sand.u32 $0x800, s16;
	s7 =	sand.u32 $0xC00, s7;
	[sflag:s5] =	ssyncset.done @!p2 $0x0  }
0x69: {  	s11 =	sand.u32 $0x400, s16;
	s12 =	sor.u32 $0x200, s7;
	[sflag:s5] =	ssyncadd.s32 @!p2 $0xFFFFE000  }
0x6a: {  	[tilespmem:s25], [sflag:$0x5] =	stream.indirect.gather [hbm4b:s1+s24], $0x40, s12, s24, $0xb8;
	[tilespmem:$0x1F000] =	vst v63  }
0x6b: {  	p4 =	slt.u32 s20, $0xA;
	p3 =	por p1, p1;
	_ =	swait.ge [sflag:s26], $0x2000  }
0x6c: {  	p3 =	por @!p4 p0, p0;
	s5 =	sor.u32 $0x1000, s17;
	[sflag:s26] =	ssyncset.done $0x0  }
0x6d: {  	s11 =	sor.u32 s11, s5;
	s12 =	simm.s32 $0x2000;
	[sflag:s26] =	ssyncadd.s32 $0xFFFFE000  }
0x6e: {  	[spmem:s2] =	stream.indirect.scatter.add.f32 [tilespmem:s12], [sflag:$0x9], $0x40, s11, s24, $0xb8;
	[tilespmem:$0x1F000] =	vst v63  }
0x6f: {  	s17 =	simm.s32 @p3 $0x12000;
	s12 =	simm.s32 @p3 $0x80  }
0x70: {  	[spmem:s4] =	stream.indirect.scatter.add.f32 @p3 [tilespmem:s17], [sflag:$0x11], $0x10, s11, s12, $0xb8;
	[tilespmem:$0x1F000] =	vst v63  }
0x71: {  	s11 =	simm.s32 @!p2 $0xE  }
0x72: {  	_ =	swait.ge @!p2 [sflag:s11], $0x2000  }
0x73: {  	[sflag:s11] =	ssyncset.done @!p2 $0x0  }
0x74: {  	[sflag:s11] =	ssyncadd.s32 @!p2 $0xFFFFE000;
	s11 =	sadd.s32 $0x280, s7  }
0x75: {  	[tilespmem:s29], [sflag:$0x6] =	stream.indirect.gather [hbm4b:s1+s24], $0x40, s11, s24, $0xb8;
	[tilespmem:$0x1F000] =	vst v63  }
0x76: {  	s19 =	sshll.u32 s19, $0x7;
	_ =	swait.ge [sflag:s21], $0x2000  }
0x77: {  	s11 =	sand.u32 $0x480, s19;
	[sflag:s21] =	ssyncset.done $0x0  }
0x78: {  	s11 =	sadd.s32 s11, s5;
	[sflag:s21] =	ssyncadd.s32 $0xFFFFE000  }
0x79: {  	[spmem:s2] =	stream.indirect.scatter.add.f32 [tilespmem:s22], [sflag:$0xA], $0x40, s11, s24, $0xb8;
	[tilespmem:$0x1F000] =	vst v63  }
0x7a: {  	_ = 	snop  }
0x7b: {  	[spmem:s4] =	stream.indirect.scatter.add.f32 @p3 [tilespmem:s17], [sflag:$0x11], $0x10, s11, s12, $0xb8;
	[tilespmem:$0x1F000] =	vst v63  }
0x7c: {  	s11 =	simm.s32 @!p2 $0xF  }
0x7d: {  	_ =	swait.ge @!p2 [sflag:s11], $0x2000  }
0x7e: {  	[sflag:s11] =	ssyncset.done @!p2 $0x0  }
0x7f: {  	s19 =	sadd.s32 $0x300, s7;
	[sflag:s11] =	ssyncadd.s32 @!p2 $0xFFFFE000  }
0x80: {  	[tilespmem:s31], [sflag:$0x7] =	stream.indirect.gather [hbm4b:s1+s24], $0x40, s19, s24, $0xb8;
	[tilespmem:$0x1F000] =	vst v63  }
0x81: {  	s19 =	sshll.u32 s14, $0x7;
	_ =	swait.ge [sflag:s8], $0x2000  }
0x82: {  	s11 =	sand.u32 $0x500, s19;
	[sflag:s8] =	ssyncset.done $0x0  }
0x83: {  	s11 =	sadd.s32 s11, s5;
	[sflag:s8] =	ssyncadd.s32 $0xFFFFE000  }
0x84: {  	[spmem:s2] =	stream.indirect.scatter.add.f32 [tilespmem:s9], [sflag:$0xB], $0x40, s11, s24, $0xb8;
	[tilespmem:$0x1F000] =	vst v63  }
0x85: {  	_ = 	snop  }
0x86: {  	[spmem:s4] =	stream.indirect.scatter.add.f32 @p3 [tilespmem:s17], [sflag:$0x11], $0x10, s11, s12, $0xb8;
	[tilespmem:$0x1F000] =	vst v63  }
0x87: {  	s11 =	simm.s32 @!p2 $0x10  }
0x88: {  	_ =	swait.ge @!p2 [sflag:s11], $0x2000  }
0x89: {  	[sflag:s11] =	ssyncset.done @!p2 $0x0  }
0x8a: {  	s7 =	sadd.s32 $0x380, s7;
	[sflag:s11] =	ssyncadd.s32 @!p2 $0xFFFFE000  }
0x8b: {  	[tilespmem:s3], [sflag:$0x8] =	stream.indirect.gather [hbm4b:s1+s24], $0x40, s7, s24, $0xb8;
	[tilespmem:$0x1F000] =	vst v63  }
0x8c: {  	s6 =	sshll.u32 s6, $0x7;
	_ =	swait.ge [sflag:s10], $0x2000  }
0x8d: {  	s6 =	sand.u32 $0x580, s6;
	[sflag:s10] =	ssyncset.done $0x0  }
0x8e: {  	s20 =	sadd.s32 $0x1, s20;
	s5 =	sadd.s32 s6, s5;
	[sflag:s10] =	ssyncadd.s32 $0xFFFFE000  }
0x8f: {  	[spmem:s2] =	stream.indirect.scatter.add.f32 [tilespmem:s13], [sflag:$0xC], $0x40, s5, s24, $0xb8;
	[tilespmem:$0x1F000] =	vst v63  }
0x90: {  	s18 =	sadd.s32 $0x1000, s18;
	s16 =	sadd.s32 $0x400, s16;
	s15 =	sadd.s32 $0x8, s15  }
0x91: {  	[spmem:s4] =	stream.indirect.scatter.add.f32 @p3 [tilespmem:s17], [sflag:$0x11], $0x10, s5, s12, $0xb8;
	[tilespmem:$0x1F000] =	vst v63  }
.LBB2_2:
0x92: {  	p2 =	seq.s32 s20, $0x14  }
.Ltmp4:
0x93: {  	_ = 	snop;
	(pc) =	sbr.rel @p2 .LBB2_6-.Ltmp4, $3  }
0x94: {  	_ =	sdelay $0x1  }
0x95: {  	s12 =	simm.s32 $0x1  }
0x96: {  	s6 =	sshll.u32 s20, $0x3;
	s12 =	simm.s32 @!p0 $0x0  }
0x97: {  	s7 =	sand.u32 $0x8, s15  }
0x98: {  	p3 =	sne.s32 s7, $0x0  }
0x99: {  	s14 =	simm.s32 @!p3 $0x12  }
0x9a: {  	_ =	swait.ge @!p3 [sflag:s14], $0x800  }
0x9b: {  	[sflag:s14] =	ssyncset.done @!p3 $0x0  }
0x9c: {  	[sflag:s14] =	ssyncadd.s32 @!p3 $0xFFFFF800  }
0x9d: {  	_ =	swait.ge @!p3 [sflag:s14], $0x800  }
0x9e: {  	p4 =	seq.s32 s20, $0x0;
	[sflag:s14] =	ssyncset.done @!p3 $0x0  }
0x9f: {  	[sflag:s14] =	ssyncadd.s32 @!p3 $0xFFFFF800;
	s14 =	simm.s32 @!p4 $0x9  }
0xa0: {  	_ =	swait.ge @!p4 [sflag:s14], $0x2000  }
0xa1: {  	p3 =	sgt.u32 s20, $0x12;
	[sflag:s14] =	ssyncset.done @!p4 $0x0  }
0xa2: {  	[sflag:s14] =	ssyncadd.s32 @!p4 $0xFFFFE000;
	p4 =	seq.s32 @!p3 s7, $0x0  }
0xa3: {  	p3 =	por p3, p4  }
.Ltmp5:
0xa4: {  	_ = 	snop;
	(pc) =	sbr.rel @p3 .LBB2_5-.Ltmp5, $4  }
0xa5: {  	s19 =	sshll.u32 s20, $0xA  }
0xa6: {  	s19 =	sand.u32 $0x800, s19;
	s11 =	sshll.u32 s7, $0x7  }
0xa7: {  	s5 =	simm.s32 $0x2000;
	s11 =	sor.u32 s11, s19  }
0xa8: {  	[tilespmem:s5], [sflag:$0x1] =	stream.indirect.gather [hbm4b:s1+s24], $0x40, s11, s24, $0xb8;
	[tilespmem:$0x1F000] =	vst v63  }
0xa9: {  	s7 =	sshrl.u32 s20, $0x1  }
0xaa: {  	s7 =	sshll.u32 s7, $0xB  }
0xab: {  	s5 =	rddreg [dreg:$0xa];
	s7 =	sadd.s32 $0x800, s7  }
0xac: {  	s11 =	sadd.s32 s5, s7  }
0xad: {  	s14 =	rddreg [dreg:$0x5];
	s17 =	simm.s32 $0x0;
	s11 =	sshrl.u32 s11, $0x3  }
0xae: {  	s19 =	rddreg [dreg:$0x6];
	s7 =	sand.u32 $0x800, s7;
	s14 =	sadd.s32 s14, s11  }
0xaf: {  	[tilespmem:s7], [sflag:$0x12] =	stream.linear.gather [hbm4b:s14+s17], $0x800, $0x38;
	[tilespmem:$0x1F000] =	vst v63  }
0xb0: {  	s11 =	sadd.s32 s19, s11;
	s7 =	sor.u32 $0x1000, s7  }
0xb1: {  	[tilespmem:s7], [sflag:$0x12] =	stream.linear.gather [hbm4b:s11+s17], $0x800, $0x38;
	[tilespmem:$0x1F000] =	vst v63  }
.LBB2_6:
0xb2: {  	_ =	swait.ge [sflag:s23], $0x2000;
	s7 =	sadd.s32 $0xFFFFFE00, s16  }
0xb3: {  	p3 =	slt.u32 s20, $0xB;
	s11 =	simm.s32 $0x1;
	[sflag:s23] =	ssyncset.done $0x0  }
.Ltmp6:
0xb4: {  	s7 =	sand.u32 $0xE00, s7;
	s11 =	simm.s32 @!p3 $0x0;
	(pc) =	sbr.rel @!p2 .LBB2_8-.Ltmp6, $4  }
0xb5: {  	[sflag:s23] =	ssyncadd.s32 $0xFFFFE000;
	s7 =	sor.u32 $0x1000, s7;
	p3 =	seq.s32 s11, s12  }
0xb6: {  	[spmem:s2] =	stream.indirect.scatter.add.f32 [tilespmem:s25], [sflag:$0xD], $0x40, s7, s24, $0xb8;
	[tilespmem:$0x1F000] =	vst v63  }
0xb7: {  	s11 =	simm.s32 @!p3 $0x80;
	s14 =	simm.s32 @!p3 $0x12000  }
0xb8: {  	[spmem:s4] =	stream.indirect.scatter.add.f32 @!p3 [tilespmem:s14], [sflag:$0x11], $0x10, s7, s11, $0xb8;
	[tilespmem:$0x1F000] =	vst v63  }
.Ltmp7:
0xb9: {  	(pc) =	sbr.rel .LBB2_10-.Ltmp7, $2  }
0xba: {  	_ =	sdelay $0x2  }
0xbb: {  	s19 =	sor.u32 $0x1, s6;
	s7 =	simm.s32 $0x4E80  }
.LBB2_5:
0xbc: {  	s7 =	sadd.s32 $0xFFFFFFFC, s15  }
0xbd: {  	p3 =	sgt.u32 s7, $0x9F  }
.Ltmp8:
0xbe: {  	_ = 	snop;
	(pc) =	sbr.rel @!p3 .LBB2_6-.Ltmp8, $1  }
0xbf: {  	_ =	sdelay $0x3  }
.LBB2_8:
0xc0: {  	p3 =	seq.s32 s20, $0x0  }
0xc1: {  	s7 =	simm.s32 @!p3 $0xA  }
0xc2: {  	_ =	swait.ge @!p3 [sflag:s7], $0x2000  }
0xc3: {  	s19 =	sadd.s32 $0xFFFFFFFD, s15;
	[sflag:s7] =	ssyncset.done @!p3 $0x0  }
0xc4: {  	[sflag:s7] =	ssyncadd.s32 @!p3 $0xFFFFE000;
	p3 =	sgt.u32 s19, $0x9F  }
.Ltmp9:
0xc5: {  	s11 =	sadd.s32 $0x200, s18;
	(pc) =	sbr.rel @p3 .LBB2_12-.Ltmp9, $4  }
0xc6: {  	s14 =	sand.u32 $0x2000, s18;
	s11 =	sand.u32 $0x1200, s11  }
0xc7: {  	s11 =	sor.u32 s11, s14  }
0xc8: {  	s17 =	sshrl.u32 s11, $0x2;
	s19 =	sadd.s32 $0x1, s15  }
0xc9: {  	[tilespmem:s22], [sflag:$0x2] =	stream.indirect.gather [hbm4b:s1+s24], $0x40, s17, s24, $0xb8;
	[tilespmem:$0x1F000] =	vst v63  }
0xca: {  	s7 =	sadd.s32 $0xFFFFFE80, s16  }
.LBB2_10:
0xcb: {  	_ =	swait.ge [sflag:s28], $0x2000  }
0xcc: {  	s7 =	sand.u32 $0xE80, s7;
	p3 =	slt.u32 s20, $0xB;
	s11 =	simm.s32 $0x1  }
.Ltmp10:
0xcd: {  	[sflag:s28] =	ssyncset.done $0x0;
	s11 =	simm.s32 @!p3 $0x0;
	(pc) =	sbr.rel @!p2 .LBB2_12-.Ltmp10, $4  }
0xce: {  	s7 =	sor.u32 $0x1000, s7;
	[sflag:s28] =	ssyncadd.s32 $0xFFFFE000;
	p3 =	seq.s32 s11, s12  }
0xcf: {  	[spmem:s2] =	stream.indirect.scatter.add.f32 [tilespmem:s29], [sflag:$0xE], $0x40, s7, s24, $0xb8;
	[tilespmem:$0x1F000] =	vst v63  }
0xd0: {  	s11 =	simm.s32 @!p3 $0x80;
	s14 =	simm.s32 @!p3 $0x12000  }
0xd1: {  	[spmem:s4] =	stream.indirect.scatter.add.f32 @!p3 [tilespmem:s14], [sflag:$0x11], $0x10, s7, s11, $0xb8;
	[tilespmem:$0x1F000] =	vst v63  }
.Ltmp11:
0xd2: {  	(pc) =	sbr.rel .LBB2_14-.Ltmp11, $2  }
0xd3: {  	_ =	sdelay $0x2  }
0xd4: {  	s14 =	sor.u32 $0x2, s6;
	s6 =	simm.s32 $0x4F00  }
.LBB2_12:
0xd5: {  	p3 =	seq.s32 s20, $0x0  }
0xd6: {  	s6 =	simm.s32 @!p3 $0xB  }
0xd7: {  	_ =	swait.ge @!p3 [sflag:s6], $0x2000  }
0xd8: {  	s17 =	sadd.s32 $0xFFFFFFFE, s15;
	[sflag:s6] =	ssyncset.done @!p3 $0x0  }
0xd9: {  	s7 =	sadd.s32 $0x400, s18;
	[sflag:s6] =	ssyncadd.s32 @!p3 $0xFFFFE000;
	p3 =	sgt.u32 s17, $0x9F  }
.Ltmp12:
0xda: {  	s11 =	sand.u32 $0x2000, s18;
	s7 =	sand.u32 $0x1400, s7;
	(pc) =	sbr.rel @p3 .LBB2_15-.Ltmp12, $4  }
0xdb: {  	s7 =	sor.u32 s7, s11  }
0xdc: {  	s14 =	sshrl.u32 s7, $0x2  }
0xdd: {  	[tilespmem:s9], [sflag:$0x3] =	stream.indirect.gather [hbm4b:s1+s24], $0x40, s14, s24, $0xb8;
	[tilespmem:$0x1F000] =	vst v63  }
0xde: {  	s6 =	simm.s32 $0x3;
	s14 =	sadd.s32 $0x2, s15  }
0xdf: {  	s6 =	sadd.s32 $0xFFFFFF00, s16  }
.LBB2_14:
0xe0: {  	_ =	swait.ge [sflag:s30], $0x2000  }
0xe1: {  	s6 =	sand.u32 $0xF00, s6;
	p3 =	slt.u32 s20, $0xB;
	s7 =	simm.s32 $0x1  }
0xe2: {  	[sflag:s30] =	ssyncset.done $0x0;
	s6 =	sor.u32 $0x1000, s6;
	s7 =	simm.s32 @!p3 $0x0  }
.Ltmp13:
0xe3: {  	[sflag:s30] =	ssyncadd.s32 $0xFFFFE000;
	p3 =	seq.s32 s7, s12;
	(pc) =	sbr.rel @p2 .LBB2_17-.Ltmp13, $4  }
0xe4: {  	[spmem:s2] =	stream.indirect.scatter.add.f32 [tilespmem:s31], [sflag:$0xF], $0x40, s6, s24, $0xb8;
	[tilespmem:$0x1F000] =	vst v63  }
0xe5: {  	s7 =	simm.s32 @!p3 $0x80;
	s11 =	simm.s32 @!p3 $0x12000  }
0xe6: {  	[spmem:s4] =	stream.indirect.scatter.add.f32 @!p3 [tilespmem:s11], [sflag:$0x11], $0x10, s6, s7, $0xb8;
	[tilespmem:$0x1F000] =	vst v63  }
0xe7: {  	s6 =	sadd.s32 $0x3, s15;
	s7 =	simm.s32 $0x4F80  }
.LBB2_15:
0xe8: {  	p3 =	seq.s32 s20, $0x0  }
0xe9: {  	s7 =	simm.s32 @!p3 $0xC  }
0xea: {  	_ =	swait.ge @!p3 [sflag:s7], $0x2000  }
0xeb: {  	s17 =	sadd.s32 $0xFFFFFFFF, s15;
	[sflag:s7] =	ssyncset.done @!p3 $0x0  }
0xec: {  	[sflag:s7] =	ssyncadd.s32 @!p3 $0xFFFFE000;
	p3 =	sgt.u32 s17, $0x9F  }
.Ltmp14:
0xed: {  	_ = 	snop;
	(pc) =	sbr.rel @p3 .LBB2_18-.Ltmp14, $4  }
0xee: {  	s11 =	sand.u32 $0x2000, s18;
	s5 =	sshll.u32 s6, $0x7  }
0xef: {  	s11 =	sshrl.u32 s11, $0x2;
	s5 =	sand.u32 $0x580, s5  }
0xf0: {  	s5 =	sor.u32 s5, s11  }
0xf1: {  	[tilespmem:s13], [sflag:$0x4] =	stream.indirect.gather [hbm4b:s1+s24], $0x40, s5, s24, $0xb8;
	[tilespmem:$0x1F000] =	vst v63  }
.Ltmp15:
0xf2: {  	(pc) =	sbr.rel .LBB2_17-.Ltmp15, $2  }
0xf3: {  	_ =	sdelay $0x2  }
0xf4: {  	s7 =	sadd.s32 $0xFFFFFF80, s16  }
.LBB2_20:
0xf5: {  	_ =	sfence.sel $0x180000  }
0xf6: {  	[bflag:$0x0] =	sbarrier.arrive $0xFFFF  }
0xf7: {  	_ =	strace $0x90000047  }
0xf8: {  	s0 =	stileid.u32;
	[bflag:$0x2] =	sbarrier.arrive $0xFFFF  }
0xf9: {  	p0 =	sne.s32 s0, $0x0;
	s0 =	rddreg [dreg:$0x4]  }
0xfa: {  	s0 =	sadd.s32 @!p0 $0x100000, s0  }
0xfb: {  	[sflag:s0] =	ssyncadd.tile.s32 @!p0 $0x1;
	_ =	shalt  }
.Lfunc_end2:
_tile_overlayer_lowered:
.L_overlay_start_2:
0xfc: {  	(tag) =	ssettag $0x2  }
0xfd: {  	s0 =	rddreg [dreg:$0x0];
	s2 =	stileid.u32  }
0xfe: {  	s1 =	rddreg [dreg:$0x1];
	p0 =	sne.s32 s2, $0x0  }
0xff: {  	s3 =	rddreg [dreg:$0x2];
	[bflag:$0x3] =	sbarrier.arrive $0xFFFF;
	s2 =	simm.s32 @!p0 $0x1C13  }
0x100: {  	[timem:s3], [sflag:s2] =	dma.local @!p0 [hbm:s0], s1  }
0x101: {  	s0 =	simm.s32 @!p0 $0x13  }
0x102: {  	_ =	swait.ge @!p0 [sflag:s0], s1  }
0x103: {  	s1 =	ssub.s32 @!p0 $0x0, s1;
	[sflag:s0] =	ssyncset.done @!p0 $0x0  }
0x104: {  	[sflag:s0] =	ssyncadd.s32 @!p0 s1  }
0x105: {  	[bflag:$0x3] =	sbarrier.arrive $0xFFFF  }
0x106: {  	_ =	shalt  }

</sc_bundles>
